<compile_context>
chip_gen: v7x
topology: tpu7x:2x2x1
jax: 0.10.2.dev20260603
libtpu: 0.0.44.dev20260713+nightly
codegen_flags: <defaults>
</compile_context>

<pallas_src>
import functools

import jax
import jax.numpy as jnp
from jax import lax
from jax.experimental import pallas as pl
from jax.experimental.pallas import tpu as pltpu
from jax.experimental.pallas import tpu_sc as plsc

N = 10000
E = 320000
IN_DIM = 128
HID = 64
OUT = 112

NC, NS, NW = 2, 16, 32
PERW = E // NW
RPT = N // NS
NDEG = 10240
RDEG = NDEG // NS

_mesh = plsc.VectorSubcoreMesh(core_axis_name="c", subcore_axis_name="s")
_sc_params = pltpu.CompilerParams(use_tc_tiling_on_sc=False)


def _sc_segsum(D, NBUF, BD, fused_cols=False):
    CHD = PERW // BD
    MAIN = (CHD // NBUF) * NBUF
    out_shape = (N, 2 * D) if fused_cols else (2 * N, D)

    @functools.partial(
        pl.kernel,
        out_type=jax.ShapeDtypeStruct(out_shape, jnp.float32),
        mesh=_mesh,
        scratch_types=[
            pltpu.VMEM((CHD, BD), jnp.int32),
            pltpu.VMEM((CHD, BD), jnp.int32),
            pltpu.VMEM((NBUF, BD, D), jnp.float32),
            pltpu.VMEM_SHARED((N, D), jnp.float32),
            pltpu.SemaphoreType.DMA((NBUF,)),
            pltpu.SemaphoreType.DMA((NBUF,)),
        ],
        compiler_params=_sc_params,
    )
    def f(edges, table, zeros, out, src_v, dst_v, rows_v, acc, gsem, ssem):
        cid = lax.axis_index("c")
        sid = lax.axis_index("s")
        wid = cid * NS + sid
        zc = pltpu.async_copy(zeros, acc.at[pl.ds(sid * RPT, RPT)], gsem.at[0])
        sc_ = pltpu.async_copy(edges.at[0, wid], src_v, gsem.at[1])
        dc = pltpu.async_copy(edges.at[1, wid], dst_v, ssem.at[0])
        zc.wait()
        sc_.wait()
        dc.wait()
        plsc.subcore_barrier()

        def g_start(i, b):
            pltpu.async_copy(table.at[src_v.at[i]], rows_v.at[b], gsem.at[b])

        def g_wait(i, b):
            pltpu.make_async_copy(
                table.at[src_v.at[i]], rows_v.at[b], gsem.at[b]).wait()

        def s_start(i, b):
            pltpu.async_copy(
                rows_v.at[b], acc.at[dst_v.at[i]], ssem.at[b], add=True)

        def s_wait(i, b):
            pltpu.make_async_copy(
                rows_v.at[b], acc.at[dst_v.at[i]], ssem.at[b]).wait()

        for b in range(NBUF):
            g_start(b, b)

        def outer(k, carry):
            i0 = k * NBUF
            for b in range(NBUF):
                i = i0 + b
                g_wait(i, b)
                s_start(i, b)
                s_wait(i, b)

                @pl.when(i + NBUF < MAIN)
                def _():
                    g_start(i + NBUF, b)
            return carry

        lax.fori_loop(0, CHD // NBUF, outer, 0)
        for i in range(MAIN, CHD):
            g_start(i, 0)
            g_wait(i, 0)
            s_start(i, 0)
            s_wait(i, 0)
        plsc.subcore_barrier()
        if fused_cols:
            pltpu.sync_copy(acc.at[pl.ds(sid * RPT, RPT)],
                            out.at[pl.ds(sid * RPT, RPT), pl.ds(cid * D, D)])
        else:
            pltpu.sync_copy(acc.at[pl.ds(sid * RPT, RPT)],
                            out.at[pl.ds(cid * N + sid * RPT, RPT)])

    return f


_BDEG = 80
_CDEG = PERW // _BDEG


@functools.partial(
    pl.kernel,
    out_type=jax.ShapeDtypeStruct((2 * NDEG,), jnp.float32),
    mesh=_mesh,
    scratch_types=[
        pltpu.VMEM((_CDEG, _BDEG), jnp.int32),
        pltpu.VMEM((_BDEG,), jnp.float32),
        pltpu.VMEM_SHARED((NDEG,), jnp.float32),
        pltpu.SemaphoreType.DMA((2,)),
    ],
    compiler_params=_sc_params,
)
def _sc_deg(edges, ones_hbm, zeros, out, dst_v, ones_v, acc, sem):
    cid = lax.axis_index("c")
    sid = lax.axis_index("s")
    wid = cid * NS + sid
    zc = pltpu.async_copy(zeros, acc.at[pl.ds(sid * RDEG, RDEG)], sem.at[0])
    dc = pltpu.async_copy(edges.at[1, wid], dst_v, sem.at[1])
    zc.wait()
    oc = pltpu.async_copy(ones_hbm, ones_v, sem.at[0])
    dc.wait()
    oc.wait()
    plsc.subcore_barrier()

    def step(i, carry):
        pltpu.sync_copy(ones_v, acc.at[dst_v.at[i]], add=True)
        return carry

    lax.fori_loop(0, _CDEG, step, 0)
    plsc.subcore_barrier()
    pltpu.sync_copy(acc.at[pl.ds(sid * RDEG, RDEG)],
                    out.at[pl.ds(cid * NDEG + sid * RDEG, RDEG)])


def _tc_first_body(degp_ref, x_ref, w1_ref, dinv_ref, h1t_ref):
    deg = degp_ref[0, 0:N, :] + degp_ref[1, 0:N, :] + 1.0
    dinv = lax.rsqrt(deg)
    dinv_ref[...] = dinv
    h1 = jnp.dot(x_ref[...], w1_ref[...], preferred_element_type=jnp.float32)
    h1t_ref[...] = h1 * dinv


def _tc_mid_body(a_ref, ht_ref, dinv_ref, w_ref, b_ref, o_ref):
    dinv = dinv_ref[...]
    a = a_ref[:, 0:HID] + a_ref[:, HID:2 * HID]
    z = dinv * (a + ht_ref[...]) + b_ref[...]
    z = jnp.maximum(z, 0.0)
    o_ref[...] = dinv * jnp.dot(z, w_ref[...], preferred_element_type=jnp.float32)


def _tc_fin_body(a_ref, ht_ref, dinv_ref, b_ref, o_ref):
    o_ref[...] = (dinv_ref[...]
                  * (a_ref[0:N, 0:OUT] + a_ref[N:2 * N, 0:OUT]
                     + ht_ref[:, 0:OUT])
                  + b_ref[...])


_tc_first = pl.pallas_call(
    _tc_first_body,
    out_shape=(jax.ShapeDtypeStruct((N, 1), jnp.float32),
               jax.ShapeDtypeStruct((N, HID), jnp.float32)),
)


def _tc_mid(dout):
    return pl.pallas_call(
        _tc_mid_body,
        out_shape=jax.ShapeDtypeStruct((N, dout), jnp.float32),
    )


_tc_fin = pl.pallas_call(
    _tc_fin_body,
    out_shape=jax.ShapeDtypeStruct((N, OUT), jnp.float32),
)


def kernel(x, edge_index, W1, b1, W2, b2, W3, b3):
    BE = 80
    edges = edge_index.astype(jnp.int32).reshape(2, NW, PERW // BE, BE)

    zeros_h = jnp.zeros((RPT, HID), jnp.float32)
    zeros_o = jnp.zeros((RPT, 128), jnp.float32)
    zeros_d = jnp.zeros((RDEG,), jnp.float32)
    ones_d = jnp.ones((_BDEG,), jnp.float32)

    degp = _sc_deg(edges, ones_d, zeros_d)
    dinv, h1t = _tc_first(degp.reshape(2, NDEG, 1), x, W1)

    seg_h = _sc_segsum(HID, 6, BE, fused_cols=True)
    a1 = seg_h(edges, h1t, zeros_h)
    h2t = _tc_mid(HID)(a1, h1t, dinv, W2, b1.reshape(1, -1))
    a2 = seg_h(edges, h2t, zeros_h)
    W3p = jnp.pad(W3, ((0, 0), (0, 128 - OUT)))
    h3t = _tc_mid(128)(a2, h2t, dinv, W3p, b2.reshape(1, -1))
    a3 = _sc_segsum(128, 3, BE)(edges, h3t, zeros_o)
    return _tc_fin(a3, h3t, dinv, b3.reshape(1, -1))

# --- scband reference (transcript-rebuilt; emitter-appended) ---
"""Pipeline reference for scband-gnn-14886356648486 (READ-ONLY COPY).

The authoritative reference and input builder live on the scoring server;
editing this copy changes nothing except your own understanding.
"""

import jax, jax.numpy as jnp
import numpy as np

N_NODES = 10000
N_EDGES = 320000
IN_DIM = 128
HID_DIM = 64
OUT_DIM = 112

def setup_inputs(seed: int = 0) -> dict:
    key = jax.random.key(seed)
    ks = jax.random.split(key, 8)
    x = jax.random.normal(ks[0], (N_NODES, IN_DIM), dtype=jnp.float32)
    edge_index = jax.random.randint(ks[1], (2, N_EDGES), 0, N_NODES, dtype=jnp.int64 if jax.config.jax_enable_x64 else jnp.int32).astype(jnp.int32)
    # GCN layer params: layer1 in->hid, layer2 hid->hid, layer3 hid->out
    W1 = jax.random.normal(ks[2], (IN_DIM, HID_DIM), dtype=jnp.float32) * (1.0 / np.sqrt(IN_DIM))
    b1 = jnp.zeros((HID_DIM,), dtype=jnp.float32)
    W2 = jax.random.normal(ks[3], (HID_DIM, HID_DIM), dtype=jnp.float32) * (1.0 / np.sqrt(HID_DIM))
    b2 = jnp.zeros((HID_DIM,), dtype=jnp.float32)
    W3 = jax.random.normal(ks[4], (HID_DIM, OUT_DIM), dtype=jnp.float32) * (1.0 / np.sqrt(HID_DIM))
    b3 = jnp.zeros((OUT_DIM,), dtype=jnp.float32)
    return {"x": x, "edge_index": edge_index, "W1": W1, "b1": b1, "W2": W2, "b2": b2, "W3": W3, "b3": b3}

def _gcn_conv(x, W, b, src, dst, n):
    # add self loops
    loop = jnp.arange(n, dtype=src.dtype)
    s = jnp.concatenate([src, loop])
    d = jnp.concatenate([dst, loop])
    ones = jnp.ones(s.shape[0], dtype=jnp.float32)
    deg = jax.ops.segment_sum(ones, d, num_segments=n)
    dinv = jnp.where(deg > 0, 1.0 / jnp.sqrt(deg), 0.0)
    norm = dinv[s] * dinv[d]
    h = x @ W
    msgs = h[s] * norm[:, None]
    out = jax.ops.segment_sum(msgs, d, num_segments=n)
    return out + b

def reference(x, edge_index, W1, b1, W2, b2, W3, b3):
    n = x.shape[0]
    src = edge_index[0]
    dst = edge_index[1]
    h = _gcn_conv(x, W1, b1, src, dst, n)
    h = jax.nn.relu(h)
    # dropout is identity in eval mode (training=False)
    h = _gcn_conv(h, W2, b2, src, dst, n)
    h = jax.nn.relu(h)
    out = _gcn_conv(h, W3, b3, src, dst, n)
    return out

if __name__ == "__main__":
    import jax
    _d = setup_inputs()
    print(jax.jit(kernel)(*tuple(_d.values())))

</pallas_src>

<mosaic_0001>
#map = affine_map<(d0, d1) -> (0, 0, 0, 0)>
#map1 = affine_map<(d0, d1) -> (0)>
module attributes {stable_mosaic.version = 14 : i64} {
  func.func @_sc_deg(%arg0: i32, %arg1: i32, %arg2: memref<2x32x125x80xi32, #tpu.memory_space<hbm>>, %arg3: memref<80xf32, #tpu.memory_space<hbm>>, %arg4: memref<640xf32, #tpu.memory_space<hbm>>, %arg5: memref<20480xf32, #tpu.memory_space<hbm>>, %arg6: memref<125x80xi32, #tpu.memory_space<vmem>>, %arg7: memref<80xf32, #tpu.memory_space<vmem>>, %arg8: memref<10240xf32, #tpu.memory_space<vmem_shared>>, %arg9: memref<2x!tpu.dma_semaphore, #tpu.memory_space<semaphore_mem>>) attributes {dimension_semantics = [#tpu.dimension_semantics<core_parallel>, #tpu.dimension_semantics<subcore_parallel>], iteration_bounds = array<i64: 2, 16>, scalar_prefetch = 0 : i64, scratch_operands = 4 : i64, tpu.core_type = #tpu.core_type<sc_vector_subcore>, window_params = [{transform_indices = #map}, {transform_indices = #map1}, {transform_indices = #map1}, {transform_indices = #map1}]} {
    %mul3A = arith.constant 16 : i32
    %mul3A_0 = arith.muli %arg0, %mul3A : i32
    %add3A = arith.addi %mul3A_0, %arg1 : i32
    %mul3A_1 = arith.constant 640 : i32
    %mul3A_2 = arith.muli %arg1, %mul3A_1 : i32
    %dma_start3A = arith.constant 0 : i32
    %dma_start3A_3 = tpu.memref_slice %arg9[%dma_start3A] : memref<2x!tpu.dma_semaphore, #tpu.memory_space<semaphore_mem>> -> memref<1x!tpu.dma_semaphore, #tpu.memory_space<semaphore_mem>>
    %dma_start3A_4 = tpu.memref_squeeze %dma_start3A_3 : memref<1x!tpu.dma_semaphore, #tpu.memory_space<semaphore_mem>> -> memref<!tpu.dma_semaphore, #tpu.memory_space<semaphore_mem>>
    %dma_start3A_5 = tpu.memref_slice %arg8[%mul3A_2] : memref<10240xf32, #tpu.memory_space<vmem_shared>> -> memref<640xf32, #tpu.memory_space<vmem_shared>>
    tpu.enqueue_dma source(%arg4 : memref<640xf32, #tpu.memory_space<hbm>>) target(%dma_start3A_5 : memref<640xf32, #tpu.memory_space<vmem_shared>>) target_semaphore(%dma_start3A_4 : memref<!tpu.dma_semaphore, #tpu.memory_space<semaphore_mem>>)
    %dma_start3A_6 = arith.constant 1 : i32
    %dma_start3A_7 = arith.constant 1 : i32
    %dma_start3A_8 = arith.constant 0 : i32
    %dma_start3A_9 = arith.constant 0 : i32
    %dma_start3A_10 = tpu.memref_slice %arg2[%dma_start3A_6, %add3A, %dma_start3A_8, %dma_start3A_9] : memref<2x32x125x80xi32, #tpu.memory_space<hbm>> -> memref<1x1x125x80xi32, #tpu.memory_space<hbm>>
    %dma_start3A_11 = tpu.memref_squeeze %dma_start3A_10 : memref<1x1x125x80xi32, #tpu.memory_space<hbm>> -> memref<125x80xi32, #tpu.memory_space<hbm>>
    %dma_start3A_12 = tpu.memref_slice %arg9[%dma_start3A_7] : memref<2x!tpu.dma_semaphore, #tpu.memory_space<semaphore_mem>> -> memref<1x!tpu.dma_semaphore, #tpu.memory_space<semaphore_mem>>
    %dma_start3A_13 = tpu.memref_squeeze %dma_start3A_12 : memref<1x!tpu.dma_semaphore, #tpu.memory_space<semaphore_mem>> -> memref<!tpu.dma_semaphore, #tpu.memory_space<semaphore_mem>>
    %dma_start3A_14 = arith.constant 0 : i32
    %dma_start3A_15 = arith.constant 0 : i32
    %dma_start3A_16 = tpu.memref_slice %arg2[%dma_start3A_6, %add3A, %dma_start3A_14, %dma_start3A_15] : memref<2x32x125x80xi32, #tpu.memory_space<hbm>> -> memref<1x1x125x80xi32, #tpu.memory_space<hbm>>
    %dma_start3A_17 = tpu.memref_squeeze %dma_start3A_16 : memref<1x1x125x80xi32, #tpu.memory_space<hbm>> -> memref<125x80xi32, #tpu.memory_space<hbm>>
    tpu.enqueue_dma source(%dma_start3A_17 : memref<125x80xi32, #tpu.memory_space<hbm>>) target(%arg6 : memref<125x80xi32, #tpu.memory_space<vmem>>) target_semaphore(%dma_start3A_13 : memref<!tpu.dma_semaphore, #tpu.memory_space<semaphore_mem>>)
    %dma_wait3A = arith.constant 0 : i32
    %dma_wait3A_18 = tpu.memref_slice %arg9[%dma_wait3A] : memref<2x!tpu.dma_semaphore, #tpu.memory_space<semaphore_mem>> -> memref<1x!tpu.dma_semaphore, #tpu.memory_space<semaphore_mem>>
    %dma_wait3A_19 = tpu.memref_squeeze %dma_wait3A_18 : memref<1x!tpu.dma_semaphore, #tpu.memory_space<semaphore_mem>> -> memref<!tpu.dma_semaphore, #tpu.memory_space<semaphore_mem>>
    %dma_wait3A_20 = tpu.memref_slice %arg8[%mul3A_2] : memref<10240xf32, #tpu.memory_space<vmem_shared>> -> memref<640xf32, #tpu.memory_space<vmem_shared>>
    tpu.wait_dma2 semaphore(%dma_wait3A_19 : memref<!tpu.dma_semaphore, #tpu.memory_space<semaphore_mem>>) src(%arg4 : memref<640xf32, #tpu.memory_space<hbm>>) dst(%dma_wait3A_20 : memref<640xf32, #tpu.memory_space<vmem_shared>>)
    %dma_start3A_21 = arith.constant 0 : i32
    %dma_start3A_22 = tpu.memref_slice %arg9[%dma_start3A_21] : memref<2x!tpu.dma_semaphore, #tpu.memory_space<semaphore_mem>> -> memref<1x!tpu.dma_semaphore, #tpu.memory_space<semaphore_mem>>
    %dma_start3A_23 = tpu.memref_squeeze %dma_start3A_22 : memref<1x!tpu.dma_semaphore, #tpu.memory_space<semaphore_mem>> -> memref<!tpu.dma_semaphore, #tpu.memory_space<semaphore_mem>>
    tpu.enqueue_dma source(%arg3 : memref<80xf32, #tpu.memory_space<hbm>>) target(%arg7 : memref<80xf32, #tpu.memory_space<vmem>>) target_semaphore(%dma_start3A_23 : memref<!tpu.dma_semaphore, #tpu.memory_space<semaphore_mem>>)
    %dma_wait3A_24 = arith.constant 1 : i32
    %dma_wait3A_25 = arith.constant 1 : i32
    %dma_wait3A_26 = arith.constant 0 : i32
    %dma_wait3A_27 = arith.constant 0 : i32
    %dma_wait3A_28 = tpu.memref_slice %arg2[%dma_wait3A_24, %add3A, %dma_wait3A_26, %dma_wait3A_27] : memref<2x32x125x80xi32, #tpu.memory_space<hbm>> -> memref<1x1x125x80xi32, #tpu.memory_space<hbm>>
    %dma_wait3A_29 = tpu.memref_squeeze %dma_wait3A_28 : memref<1x1x125x80xi32, #tpu.memory_space<hbm>> -> memref<125x80xi32, #tpu.memory_space<hbm>>
    %dma_wait3A_30 = tpu.memref_slice %arg9[%dma_wait3A_25] : memref<2x!tpu.dma_semaphore, #tpu.memory_space<semaphore_mem>> -> memref<1x!tpu.dma_semaphore, #tpu.memory_space<semaphore_mem>>
    %dma_wait3A_31 = tpu.memref_squeeze %dma_wait3A_30 : memref<1x!tpu.dma_semaphore, #tpu.memory_space<semaphore_mem>> -> memref<!tpu.dma_semaphore, #tpu.memory_space<semaphore_mem>>
    %dma_wait3A_32 = arith.constant 0 : i32
    %dma_wait3A_33 = arith.constant 0 : i32
    %dma_wait3A_34 = tpu.memref_slice %arg2[%dma_wait3A_24, %add3A, %dma_wait3A_32, %dma_wait3A_33] : memref<2x32x125x80xi32, #tpu.memory_space<hbm>> -> memref<1x1x125x80xi32, #tpu.memory_space<hbm>>
    %dma_wait3A_35 = tpu.memref_squeeze %dma_wait3A_34 : memref<1x1x125x80xi32, #tpu.memory_space<hbm>> -> memref<125x80xi32, #tpu.memory_space<hbm>>
    tpu.wait_dma2 semaphore(%dma_wait3A_31 : memref<!tpu.dma_semaphore, #tpu.memory_space<semaphore_mem>>) src(%dma_wait3A_35 : memref<125x80xi32, #tpu.memory_space<hbm>>) dst(%arg6 : memref<125x80xi32, #tpu.memory_space<vmem>>)
    %dma_wait3A_36 = arith.constant 0 : i32
    %dma_wait3A_37 = tpu.memref_slice %arg9[%dma_wait3A_36] : memref<2x!tpu.dma_semaphore, #tpu.memory_space<semaphore_mem>> -> memref<1x!tpu.dma_semaphore, #tpu.memory_space<semaphore_mem>>
    %dma_wait3A_38 = tpu.memref_squeeze %dma_wait3A_37 : memref<1x!tpu.dma_semaphore, #tpu.memory_space<semaphore_mem>> -> memref<!tpu.dma_semaphore, #tpu.memory_space<semaphore_mem>>
    tpu.wait_dma2 semaphore(%dma_wait3A_38 : memref<!tpu.dma_semaphore, #tpu.memory_space<semaphore_mem>>) src(%arg3 : memref<80xf32, #tpu.memory_space<hbm>>) dst(%arg7 : memref<80xf32, #tpu.memory_space<vmem>>)
    %barrier3A = arith.constant 0 : index
    tpu.barrier barrier_id(%barrier3A)
    %scan3A = arith.constant 0 : i32
    %scan3A_39 = arith.constant 0 : i32
    %scan3A_40 = arith.constant 125 : i32
    %scan3A_41 = arith.addi %scan3A_39, %scan3A_40 : i32
    %scan3A_42 = arith.constant 1 : i32
    scf.for %scan3A_52 = %scan3A_39 to %scan3A_41 step %scan3A_42  : i32 {
      "tpu.region"() ({
        %run_scoped3A = tpu.sem_alloc : memref<!tpu.dma_semaphore, #tpu.memory_space<semaphore_mem>>
        %dma_start3A_53 = arith.constant 0 : i32
        %dma_start3A_54 = tpu.memref_slice %arg6[%scan3A_52, %dma_start3A_53] : memref<125x80xi32, #tpu.memory_space<vmem>> -> memref<1x80xi32, #tpu.memory_space<vmem>>
        %dma_start3A_55 = tpu.memref_squeeze %dma_start3A_54 : memref<1x80xi32, #tpu.memory_space<vmem>> -> memref<80xi32, #tpu.memory_space<vmem>>
        %dma_start3A_56 = arith.constant 0 : i32
        %dma_start3A_57 = tpu.memref_slice %arg8[%dma_start3A_56] : memref<10240xf32, #tpu.memory_space<vmem_shared>> -> memref<10240xf32, #tpu.memory_space<vmem_shared>>
        tpu.enqueue_indirect_dma source(%arg7 : memref<80xf32, #tpu.memory_space<vmem>>) target(%dma_start3A_57 : memref<10240xf32, #tpu.memory_space<vmem_shared>>) offsets(%dma_start3A_55 : memref<80xi32, #tpu.memory_space<vmem>>) semaphore(%run_scoped3A : memref<!tpu.dma_semaphore, #tpu.memory_space<semaphore_mem>>) {add = true}
        %dma_wait3A_58 = arith.constant 0 : i32
        %dma_wait3A_59 = tpu.memref_slice %arg6[%scan3A_52, %dma_wait3A_58] : memref<125x80xi32, #tpu.memory_space<vmem>> -> memref<1x80xi32, #tpu.memory_space<vmem>>
        %dma_wait3A_60 = tpu.memref_squeeze %dma_wait3A_59 : memref<1x80xi32, #tpu.memory_space<vmem>> -> memref<80xi32, #tpu.memory_space<vmem>>
        %dma_wait3A_61 = arith.constant 0 : i32
        %dma_wait3A_62 = tpu.memref_slice %arg8[%dma_wait3A_61] : memref<10240xf32, #tpu.memory_space<vmem_shared>> -> memref<10240xf32, #tpu.memory_space<vmem_shared>>
        tpu.wait_indirect_dma semaphore(%run_scoped3A : memref<!tpu.dma_semaphore, #tpu.memory_space<semaphore_mem>>) src(%arg7 : memref<80xf32, #tpu.memory_space<vmem>>) dst(%dma_wait3A_62 : memref<10240xf32, #tpu.memory_space<vmem_shared>>)
        tpu.yield
      }) : () -> ()
    }
    %scan3A_43 = arith.constant 125 : i32
    %barrier3A_44 = arith.constant 0 : index
    tpu.barrier barrier_id(%barrier3A_44)
    %mul3A_45 = arith.constant 640 : i32
    %mul3A_46 = arith.muli %arg1, %mul3A_45 : i32
    %mul3A_47 = arith.constant 10240 : i32
    %mul3A_48 = arith.muli %arg0, %mul3A_47 : i32
    %mul3A_49 = arith.constant 640 : i32
    %mul3A_50 = arith.muli %arg1, %mul3A_49 : i32
    %add3A_51 = arith.addi %mul3A_48, %mul3A_50 : i32
    "tpu.region"() ({
      %run_scoped3A = tpu.sem_alloc : memref<!tpu.dma_semaphore, #tpu.memory_space<semaphore_mem>>
      %dma_start3A_52 = tpu.memref_slice %arg5[%add3A_51] : memref<20480xf32, #tpu.memory_space<hbm>> -> memref<640xf32, #tpu.memory_space<hbm>>
      %dma_start3A_53 = tpu.memref_slice %arg8[%mul3A_46] : memref<10240xf32, #tpu.memory_space<vmem_shared>> -> memref<640xf32, #tpu.memory_space<vmem_shared>>
      tpu.enqueue_dma source(%dma_start3A_53 : memref<640xf32, #tpu.memory_space<vmem_shared>>) target(%dma_start3A_52 : memref<640xf32, #tpu.memory_space<hbm>>) target_semaphore(%run_scoped3A : memref<!tpu.dma_semaphore, #tpu.memory_space<semaphore_mem>>)
      %dma_wait3A_54 = tpu.memref_slice %arg5[%add3A_51] : memref<20480xf32, #tpu.memory_space<hbm>> -> memref<640xf32, #tpu.memory_space<hbm>>
      %dma_wait3A_55 = tpu.memref_slice %arg8[%mul3A_46] : memref<10240xf32, #tpu.memory_space<vmem_shared>> -> memref<640xf32, #tpu.memory_space<vmem_shared>>
      tpu.wait_dma2 semaphore(%run_scoped3A : memref<!tpu.dma_semaphore, #tpu.memory_space<semaphore_mem>>) src(%dma_wait3A_55 : memref<640xf32, #tpu.memory_space<vmem_shared>>) dst(%dma_wait3A_54 : memref<640xf32, #tpu.memory_space<hbm>>)
      tpu.yield
    }) : () -> ()
    return
  }
}

#map = affine_map<(d0, d1) -> (0, 0, 0, 0)>
#map1 = affine_map<(d0, d1) -> (0, 0)>
module attributes {stable_mosaic.version = 14 : i64} {
  func.func @f(%arg0: i32, %arg1: i32, %arg2: memref<2x32x125x80xi32, #tpu.memory_space<hbm>>, %arg3: memref<10000x64xf32, #tpu.memory_space<hbm>>, %arg4: memref<625x64xf32, #tpu.memory_space<hbm>>, %arg5: memref<10000x128xf32, #tpu.memory_space<hbm>>, %arg6: memref<125x80xi32, #tpu.memory_space<vmem>>, %arg7: memref<125x80xi32, #tpu.memory_space<vmem>>, %arg8: memref<6x80x64xf32, #tpu.memory_space<vmem>>, %arg9: memref<10000x64xf32, #tpu.memory_space<vmem_shared>>, %arg10: memref<6x!tpu.dma_semaphore, #tpu.memory_space<semaphore_mem>>, %arg11: memref<6x!tpu.dma_semaphore, #tpu.memory_space<semaphore_mem>>) attributes {dimension_semantics = [#tpu.dimension_semantics<core_parallel>, #tpu.dimension_semantics<subcore_parallel>], iteration_bounds = array<i64: 2, 16>, scalar_prefetch = 0 : i64, scratch_operands = 6 : i64, tpu.core_type = #tpu.core_type<sc_vector_subcore>, window_params = [{transform_indices = #map}, {transform_indices = #map1}, {transform_indices = #map1}, {transform_indices = #map1}]} {
    %mul3A = arith.constant 16 : i32
    %mul3A_0 = arith.muli %arg0, %mul3A : i32
    %add3A = arith.addi %mul3A_0, %arg1 : i32
    %mul3A_1 = arith.constant 625 : i32
    %mul3A_2 = arith.muli %arg1, %mul3A_1 : i32
    %dma_start3A = arith.constant 0 : i32
    %dma_start3A_3 = tpu.memref_slice %arg10[%dma_start3A] : memref<6x!tpu.dma_semaphore, #tpu.memory_space<semaphore_mem>> -> memref<1x!tpu.dma_semaphore, #tpu.memory_space<semaphore_mem>>
    %dma_start3A_4 = tpu.memref_squeeze %dma_start3A_3 : memref<1x!tpu.dma_semaphore, #tpu.memory_space<semaphore_mem>> -> memref<!tpu.dma_semaphore, #tpu.memory_space<semaphore_mem>>
    %dma_start3A_5 = arith.constant 0 : i32
    %dma_start3A_6 = tpu.memref_slice %arg9[%mul3A_2, %dma_start3A_5] : memref<10000x64xf32, #tpu.memory_space<vmem_shared>> -> memref<625x64xf32, #tpu.memory_space<vmem_shared>>
    tpu.enqueue_dma source(%arg4 : memref<625x64xf32, #tpu.memory_space<hbm>>) target(%dma_start3A_6 : memref<625x64xf32, #tpu.memory_space<vmem_shared>>) target_semaphore(%dma_start3A_4 : memref<!tpu.dma_semaphore, #tpu.memory_space<semaphore_mem>>)
    %dma_start3A_7 = arith.constant 0 : i32
    %dma_start3A_8 = arith.constant 1 : i32
    %dma_start3A_9 = arith.constant 0 : i32
    %dma_start3A_10 = arith.constant 0 : i32
    %dma_start3A_11 = tpu.memref_slice %arg2[%dma_start3A_7, %add3A, %dma_start3A_9, %dma_start3A_10] : memref<2x32x125x80xi32, #tpu.memory_space<hbm>> -> memref<1x1x125x80xi32, #tpu.memory_space<hbm>>
    %dma_start3A_12 = tpu.memref_squeeze %dma_start3A_11 : memref<1x1x125x80xi32, #tpu.memory_space<hbm>> -> memref<125x80xi32, #tpu.memory_space<hbm>>
    %dma_start3A_13 = tpu.memref_slice %arg10[%dma_start3A_8] : memref<6x!tpu.dma_semaphore, #tpu.memory_space<semaphore_mem>> -> memref<1x!tpu.dma_semaphore, #tpu.memory_space<semaphore_mem>>
    %dma_start3A_14 = tpu.memref_squeeze %dma_start3A_13 : memref<1x!tpu.dma_semaphore, #tpu.memory_space<semaphore_mem>> -> memref<!tpu.dma_semaphore, #tpu.memory_space<semaphore_mem>>
    %dma_start3A_15 = arith.constant 0 : i32
    %dma_start3A_16 = arith.constant 0 : i32
    %dma_start3A_17 = tpu.memref_slice %arg2[%dma_start3A_7, %add3A, %dma_start3A_15, %dma_start3A_16] : memref<2x32x125x80xi32, #tpu.memory_space<hbm>> -> memref<1x1x125x80xi32, #tpu.memory_space<hbm>>
    %dma_start3A_18 = tpu.memref_squeeze %dma_start3A_17 : memref<1x1x125x80xi32, #tpu.memory_space<hbm>> -> memref<125x80xi32, #tpu.memory_space<hbm>>
    tpu.enqueue_dma source(%dma_start3A_18 : memref<125x80xi32, #tpu.memory_space<hbm>>) target(%arg6 : memref<125x80xi32, #tpu.memory_space<vmem>>) target_semaphore(%dma_start3A_14 : memref<!tpu.dma_semaphore, #tpu.memory_space<semaphore_mem>>)
    %dma_start3A_19 = arith.constant 1 : i32
    %dma_start3A_20 = arith.constant 0 : i32
    %dma_start3A_21 = arith.constant 0 : i32
    %dma_start3A_22 = arith.constant 0 : i32
    %dma_start3A_23 = tpu.memref_slice %arg2[%dma_start3A_19, %add3A, %dma_start3A_21, %dma_start3A_22] : memref<2x32x125x80xi32, #tpu.memory_space<hbm>> -> memref<1x1x125x80xi32, #tpu.memory_space<hbm>>
    %dma_start3A_24 = tpu.memref_squeeze %dma_start3A_23 : memref<1x1x125x80xi32, #tpu.memory_space<hbm>> -> memref<125x80xi32, #tpu.memory_space<hbm>>
    %dma_start3A_25 = tpu.memref_slice %arg11[%dma_start3A_20] : memref<6x!tpu.dma_semaphore, #tpu.memory_space<semaphore_mem>> -> memref<1x!tpu.dma_semaphore, #tpu.memory_space<semaphore_mem>>
    %dma_start3A_26 = tpu.memref_squeeze %dma_start3A_25 : memref<1x!tpu.dma_semaphore, #tpu.memory_space<semaphore_mem>> -> memref<!tpu.dma_semaphore, #tpu.memory_space<semaphore_mem>>
    %dma_start3A_27 = arith.constant 0 : i32
    %dma_start3A_28 = arith.constant 0 : i32
    %dma_start3A_29 = tpu.memref_slice %arg2[%dma_start3A_19, %add3A, %dma_start3A_27, %dma_start3A_28] : memref<2x32x125x80xi32, #tpu.memory_space<hbm>> -> memref<1x1x125x80xi32, #tpu.memory_space<hbm>>
    %dma_start3A_30 = tpu.memref_squeeze %dma_start3A_29 : memref<1x1x125x80xi32, #tpu.memory_space<hbm>> -> memref<125x80xi32, #tpu.memory_space<hbm>>
    tpu.enqueue_dma source(%dma_start3A_30 : memref<125x80xi32, #tpu.memory_space<hbm>>) target(%arg7 : memref<125x80xi32, #tpu.memory_space<vmem>>) target_semaphore(%dma_start3A_26 : memref<!tpu.dma_semaphore, #tpu.memory_space<semaphore_mem>>)
    %dma_wait3A = arith.constant 0 : i32
    %dma_wait3A_31 = tpu.memref_slice %arg10[%dma_wait3A] : memref<6x!tpu.dma_semaphore, #tpu.memory_space<semaphore_mem>> -> memref<1x!tpu.dma_semaphore, #tpu.memory_space<semaphore_mem>>
    %dma_wait3A_32 = tpu.memref_squeeze %dma_wait3A_31 : memref<1x!tpu.dma_semaphore, #tpu.memory_space<semaphore_mem>> -> memref<!tpu.dma_semaphore, #tpu.memory_space<semaphore_mem>>
    %dma_wait3A_33 = arith.constant 0 : i32
    %dma_wait3A_34 = tpu.memref_slice %arg9[%mul3A_2, %dma_wait3A_33] : memref<10000x64xf32, #tpu.memory_space<vmem_shared>> -> memref<625x64xf32, #tpu.memory_space<vmem_shared>>
    tpu.wait_dma2 semaphore(%dma_wait3A_32 : memref<!tpu.dma_semaphore, #tpu.memory_space<semaphore_mem>>) src(%arg4 : memref<625x64xf32, #tpu.memory_space<hbm>>) dst(%dma_wait3A_34 : memref<625x64xf32, #tpu.memory_space<vmem_shared>>)
    %dma_wait3A_35 = arith.constant 0 : i32
    %dma_wait3A_36 = arith.constant 1 : i32
    %dma_wait3A_37 = arith.constant 0 : i32
    %dma_wait3A_38 = arith.constant 0 : i32
    %dma_wait3A_39 = tpu.memref_slice %arg2[%dma_wait3A_35, %add3A, %dma_wait3A_37, %dma_wait3A_38] : memref<2x32x125x80xi32, #tpu.memory_space<hbm>> -> memref<1x1x125x80xi32, #tpu.memory_space<hbm>>
    %dma_wait3A_40 = tpu.memref_squeeze %dma_wait3A_39 : memref<1x1x125x80xi32, #tpu.memory_space<hbm>> -> memref<125x80xi32, #tpu.memory_space<hbm>>
    %dma_wait3A_41 = tpu.memref_slice %arg10[%dma_wait3A_36] : memref<6x!tpu.dma_semaphore, #tpu.memory_space<semaphore_mem>> -> memref<1x!tpu.dma_semaphore, #tpu.memory_space<semaphore_mem>>
    %dma_wait3A_42 = tpu.memref_squeeze %dma_wait3A_41 : memref<1x!tpu.dma_semaphore, #tpu.memory_space<semaphore_mem>> -> memref<!tpu.dma_semaphore, #tpu.memory_space<semaphore_mem>>
    %dma_wait3A_43 = arith.constant 0 : i32
    %dma_wait3A_44 = arith.constant 0 : i32
    %dma_wait3A_45 = tpu.memref_slice %arg2[%dma_wait3A_35, %add3A, %dma_wait3A_43, %dma_wait3A_44] : memref<2x32x125x80xi32, #tpu.memory_space<hbm>> -> memref<1x1x125x80xi32, #tpu.memory_space<hbm>>
    %dma_wait3A_46 = tpu.memref_squeeze %dma_wait3A_45 : memref<1x1x125x80xi32, #tpu.memory_space<hbm>> -> memref<125x80xi32, #tpu.memory_space<hbm>>
    tpu.wait_dma2 semaphore(%dma_wait3A_42 : memref<!tpu.dma_semaphore, #tpu.memory_space<semaphore_mem>>) src(%dma_wait3A_46 : memref<125x80xi32, #tpu.memory_space<hbm>>) dst(%arg6 : memref<125x80xi32, #tpu.memory_space<vmem>>)
    %dma_wait3A_47 = arith.constant 1 : i32
    %dma_wait3A_48 = arith.constant 0 : i32
    %dma_wait3A_49 = arith.constant 0 : i32
    %dma_wait3A_50 = arith.constant 0 : i32
    %dma_wait3A_51 = tpu.memref_slice %arg2[%dma_wait3A_47, %add3A, %dma_wait3A_49, %dma_wait3A_50] : memref<2x32x125x80xi32, #tpu.memory_space<hbm>> -> memref<1x1x125x80xi32, #tpu.memory_space<hbm>>
    %dma_wait3A_52 = tpu.memref_squeeze %dma_wait3A_51 : memref<1x1x125x80xi32, #tpu.memory_space<hbm>> -> memref<125x80xi32, #tpu.memory_space<hbm>>
    %dma_wait3A_53 = tpu.memref_slice %arg11[%dma_wait3A_48] : memref<6x!tpu.dma_semaphore, #tpu.memory_space<semaphore_mem>> -> memref<1x!tpu.dma_semaphore, #tpu.memory_space<semaphore_mem>>
    %dma_wait3A_54 = tpu.memref_squeeze %dma_wait3A_53 : memref<1x!tpu.dma_semaphore, #tpu.memory_space<semaphore_mem>> -> memref<!tpu.dma_semaphore, #tpu.memory_space<semaphore_mem>>
    %dma_wait3A_55 = arith.constant 0 : i32
    %dma_wait3A_56 = arith.constant 0 : i32
    %dma_wait3A_57 = tpu.memref_slice %arg2[%dma_wait3A_47, %add3A, %dma_wait3A_55, %dma_wait3A_56] : memref<2x32x125x80xi32, #tpu.memory_space<hbm>> -> memref<1x1x125x80xi32, #tpu.memory_space<hbm>>
    %dma_wait3A_58 = tpu.memref_squeeze %dma_wait3A_57 : memref<1x1x125x80xi32, #tpu.memory_space<hbm>> -> memref<125x80xi32, #tpu.memory_space<hbm>>
    tpu.wait_dma2 semaphore(%dma_wait3A_54 : memref<!tpu.dma_semaphore, #tpu.memory_space<semaphore_mem>>) src(%dma_wait3A_58 : memref<125x80xi32, #tpu.memory_space<hbm>>) dst(%arg7 : memref<125x80xi32, #tpu.memory_space<vmem>>)
    %barrier3A = arith.constant 0 : index
    tpu.barrier barrier_id(%barrier3A)
    %dma_start3A_59 = arith.constant 0 : i32
    %dma_start3A_60 = arith.constant 0 : i32
    %dma_start3A_61 = arith.constant 0 : i32
    %dma_start3A_62 = arith.constant 0 : i32
    %dma_start3A_63 = arith.constant 0 : i32
    %dma_start3A_64 = tpu.memref_slice %arg8[%dma_start3A_60, %dma_start3A_62, %dma_start3A_63] : memref<6x80x64xf32, #tpu.memory_space<vmem>> -> memref<1x80x64xf32, #tpu.memory_space<vmem>>
    %dma_start3A_65 = tpu.memref_squeeze %dma_start3A_64 : memref<1x80x64xf32, #tpu.memory_space<vmem>> -> memref<80x64xf32, #tpu.memory_space<vmem>>
    %dma_start3A_66 = arith.constant 0 : i32
    %dma_start3A_67 = tpu.memref_slice %arg6[%dma_start3A_59, %dma_start3A_66] : memref<125x80xi32, #tpu.memory_space<vmem>> -> memref<1x80xi32, #tpu.memory_space<vmem>>
    %dma_start3A_68 = tpu.memref_squeeze %dma_start3A_67 : memref<1x80xi32, #tpu.memory_space<vmem>> -> memref<80xi32, #tpu.memory_space<vmem>>
    %dma_start3A_69 = arith.constant 0 : i32
    %dma_start3A_70 = arith.constant 0 : i32
    %dma_start3A_71 = tpu.memref_slice %arg3[%dma_start3A_69, %dma_start3A_70] : memref<10000x64xf32, #tpu.memory_space<hbm>> -> memref<10000x64xf32, #tpu.memory_space<hbm>>
    %dma_start3A_72 = tpu.memref_slice %arg10[%dma_start3A_61] : memref<6x!tpu.dma_semaphore, #tpu.memory_space<semaphore_mem>> -> memref<1x!tpu.dma_semaphore, #tpu.memory_space<semaphore_mem>>
    %dma_start3A_73 = tpu.memref_squeeze %dma_start3A_72 : memref<1x!tpu.dma_semaphore, #tpu.memory_space<semaphore_mem>> -> memref<!tpu.dma_semaphore, #tpu.memory_space<semaphore_mem>>
    tpu.enqueue_indirect_dma source(%dma_start3A_71 : memref<10000x64xf32, #tpu.memory_space<hbm>>) target(%dma_start3A_65 : memref<80x64xf32, #tpu.memory_space<vmem>>) offsets(%dma_start3A_68 : memref<80xi32, #tpu.memory_space<vmem>>) semaphore(%dma_start3A_73 : memref<!tpu.dma_semaphore, #tpu.memory_space<semaphore_mem>>)
    %dma_start3A_74 = arith.constant 1 : i32
    %dma_start3A_75 = arith.constant 1 : i32
    %dma_start3A_76 = arith.constant 1 : i32
    %dma_start3A_77 = arith.constant 0 : i32
    %dma_start3A_78 = arith.constant 0 : i32
    %dma_start3A_79 = tpu.memref_slice %arg8[%dma_start3A_75, %dma_start3A_77, %dma_start3A_78] : memref<6x80x64xf32, #tpu.memory_space<vmem>> -> memref<1x80x64xf32, #tpu.memory_space<vmem>>
    %dma_start3A_80 = tpu.memref_squeeze %dma_start3A_79 : memref<1x80x64xf32, #tpu.memory_space<vmem>> -> memref<80x64xf32, #tpu.memory_space<vmem>>
    %dma_start3A_81 = arith.constant 0 : i32
    %dma_start3A_82 = tpu.memref_slice %arg6[%dma_start3A_74, %dma_start3A_81] : memref<125x80xi32, #tpu.memory_space<vmem>> -> memref<1x80xi32, #tpu.memory_space<vmem>>
    %dma_start3A_83 = tpu.memref_squeeze %dma_start3A_82 : memref<1x80xi32, #tpu.memory_space<vmem>> -> memref<80xi32, #tpu.memory_space<vmem>>
    %dma_start3A_84 = arith.constant 0 : i32
    %dma_start3A_85 = arith.constant 0 : i32
    %dma_start3A_86 = tpu.memref_slice %arg3[%dma_start3A_84, %dma_start3A_85] : memref<10000x64xf32, #tpu.memory_space<hbm>> -> memref<10000x64xf32, #tpu.memory_space<hbm>>
    %dma_start3A_87 = tpu.memref_slice %arg10[%dma_start3A_76] : memref<6x!tpu.dma_semaphore, #tpu.memory_space<semaphore_mem>> -> memref<1x!tpu.dma_semaphore, #tpu.memory_space<semaphore_mem>>
    %dma_start3A_88 = tpu.memref_squeeze %dma_start3A_87 : memref<1x!tpu.dma_semaphore, #tpu.memory_space<semaphore_mem>> -> memref<!tpu.dma_semaphore, #tpu.memory_space<semaphore_mem>>
    tpu.enqueue_indirect_dma source(%dma_start3A_86 : memref<10000x64xf32, #tpu.memory_space<hbm>>) target(%dma_start3A_80 : memref<80x64xf32, #tpu.memory_space<vmem>>) offsets(%dma_start3A_83 : memref<80xi32, #tpu.memory_space<vmem>>) semaphore(%dma_start3A_88 : memref<!tpu.dma_semaphore, #tpu.memory_space<semaphore_mem>>)
    %dma_start3A_89 = arith.constant 2 : i32
    %dma_start3A_90 = arith.constant 2 : i32
    %dma_start3A_91 = arith.constant 2 : i32
    %dma_start3A_92 = arith.constant 0 : i32
    %dma_start3A_93 = arith.constant 0 : i32
    %dma_start3A_94 = tpu.memref_slice %arg8[%dma_start3A_90, %dma_start3A_92, %dma_start3A_93] : memref<6x80x64xf32, #tpu.memory_space<vmem>> -> memref<1x80x64xf32, #tpu.memory_space<vmem>>
    %dma_start3A_95 = tpu.memref_squeeze %dma_start3A_94 : memref<1x80x64xf32, #tpu.memory_space<vmem>> -> memref<80x64xf32, #tpu.memory_space<vmem>>
    %dma_start3A_96 = arith.constant 0 : i32
    %dma_start3A_97 = tpu.memref_slice %arg6[%dma_start3A_89, %dma_start3A_96] : memref<125x80xi32, #tpu.memory_space<vmem>> -> memref<1x80xi32, #tpu.memory_space<vmem>>
    %dma_start3A_98 = tpu.memref_squeeze %dma_start3A_97 : memref<1x80xi32, #tpu.memory_space<vmem>> -> memref<80xi32, #tpu.memory_space<vmem>>
    %dma_start3A_99 = arith.constant 0 : i32
    %dma_start3A_100 = arith.constant 0 : i32
    %dma_start3A_101 = tpu.memref_slice %arg3[%dma_start3A_99, %dma_start3A_100] : memref<10000x64xf32, #tpu.memory_space<hbm>> -> memref<10000x64xf32, #tpu.memory_space<hbm>>
    %dma_start3A_102 = tpu.memref_slice %arg10[%dma_start3A_91] : memref<6x!tpu.dma_semaphore, #tpu.memory_space<semaphore_mem>> -> memref<1x!tpu.dma_semaphore, #tpu.memory_space<semaphore_mem>>
    %dma_start3A_103 = tpu.memref_squeeze %dma_start3A_102 : memref<1x!tpu.dma_semaphore, #tpu.memory_space<semaphore_mem>> -> memref<!tpu.dma_semaphore, #tpu.memory_space<semaphore_mem>>
    tpu.enqueue_indirect_dma source(%dma_start3A_101 : memref<10000x64xf32, #tpu.memory_space<hbm>>) target(%dma_start3A_95 : memref<80x64xf32, #tpu.memory_space<vmem>>) offsets(%dma_start3A_98 : memref<80xi32, #tpu.memory_space<vmem>>) semaphore(%dma_start3A_103 : memref<!tpu.dma_semaphore, #tpu.memory_space<semaphore_mem>>)
    %dma_start3A_104 = arith.constant 3 : i32
    %dma_start3A_105 = arith.constant 3 : i32
    %dma_start3A_106 = arith.constant 3 : i32
    %dma_start3A_107 = arith.constant 0 : i32
    %dma_start3A_108 = arith.constant 0 : i32
    %dma_start3A_109 = tpu.memref_slice %arg8[%dma_start3A_105, %dma_start3A_107, %dma_start3A_108] : memref<6x80x64xf32, #tpu.memory_space<vmem>> -> memref<1x80x64xf32, #tpu.memory_space<vmem>>
    %dma_start3A_110 = tpu.memref_squeeze %dma_start3A_109 : memref<1x80x64xf32, #tpu.memory_space<vmem>> -> memref<80x64xf32, #tpu.memory_space<vmem>>
    %dma_start3A_111 = arith.constant 0 : i32
    %dma_start3A_112 = tpu.memref_slice %arg6[%dma_start3A_104, %dma_start3A_111] : memref<125x80xi32, #tpu.memory_space<vmem>> -> memref<1x80xi32, #tpu.memory_space<vmem>>
    %dma_start3A_113 = tpu.memref_squeeze %dma_start3A_112 : memref<1x80xi32, #tpu.memory_space<vmem>> -> memref<80xi32, #tpu.memory_space<vmem>>
    %dma_start3A_114 = arith.constant 0 : i32
    %dma_start3A_115 = arith.constant 0 : i32
    %dma_start3A_116 = tpu.memref_slice %arg3[%dma_start3A_114, %dma_start3A_115] : memref<10000x64xf32, #tpu.memory_space<hbm>> -> memref<10000x64xf32, #tpu.memory_space<hbm>>
    %dma_start3A_117 = tpu.memref_slice %arg10[%dma_start3A_106] : memref<6x!tpu.dma_semaphore, #tpu.memory_space<semaphore_mem>> -> memref<1x!tpu.dma_semaphore, #tpu.memory_space<semaphore_mem>>
    %dma_start3A_118 = tpu.memref_squeeze %dma_start3A_117 : memref<1x!tpu.dma_semaphore, #tpu.memory_space<semaphore_mem>> -> memref<!tpu.dma_semaphore, #tpu.memory_space<semaphore_mem>>
    tpu.enqueue_indirect_dma source(%dma_start3A_116 : memref<10000x64xf32, #tpu.memory_space<hbm>>) target(%dma_start3A_110 : memref<80x64xf32, #tpu.memory_space<vmem>>) offsets(%dma_start3A_113 : memref<80xi32, #tpu.memory_space<vmem>>) semaphore(%dma_start3A_118 : memref<!tpu.dma_semaphore, #tpu.memory_space<semaphore_mem>>)
    %dma_start3A_119 = arith.constant 4 : i32
    %dma_start3A_120 = arith.constant 4 : i32
    %dma_start3A_121 = arith.constant 4 : i32
    %dma_start3A_122 = arith.constant 0 : i32
    %dma_start3A_123 = arith.constant 0 : i32
    %dma_start3A_124 = tpu.memref_slice %arg8[%dma_start3A_120, %dma_start3A_122, %dma_start3A_123] : memref<6x80x64xf32, #tpu.memory_space<vmem>> -> memref<1x80x64xf32, #tpu.memory_space<vmem>>
    %dma_start3A_125 = tpu.memref_squeeze %dma_start3A_124 : memref<1x80x64xf32, #tpu.memory_space<vmem>> -> memref<80x64xf32, #tpu.memory_space<vmem>>
    %dma_start3A_126 = arith.constant 0 : i32
    %dma_start3A_127 = tpu.memref_slice %arg6[%dma_start3A_119, %dma_start3A_126] : memref<125x80xi32, #tpu.memory_space<vmem>> -> memref<1x80xi32, #tpu.memory_space<vmem>>
    %dma_start3A_128 = tpu.memref_squeeze %dma_start3A_127 : memref<1x80xi32, #tpu.memory_space<vmem>> -> memref<80xi32, #tpu.memory_space<vmem>>
    %dma_start3A_129 = arith.constant 0 : i32
    %dma_start3A_130 = arith.constant 0 : i32
    %dma_start3A_131 = tpu.memref_slice %arg3[%dma_start3A_129, %dma_start3A_130] : memref<10000x64xf32, #tpu.memory_space<hbm>> -> memref<10000x64xf32, #tpu.memory_space<hbm>>
    %dma_start3A_132 = tpu.memref_slice %arg10[%dma_start3A_121] : memref<6x!tpu.dma_semaphore, #tpu.memory_space<semaphore_mem>> -> memref<1x!tpu.dma_semaphore, #tpu.memory_space<semaphore_mem>>
    %dma_start3A_133 = tpu.memref_squeeze %dma_start3A_132 : memref<1x!tpu.dma_semaphore, #tpu.memory_space<semaphore_mem>> -> memref<!tpu.dma_semaphore, #tpu.memory_space<semaphore_mem>>
    tpu.enqueue_indirect_dma source(%dma_start3A_131 : memref<10000x64xf32, #tpu.memory_space<hbm>>) target(%dma_start3A_125 : memref<80x64xf32, #tpu.memory_space<vmem>>) offsets(%dma_start3A_128 : memref<80xi32, #tpu.memory_space<vmem>>) semaphore(%dma_start3A_133 : memref<!tpu.dma_semaphore, #tpu.memory_space<semaphore_mem>>)
    %dma_start3A_134 = arith.constant 5 : i32
    %dma_start3A_135 = arith.constant 5 : i32
    %dma_start3A_136 = arith.constant 5 : i32
    %dma_start3A_137 = arith.constant 0 : i32
    %dma_start3A_138 = arith.constant 0 : i32
    %dma_start3A_139 = tpu.memref_slice %arg8[%dma_start3A_135, %dma_start3A_137, %dma_start3A_138] : memref<6x80x64xf32, #tpu.memory_space<vmem>> -> memref<1x80x64xf32, #tpu.memory_space<vmem>>
    %dma_start3A_140 = tpu.memref_squeeze %dma_start3A_139 : memref<1x80x64xf32, #tpu.memory_space<vmem>> -> memref<80x64xf32, #tpu.memory_space<vmem>>
    %dma_start3A_141 = arith.constant 0 : i32
    %dma_start3A_142 = tpu.memref_slice %arg6[%dma_start3A_134, %dma_start3A_141] : memref<125x80xi32, #tpu.memory_space<vmem>> -> memref<1x80xi32, #tpu.memory_space<vmem>>
    %dma_start3A_143 = tpu.memref_squeeze %dma_start3A_142 : memref<1x80xi32, #tpu.memory_space<vmem>> -> memref<80xi32, #tpu.memory_space<vmem>>
    %dma_start3A_144 = arith.constant 0 : i32
    %dma_start3A_145 = arith.constant 0 : i32
    %dma_start3A_146 = tpu.memref_slice %arg3[%dma_start3A_144, %dma_start3A_145] : memref<10000x64xf32, #tpu.memory_space<hbm>> -> memref<10000x64xf32, #tpu.memory_space<hbm>>
    %dma_start3A_147 = tpu.memref_slice %arg10[%dma_start3A_136] : memref<6x!tpu.dma_semaphore, #tpu.memory_space<semaphore_mem>> -> memref<1x!tpu.dma_semaphore, #tpu.memory_space<semaphore_mem>>
    %dma_start3A_148 = tpu.memref_squeeze %dma_start3A_147 : memref<1x!tpu.dma_semaphore, #tpu.memory_space<semaphore_mem>> -> memref<!tpu.dma_semaphore, #tpu.memory_space<semaphore_mem>>
    tpu.enqueue_indirect_dma source(%dma_start3A_146 : memref<10000x64xf32, #tpu.memory_space<hbm>>) target(%dma_start3A_140 : memref<80x64xf32, #tpu.memory_space<vmem>>) offsets(%dma_start3A_143 : memref<80xi32, #tpu.memory_space<vmem>>) semaphore(%dma_start3A_148 : memref<!tpu.dma_semaphore, #tpu.memory_space<semaphore_mem>>)
    %scan3A = arith.constant 0 : i32
    %scan3A_149 = arith.constant 0 : i32
    %scan3A_150 = arith.constant 20 : i32
    %scan3A_151 = arith.addi %scan3A_149, %scan3A_150 : i32
    %scan3A_152 = arith.constant 1 : i32
    scf.for %scan3A_461 = %scan3A_149 to %scan3A_151 step %scan3A_152  : i32 {
      %mul3A_462 = arith.constant 6 : i32
      %mul3A_463 = arith.muli %scan3A_461, %mul3A_462 : i32
      %add3A_464 = arith.constant 0 : i32
      %add3A_465 = arith.addi %mul3A_463, %add3A_464 : i32
      %dma_wait3A_466 = arith.constant 0 : i32
      %dma_wait3A_467 = arith.constant 0 : i32
      %dma_wait3A_468 = arith.constant 0 : i32
      %dma_wait3A_469 = arith.constant 0 : i32
      %dma_wait3A_470 = tpu.memref_slice %arg8[%dma_wait3A_466, %dma_wait3A_468, %dma_wait3A_469] : memref<6x80x64xf32, #tpu.memory_space<vmem>> -> memref<1x80x64xf32, #tpu.memory_space<vmem>>
      %dma_wait3A_471 = tpu.memref_squeeze %dma_wait3A_470 : memref<1x80x64xf32, #tpu.memory_space<vmem>> -> memref<80x64xf32, #tpu.memory_space<vmem>>
      %dma_wait3A_472 = arith.constant 0 : i32
      %dma_wait3A_473 = tpu.memref_slice %arg6[%add3A_465, %dma_wait3A_472] : memref<125x80xi32, #tpu.memory_space<vmem>> -> memref<1x80xi32, #tpu.memory_space<vmem>>
      %dma_wait3A_474 = tpu.memref_squeeze %dma_wait3A_473 : memref<1x80xi32, #tpu.memory_space<vmem>> -> memref<80xi32, #tpu.memory_space<vmem>>
      %dma_wait3A_475 = arith.constant 0 : i32
      %dma_wait3A_476 = arith.constant 0 : i32
      %dma_wait3A_477 = tpu.memref_slice %arg3[%dma_wait3A_475, %dma_wait3A_476] : memref<10000x64xf32, #tpu.memory_space<hbm>> -> memref<10000x64xf32, #tpu.memory_space<hbm>>
      %dma_wait3A_478 = tpu.memref_slice %arg10[%dma_wait3A_467] : memref<6x!tpu.dma_semaphore, #tpu.memory_space<semaphore_mem>> -> memref<1x!tpu.dma_semaphore, #tpu.memory_space<semaphore_mem>>
      %dma_wait3A_479 = tpu.memref_squeeze %dma_wait3A_478 : memref<1x!tpu.dma_semaphore, #tpu.memory_space<semaphore_mem>> -> memref<!tpu.dma_semaphore, #tpu.memory_space<semaphore_mem>>
      tpu.wait_indirect_dma semaphore(%dma_wait3A_479 : memref<!tpu.dma_semaphore, #tpu.memory_space<semaphore_mem>>) src(%dma_wait3A_477 : memref<10000x64xf32, #tpu.memory_space<hbm>>) dst(%dma_wait3A_471 : memref<80x64xf32, #tpu.memory_space<vmem>>)
      %dma_start3A_480 = arith.constant 0 : i32
      %dma_start3A_481 = arith.constant 0 : i32
      %dma_start3A_482 = arith.constant 0 : i32
      %dma_start3A_483 = arith.constant 0 : i32
      %dma_start3A_484 = tpu.memref_slice %arg8[%dma_start3A_480, %dma_start3A_482, %dma_start3A_483] : memref<6x80x64xf32, #tpu.memory_space<vmem>> -> memref<1x80x64xf32, #tpu.memory_space<vmem>>
      %dma_start3A_485 = tpu.memref_squeeze %dma_start3A_484 : memref<1x80x64xf32, #tpu.memory_space<vmem>> -> memref<80x64xf32, #tpu.memory_space<vmem>>
      %dma_start3A_486 = arith.constant 0 : i32
      %dma_start3A_487 = tpu.memref_slice %arg7[%add3A_465, %dma_start3A_486] : memref<125x80xi32, #tpu.memory_space<vmem>> -> memref<1x80xi32, #tpu.memory_space<vmem>>
      %dma_start3A_488 = tpu.memref_squeeze %dma_start3A_487 : memref<1x80xi32, #tpu.memory_space<vmem>> -> memref<80xi32, #tpu.memory_space<vmem>>
      %dma_start3A_489 = arith.constant 0 : i32
      %dma_start3A_490 = arith.constant 0 : i32
      %dma_start3A_491 = tpu.memref_slice %arg9[%dma_start3A_489, %dma_start3A_490] : memref<10000x64xf32, #tpu.memory_space<vmem_shared>> -> memref<10000x64xf32, #tpu.memory_space<vmem_shared>>
      %dma_start3A_492 = tpu.memref_slice %arg11[%dma_start3A_481] : memref<6x!tpu.dma_semaphore, #tpu.memory_space<semaphore_mem>> -> memref<1x!tpu.dma_semaphore, #tpu.memory_space<semaphore_mem>>
      %dma_start3A_493 = tpu.memref_squeeze %dma_start3A_492 : memref<1x!tpu.dma_semaphore, #tpu.memory_space<semaphore_mem>> -> memref<!tpu.dma_semaphore, #tpu.memory_space<semaphore_mem>>
      tpu.enqueue_indirect_dma source(%dma_start3A_485 : memref<80x64xf32, #tpu.memory_space<vmem>>) target(%dma_start3A_491 : memref<10000x64xf32, #tpu.memory_space<vmem_shared>>) offsets(%dma_start3A_488 : memref<80xi32, #tpu.memory_space<vmem>>) semaphore(%dma_start3A_493 : memref<!tpu.dma_semaphore, #tpu.memory_space<semaphore_mem>>) {add = true}
      %dma_wait3A_494 = arith.constant 0 : i32
      %dma_wait3A_495 = arith.constant 0 : i32
      %dma_wait3A_496 = arith.constant 0 : i32
      %dma_wait3A_497 = arith.constant 0 : i32
      %dma_wait3A_498 = tpu.memref_slice %arg8[%dma_wait3A_494, %dma_wait3A_496, %dma_wait3A_497] : memref<6x80x64xf32, #tpu.memory_space<vmem>> -> memref<1x80x64xf32, #tpu.memory_space<vmem>>
      %dma_wait3A_499 = tpu.memref_squeeze %dma_wait3A_498 : memref<1x80x64xf32, #tpu.memory_space<vmem>> -> memref<80x64xf32, #tpu.memory_space<vmem>>
      %dma_wait3A_500 = arith.constant 0 : i32
      %dma_wait3A_501 = tpu.memref_slice %arg7[%add3A_465, %dma_wait3A_500] : memref<125x80xi32, #tpu.memory_space<vmem>> -> memref<1x80xi32, #tpu.memory_space<vmem>>
      %dma_wait3A_502 = tpu.memref_squeeze %dma_wait3A_501 : memref<1x80xi32, #tpu.memory_space<vmem>> -> memref<80xi32, #tpu.memory_space<vmem>>
      %dma_wait3A_503 = arith.constant 0 : i32
      %dma_wait3A_504 = arith.constant 0 : i32
      %dma_wait3A_505 = tpu.memref_slice %arg9[%dma_wait3A_503, %dma_wait3A_504] : memref<10000x64xf32, #tpu.memory_space<vmem_shared>> -> memref<10000x64xf32, #tpu.memory_space<vmem_shared>>
      %dma_wait3A_506 = tpu.memref_slice %arg11[%dma_wait3A_495] : memref<6x!tpu.dma_semaphore, #tpu.memory_space<semaphore_mem>> -> memref<1x!tpu.dma_semaphore, #tpu.memory_space<semaphore_mem>>
      %dma_wait3A_507 = tpu.memref_squeeze %dma_wait3A_506 : memref<1x!tpu.dma_semaphore, #tpu.memory_space<semaphore_mem>> -> memref<!tpu.dma_semaphore, #tpu.memory_space<semaphore_mem>>
      tpu.wait_indirect_dma semaphore(%dma_wait3A_507 : memref<!tpu.dma_semaphore, #tpu.memory_space<semaphore_mem>>) src(%dma_wait3A_499 : memref<80x64xf32, #tpu.memory_space<vmem>>) dst(%dma_wait3A_505 : memref<10000x64xf32, #tpu.memory_space<vmem_shared>>)
      %add3A_508 = arith.constant 6 : i32
      %add3A_509 = arith.addi %add3A_465, %add3A_508 : i32
      %lt3A = arith.constant 120 : i32
      %lt3A_510 = arith.cmpi slt, %add3A_509, %lt3A : i32
      %convert_element_type3A = arith.extui %lt3A_510 : i1 to i32
      %cond3A = arith.constant 0 : i32
      %cond3A_511 = arith.cmpi ne, %convert_element_type3A, %cond3A : i32
      scf.if %cond3A_511 {
        %add3A_767 = arith.constant 6 : i32
        %add3A_768 = arith.addi %add3A_465, %add3A_767 : i32
        %dma_start3A_769 = arith.constant 0 : i32
        %dma_start3A_770 = arith.constant 0 : i32
        %dma_start3A_771 = arith.constant 0 : i32
        %dma_start3A_772 = arith.constant 0 : i32
        %dma_start3A_773 = tpu.memref_slice %arg8[%dma_start3A_769, %dma_start3A_771, %dma_start3A_772] : memref<6x80x64xf32, #tpu.memory_space<vmem>> -> memref<1x80x64xf32, #tpu.memory_space<vmem>>
        %dma_start3A_774 = tpu.memref_squeeze %dma_start3A_773 : memref<1x80x64xf32, #tpu.memory_space<vmem>> -> memref<80x64xf32, #tpu.memory_space<vmem>>
        %dma_start3A_775 = arith.constant 0 : i32
        %dma_start3A_776 = tpu.memref_slice %arg6[%add3A_768, %dma_start3A_775] : memref<125x80xi32, #tpu.memory_space<vmem>> -> memref<1x80xi32, #tpu.memory_space<vmem>>
        %dma_start3A_777 = tpu.memref_squeeze %dma_start3A_776 : memref<1x80xi32, #tpu.memory_space<vmem>> -> memref<80xi32, #tpu.memory_space<vmem>>
        %dma_start3A_778 = arith.constant 0 : i32
        %dma_start3A_779 = arith.constant 0 : i32
        %dma_start3A_780 = tpu.memref_slice %arg3[%dma_start3A_778, %dma_start3A_779] : memref<10000x64xf32, #tpu.memory_space<hbm>> -> memref<10000x64xf32, #tpu.memory_space<hbm>>
        %dma_start3A_781 = tpu.memref_slice %arg10[%dma_start3A_770] : memref<6x!tpu.dma_semaphore, #tpu.memory_space<semaphore_mem>> -> memref<1x!tpu.dma_semaphore, #tpu.memory_space<semaphore_mem>>
        %dma_start3A_782 = tpu.memref_squeeze %dma_start3A_781 : memref<1x!tpu.dma_semaphore, #tpu.memory_space<semaphore_mem>> -> memref<!tpu.dma_semaphore, #tpu.memory_space<semaphore_mem>>
        tpu.enqueue_indirect_dma source(%dma_start3A_780 : memref<10000x64xf32, #tpu.memory_space<hbm>>) target(%dma_start3A_774 : memref<80x64xf32, #tpu.memory_space<vmem>>) offsets(%dma_start3A_777 : memref<80xi32, #tpu.memory_space<vmem>>) semaphore(%dma_start3A_782 : memref<!tpu.dma_semaphore, #tpu.memory_space<semaphore_mem>>)
      } else {
      }
      %add3A_512 = arith.constant 1 : i32
      %add3A_513 = arith.addi %mul3A_463, %add3A_512 : i32
      %dma_wait3A_514 = arith.constant 1 : i32
      %dma_wait3A_515 = arith.constant 1 : i32
      %dma_wait3A_516 = arith.constant 0 : i32
      %dma_wait3A_517 = arith.constant 0 : i32
      %dma_wait3A_518 = tpu.memref_slice %arg8[%dma_wait3A_514, %dma_wait3A_516, %dma_wait3A_517] : memref<6x80x64xf32, #tpu.memory_space<vmem>> -> memref<1x80x64xf32, #tpu.memory_space<vmem>>
      %dma_wait3A_519 = tpu.memref_squeeze %dma_wait3A_518 : memref<1x80x64xf32, #tpu.memory_space<vmem>> -> memref<80x64xf32, #tpu.memory_space<vmem>>
      %dma_wait3A_520 = arith.constant 0 : i32
      %dma_wait3A_521 = tpu.memref_slice %arg6[%add3A_513, %dma_wait3A_520] : memref<125x80xi32, #tpu.memory_space<vmem>> -> memref<1x80xi32, #tpu.memory_space<vmem>>
      %dma_wait3A_522 = tpu.memref_squeeze %dma_wait3A_521 : memref<1x80xi32, #tpu.memory_space<vmem>> -> memref<80xi32, #tpu.memory_space<vmem>>
      %dma_wait3A_523 = arith.constant 0 : i32
      %dma_wait3A_524 = arith.constant 0 : i32
      %dma_wait3A_525 = tpu.memref_slice %arg3[%dma_wait3A_523, %dma_wait3A_524] : memref<10000x64xf32, #tpu.memory_space<hbm>> -> memref<10000x64xf32, #tpu.memory_space<hbm>>
      %dma_wait3A_526 = tpu.memref_slice %arg10[%dma_wait3A_515] : memref<6x!tpu.dma_semaphore, #tpu.memory_space<semaphore_mem>> -> memref<1x!tpu.dma_semaphore, #tpu.memory_space<semaphore_mem>>
      %dma_wait3A_527 = tpu.memref_squeeze %dma_wait3A_526 : memref<1x!tpu.dma_semaphore, #tpu.memory_space<semaphore_mem>> -> memref<!tpu.dma_semaphore, #tpu.memory_space<semaphore_mem>>
      tpu.wait_indirect_dma semaphore(%dma_wait3A_527 : memref<!tpu.dma_semaphore, #tpu.memory_space<semaphore_mem>>) src(%dma_wait3A_525 : memref<10000x64xf32, #tpu.memory_space<hbm>>) dst(%dma_wait3A_519 : memref<80x64xf32, #tpu.memory_space<vmem>>)
      %dma_start3A_528 = arith.constant 1 : i32
      %dma_start3A_529 = arith.constant 1 : i32
      %dma_start3A_530 = arith.constant 0 : i32
      %dma_start3A_531 = arith.constant 0 : i32
      %dma_start3A_532 = tpu.memref_slice %arg8[%dma_start3A_528, %dma_start3A_530, %dma_start3A_531] : memref<6x80x64xf32, #tpu.memory_space<vmem>> -> memref<1x80x64xf32, #tpu.memory_space<vmem>>
      %dma_start3A_533 = tpu.memref_squeeze %dma_start3A_532 : memref<1x80x64xf32, #tpu.memory_space<vmem>> -> memref<80x64xf32, #tpu.memory_space<vmem>>
      %dma_start3A_534 = arith.constant 0 : i32
      %dma_start3A_535 = tpu.memref_slice %arg7[%add3A_513, %dma_start3A_534] : memref<125x80xi32, #tpu.memory_space<vmem>> -> memref<1x80xi32, #tpu.memory_space<vmem>>
      %dma_start3A_536 = tpu.memref_squeeze %dma_start3A_535 : memref<1x80xi32, #tpu.memory_space<vmem>> -> memref<80xi32, #tpu.memory_space<vmem>>
      %dma_start3A_537 = arith.constant 0 : i32
      %dma_start3A_538 = arith.constant 0 : i32
      %dma_start3A_539 = tpu.memref_slice %arg9[%dma_start3A_537, %dma_start3A_538] : memref<10000x64xf32, #tpu.memory_space<vmem_shared>> -> memref<10000x64xf32, #tpu.memory_space<vmem_shared>>
      %dma_start3A_540 = tpu.memref_slice %arg11[%dma_start3A_529] : memref<6x!tpu.dma_semaphore, #tpu.memory_space<semaphore_mem>> -> memref<1x!tpu.dma_semaphore, #tpu.memory_space<semaphore_mem>>
      %dma_start3A_541 = tpu.memref_squeeze %dma_start3A_540 : memref<1x!tpu.dma_semaphore, #tpu.memory_space<semaphore_mem>> -> memref<!tpu.dma_semaphore, #tpu.memory_space<semaphore_mem>>
      tpu.enqueue_indirect_dma source(%dma_start3A_533 : memref<80x64xf32, #tpu.memory_space<vmem>>) target(%dma_start3A_539 : memref<10000x64xf32, #tpu.memory_space<vmem_shared>>) offsets(%dma_start3A_536 : memref<80xi32, #tpu.memory_space<vmem>>) semaphore(%dma_start3A_541 : memref<!tpu.dma_semaphore, #tpu.memory_space<semaphore_mem>>) {add = true}
      %dma_wait3A_542 = arith.constant 1 : i32
      %dma_wait3A_543 = arith.constant 1 : i32
      %dma_wait3A_544 = arith.constant 0 : i32
      %dma_wait3A_545 = arith.constant 0 : i32
      %dma_wait3A_546 = tpu.memref_slice %arg8[%dma_wait3A_542, %dma_wait3A_544, %dma_wait3A_545] : memref<6x80x64xf32, #tpu.memory_space<vmem>> -> memref<1x80x64xf32, #tpu.memory_space<vmem>>
      %dma_wait3A_547 = tpu.memref_squeeze %dma_wait3A_546 : memref<1x80x64xf32, #tpu.memory_space<vmem>> -> memref<80x64xf32, #tpu.memory_space<vmem>>
      %dma_wait3A_548 = arith.constant 0 : i32
      %dma_wait3A_549 = tpu.memref_slice %arg7[%add3A_513, %dma_wait3A_548] : memref<125x80xi32, #tpu.memory_space<vmem>> -> memref<1x80xi32, #tpu.memory_space<vmem>>
      %dma_wait3A_550 = tpu.memref_squeeze %dma_wait3A_549 : memref<1x80xi32, #tpu.memory_space<vmem>> -> memref<80xi32, #tpu.memory_space<vmem>>
      %dma_wait3A_551 = arith.constant 0 : i32
      %dma_wait3A_552 = arith.constant 0 : i32
      %dma_wait3A_553 = tpu.memref_slice %arg9[%dma_wait3A_551, %dma_wait3A_552] : memref<10000x64xf32, #tpu.memory_space<vmem_shared>> -> memref<10000x64xf32, #tpu.memory_space<vmem_shared>>
      %dma_wait3A_554 = tpu.memref_slice %arg11[%dma_wait3A_543] : memref<6x!tpu.dma_semaphore, #tpu.memory_space<semaphore_mem>> -> memref<1x!tpu.dma_semaphore, #tpu.memory_space<semaphore_mem>>
      %dma_wait3A_555 = tpu.memref_squeeze %dma_wait3A_554 : memref<1x!tpu.dma_semaphore, #tpu.memory_space<semaphore_mem>> -> memref<!tpu.dma_semaphore, #tpu.memory_space<semaphore_mem>>
      tpu.wait_indirect_dma semaphore(%dma_wait3A_555 : memref<!tpu.dma_semaphore, #tpu.memory_space<semaphore_mem>>) src(%dma_wait3A_547 : memref<80x64xf32, #tpu.memory_space<vmem>>) dst(%dma_wait3A_553 : memref<10000x64xf32, #tpu.memory_space<vmem_shared>>)
      %add3A_556 = arith.constant 6 : i32
      %add3A_557 = arith.addi %add3A_513, %add3A_556 : i32
      %lt3A_558 = arith.constant 120 : i32
      %lt3A_559 = arith.cmpi slt, %add3A_557, %lt3A_558 : i32
      %convert_element_type3A_560 = arith.extui %lt3A_559 : i1 to i32
      %cond3A_561 = arith.constant 0 : i32
      %cond3A_562 = arith.cmpi ne, %convert_element_type3A_560, %cond3A_561 : i32
      scf.if %cond3A_562 {
        %add3A_767 = arith.constant 6 : i32
        %add3A_768 = arith.addi %add3A_513, %add3A_767 : i32
        %dma_start3A_769 = arith.constant 1 : i32
        %dma_start3A_770 = arith.constant 1 : i32
        %dma_start3A_771 = arith.constant 0 : i32
        %dma_start3A_772 = arith.constant 0 : i32
        %dma_start3A_773 = tpu.memref_slice %arg8[%dma_start3A_769, %dma_start3A_771, %dma_start3A_772] : memref<6x80x64xf32, #tpu.memory_space<vmem>> -> memref<1x80x64xf32, #tpu.memory_space<vmem>>
        %dma_start3A_774 = tpu.memref_squeeze %dma_start3A_773 : memref<1x80x64xf32, #tpu.memory_space<vmem>> -> memref<80x64xf32, #tpu.memory_space<vmem>>
        %dma_start3A_775 = arith.constant 0 : i32
        %dma_start3A_776 = tpu.memref_slice %arg6[%add3A_768, %dma_start3A_775] : memref<125x80xi32, #tpu.memory_space<vmem>> -> memref<1x80xi32, #tpu.memory_space<vmem>>
        %dma_start3A_777 = tpu.memref_squeeze %dma_start3A_776 : memref<1x80xi32, #tpu.memory_space<vmem>> -> memref<80xi32, #tpu.memory_space<vmem>>
        %dma_start3A_778 = arith.constant 0 : i32
        %dma_start3A_779 = arith.constant 0 : i32
        %dma_start3A_780 = tpu.memref_slice %arg3[%dma_start3A_778, %dma_start3A_779] : memref<10000x64xf32, #tpu.memory_space<hbm>> -> memref<10000x64xf32, #tpu.memory_space<hbm>>
        %dma_start3A_781 = tpu.memref_slice %arg10[%dma_start3A_770] : memref<6x!tpu.dma_semaphore, #tpu.memory_space<semaphore_mem>> -> memref<1x!tpu.dma_semaphore, #tpu.memory_space<semaphore_mem>>
        %dma_start3A_782 = tpu.memref_squeeze %dma_start3A_781 : memref<1x!tpu.dma_semaphore, #tpu.memory_space<semaphore_mem>> -> memref<!tpu.dma_semaphore, #tpu.memory_space<semaphore_mem>>
        tpu.enqueue_indirect_dma source(%dma_start3A_780 : memref<10000x64xf32, #tpu.memory_space<hbm>>) target(%dma_start3A_774 : memref<80x64xf32, #tpu.memory_space<vmem>>) offsets(%dma_start3A_777 : memref<80xi32, #tpu.memory_space<vmem>>) semaphore(%dma_start3A_782 : memref<!tpu.dma_semaphore, #tpu.memory_space<semaphore_mem>>)
      } else {
      }
      %add3A_563 = arith.constant 2 : i32
      %add3A_564 = arith.addi %mul3A_463, %add3A_563 : i32
      %dma_wait3A_565 = arith.constant 2 : i32
      %dma_wait3A_566 = arith.constant 2 : i32
      %dma_wait3A_567 = arith.constant 0 : i32
      %dma_wait3A_568 = arith.constant 0 : i32
      %dma_wait3A_569 = tpu.memref_slice %arg8[%dma_wait3A_565, %dma_wait3A_567, %dma_wait3A_568] : memref<6x80x64xf32, #tpu.memory_space<vmem>> -> memref<1x80x64xf32, #tpu.memory_space<vmem>>
      %dma_wait3A_570 = tpu.memref_squeeze %dma_wait3A_569 : memref<1x80x64xf32, #tpu.memory_space<vmem>> -> memref<80x64xf32, #tpu.memory_space<vmem>>
      %dma_wait3A_571 = arith.constant 0 : i32
      %dma_wait3A_572 = tpu.memref_slice %arg6[%add3A_564, %dma_wait3A_571] : memref<125x80xi32, #tpu.memory_space<vmem>> -> memref<1x80xi32, #tpu.memory_space<vmem>>
      %dma_wait3A_573 = tpu.memref_squeeze %dma_wait3A_572 : memref<1x80xi32, #tpu.memory_space<vmem>> -> memref<80xi32, #tpu.memory_space<vmem>>
      %dma_wait3A_574 = arith.constant 0 : i32
      %dma_wait3A_575 = arith.constant 0 : i32
      %dma_wait3A_576 = tpu.memref_slice %arg3[%dma_wait3A_574, %dma_wait3A_575] : memref<10000x64xf32, #tpu.memory_space<hbm>> -> memref<10000x64xf32, #tpu.memory_space<hbm>>
      %dma_wait3A_577 = tpu.memref_slice %arg10[%dma_wait3A_566] : memref<6x!tpu.dma_semaphore, #tpu.memory_space<semaphore_mem>> -> memref<1x!tpu.dma_semaphore, #tpu.memory_space<semaphore_mem>>
      %dma_wait3A_578 = tpu.memref_squeeze %dma_wait3A_577 : memref<1x!tpu.dma_semaphore, #tpu.memory_space<semaphore_mem>> -> memref<!tpu.dma_semaphore, #tpu.memory_space<semaphore_mem>>
      tpu.wait_indirect_dma semaphore(%dma_wait3A_578 : memref<!tpu.dma_semaphore, #tpu.memory_space<semaphore_mem>>) src(%dma_wait3A_576 : memref<10000x64xf32, #tpu.memory_space<hbm>>) dst(%dma_wait3A_570 : memref<80x64xf32, #tpu.memory_space<vmem>>)
      %dma_start3A_579 = arith.constant 2 : i32
      %dma_start3A_580 = arith.constant 2 : i32
      %dma_start3A_581 = arith.constant 0 : i32
      %dma_start3A_582 = arith.constant 0 : i32
      %dma_start3A_583 = tpu.memref_slice %arg8[%dma_start3A_579, %dma_start3A_581, %dma_start3A_582] : memref<6x80x64xf32, #tpu.memory_space<vmem>> -> memref<1x80x64xf32, #tpu.memory_space<vmem>>
      %dma_start3A_584 = tpu.memref_squeeze %dma_start3A_583 : memref<1x80x64xf32, #tpu.memory_space<vmem>> -> memref<80x64xf32, #tpu.memory_space<vmem>>
      %dma_start3A_585 = arith.constant 0 : i32
      %dma_start3A_586 = tpu.memref_slice %arg7[%add3A_564, %dma_start3A_585] : memref<125x80xi32, #tpu.memory_space<vmem>> -> memref<1x80xi32, #tpu.memory_space<vmem>>
      %dma_start3A_587 = tpu.memref_squeeze %dma_start3A_586 : memref<1x80xi32, #tpu.memory_space<vmem>> -> memref<80xi32, #tpu.memory_space<vmem>>
      %dma_start3A_588 = arith.constant 0 : i32
      %dma_start3A_589 = arith.constant 0 : i32
      %dma_start3A_590 = tpu.memref_slice %arg9[%dma_start3A_588, %dma_start3A_589] : memref<10000x64xf32, #tpu.memory_space<vmem_shared>> -> memref<10000x64xf32, #tpu.memory_space<vmem_shared>>
      %dma_start3A_591 = tpu.memref_slice %arg11[%dma_start3A_580] : memref<6x!tpu.dma_semaphore, #tpu.memory_space<semaphore_mem>> -> memref<1x!tpu.dma_semaphore, #tpu.memory_space<semaphore_mem>>
      %dma_start3A_592 = tpu.memref_squeeze %dma_start3A_591 : memref<1x!tpu.dma_semaphore, #tpu.memory_space<semaphore_mem>> -> memref<!tpu.dma_semaphore, #tpu.memory_space<semaphore_mem>>
      tpu.enqueue_indirect_dma source(%dma_start3A_584 : memref<80x64xf32, #tpu.memory_space<vmem>>) target(%dma_start3A_590 : memref<10000x64xf32, #tpu.memory_space<vmem_shared>>) offsets(%dma_start3A_587 : memref<80xi32, #tpu.memory_space<vmem>>) semaphore(%dma_start3A_592 : memref<!tpu.dma_semaphore, #tpu.memory_space<semaphore_mem>>) {add = true}
      %dma_wait3A_593 = arith.constant 2 : i32
      %dma_wait3A_594 = arith.constant 2 : i32
      %dma_wait3A_595 = arith.constant 0 : i32
      %dma_wait3A_596 = arith.constant 0 : i32
      %dma_wait3A_597 = tpu.memref_slice %arg8[%dma_wait3A_593, %dma_wait3A_595, %dma_wait3A_596] : memref<6x80x64xf32, #tpu.memory_space<vmem>> -> memref<1x80x64xf32, #tpu.memory_space<vmem>>
      %dma_wait3A_598 = tpu.memref_squeeze %dma_wait3A_597 : memref<1x80x64xf32, #tpu.memory_space<vmem>> -> memref<80x64xf32, #tpu.memory_space<vmem>>
      %dma_wait3A_599 = arith.constant 0 : i32
      %dma_wait3A_600 = tpu.memref_slice %arg7[%add3A_564, %dma_wait3A_599] : memref<125x80xi32, #tpu.memory_space<vmem>> -> memref<1x80xi32, #tpu.memory_space<vmem>>
      %dma_wait3A_601 = tpu.memref_squeeze %dma_wait3A_600 : memref<1x80xi32, #tpu.memory_space<vmem>> -> memref<80xi32, #tpu.memory_space<vmem>>
      %dma_wait3A_602 = arith.constant 0 : i32
      %dma_wait3A_603 = arith.constant 0 : i32
      %dma_wait3A_604 = tpu.memref_slice %arg9[%dma_wait3A_602, %dma_wait3A_603] : memref<10000x64xf32, #tpu.memory_space<vmem_shared>> -> memref<10000x64xf32, #tpu.memory_space<vmem_shared>>
      %dma_wait3A_605 = tpu.memref_slice %arg11[%dma_wait3A_594] : memref<6x!tpu.dma_semaphore, #tpu.memory_space<semaphore_mem>> -> memref<1x!tpu.dma_semaphore, #tpu.memory_space<semaphore_mem>>
      %dma_wait3A_606 = tpu.memref_squeeze %dma_wait3A_605 : memref<1x!tpu.dma_semaphore, #tpu.memory_space<semaphore_mem>> -> memref<!tpu.dma_semaphore, #tpu.memory_space<semaphore_mem>>
      tpu.wait_indirect_dma semaphore(%dma_wait3A_606 : memref<!tpu.dma_semaphore, #tpu.memory_space<semaphore_mem>>) src(%dma_wait3A_598 : memref<80x64xf32, #tpu.memory_space<vmem>>) dst(%dma_wait3A_604 : memref<10000x64xf32, #tpu.memory_space<vmem_shared>>)
      %add3A_607 = arith.constant 6 : i32
      %add3A_608 = arith.addi %add3A_564, %add3A_607 : i32
      %lt3A_609 = arith.constant 120 : i32
      %lt3A_610 = arith.cmpi slt, %add3A_608, %lt3A_609 : i32
      %convert_element_type3A_611 = arith.extui %lt3A_610 : i1 to i32
      %cond3A_612 = arith.constant 0 : i32
      %cond3A_613 = arith.cmpi ne, %convert_element_type3A_611, %cond3A_612 : i32
      scf.if %cond3A_613 {
        %add3A_767 = arith.constant 6 : i32
        %add3A_768 = arith.addi %add3A_564, %add3A_767 : i32
        %dma_start3A_769 = arith.constant 2 : i32
        %dma_start3A_770 = arith.constant 2 : i32
        %dma_start3A_771 = arith.constant 0 : i32
        %dma_start3A_772 = arith.constant 0 : i32
        %dma_start3A_773 = tpu.memref_slice %arg8[%dma_start3A_769, %dma_start3A_771, %dma_start3A_772] : memref<6x80x64xf32, #tpu.memory_space<vmem>> -> memref<1x80x64xf32, #tpu.memory_space<vmem>>
        %dma_start3A_774 = tpu.memref_squeeze %dma_start3A_773 : memref<1x80x64xf32, #tpu.memory_space<vmem>> -> memref<80x64xf32, #tpu.memory_space<vmem>>
        %dma_start3A_775 = arith.constant 0 : i32
        %dma_start3A_776 = tpu.memref_slice %arg6[%add3A_768, %dma_start3A_775] : memref<125x80xi32, #tpu.memory_space<vmem>> -> memref<1x80xi32, #tpu.memory_space<vmem>>
        %dma_start3A_777 = tpu.memref_squeeze %dma_start3A_776 : memref<1x80xi32, #tpu.memory_space<vmem>> -> memref<80xi32, #tpu.memory_space<vmem>>
        %dma_start3A_778 = arith.constant 0 : i32
        %dma_start3A_779 = arith.constant 0 : i32
        %dma_start3A_780 = tpu.memref_slice %arg3[%dma_start3A_778, %dma_start3A_779] : memref<10000x64xf32, #tpu.memory_space<hbm>> -> memref<10000x64xf32, #tpu.memory_space<hbm>>
        %dma_start3A_781 = tpu.memref_slice %arg10[%dma_start3A_770] : memref<6x!tpu.dma_semaphore, #tpu.memory_space<semaphore_mem>> -> memref<1x!tpu.dma_semaphore, #tpu.memory_space<semaphore_mem>>
        %dma_start3A_782 = tpu.memref_squeeze %dma_start3A_781 : memref<1x!tpu.dma_semaphore, #tpu.memory_space<semaphore_mem>> -> memref<!tpu.dma_semaphore, #tpu.memory_space<semaphore_mem>>
        tpu.enqueue_indirect_dma source(%dma_start3A_780 : memref<10000x64xf32, #tpu.memory_space<hbm>>) target(%dma_start3A_774 : memref<80x64xf32, #tpu.memory_space<vmem>>) offsets(%dma_start3A_777 : memref<80xi32, #tpu.memory_space<vmem>>) semaphore(%dma_start3A_782 : memref<!tpu.dma_semaphore, #tpu.memory_space<semaphore_mem>>)
      } else {
      }
      %add3A_614 = arith.constant 3 : i32
      %add3A_615 = arith.addi %mul3A_463, %add3A_614 : i32
      %dma_wait3A_616 = arith.constant 3 : i32
      %dma_wait3A_617 = arith.constant 3 : i32
      %dma_wait3A_618 = arith.constant 0 : i32
      %dma_wait3A_619 = arith.constant 0 : i32
      %dma_wait3A_620 = tpu.memref_slice %arg8[%dma_wait3A_616, %dma_wait3A_618, %dma_wait3A_619] : memref<6x80x64xf32, #tpu.memory_space<vmem>> -> memref<1x80x64xf32, #tpu.memory_space<vmem>>
      %dma_wait3A_621 = tpu.memref_squeeze %dma_wait3A_620 : memref<1x80x64xf32, #tpu.memory_space<vmem>> -> memref<80x64xf32, #tpu.memory_space<vmem>>
      %dma_wait3A_622 = arith.constant 0 : i32
      %dma_wait3A_623 = tpu.memref_slice %arg6[%add3A_615, %dma_wait3A_622] : memref<125x80xi32, #tpu.memory_space<vmem>> -> memref<1x80xi32, #tpu.memory_space<vmem>>
      %dma_wait3A_624 = tpu.memref_squeeze %dma_wait3A_623 : memref<1x80xi32, #tpu.memory_space<vmem>> -> memref<80xi32, #tpu.memory_space<vmem>>
      %dma_wait3A_625 = arith.constant 0 : i32
      %dma_wait3A_626 = arith.constant 0 : i32
      %dma_wait3A_627 = tpu.memref_slice %arg3[%dma_wait3A_625, %dma_wait3A_626] : memref<10000x64xf32, #tpu.memory_space<hbm>> -> memref<10000x64xf32, #tpu.memory_space<hbm>>
      %dma_wait3A_628 = tpu.memref_slice %arg10[%dma_wait3A_617] : memref<6x!tpu.dma_semaphore, #tpu.memory_space<semaphore_mem>> -> memref<1x!tpu.dma_semaphore, #tpu.memory_space<semaphore_mem>>
      %dma_wait3A_629 = tpu.memref_squeeze %dma_wait3A_628 : memref<1x!tpu.dma_semaphore, #tpu.memory_space<semaphore_mem>> -> memref<!tpu.dma_semaphore, #tpu.memory_space<semaphore_mem>>
      tpu.wait_indirect_dma semaphore(%dma_wait3A_629 : memref<!tpu.dma_semaphore, #tpu.memory_space<semaphore_mem>>) src(%dma_wait3A_627 : memref<10000x64xf32, #tpu.memory_space<hbm>>) dst(%dma_wait3A_621 : memref<80x64xf32, #tpu.memory_space<vmem>>)
      %dma_start3A_630 = arith.constant 3 : i32
      %dma_start3A_631 = arith.constant 3 : i32
      %dma_start3A_632 = arith.constant 0 : i32
      %dma_start3A_633 = arith.constant 0 : i32
      %dma_start3A_634 = tpu.memref_slice %arg8[%dma_start3A_630, %dma_start3A_632, %dma_start3A_633] : memref<6x80x64xf32, #tpu.memory_space<vmem>> -> memref<1x80x64xf32, #tpu.memory_space<vmem>>
      %dma_start3A_635 = tpu.memref_squeeze %dma_start3A_634 : memref<1x80x64xf32, #tpu.memory_space<vmem>> -> memref<80x64xf32, #tpu.memory_space<vmem>>
      %dma_start3A_636 = arith.constant 0 : i32
      %dma_start3A_637 = tpu.memref_slice %arg7[%add3A_615, %dma_start3A_636] : memref<125x80xi32, #tpu.memory_space<vmem>> -> memref<1x80xi32, #tpu.memory_space<vmem>>
      %dma_start3A_638 = tpu.memref_squeeze %dma_start3A_637 : memref<1x80xi32, #tpu.memory_space<vmem>> -> memref<80xi32, #tpu.memory_space<vmem>>
      %dma_start3A_639 = arith.constant 0 : i32
      %dma_start3A_640 = arith.constant 0 : i32
      %dma_start3A_641 = tpu.memref_slice %arg9[%dma_start3A_639, %dma_start3A_640] : memref<10000x64xf32, #tpu.memory_space<vmem_shared>> -> memref<10000x64xf32, #tpu.memory_space<vmem_shared>>
      %dma_start3A_642 = tpu.memref_slice %arg11[%dma_start3A_631] : memref<6x!tpu.dma_semaphore, #tpu.memory_space<semaphore_mem>> -> memref<1x!tpu.dma_semaphore, #tpu.memory_space<semaphore_mem>>
      %dma_start3A_643 = tpu.memref_squeeze %dma_start3A_642 : memref<1x!tpu.dma_semaphore, #tpu.memory_space<semaphore_mem>> -> memref<!tpu.dma_semaphore, #tpu.memory_space<semaphore_mem>>
      tpu.enqueue_indirect_dma source(%dma_start3A_635 : memref<80x64xf32, #tpu.memory_space<vmem>>) target(%dma_start3A_641 : memref<10000x64xf32, #tpu.memory_space<vmem_shared>>) offsets(%dma_start3A_638 : memref<80xi32, #tpu.memory_space<vmem>>) semaphore(%dma_start3A_643 : memref<!tpu.dma_semaphore, #tpu.memory_space<semaphore_mem>>) {add = true}
      %dma_wait3A_644 = arith.constant 3 : i32
      %dma_wait3A_645 = arith.constant 3 : i32
      %dma_wait3A_646 = arith.constant 0 : i32
      %dma_wait3A_647 = arith.constant 0 : i32
      %dma_wait3A_648 = tpu.memref_slice %arg8[%dma_wait3A_644, %dma_wait3A_646, %dma_wait3A_647] : memref<6x80x64xf32, #tpu.memory_space<vmem>> -> memref<1x80x64xf32, #tpu.memory_space<vmem>>
      %dma_wait3A_649 = tpu.memref_squeeze %dma_wait3A_648 : memref<1x80x64xf32, #tpu.memory_space<vmem>> -> memref<80x64xf32, #tpu.memory_space<vmem>>
      %dma_wait3A_650 = arith.constant 0 : i32
      %dma_wait3A_651 = tpu.memref_slice %arg7[%add3A_615, %dma_wait3A_650] : memref<125x80xi32, #tpu.memory_space<vmem>> -> memref<1x80xi32, #tpu.memory_space<vmem>>
      %dma_wait3A_652 = tpu.memref_squeeze %dma_wait3A_651 : memref<1x80xi32, #tpu.memory_space<vmem>> -> memref<80xi32, #tpu.memory_space<vmem>>
      %dma_wait3A_653 = arith.constant 0 : i32
      %dma_wait3A_654 = arith.constant 0 : i32
      %dma_wait3A_655 = tpu.memref_slice %arg9[%dma_wait3A_653, %dma_wait3A_654] : memref<10000x64xf32, #tpu.memory_space<vmem_shared>> -> memref<10000x64xf32, #tpu.memory_space<vmem_shared>>
      %dma_wait3A_656 = tpu.memref_slice %arg11[%dma_wait3A_645] : memref<6x!tpu.dma_semaphore, #tpu.memory_space<semaphore_mem>> -> memref<1x!tpu.dma_semaphore, #tpu.memory_space<semaphore_mem>>
      %dma_wait3A_657 = tpu.memref_squeeze %dma_wait3A_656 : memref<1x!tpu.dma_semaphore, #tpu.memory_space<semaphore_mem>> -> memref<!tpu.dma_semaphore, #tpu.memory_space<semaphore_mem>>
      tpu.wait_indirect_dma semaphore(%dma_wait3A_657 : memref<!tpu.dma_semaphore, #tpu.memory_space<semaphore_mem>>) src(%dma_wait3A_649 : memref<80x64xf32, #tpu.memory_space<vmem>>) dst(%dma_wait3A_655 : memref<10000x64xf32, #tpu.memory_space<vmem_shared>>)
      %add3A_658 = arith.constant 6 : i32
      %add3A_659 = arith.addi %add3A_615, %add3A_658 : i32
      %lt3A_660 = arith.constant 120 : i32
      %lt3A_661 = arith.cmpi slt, %add3A_659, %lt3A_660 : i32
      %convert_element_type3A_662 = arith.extui %lt3A_661 : i1 to i32
      %cond3A_663 = arith.constant 0 : i32
      %cond3A_664 = arith.cmpi ne, %convert_element_type3A_662, %cond3A_663 : i32
      scf.if %cond3A_664 {
        %add3A_767 = arith.constant 6 : i32
        %add3A_768 = arith.addi %add3A_615, %add3A_767 : i32
        %dma_start3A_769 = arith.constant 3 : i32
        %dma_start3A_770 = arith.constant 3 : i32
        %dma_start3A_771 = arith.constant 0 : i32
        %dma_start3A_772 = arith.constant 0 : i32
        %dma_start3A_773 = tpu.memref_slice %arg8[%dma_start3A_769, %dma_start3A_771, %dma_start3A_772] : memref<6x80x64xf32, #tpu.memory_space<vmem>> -> memref<1x80x64xf32, #tpu.memory_space<vmem>>
        %dma_start3A_774 = tpu.memref_squeeze %dma_start3A_773 : memref<1x80x64xf32, #tpu.memory_space<vmem>> -> memref<80x64xf32, #tpu.memory_space<vmem>>
        %dma_start3A_775 = arith.constant 0 : i32
        %dma_start3A_776 = tpu.memref_slice %arg6[%add3A_768, %dma_start3A_775] : memref<125x80xi32, #tpu.memory_space<vmem>> -> memref<1x80xi32, #tpu.memory_space<vmem>>
        %dma_start3A_777 = tpu.memref_squeeze %dma_start3A_776 : memref<1x80xi32, #tpu.memory_space<vmem>> -> memref<80xi32, #tpu.memory_space<vmem>>
        %dma_start3A_778 = arith.constant 0 : i32
        %dma_start3A_779 = arith.constant 0 : i32
        %dma_start3A_780 = tpu.memref_slice %arg3[%dma_start3A_778, %dma_start3A_779] : memref<10000x64xf32, #tpu.memory_space<hbm>> -> memref<10000x64xf32, #tpu.memory_space<hbm>>
        %dma_start3A_781 = tpu.memref_slice %arg10[%dma_start3A_770] : memref<6x!tpu.dma_semaphore, #tpu.memory_space<semaphore_mem>> -> memref<1x!tpu.dma_semaphore, #tpu.memory_space<semaphore_mem>>
        %dma_start3A_782 = tpu.memref_squeeze %dma_start3A_781 : memref<1x!tpu.dma_semaphore, #tpu.memory_space<semaphore_mem>> -> memref<!tpu.dma_semaphore, #tpu.memory_space<semaphore_mem>>
        tpu.enqueue_indirect_dma source(%dma_start3A_780 : memref<10000x64xf32, #tpu.memory_space<hbm>>) target(%dma_start3A_774 : memref<80x64xf32, #tpu.memory_space<vmem>>) offsets(%dma_start3A_777 : memref<80xi32, #tpu.memory_space<vmem>>) semaphore(%dma_start3A_782 : memref<!tpu.dma_semaphore, #tpu.memory_space<semaphore_mem>>)
      } else {
      }
      %add3A_665 = arith.constant 4 : i32
      %add3A_666 = arith.addi %mul3A_463, %add3A_665 : i32
      %dma_wait3A_667 = arith.constant 4 : i32
      %dma_wait3A_668 = arith.constant 4 : i32
      %dma_wait3A_669 = arith.constant 0 : i32
      %dma_wait3A_670 = arith.constant 0 : i32
      %dma_wait3A_671 = tpu.memref_slice %arg8[%dma_wait3A_667, %dma_wait3A_669, %dma_wait3A_670] : memref<6x80x64xf32, #tpu.memory_space<vmem>> -> memref<1x80x64xf32, #tpu.memory_space<vmem>>
      %dma_wait3A_672 = tpu.memref_squeeze %dma_wait3A_671 : memref<1x80x64xf32, #tpu.memory_space<vmem>> -> memref<80x64xf32, #tpu.memory_space<vmem>>
      %dma_wait3A_673 = arith.constant 0 : i32
      %dma_wait3A_674 = tpu.memref_slice %arg6[%add3A_666, %dma_wait3A_673] : memref<125x80xi32, #tpu.memory_space<vmem>> -> memref<1x80xi32, #tpu.memory_space<vmem>>
      %dma_wait3A_675 = tpu.memref_squeeze %dma_wait3A_674 : memref<1x80xi32, #tpu.memory_space<vmem>> -> memref<80xi32, #tpu.memory_space<vmem>>
      %dma_wait3A_676 = arith.constant 0 : i32
      %dma_wait3A_677 = arith.constant 0 : i32
      %dma_wait3A_678 = tpu.memref_slice %arg3[%dma_wait3A_676, %dma_wait3A_677] : memref<10000x64xf32, #tpu.memory_space<hbm>> -> memref<10000x64xf32, #tpu.memory_space<hbm>>
      %dma_wait3A_679 = tpu.memref_slice %arg10[%dma_wait3A_668] : memref<6x!tpu.dma_semaphore, #tpu.memory_space<semaphore_mem>> -> memref<1x!tpu.dma_semaphore, #tpu.memory_space<semaphore_mem>>
      %dma_wait3A_680 = tpu.memref_squeeze %dma_wait3A_679 : memref<1x!tpu.dma_semaphore, #tpu.memory_space<semaphore_mem>> -> memref<!tpu.dma_semaphore, #tpu.memory_space<semaphore_mem>>
      tpu.wait_indirect_dma semaphore(%dma_wait3A_680 : memref<!tpu.dma_semaphore, #tpu.memory_space<semaphore_mem>>) src(%dma_wait3A_678 : memref<10000x64xf32, #tpu.memory_space<hbm>>) dst(%dma_wait3A_672 : memref<80x64xf32, #tpu.memory_space<vmem>>)
      %dma_start3A_681 = arith.constant 4 : i32
      %dma_start3A_682 = arith.constant 4 : i32
      %dma_start3A_683 = arith.constant 0 : i32
      %dma_start3A_684 = arith.constant 0 : i32
      %dma_start3A_685 = tpu.memref_slice %arg8[%dma_start3A_681, %dma_start3A_683, %dma_start3A_684] : memref<6x80x64xf32, #tpu.memory_space<vmem>> -> memref<1x80x64xf32, #tpu.memory_space<vmem>>
      %dma_start3A_686 = tpu.memref_squeeze %dma_start3A_685 : memref<1x80x64xf32, #tpu.memory_space<vmem>> -> memref<80x64xf32, #tpu.memory_space<vmem>>
      %dma_start3A_687 = arith.constant 0 : i32
      %dma_start3A_688 = tpu.memref_slice %arg7[%add3A_666, %dma_start3A_687] : memref<125x80xi32, #tpu.memory_space<vmem>> -> memref<1x80xi32, #tpu.memory_space<vmem>>
      %dma_start3A_689 = tpu.memref_squeeze %dma_start3A_688 : memref<1x80xi32, #tpu.memory_space<vmem>> -> memref<80xi32, #tpu.memory_space<vmem>>
      %dma_start3A_690 = arith.constant 0 : i32
      %dma_start3A_691 = arith.constant 0 : i32
      %dma_start3A_692 = tpu.memref_slice %arg9[%dma_start3A_690, %dma_start3A_691] : memref<10000x64xf32, #tpu.memory_space<vmem_shared>> -> memref<10000x64xf32, #tpu.memory_space<vmem_shared>>
      %dma_start3A_693 = tpu.memref_slice %arg11[%dma_start3A_682] : memref<6x!tpu.dma_semaphore, #tpu.memory_space<semaphore_mem>> -> memref<1x!tpu.dma_semaphore, #tpu.memory_space<semaphore_mem>>
      %dma_start3A_694 = tpu.memref_squeeze %dma_start3A_693 : memref<1x!tpu.dma_semaphore, #tpu.memory_space<semaphore_mem>> -> memref<!tpu.dma_semaphore, #tpu.memory_space<semaphore_mem>>
      tpu.enqueue_indirect_dma source(%dma_start3A_686 : memref<80x64xf32, #tpu.memory_space<vmem>>) target(%dma_start3A_692 : memref<10000x64xf32, #tpu.memory_space<vmem_shared>>) offsets(%dma_start3A_689 : memref<80xi32, #tpu.memory_space<vmem>>) semaphore(%dma_start3A_694 : memref<!tpu.dma_semaphore, #tpu.memory_space<semaphore_mem>>) {add = true}
      %dma_wait3A_695 = arith.constant 4 : i32
      %dma_wait3A_696 = arith.constant 4 : i32
      %dma_wait3A_697 = arith.constant 0 : i32
      %dma_wait3A_698 = arith.constant 0 : i32
      %dma_wait3A_699 = tpu.memref_slice %arg8[%dma_wait3A_695, %dma_wait3A_697, %dma_wait3A_698] : memref<6x80x64xf32, #tpu.memory_space<vmem>> -> memref<1x80x64xf32, #tpu.memory_space<vmem>>
      %dma_wait3A_700 = tpu.memref_squeeze %dma_wait3A_699 : memref<1x80x64xf32, #tpu.memory_space<vmem>> -> memref<80x64xf32, #tpu.memory_space<vmem>>
      %dma_wait3A_701 = arith.constant 0 : i32
      %dma_wait3A_702 = tpu.memref_slice %arg7[%add3A_666, %dma_wait3A_701] : memref<125x80xi32, #tpu.memory_space<vmem>> -> memref<1x80xi32, #tpu.memory_space<vmem>>
      %dma_wait3A_703 = tpu.memref_squeeze %dma_wait3A_702 : memref<1x80xi32, #tpu.memory_space<vmem>> -> memref<80xi32, #tpu.memory_space<vmem>>
      %dma_wait3A_704 = arith.constant 0 : i32
      %dma_wait3A_705 = arith.constant 0 : i32
      %dma_wait3A_706 = tpu.memref_slice %arg9[%dma_wait3A_704, %dma_wait3A_705] : memref<10000x64xf32, #tpu.memory_space<vmem_shared>> -> memref<10000x64xf32, #tpu.memory_space<vmem_shared>>
      %dma_wait3A_707 = tpu.memref_slice %arg11[%dma_wait3A_696] : memref<6x!tpu.dma_semaphore, #tpu.memory_space<semaphore_mem>> -> memref<1x!tpu.dma_semaphore, #tpu.memory_space<semaphore_mem>>
      %dma_wait3A_708 = tpu.memref_squeeze %dma_wait3A_707 : memref<1x!tpu.dma_semaphore, #tpu.memory_space<semaphore_mem>> -> memref<!tpu.dma_semaphore, #tpu.memory_space<semaphore_mem>>
      tpu.wait_indirect_dma semaphore(%dma_wait3A_708 : memref<!tpu.dma_semaphore, #tpu.memory_space<semaphore_mem>>) src(%dma_wait3A_700 : memref<80x64xf32, #tpu.memory_space<vmem>>) dst(%dma_wait3A_706 : memref<10000x64xf32, #tpu.memory_space<vmem_shared>>)
      %add3A_709 = arith.constant 6 : i32
      %add3A_710 = arith.addi %add3A_666, %add3A_709 : i32
      %lt3A_711 = arith.constant 120 : i32
      %lt3A_712 = arith.cmpi slt, %add3A_710, %lt3A_711 : i32
      %convert_element_type3A_713 = arith.extui %lt3A_712 : i1 to i32
      %cond3A_714 = arith.constant 0 : i32
      %cond3A_715 = arith.cmpi ne, %convert_element_type3A_713, %cond3A_714 : i32
      scf.if %cond3A_715 {
        %add3A_767 = arith.constant 6 : i32
        %add3A_768 = arith.addi %add3A_666, %add3A_767 : i32
        %dma_start3A_769 = arith.constant 4 : i32
        %dma_start3A_770 = arith.constant 4 : i32
        %dma_start3A_771 = arith.constant 0 : i32
        %dma_start3A_772 = arith.constant 0 : i32
        %dma_start3A_773 = tpu.memref_slice %arg8[%dma_start3A_769, %dma_start3A_771, %dma_start3A_772] : memref<6x80x64xf32, #tpu.memory_space<vmem>> -> memref<1x80x64xf32, #tpu.memory_space<vmem>>
        %dma_start3A_774 = tpu.memref_squeeze %dma_start3A_773 : memref<1x80x64xf32, #tpu.memory_space<vmem>> -> memref<80x64xf32, #tpu.memory_space<vmem>>
        %dma_start3A_775 = arith.constant 0 : i32
        %dma_start3A_776 = tpu.memref_slice %arg6[%add3A_768, %dma_start3A_775] : memref<125x80xi32, #tpu.memory_space<vmem>> -> memref<1x80xi32, #tpu.memory_space<vmem>>
        %dma_start3A_777 = tpu.memref_squeeze %dma_start3A_776 : memref<1x80xi32, #tpu.memory_space<vmem>> -> memref<80xi32, #tpu.memory_space<vmem>>
        %dma_start3A_778 = arith.constant 0 : i32
        %dma_start3A_779 = arith.constant 0 : i32
        %dma_start3A_780 = tpu.memref_slice %arg3[%dma_start3A_778, %dma_start3A_779] : memref<10000x64xf32, #tpu.memory_space<hbm>> -> memref<10000x64xf32, #tpu.memory_space<hbm>>
        %dma_start3A_781 = tpu.memref_slice %arg10[%dma_start3A_770] : memref<6x!tpu.dma_semaphore, #tpu.memory_space<semaphore_mem>> -> memref<1x!tpu.dma_semaphore, #tpu.memory_space<semaphore_mem>>
        %dma_start3A_782 = tpu.memref_squeeze %dma_start3A_781 : memref<1x!tpu.dma_semaphore, #tpu.memory_space<semaphore_mem>> -> memref<!tpu.dma_semaphore, #tpu.memory_space<semaphore_mem>>
        tpu.enqueue_indirect_dma source(%dma_start3A_780 : memref<10000x64xf32, #tpu.memory_space<hbm>>) target(%dma_start3A_774 : memref<80x64xf32, #tpu.memory_space<vmem>>) offsets(%dma_start3A_777 : memref<80xi32, #tpu.memory_space<vmem>>) semaphore(%dma_start3A_782 : memref<!tpu.dma_semaphore, #tpu.memory_space<semaphore_mem>>)
      } else {
      }
      %add3A_716 = arith.constant 5 : i32
      %add3A_717 = arith.addi %mul3A_463, %add3A_716 : i32
      %dma_wait3A_718 = arith.constant 5 : i32
      %dma_wait3A_719 = arith.constant 5 : i32
      %dma_wait3A_720 = arith.constant 0 : i32
      %dma_wait3A_721 = arith.constant 0 : i32
      %dma_wait3A_722 = tpu.memref_slice %arg8[%dma_wait3A_718, %dma_wait3A_720, %dma_wait3A_721] : memref<6x80x64xf32, #tpu.memory_space<vmem>> -> memref<1x80x64xf32, #tpu.memory_space<vmem>>
      %dma_wait3A_723 = tpu.memref_squeeze %dma_wait3A_722 : memref<1x80x64xf32, #tpu.memory_space<vmem>> -> memref<80x64xf32, #tpu.memory_space<vmem>>
      %dma_wait3A_724 = arith.constant 0 : i32
      %dma_wait3A_725 = tpu.memref_slice %arg6[%add3A_717, %dma_wait3A_724] : memref<125x80xi32, #tpu.memory_space<vmem>> -> memref<1x80xi32, #tpu.memory_space<vmem>>
      %dma_wait3A_726 = tpu.memref_squeeze %dma_wait3A_725 : memref<1x80xi32, #tpu.memory_space<vmem>> -> memref<80xi32, #tpu.memory_space<vmem>>
      %dma_wait3A_727 = arith.constant 0 : i32
      %dma_wait3A_728 = arith.constant 0 : i32
      %dma_wait3A_729 = tpu.memref_slice %arg3[%dma_wait3A_727, %dma_wait3A_728] : memref<10000x64xf32, #tpu.memory_space<hbm>> -> memref<10000x64xf32, #tpu.memory_space<hbm>>
      %dma_wait3A_730 = tpu.memref_slice %arg10[%dma_wait3A_719] : memref<6x!tpu.dma_semaphore, #tpu.memory_space<semaphore_mem>> -> memref<1x!tpu.dma_semaphore, #tpu.memory_space<semaphore_mem>>
      %dma_wait3A_731 = tpu.memref_squeeze %dma_wait3A_730 : memref<1x!tpu.dma_semaphore, #tpu.memory_space<semaphore_mem>> -> memref<!tpu.dma_semaphore, #tpu.memory_space<semaphore_mem>>
      tpu.wait_indirect_dma semaphore(%dma_wait3A_731 : memref<!tpu.dma_semaphore, #tpu.memory_space<semaphore_mem>>) src(%dma_wait3A_729 : memref<10000x64xf32, #tpu.memory_space<hbm>>) dst(%dma_wait3A_723 : memref<80x64xf32, #tpu.memory_space<vmem>>)
      %dma_start3A_732 = arith.constant 5 : i32
      %dma_start3A_733 = arith.constant 5 : i32
      %dma_start3A_734 = arith.constant 0 : i32
      %dma_start3A_735 = arith.constant 0 : i32
      %dma_start3A_736 = tpu.memref_slice %arg8[%dma_start3A_732, %dma_start3A_734, %dma_start3A_735] : memref<6x80x64xf32, #tpu.memory_space<vmem>> -> memref<1x80x64xf32, #tpu.memory_space<vmem>>
      %dma_start3A_737 = tpu.memref_squeeze %dma_start3A_736 : memref<1x80x64xf32, #tpu.memory_space<vmem>> -> memref<80x64xf32, #tpu.memory_space<vmem>>
      %dma_start3A_738 = arith.constant 0 : i32
      %dma_start3A_739 = tpu.memref_slice %arg7[%add3A_717, %dma_start3A_738] : memref<125x80xi32, #tpu.memory_space<vmem>> -> memref<1x80xi32, #tpu.memory_space<vmem>>
      %dma_start3A_740 = tpu.memref_squeeze %dma_start3A_739 : memref<1x80xi32, #tpu.memory_space<vmem>> -> memref<80xi32, #tpu.memory_space<vmem>>
      %dma_start3A_741 = arith.constant 0 : i32
      %dma_start3A_742 = arith.constant 0 : i32
      %dma_start3A_743 = tpu.memref_slice %arg9[%dma_start3A_741, %dma_start3A_742] : memref<10000x64xf32, #tpu.memory_space<vmem_shared>> -> memref<10000x64xf32, #tpu.memory_space<vmem_shared>>
      %dma_start3A_744 = tpu.memref_slice %arg11[%dma_start3A_733] : memref<6x!tpu.dma_semaphore, #tpu.memory_space<semaphore_mem>> -> memref<1x!tpu.dma_semaphore, #tpu.memory_space<semaphore_mem>>
      %dma_start3A_745 = tpu.memref_squeeze %dma_start3A_744 : memref<1x!tpu.dma_semaphore, #tpu.memory_space<semaphore_mem>> -> memref<!tpu.dma_semaphore, #tpu.memory_space<semaphore_mem>>
      tpu.enqueue_indirect_dma source(%dma_start3A_737 : memref<80x64xf32, #tpu.memory_space<vmem>>) target(%dma_start3A_743 : memref<10000x64xf32, #tpu.memory_space<vmem_shared>>) offsets(%dma_start3A_740 : memref<80xi32, #tpu.memory_space<vmem>>) semaphore(%dma_start3A_745 : memref<!tpu.dma_semaphore, #tpu.memory_space<semaphore_mem>>) {add = true}
      %dma_wait3A_746 = arith.constant 5 : i32
      %dma_wait3A_747 = arith.constant 5 : i32
      %dma_wait3A_748 = arith.constant 0 : i32
      %dma_wait3A_749 = arith.constant 0 : i32
      %dma_wait3A_750 = tpu.memref_slice %arg8[%dma_wait3A_746, %dma_wait3A_748, %dma_wait3A_749] : memref<6x80x64xf32, #tpu.memory_space<vmem>> -> memref<1x80x64xf32, #tpu.memory_space<vmem>>
      %dma_wait3A_751 = tpu.memref_squeeze %dma_wait3A_750 : memref<1x80x64xf32, #tpu.memory_space<vmem>> -> memref<80x64xf32, #tpu.memory_space<vmem>>
      %dma_wait3A_752 = arith.constant 0 : i32
      %dma_wait3A_753 = tpu.memref_slice %arg7[%add3A_717, %dma_wait3A_752] : memref<125x80xi32, #tpu.memory_space<vmem>> -> memref<1x80xi32, #tpu.memory_space<vmem>>
      %dma_wait3A_754 = tpu.memref_squeeze %dma_wait3A_753 : memref<1x80xi32, #tpu.memory_space<vmem>> -> memref<80xi32, #tpu.memory_space<vmem>>
      %dma_wait3A_755 = arith.constant 0 : i32
      %dma_wait3A_756 = arith.constant 0 : i32
      %dma_wait3A_757 = tpu.memref_slice %arg9[%dma_wait3A_755, %dma_wait3A_756] : memref<10000x64xf32, #tpu.memory_space<vmem_shared>> -> memref<10000x64xf32, #tpu.memory_space<vmem_shared>>
      %dma_wait3A_758 = tpu.memref_slice %arg11[%dma_wait3A_747] : memref<6x!tpu.dma_semaphore, #tpu.memory_space<semaphore_mem>> -> memref<1x!tpu.dma_semaphore, #tpu.memory_space<semaphore_mem>>
      %dma_wait3A_759 = tpu.memref_squeeze %dma_wait3A_758 : memref<1x!tpu.dma_semaphore, #tpu.memory_space<semaphore_mem>> -> memref<!tpu.dma_semaphore, #tpu.memory_space<semaphore_mem>>
      tpu.wait_indirect_dma semaphore(%dma_wait3A_759 : memref<!tpu.dma_semaphore, #tpu.memory_space<semaphore_mem>>) src(%dma_wait3A_751 : memref<80x64xf32, #tpu.memory_space<vmem>>) dst(%dma_wait3A_757 : memref<10000x64xf32, #tpu.memory_space<vmem_shared>>)
      %add3A_760 = arith.constant 6 : i32
      %add3A_761 = arith.addi %add3A_717, %add3A_760 : i32
      %lt3A_762 = arith.constant 120 : i32
      %lt3A_763 = arith.cmpi slt, %add3A_761, %lt3A_762 : i32
      %convert_element_type3A_764 = arith.extui %lt3A_763 : i1 to i32
      %cond3A_765 = arith.constant 0 : i32
      %cond3A_766 = arith.cmpi ne, %convert_element_type3A_764, %cond3A_765 : i32
      scf.if %cond3A_766 {
        %add3A_767 = arith.constant 6 : i32
        %add3A_768 = arith.addi %add3A_717, %add3A_767 : i32
        %dma_start3A_769 = arith.constant 5 : i32
        %dma_start3A_770 = arith.constant 5 : i32
        %dma_start3A_771 = arith.constant 0 : i32
        %dma_start3A_772 = arith.constant 0 : i32
        %dma_start3A_773 = tpu.memref_slice %arg8[%dma_start3A_769, %dma_start3A_771, %dma_start3A_772] : memref<6x80x64xf32, #tpu.memory_space<vmem>> -> memref<1x80x64xf32, #tpu.memory_space<vmem>>
        %dma_start3A_774 = tpu.memref_squeeze %dma_start3A_773 : memref<1x80x64xf32, #tpu.memory_space<vmem>> -> memref<80x64xf32, #tpu.memory_space<vmem>>
        %dma_start3A_775 = arith.constant 0 : i32
        %dma_start3A_776 = tpu.memref_slice %arg6[%add3A_768, %dma_start3A_775] : memref<125x80xi32, #tpu.memory_space<vmem>> -> memref<1x80xi32, #tpu.memory_space<vmem>>
        %dma_start3A_777 = tpu.memref_squeeze %dma_start3A_776 : memref<1x80xi32, #tpu.memory_space<vmem>> -> memref<80xi32, #tpu.memory_space<vmem>>
        %dma_start3A_778 = arith.constant 0 : i32
        %dma_start3A_779 = arith.constant 0 : i32
        %dma_start3A_780 = tpu.memref_slice %arg3[%dma_start3A_778, %dma_start3A_779] : memref<10000x64xf32, #tpu.memory_space<hbm>> -> memref<10000x64xf32, #tpu.memory_space<hbm>>
        %dma_start3A_781 = tpu.memref_slice %arg10[%dma_start3A_770] : memref<6x!tpu.dma_semaphore, #tpu.memory_space<semaphore_mem>> -> memref<1x!tpu.dma_semaphore, #tpu.memory_space<semaphore_mem>>
        %dma_start3A_782 = tpu.memref_squeeze %dma_start3A_781 : memref<1x!tpu.dma_semaphore, #tpu.memory_space<semaphore_mem>> -> memref<!tpu.dma_semaphore, #tpu.memory_space<semaphore_mem>>
        tpu.enqueue_indirect_dma source(%dma_start3A_780 : memref<10000x64xf32, #tpu.memory_space<hbm>>) target(%dma_start3A_774 : memref<80x64xf32, #tpu.memory_space<vmem>>) offsets(%dma_start3A_777 : memref<80xi32, #tpu.memory_space<vmem>>) semaphore(%dma_start3A_782 : memref<!tpu.dma_semaphore, #tpu.memory_space<semaphore_mem>>)
      } else {
      }
    }
    %scan3A_153 = arith.constant 20 : i32
    %dma_start3A_154 = arith.constant 120 : i32
    %dma_start3A_155 = arith.constant 0 : i32
    %dma_start3A_156 = arith.constant 0 : i32
    %dma_start3A_157 = arith.constant 0 : i32
    %dma_start3A_158 = arith.constant 0 : i32
    %dma_start3A_159 = tpu.memref_slice %arg8[%dma_start3A_155, %dma_start3A_157, %dma_start3A_158] : memref<6x80x64xf32, #tpu.memory_space<vmem>> -> memref<1x80x64xf32, #tpu.memory_space<vmem>>
    %dma_start3A_160 = tpu.memref_squeeze %dma_start3A_159 : memref<1x80x64xf32, #tpu.memory_space<vmem>> -> memref<80x64xf32, #tpu.memory_space<vmem>>
    %dma_start3A_161 = arith.constant 0 : i32
    %dma_start3A_162 = tpu.memref_slice %arg6[%dma_start3A_154, %dma_start3A_161] : memref<125x80xi32, #tpu.memory_space<vmem>> -> memref<1x80xi32, #tpu.memory_space<vmem>>
    %dma_start3A_163 = tpu.memref_squeeze %dma_start3A_162 : memref<1x80xi32, #tpu.memory_space<vmem>> -> memref<80xi32, #tpu.memory_space<vmem>>
    %dma_start3A_164 = arith.constant 0 : i32
    %dma_start3A_165 = arith.constant 0 : i32
    %dma_start3A_166 = tpu.memref_slice %arg3[%dma_start3A_164, %dma_start3A_165] : memref<10000x64xf32, #tpu.memory_space<hbm>> -> memref<10000x64xf32, #tpu.memory_space<hbm>>
    %dma_start3A_167 = tpu.memref_slice %arg10[%dma_start3A_156] : memref<6x!tpu.dma_semaphore, #tpu.memory_space<semaphore_mem>> -> memref<1x!tpu.dma_semaphore, #tpu.memory_space<semaphore_mem>>
    %dma_start3A_168 = tpu.memref_squeeze %dma_start3A_167 : memref<1x!tpu.dma_semaphore, #tpu.memory_space<semaphore_mem>> -> memref<!tpu.dma_semaphore, #tpu.memory_space<semaphore_mem>>
    tpu.enqueue_indirect_dma source(%dma_start3A_166 : memref<10000x64xf32, #tpu.memory_space<hbm>>) target(%dma_start3A_160 : memref<80x64xf32, #tpu.memory_space<vmem>>) offsets(%dma_start3A_163 : memref<80xi32, #tpu.memory_space<vmem>>) semaphore(%dma_start3A_168 : memref<!tpu.dma_semaphore, #tpu.memory_space<semaphore_mem>>)
    %dma_wait3A_169 = arith.constant 120 : i32
    %dma_wait3A_170 = arith.constant 0 : i32
    %dma_wait3A_171 = arith.constant 0 : i32
    %dma_wait3A_172 = arith.constant 0 : i32
    %dma_wait3A_173 = arith.constant 0 : i32
    %dma_wait3A_174 = tpu.memref_slice %arg8[%dma_wait3A_170, %dma_wait3A_172, %dma_wait3A_173] : memref<6x80x64xf32, #tpu.memory_space<vmem>> -> memref<1x80x64xf32, #tpu.memory_space<vmem>>
    %dma_wait3A_175 = tpu.memref_squeeze %dma_wait3A_174 : memref<1x80x64xf32, #tpu.memory_space<vmem>> -> memref<80x64xf32, #tpu.memory_space<vmem>>
    %dma_wait3A_176 = arith.constant 0 : i32
    %dma_wait3A_177 = tpu.memref_slice %arg6[%dma_wait3A_169, %dma_wait3A_176] : memref<125x80xi32, #tpu.memory_space<vmem>> -> memref<1x80xi32, #tpu.memory_space<vmem>>
    %dma_wait3A_178 = tpu.memref_squeeze %dma_wait3A_177 : memref<1x80xi32, #tpu.memory_space<vmem>> -> memref<80xi32, #tpu.memory_space<vmem>>
    %dma_wait3A_179 = arith.constant 0 : i32
    %dma_wait3A_180 = arith.constant 0 : i32
    %dma_wait3A_181 = tpu.memref_slice %arg3[%dma_wait3A_179, %dma_wait3A_180] : memref<10000x64xf32, #tpu.memory_space<hbm>> -> memref<10000x64xf32, #tpu.memory_space<hbm>>
    %dma_wait3A_182 = tpu.memref_slice %arg10[%dma_wait3A_171] : memref<6x!tpu.dma_semaphore, #tpu.memory_space<semaphore_mem>> -> memref<1x!tpu.dma_semaphore, #tpu.memory_space<semaphore_mem>>
    %dma_wait3A_183 = tpu.memref_squeeze %dma_wait3A_182 : memref<1x!tpu.dma_semaphore, #tpu.memory_space<semaphore_mem>> -> memref<!tpu.dma_semaphore, #tpu.memory_space<semaphore_mem>>
    tpu.wait_indirect_dma semaphore(%dma_wait3A_183 : memref<!tpu.dma_semaphore, #tpu.memory_space<semaphore_mem>>) src(%dma_wait3A_181 : memref<10000x64xf32, #tpu.memory_space<hbm>>) dst(%dma_wait3A_175 : memref<80x64xf32, #tpu.memory_space<vmem>>)
    %dma_start3A_184 = arith.constant 0 : i32
    %dma_start3A_185 = arith.constant 120 : i32
    %dma_start3A_186 = arith.constant 0 : i32
    %dma_start3A_187 = arith.constant 0 : i32
    %dma_start3A_188 = arith.constant 0 : i32
    %dma_start3A_189 = tpu.memref_slice %arg8[%dma_start3A_184, %dma_start3A_187, %dma_start3A_188] : memref<6x80x64xf32, #tpu.memory_space<vmem>> -> memref<1x80x64xf32, #tpu.memory_space<vmem>>
    %dma_start3A_190 = tpu.memref_squeeze %dma_start3A_189 : memref<1x80x64xf32, #tpu.memory_space<vmem>> -> memref<80x64xf32, #tpu.memory_space<vmem>>
    %dma_start3A_191 = arith.constant 0 : i32
    %dma_start3A_192 = tpu.memref_slice %arg7[%dma_start3A_185, %dma_start3A_191] : memref<125x80xi32, #tpu.memory_space<vmem>> -> memref<1x80xi32, #tpu.memory_space<vmem>>
    %dma_start3A_193 = tpu.memref_squeeze %dma_start3A_192 : memref<1x80xi32, #tpu.memory_space<vmem>> -> memref<80xi32, #tpu.memory_space<vmem>>
    %dma_start3A_194 = arith.constant 0 : i32
    %dma_start3A_195 = arith.constant 0 : i32
    %dma_start3A_196 = tpu.memref_slice %arg9[%dma_start3A_194, %dma_start3A_195] : memref<10000x64xf32, #tpu.memory_space<vmem_shared>> -> memref<10000x64xf32, #tpu.memory_space<vmem_shared>>
    %dma_start3A_197 = tpu.memref_slice %arg11[%dma_start3A_186] : memref<6x!tpu.dma_semaphore, #tpu.memory_space<semaphore_mem>> -> memref<1x!tpu.dma_semaphore, #tpu.memory_space<semaphore_mem>>
    %dma_start3A_198 = tpu.memref_squeeze %dma_start3A_197 : memref<1x!tpu.dma_semaphore, #tpu.memory_space<semaphore_mem>> -> memref<!tpu.dma_semaphore, #tpu.memory_space<semaphore_mem>>
    tpu.enqueue_indirect_dma source(%dma_start3A_190 : memref<80x64xf32, #tpu.memory_space<vmem>>) target(%dma_start3A_196 : memref<10000x64xf32, #tpu.memory_space<vmem_shared>>) offsets(%dma_start3A_193 : memref<80xi32, #tpu.memory_space<vmem>>) semaphore(%dma_start3A_198 : memref<!tpu.dma_semaphore, #tpu.memory_space<semaphore_mem>>) {add = true}
    %dma_wait3A_199 = arith.constant 0 : i32
    %dma_wait3A_200 = arith.constant 120 : i32
    %dma_wait3A_201 = arith.constant 0 : i32
    %dma_wait3A_202 = arith.constant 0 : i32
    %dma_wait3A_203 = arith.constant 0 : i32
    %dma_wait3A_204 = tpu.memref_slice %arg8[%dma_wait3A_199, %dma_wait3A_202, %dma_wait3A_203] : memref<6x80x64xf32, #tpu.memory_space<vmem>> -> memref<1x80x64xf32, #tpu.memory_space<vmem>>
    %dma_wait3A_205 = tpu.memref_squeeze %dma_wait3A_204 : memref<1x80x64xf32, #tpu.memory_space<vmem>> -> memref<80x64xf32, #tpu.memory_space<vmem>>
    %dma_wait3A_206 = arith.constant 0 : i32
    %dma_wait3A_207 = tpu.memref_slice %arg7[%dma_wait3A_200, %dma_wait3A_206] : memref<125x80xi32, #tpu.memory_space<vmem>> -> memref<1x80xi32, #tpu.memory_space<vmem>>
    %dma_wait3A_208 = tpu.memref_squeeze %dma_wait3A_207 : memref<1x80xi32, #tpu.memory_space<vmem>> -> memref<80xi32, #tpu.memory_space<vmem>>
    %dma_wait3A_209 = arith.constant 0 : i32
    %dma_wait3A_210 = arith.constant 0 : i32
    %dma_wait3A_211 = tpu.memref_slice %arg9[%dma_wait3A_209, %dma_wait3A_210] : memref<10000x64xf32, #tpu.memory_space<vmem_shared>> -> memref<10000x64xf32, #tpu.memory_space<vmem_shared>>
    %dma_wait3A_212 = tpu.memref_slice %arg11[%dma_wait3A_201] : memref<6x!tpu.dma_semaphore, #tpu.memory_space<semaphore_mem>> -> memref<1x!tpu.dma_semaphore, #tpu.memory_space<semaphore_mem>>
    %dma_wait3A_213 = tpu.memref_squeeze %dma_wait3A_212 : memref<1x!tpu.dma_semaphore, #tpu.memory_space<semaphore_mem>> -> memref<!tpu.dma_semaphore, #tpu.memory_space<semaphore_mem>>
    tpu.wait_indirect_dma semaphore(%dma_wait3A_213 : memref<!tpu.dma_semaphore, #tpu.memory_space<semaphore_mem>>) src(%dma_wait3A_205 : memref<80x64xf32, #tpu.memory_space<vmem>>) dst(%dma_wait3A_211 : memref<10000x64xf32, #tpu.memory_space<vmem_shared>>)
    %dma_start3A_214 = arith.constant 121 : i32
    %dma_start3A_215 = arith.constant 0 : i32
    %dma_start3A_216 = arith.constant 0 : i32
    %dma_start3A_217 = arith.constant 0 : i32
    %dma_start3A_218 = arith.constant 0 : i32
    %dma_start3A_219 = tpu.memref_slice %arg8[%dma_start3A_215, %dma_start3A_217, %dma_start3A_218] : memref<6x80x64xf32, #tpu.memory_space<vmem>> -> memref<1x80x64xf32, #tpu.memory_space<vmem>>
    %dma_start3A_220 = tpu.memref_squeeze %dma_start3A_219 : memref<1x80x64xf32, #tpu.memory_space<vmem>> -> memref<80x64xf32, #tpu.memory_space<vmem>>
    %dma_start3A_221 = arith.constant 0 : i32
    %dma_start3A_222 = tpu.memref_slice %arg6[%dma_start3A_214, %dma_start3A_221] : memref<125x80xi32, #tpu.memory_space<vmem>> -> memref<1x80xi32, #tpu.memory_space<vmem>>
    %dma_start3A_223 = tpu.memref_squeeze %dma_start3A_222 : memref<1x80xi32, #tpu.memory_space<vmem>> -> memref<80xi32, #tpu.memory_space<vmem>>
    %dma_start3A_224 = arith.constant 0 : i32
    %dma_start3A_225 = arith.constant 0 : i32
    %dma_start3A_226 = tpu.memref_slice %arg3[%dma_start3A_224, %dma_start3A_225] : memref<10000x64xf32, #tpu.memory_space<hbm>> -> memref<10000x64xf32, #tpu.memory_space<hbm>>
    %dma_start3A_227 = tpu.memref_slice %arg10[%dma_start3A_216] : memref<6x!tpu.dma_semaphore, #tpu.memory_space<semaphore_mem>> -> memref<1x!tpu.dma_semaphore, #tpu.memory_space<semaphore_mem>>
    %dma_start3A_228 = tpu.memref_squeeze %dma_start3A_227 : memref<1x!tpu.dma_semaphore, #tpu.memory_space<semaphore_mem>> -> memref<!tpu.dma_semaphore, #tpu.memory_space<semaphore_mem>>
    tpu.enqueue_indirect_dma source(%dma_start3A_226 : memref<10000x64xf32, #tpu.memory_space<hbm>>) target(%dma_start3A_220 : memref<80x64xf32, #tpu.memory_space<vmem>>) offsets(%dma_start3A_223 : memref<80xi32, #tpu.memory_space<vmem>>) semaphore(%dma_start3A_228 : memref<!tpu.dma_semaphore, #tpu.memory_space<semaphore_mem>>)
    %dma_wait3A_229 = arith.constant 121 : i32
    %dma_wait3A_230 = arith.constant 0 : i32
    %dma_wait3A_231 = arith.constant 0 : i32
    %dma_wait3A_232 = arith.constant 0 : i32
    %dma_wait3A_233 = arith.constant 0 : i32
    %dma_wait3A_234 = tpu.memref_slice %arg8[%dma_wait3A_230, %dma_wait3A_232, %dma_wait3A_233] : memref<6x80x64xf32, #tpu.memory_space<vmem>> -> memref<1x80x64xf32, #tpu.memory_space<vmem>>
    %dma_wait3A_235 = tpu.memref_squeeze %dma_wait3A_234 : memref<1x80x64xf32, #tpu.memory_space<vmem>> -> memref<80x64xf32, #tpu.memory_space<vmem>>
    %dma_wait3A_236 = arith.constant 0 : i32
    %dma_wait3A_237 = tpu.memref_slice %arg6[%dma_wait3A_229, %dma_wait3A_236] : memref<125x80xi32, #tpu.memory_space<vmem>> -> memref<1x80xi32, #tpu.memory_space<vmem>>
    %dma_wait3A_238 = tpu.memref_squeeze %dma_wait3A_237 : memref<1x80xi32, #tpu.memory_space<vmem>> -> memref<80xi32, #tpu.memory_space<vmem>>
    %dma_wait3A_239 = arith.constant 0 : i32
    %dma_wait3A_240 = arith.constant 0 : i32
    %dma_wait3A_241 = tpu.memref_slice %arg3[%dma_wait3A_239, %dma_wait3A_240] : memref<10000x64xf32, #tpu.memory_space<hbm>> -> memref<10000x64xf32, #tpu.memory_space<hbm>>
    %dma_wait3A_242 = tpu.memref_slice %arg10[%dma_wait3A_231] : memref<6x!tpu.dma_semaphore, #tpu.memory_space<semaphore_mem>> -> memref<1x!tpu.dma_semaphore, #tpu.memory_space<semaphore_mem>>
    %dma_wait3A_243 = tpu.memref_squeeze %dma_wait3A_242 : memref<1x!tpu.dma_semaphore, #tpu.memory_space<semaphore_mem>> -> memref<!tpu.dma_semaphore, #tpu.memory_space<semaphore_mem>>
    tpu.wait_indirect_dma semaphore(%dma_wait3A_243 : memref<!tpu.dma_semaphore, #tpu.memory_space<semaphore_mem>>) src(%dma_wait3A_241 : memref<10000x64xf32, #tpu.memory_space<hbm>>) dst(%dma_wait3A_235 : memref<80x64xf32, #tpu.memory_space<vmem>>)
    %dma_start3A_244 = arith.constant 0 : i32
    %dma_start3A_245 = arith.constant 121 : i32
    %dma_start3A_246 = arith.constant 0 : i32
    %dma_start3A_247 = arith.constant 0 : i32
    %dma_start3A_248 = arith.constant 0 : i32
    %dma_start3A_249 = tpu.memref_slice %arg8[%dma_start3A_244, %dma_start3A_247, %dma_start3A_248] : memref<6x80x64xf32, #tpu.memory_space<vmem>> -> memref<1x80x64xf32, #tpu.memory_space<vmem>>
    %dma_start3A_250 = tpu.memref_squeeze %dma_start3A_249 : memref<1x80x64xf32, #tpu.memory_space<vmem>> -> memref<80x64xf32, #tpu.memory_space<vmem>>
    %dma_start3A_251 = arith.constant 0 : i32
    %dma_start3A_252 = tpu.memref_slice %arg7[%dma_start3A_245, %dma_start3A_251] : memref<125x80xi32, #tpu.memory_space<vmem>> -> memref<1x80xi32, #tpu.memory_space<vmem>>
    %dma_start3A_253 = tpu.memref_squeeze %dma_start3A_252 : memref<1x80xi32, #tpu.memory_space<vmem>> -> memref<80xi32, #tpu.memory_space<vmem>>
    %dma_start3A_254 = arith.constant 0 : i32
    %dma_start3A_255 = arith.constant 0 : i32
    %dma_start3A_256 = tpu.memref_slice %arg9[%dma_start3A_254, %dma_start3A_255] : memref<10000x64xf32, #tpu.memory_space<vmem_shared>> -> memref<10000x64xf32, #tpu.memory_space<vmem_shared>>
    %dma_start3A_257 = tpu.memref_slice %arg11[%dma_start3A_246] : memref<6x!tpu.dma_semaphore, #tpu.memory_space<semaphore_mem>> -> memref<1x!tpu.dma_semaphore, #tpu.memory_space<semaphore_mem>>
    %dma_start3A_258 = tpu.memref_squeeze %dma_start3A_257 : memref<1x!tpu.dma_semaphore, #tpu.memory_space<semaphore_mem>> -> memref<!tpu.dma_semaphore, #tpu.memory_space<semaphore_mem>>
    tpu.enqueue_indirect_dma source(%dma_start3A_250 : memref<80x64xf32, #tpu.memory_space<vmem>>) target(%dma_start3A_256 : memref<10000x64xf32, #tpu.memory_space<vmem_shared>>) offsets(%dma_start3A_253 : memref<80xi32, #tpu.memory_space<vmem>>) semaphore(%dma_start3A_258 : memref<!tpu.dma_semaphore, #tpu.memory_space<semaphore_mem>>) {add = true}
    %dma_wait3A_259 = arith.constant 0 : i32
    %dma_wait3A_260 = arith.constant 121 : i32
    %dma_wait3A_261 = arith.constant 0 : i32
    %dma_wait3A_262 = arith.constant 0 : i32
    %dma_wait3A_263 = arith.constant 0 : i32
    %dma_wait3A_264 = tpu.memref_slice %arg8[%dma_wait3A_259, %dma_wait3A_262, %dma_wait3A_263] : memref<6x80x64xf32, #tpu.memory_space<vmem>> -> memref<1x80x64xf32, #tpu.memory_space<vmem>>
    %dma_wait3A_265 = tpu.memref_squeeze %dma_wait3A_264 : memref<1x80x64xf32, #tpu.memory_space<vmem>> -> memref<80x64xf32, #tpu.memory_space<vmem>>
    %dma_wait3A_266 = arith.constant 0 : i32
    %dma_wait3A_267 = tpu.memref_slice %arg7[%dma_wait3A_260, %dma_wait3A_266] : memref<125x80xi32, #tpu.memory_space<vmem>> -> memref<1x80xi32, #tpu.memory_space<vmem>>
    %dma_wait3A_268 = tpu.memref_squeeze %dma_wait3A_267 : memref<1x80xi32, #tpu.memory_space<vmem>> -> memref<80xi32, #tpu.memory_space<vmem>>
    %dma_wait3A_269 = arith.constant 0 : i32
    %dma_wait3A_270 = arith.constant 0 : i32
    %dma_wait3A_271 = tpu.memref_slice %arg9[%dma_wait3A_269, %dma_wait3A_270] : memref<10000x64xf32, #tpu.memory_space<vmem_shared>> -> memref<10000x64xf32, #tpu.memory_space<vmem_shared>>
    %dma_wait3A_272 = tpu.memref_slice %arg11[%dma_wait3A_261] : memref<6x!tpu.dma_semaphore, #tpu.memory_space<semaphore_mem>> -> memref<1x!tpu.dma_semaphore, #tpu.memory_space<semaphore_mem>>
    %dma_wait3A_273 = tpu.memref_squeeze %dma_wait3A_272 : memref<1x!tpu.dma_semaphore, #tpu.memory_space<semaphore_mem>> -> memref<!tpu.dma_semaphore, #tpu.memory_space<semaphore_mem>>
    tpu.wait_indirect_dma semaphore(%dma_wait3A_273 : memref<!tpu.dma_semaphore, #tpu.memory_space<semaphore_mem>>) src(%dma_wait3A_265 : memref<80x64xf32, #tpu.memory_space<vmem>>) dst(%dma_wait3A_271 : memref<10000x64xf32, #tpu.memory_space<vmem_shared>>)
    %dma_start3A_274 = arith.constant 122 : i32
    %dma_start3A_275 = arith.constant 0 : i32
    %dma_start3A_276 = arith.constant 0 : i32
    %dma_start3A_277 = arith.constant 0 : i32
    %dma_start3A_278 = arith.constant 0 : i32
    %dma_start3A_279 = tpu.memref_slice %arg8[%dma_start3A_275, %dma_start3A_277, %dma_start3A_278] : memref<6x80x64xf32, #tpu.memory_space<vmem>> -> memref<1x80x64xf32, #tpu.memory_space<vmem>>
    %dma_start3A_280 = tpu.memref_squeeze %dma_start3A_279 : memref<1x80x64xf32, #tpu.memory_space<vmem>> -> memref<80x64xf32, #tpu.memory_space<vmem>>
    %dma_start3A_281 = arith.constant 0 : i32
    %dma_start3A_282 = tpu.memref_slice %arg6[%dma_start3A_274, %dma_start3A_281] : memref<125x80xi32, #tpu.memory_space<vmem>> -> memref<1x80xi32, #tpu.memory_space<vmem>>
    %dma_start3A_283 = tpu.memref_squeeze %dma_start3A_282 : memref<1x80xi32, #tpu.memory_space<vmem>> -> memref<80xi32, #tpu.memory_space<vmem>>
    %dma_start3A_284 = arith.constant 0 : i32
    %dma_start3A_285 = arith.constant 0 : i32
    %dma_start3A_286 = tpu.memref_slice %arg3[%dma_start3A_284, %dma_start3A_285] : memref<10000x64xf32, #tpu.memory_space<hbm>> -> memref<10000x64xf32, #tpu.memory_space<hbm>>
    %dma_start3A_287 = tpu.memref_slice %arg10[%dma_start3A_276] : memref<6x!tpu.dma_semaphore, #tpu.memory_space<semaphore_mem>> -> memref<1x!tpu.dma_semaphore, #tpu.memory_space<semaphore_mem>>
    %dma_start3A_288 = tpu.memref_squeeze %dma_start3A_287 : memref<1x!tpu.dma_semaphore, #tpu.memory_space<semaphore_mem>> -> memref<!tpu.dma_semaphore, #tpu.memory_space<semaphore_mem>>
    tpu.enqueue_indirect_dma source(%dma_start3A_286 : memref<10000x64xf32, #tpu.memory_space<hbm>>) target(%dma_start3A_280 : memref<80x64xf32, #tpu.memory_space<vmem>>) offsets(%dma_start3A_283 : memref<80xi32, #tpu.memory_space<vmem>>) semaphore(%dma_start3A_288 : memref<!tpu.dma_semaphore, #tpu.memory_space<semaphore_mem>>)
    %dma_wait3A_289 = arith.constant 122 : i32
    %dma_wait3A_290 = arith.constant 0 : i32
    %dma_wait3A_291 = arith.constant 0 : i32
    %dma_wait3A_292 = arith.constant 0 : i32
    %dma_wait3A_293 = arith.constant 0 : i32
    %dma_wait3A_294 = tpu.memref_slice %arg8[%dma_wait3A_290, %dma_wait3A_292, %dma_wait3A_293] : memref<6x80x64xf32, #tpu.memory_space<vmem>> -> memref<1x80x64xf32, #tpu.memory_space<vmem>>
    %dma_wait3A_295 = tpu.memref_squeeze %dma_wait3A_294 : memref<1x80x64xf32, #tpu.memory_space<vmem>> -> memref<80x64xf32, #tpu.memory_space<vmem>>
    %dma_wait3A_296 = arith.constant 0 : i32
    %dma_wait3A_297 = tpu.memref_slice %arg6[%dma_wait3A_289, %dma_wait3A_296] : memref<125x80xi32, #tpu.memory_space<vmem>> -> memref<1x80xi32, #tpu.memory_space<vmem>>
    %dma_wait3A_298 = tpu.memref_squeeze %dma_wait3A_297 : memref<1x80xi32, #tpu.memory_space<vmem>> -> memref<80xi32, #tpu.memory_space<vmem>>
    %dma_wait3A_299 = arith.constant 0 : i32
    %dma_wait3A_300 = arith.constant 0 : i32
    %dma_wait3A_301 = tpu.memref_slice %arg3[%dma_wait3A_299, %dma_wait3A_300] : memref<10000x64xf32, #tpu.memory_space<hbm>> -> memref<10000x64xf32, #tpu.memory_space<hbm>>
    %dma_wait3A_302 = tpu.memref_slice %arg10[%dma_wait3A_291] : memref<6x!tpu.dma_semaphore, #tpu.memory_space<semaphore_mem>> -> memref<1x!tpu.dma_semaphore, #tpu.memory_space<semaphore_mem>>
    %dma_wait3A_303 = tpu.memref_squeeze %dma_wait3A_302 : memref<1x!tpu.dma_semaphore, #tpu.memory_space<semaphore_mem>> -> memref<!tpu.dma_semaphore, #tpu.memory_space<semaphore_mem>>
    tpu.wait_indirect_dma semaphore(%dma_wait3A_303 : memref<!tpu.dma_semaphore, #tpu.memory_space<semaphore_mem>>) src(%dma_wait3A_301 : memref<10000x64xf32, #tpu.memory_space<hbm>>) dst(%dma_wait3A_295 : memref<80x64xf32, #tpu.memory_space<vmem>>)
    %dma_start3A_304 = arith.constant 0 : i32
    %dma_start3A_305 = arith.constant 122 : i32
    %dma_start3A_306 = arith.constant 0 : i32
    %dma_start3A_307 = arith.constant 0 : i32
    %dma_start3A_308 = arith.constant 0 : i32
    %dma_start3A_309 = tpu.memref_slice %arg8[%dma_start3A_304, %dma_start3A_307, %dma_start3A_308] : memref<6x80x64xf32, #tpu.memory_space<vmem>> -> memref<1x80x64xf32, #tpu.memory_space<vmem>>
    %dma_start3A_310 = tpu.memref_squeeze %dma_start3A_309 : memref<1x80x64xf32, #tpu.memory_space<vmem>> -> memref<80x64xf32, #tpu.memory_space<vmem>>
    %dma_start3A_311 = arith.constant 0 : i32
    %dma_start3A_312 = tpu.memref_slice %arg7[%dma_start3A_305, %dma_start3A_311] : memref<125x80xi32, #tpu.memory_space<vmem>> -> memref<1x80xi32, #tpu.memory_space<vmem>>
    %dma_start3A_313 = tpu.memref_squeeze %dma_start3A_312 : memref<1x80xi32, #tpu.memory_space<vmem>> -> memref<80xi32, #tpu.memory_space<vmem>>
    %dma_start3A_314 = arith.constant 0 : i32
    %dma_start3A_315 = arith.constant 0 : i32
    %dma_start3A_316 = tpu.memref_slice %arg9[%dma_start3A_314, %dma_start3A_315] : memref<10000x64xf32, #tpu.memory_space<vmem_shared>> -> memref<10000x64xf32, #tpu.memory_space<vmem_shared>>
    %dma_start3A_317 = tpu.memref_slice %arg11[%dma_start3A_306] : memref<6x!tpu.dma_semaphore, #tpu.memory_space<semaphore_mem>> -> memref<1x!tpu.dma_semaphore, #tpu.memory_space<semaphore_mem>>
    %dma_start3A_318 = tpu.memref_squeeze %dma_start3A_317 : memref<1x!tpu.dma_semaphore, #tpu.memory_space<semaphore_mem>> -> memref<!tpu.dma_semaphore, #tpu.memory_space<semaphore_mem>>
    tpu.enqueue_indirect_dma source(%dma_start3A_310 : memref<80x64xf32, #tpu.memory_space<vmem>>) target(%dma_start3A_316 : memref<10000x64xf32, #tpu.memory_space<vmem_shared>>) offsets(%dma_start3A_313 : memref<80xi32, #tpu.memory_space<vmem>>) semaphore(%dma_start3A_318 : memref<!tpu.dma_semaphore, #tpu.memory_space<semaphore_mem>>) {add = true}
    %dma_wait3A_319 = arith.constant 0 : i32
    %dma_wait3A_320 = arith.constant 122 : i32
    %dma_wait3A_321 = arith.constant 0 : i32
    %dma_wait3A_322 = arith.constant 0 : i32
    %dma_wait3A_323 = arith.constant 0 : i32
    %dma_wait3A_324 = tpu.memref_slice %arg8[%dma_wait3A_319, %dma_wait3A_322, %dma_wait3A_323] : memref<6x80x64xf32, #tpu.memory_space<vmem>> -> memref<1x80x64xf32, #tpu.memory_space<vmem>>
    %dma_wait3A_325 = tpu.memref_squeeze %dma_wait3A_324 : memref<1x80x64xf32, #tpu.memory_space<vmem>> -> memref<80x64xf32, #tpu.memory_space<vmem>>
    %dma_wait3A_326 = arith.constant 0 : i32
    %dma_wait3A_327 = tpu.memref_slice %arg7[%dma_wait3A_320, %dma_wait3A_326] : memref<125x80xi32, #tpu.memory_space<vmem>> -> memref<1x80xi32, #tpu.memory_space<vmem>>
    %dma_wait3A_328 = tpu.memref_squeeze %dma_wait3A_327 : memref<1x80xi32, #tpu.memory_space<vmem>> -> memref<80xi32, #tpu.memory_space<vmem>>
    %dma_wait3A_329 = arith.constant 0 : i32
    %dma_wait3A_330 = arith.constant 0 : i32
    %dma_wait3A_331 = tpu.memref_slice %arg9[%dma_wait3A_329, %dma_wait3A_330] : memref<10000x64xf32, #tpu.memory_space<vmem_shared>> -> memref<10000x64xf32, #tpu.memory_space<vmem_shared>>
    %dma_wait3A_332 = tpu.memref_slice %arg11[%dma_wait3A_321] : memref<6x!tpu.dma_semaphore, #tpu.memory_space<semaphore_mem>> -> memref<1x!tpu.dma_semaphore, #tpu.memory_space<semaphore_mem>>
    %dma_wait3A_333 = tpu.memref_squeeze %dma_wait3A_332 : memref<1x!tpu.dma_semaphore, #tpu.memory_space<semaphore_mem>> -> memref<!tpu.dma_semaphore, #tpu.memory_space<semaphore_mem>>
    tpu.wait_indirect_dma semaphore(%dma_wait3A_333 : memref<!tpu.dma_semaphore, #tpu.memory_space<semaphore_mem>>) src(%dma_wait3A_325 : memref<80x64xf32, #tpu.memory_space<vmem>>) dst(%dma_wait3A_331 : memref<10000x64xf32, #tpu.memory_space<vmem_shared>>)
    %dma_start3A_334 = arith.constant 123 : i32
    %dma_start3A_335 = arith.constant 0 : i32
    %dma_start3A_336 = arith.constant 0 : i32
    %dma_start3A_337 = arith.constant 0 : i32
    %dma_start3A_338 = arith.constant 0 : i32
    %dma_start3A_339 = tpu.memref_slice %arg8[%dma_start3A_335, %dma_start3A_337, %dma_start3A_338] : memref<6x80x64xf32, #tpu.memory_space<vmem>> -> memref<1x80x64xf32, #tpu.memory_space<vmem>>
    %dma_start3A_340 = tpu.memref_squeeze %dma_start3A_339 : memref<1x80x64xf32, #tpu.memory_space<vmem>> -> memref<80x64xf32, #tpu.memory_space<vmem>>
    %dma_start3A_341 = arith.constant 0 : i32
    %dma_start3A_342 = tpu.memref_slice %arg6[%dma_start3A_334, %dma_start3A_341] : memref<125x80xi32, #tpu.memory_space<vmem>> -> memref<1x80xi32, #tpu.memory_space<vmem>>
    %dma_start3A_343 = tpu.memref_squeeze %dma_start3A_342 : memref<1x80xi32, #tpu.memory_space<vmem>> -> memref<80xi32, #tpu.memory_space<vmem>>
    %dma_start3A_344 = arith.constant 0 : i32
    %dma_start3A_345 = arith.constant 0 : i32
    %dma_start3A_346 = tpu.memref_slice %arg3[%dma_start3A_344, %dma_start3A_345] : memref<10000x64xf32, #tpu.memory_space<hbm>> -> memref<10000x64xf32, #tpu.memory_space<hbm>>
    %dma_start3A_347 = tpu.memref_slice %arg10[%dma_start3A_336] : memref<6x!tpu.dma_semaphore, #tpu.memory_space<semaphore_mem>> -> memref<1x!tpu.dma_semaphore, #tpu.memory_space<semaphore_mem>>
    %dma_start3A_348 = tpu.memref_squeeze %dma_start3A_347 : memref<1x!tpu.dma_semaphore, #tpu.memory_space<semaphore_mem>> -> memref<!tpu.dma_semaphore, #tpu.memory_space<semaphore_mem>>
    tpu.enqueue_indirect_dma source(%dma_start3A_346 : memref<10000x64xf32, #tpu.memory_space<hbm>>) target(%dma_start3A_340 : memref<80x64xf32, #tpu.memory_space<vmem>>) offsets(%dma_start3A_343 : memref<80xi32, #tpu.memory_space<vmem>>) semaphore(%dma_start3A_348 : memref<!tpu.dma_semaphore, #tpu.memory_space<semaphore_mem>>)
    %dma_wait3A_349 = arith.constant 123 : i32
    %dma_wait3A_350 = arith.constant 0 : i32
    %dma_wait3A_351 = arith.constant 0 : i32
    %dma_wait3A_352 = arith.constant 0 : i32
    %dma_wait3A_353 = arith.constant 0 : i32
    %dma_wait3A_354 = tpu.memref_slice %arg8[%dma_wait3A_350, %dma_wait3A_352, %dma_wait3A_353] : memref<6x80x64xf32, #tpu.memory_space<vmem>> -> memref<1x80x64xf32, #tpu.memory_space<vmem>>
    %dma_wait3A_355 = tpu.memref_squeeze %dma_wait3A_354 : memref<1x80x64xf32, #tpu.memory_space<vmem>> -> memref<80x64xf32, #tpu.memory_space<vmem>>
    %dma_wait3A_356 = arith.constant 0 : i32
    %dma_wait3A_357 = tpu.memref_slice %arg6[%dma_wait3A_349, %dma_wait3A_356] : memref<125x80xi32, #tpu.memory_space<vmem>> -> memref<1x80xi32, #tpu.memory_space<vmem>>
    %dma_wait3A_358 = tpu.memref_squeeze %dma_wait3A_357 : memref<1x80xi32, #tpu.memory_space<vmem>> -> memref<80xi32, #tpu.memory_space<vmem>>
    %dma_wait3A_359 = arith.constant 0 : i32
    %dma_wait3A_360 = arith.constant 0 : i32
    %dma_wait3A_361 = tpu.memref_slice %arg3[%dma_wait3A_359, %dma_wait3A_360] : memref<10000x64xf32, #tpu.memory_space<hbm>> -> memref<10000x64xf32, #tpu.memory_space<hbm>>
    %dma_wait3A_362 = tpu.memref_slice %arg10[%dma_wait3A_351] : memref<6x!tpu.dma_semaphore, #tpu.memory_space<semaphore_mem>> -> memref<1x!tpu.dma_semaphore, #tpu.memory_space<semaphore_mem>>
    %dma_wait3A_363 = tpu.memref_squeeze %dma_wait3A_362 : memref<1x!tpu.dma_semaphore, #tpu.memory_space<semaphore_mem>> -> memref<!tpu.dma_semaphore, #tpu.memory_space<semaphore_mem>>
    tpu.wait_indirect_dma semaphore(%dma_wait3A_363 : memref<!tpu.dma_semaphore, #tpu.memory_space<semaphore_mem>>) src(%dma_wait3A_361 : memref<10000x64xf32, #tpu.memory_space<hbm>>) dst(%dma_wait3A_355 : memref<80x64xf32, #tpu.memory_space<vmem>>)
    %dma_start3A_364 = arith.constant 0 : i32
    %dma_start3A_365 = arith.constant 123 : i32
    %dma_start3A_366 = arith.constant 0 : i32
    %dma_start3A_367 = arith.constant 0 : i32
    %dma_start3A_368 = arith.constant 0 : i32
    %dma_start3A_369 = tpu.memref_slice %arg8[%dma_start3A_364, %dma_start3A_367, %dma_start3A_368] : memref<6x80x64xf32, #tpu.memory_space<vmem>> -> memref<1x80x64xf32, #tpu.memory_space<vmem>>
    %dma_start3A_370 = tpu.memref_squeeze %dma_start3A_369 : memref<1x80x64xf32, #tpu.memory_space<vmem>> -> memref<80x64xf32, #tpu.memory_space<vmem>>
    %dma_start3A_371 = arith.constant 0 : i32
    %dma_start3A_372 = tpu.memref_slice %arg7[%dma_start3A_365, %dma_start3A_371] : memref<125x80xi32, #tpu.memory_space<vmem>> -> memref<1x80xi32, #tpu.memory_space<vmem>>
    %dma_start3A_373 = tpu.memref_squeeze %dma_start3A_372 : memref<1x80xi32, #tpu.memory_space<vmem>> -> memref<80xi32, #tpu.memory_space<vmem>>
    %dma_start3A_374 = arith.constant 0 : i32
    %dma_start3A_375 = arith.constant 0 : i32
    %dma_start3A_376 = tpu.memref_slice %arg9[%dma_start3A_374, %dma_start3A_375] : memref<10000x64xf32, #tpu.memory_space<vmem_shared>> -> memref<10000x64xf32, #tpu.memory_space<vmem_shared>>
    %dma_start3A_377 = tpu.memref_slice %arg11[%dma_start3A_366] : memref<6x!tpu.dma_semaphore, #tpu.memory_space<semaphore_mem>> -> memref<1x!tpu.dma_semaphore, #tpu.memory_space<semaphore_mem>>
    %dma_start3A_378 = tpu.memref_squeeze %dma_start3A_377 : memref<1x!tpu.dma_semaphore, #tpu.memory_space<semaphore_mem>> -> memref<!tpu.dma_semaphore, #tpu.memory_space<semaphore_mem>>
    tpu.enqueue_indirect_dma source(%dma_start3A_370 : memref<80x64xf32, #tpu.memory_space<vmem>>) target(%dma_start3A_376 : memref<10000x64xf32, #tpu.memory_space<vmem_shared>>) offsets(%dma_start3A_373 : memref<80xi32, #tpu.memory_space<vmem>>) semaphore(%dma_start3A_378 : memref<!tpu.dma_semaphore, #tpu.memory_space<semaphore_mem>>) {add = true}
    %dma_wait3A_379 = arith.constant 0 : i32
    %dma_wait3A_380 = arith.constant 123 : i32
    %dma_wait3A_381 = arith.constant 0 : i32
    %dma_wait3A_382 = arith.constant 0 : i32
    %dma_wait3A_383 = arith.constant 0 : i32
    %dma_wait3A_384 = tpu.memref_slice %arg8[%dma_wait3A_379, %dma_wait3A_382, %dma_wait3A_383] : memref<6x80x64xf32, #tpu.memory_space<vmem>> -> memref<1x80x64xf32, #tpu.memory_space<vmem>>
    %dma_wait3A_385 = tpu.memref_squeeze %dma_wait3A_384 : memref<1x80x64xf32, #tpu.memory_space<vmem>> -> memref<80x64xf32, #tpu.memory_space<vmem>>
    %dma_wait3A_386 = arith.constant 0 : i32
    %dma_wait3A_387 = tpu.memref_slice %arg7[%dma_wait3A_380, %dma_wait3A_386] : memref<125x80xi32, #tpu.memory_space<vmem>> -> memref<1x80xi32, #tpu.memory_space<vmem>>
    %dma_wait3A_388 = tpu.memref_squeeze %dma_wait3A_387 : memref<1x80xi32, #tpu.memory_space<vmem>> -> memref<80xi32, #tpu.memory_space<vmem>>
    %dma_wait3A_389 = arith.constant 0 : i32
    %dma_wait3A_390 = arith.constant 0 : i32
    %dma_wait3A_391 = tpu.memref_slice %arg9[%dma_wait3A_389, %dma_wait3A_390] : memref<10000x64xf32, #tpu.memory_space<vmem_shared>> -> memref<10000x64xf32, #tpu.memory_space<vmem_shared>>
    %dma_wait3A_392 = tpu.memref_slice %arg11[%dma_wait3A_381] : memref<6x!tpu.dma_semaphore, #tpu.memory_space<semaphore_mem>> -> memref<1x!tpu.dma_semaphore, #tpu.memory_space<semaphore_mem>>
    %dma_wait3A_393 = tpu.memref_squeeze %dma_wait3A_392 : memref<1x!tpu.dma_semaphore, #tpu.memory_space<semaphore_mem>> -> memref<!tpu.dma_semaphore, #tpu.memory_space<semaphore_mem>>
    tpu.wait_indirect_dma semaphore(%dma_wait3A_393 : memref<!tpu.dma_semaphore, #tpu.memory_space<semaphore_mem>>) src(%dma_wait3A_385 : memref<80x64xf32, #tpu.memory_space<vmem>>) dst(%dma_wait3A_391 : memref<10000x64xf32, #tpu.memory_space<vmem_shared>>)
    %dma_start3A_394 = arith.constant 124 : i32
    %dma_start3A_395 = arith.constant 0 : i32
    %dma_start3A_396 = arith.constant 0 : i32
    %dma_start3A_397 = arith.constant 0 : i32
    %dma_start3A_398 = arith.constant 0 : i32
    %dma_start3A_399 = tpu.memref_slice %arg8[%dma_start3A_395, %dma_start3A_397, %dma_start3A_398] : memref<6x80x64xf32, #tpu.memory_space<vmem>> -> memref<1x80x64xf32, #tpu.memory_space<vmem>>
    %dma_start3A_400 = tpu.memref_squeeze %dma_start3A_399 : memref<1x80x64xf32, #tpu.memory_space<vmem>> -> memref<80x64xf32, #tpu.memory_space<vmem>>
    %dma_start3A_401 = arith.constant 0 : i32
    %dma_start3A_402 = tpu.memref_slice %arg6[%dma_start3A_394, %dma_start3A_401] : memref<125x80xi32, #tpu.memory_space<vmem>> -> memref<1x80xi32, #tpu.memory_space<vmem>>
    %dma_start3A_403 = tpu.memref_squeeze %dma_start3A_402 : memref<1x80xi32, #tpu.memory_space<vmem>> -> memref<80xi32, #tpu.memory_space<vmem>>
    %dma_start3A_404 = arith.constant 0 : i32
    %dma_start3A_405 = arith.constant 0 : i32
    %dma_start3A_406 = tpu.memref_slice %arg3[%dma_start3A_404, %dma_start3A_405] : memref<10000x64xf32, #tpu.memory_space<hbm>> -> memref<10000x64xf32, #tpu.memory_space<hbm>>
    %dma_start3A_407 = tpu.memref_slice %arg10[%dma_start3A_396] : memref<6x!tpu.dma_semaphore, #tpu.memory_space<semaphore_mem>> -> memref<1x!tpu.dma_semaphore, #tpu.memory_space<semaphore_mem>>
    %dma_start3A_408 = tpu.memref_squeeze %dma_start3A_407 : memref<1x!tpu.dma_semaphore, #tpu.memory_space<semaphore_mem>> -> memref<!tpu.dma_semaphore, #tpu.memory_space<semaphore_mem>>
    tpu.enqueue_indirect_dma source(%dma_start3A_406 : memref<10000x64xf32, #tpu.memory_space<hbm>>) target(%dma_start3A_400 : memref<80x64xf32, #tpu.memory_space<vmem>>) offsets(%dma_start3A_403 : memref<80xi32, #tpu.memory_space<vmem>>) semaphore(%dma_start3A_408 : memref<!tpu.dma_semaphore, #tpu.memory_space<semaphore_mem>>)
    %dma_wait3A_409 = arith.constant 124 : i32
    %dma_wait3A_410 = arith.constant 0 : i32
    %dma_wait3A_411 = arith.constant 0 : i32
    %dma_wait3A_412 = arith.constant 0 : i32
    %dma_wait3A_413 = arith.constant 0 : i32
    %dma_wait3A_414 = tpu.memref_slice %arg8[%dma_wait3A_410, %dma_wait3A_412, %dma_wait3A_413] : memref<6x80x64xf32, #tpu.memory_space<vmem>> -> memref<1x80x64xf32, #tpu.memory_space<vmem>>
    %dma_wait3A_415 = tpu.memref_squeeze %dma_wait3A_414 : memref<1x80x64xf32, #tpu.memory_space<vmem>> -> memref<80x64xf32, #tpu.memory_space<vmem>>
    %dma_wait3A_416 = arith.constant 0 : i32
    %dma_wait3A_417 = tpu.memref_slice %arg6[%dma_wait3A_409, %dma_wait3A_416] : memref<125x80xi32, #tpu.memory_space<vmem>> -> memref<1x80xi32, #tpu.memory_space<vmem>>
    %dma_wait3A_418 = tpu.memref_squeeze %dma_wait3A_417 : memref<1x80xi32, #tpu.memory_space<vmem>> -> memref<80xi32, #tpu.memory_space<vmem>>
    %dma_wait3A_419 = arith.constant 0 : i32
    %dma_wait3A_420 = arith.constant 0 : i32
    %dma_wait3A_421 = tpu.memref_slice %arg3[%dma_wait3A_419, %dma_wait3A_420] : memref<10000x64xf32, #tpu.memory_space<hbm>> -> memref<10000x64xf32, #tpu.memory_space<hbm>>
    %dma_wait3A_422 = tpu.memref_slice %arg10[%dma_wait3A_411] : memref<6x!tpu.dma_semaphore, #tpu.memory_space<semaphore_mem>> -> memref<1x!tpu.dma_semaphore, #tpu.memory_space<semaphore_mem>>
    %dma_wait3A_423 = tpu.memref_squeeze %dma_wait3A_422 : memref<1x!tpu.dma_semaphore, #tpu.memory_space<semaphore_mem>> -> memref<!tpu.dma_semaphore, #tpu.memory_space<semaphore_mem>>
    tpu.wait_indirect_dma semaphore(%dma_wait3A_423 : memref<!tpu.dma_semaphore, #tpu.memory_space<semaphore_mem>>) src(%dma_wait3A_421 : memref<10000x64xf32, #tpu.memory_space<hbm>>) dst(%dma_wait3A_415 : memref<80x64xf32, #tpu.memory_space<vmem>>)
    %dma_start3A_424 = arith.constant 0 : i32
    %dma_start3A_425 = arith.constant 124 : i32
    %dma_start3A_426 = arith.constant 0 : i32
    %dma_start3A_427 = arith.constant 0 : i32
    %dma_start3A_428 = arith.constant 0 : i32
    %dma_start3A_429 = tpu.memref_slice %arg8[%dma_start3A_424, %dma_start3A_427, %dma_start3A_428] : memref<6x80x64xf32, #tpu.memory_space<vmem>> -> memref<1x80x64xf32, #tpu.memory_space<vmem>>
    %dma_start3A_430 = tpu.memref_squeeze %dma_start3A_429 : memref<1x80x64xf32, #tpu.memory_space<vmem>> -> memref<80x64xf32, #tpu.memory_space<vmem>>
    %dma_start3A_431 = arith.constant 0 : i32
    %dma_start3A_432 = tpu.memref_slice %arg7[%dma_start3A_425, %dma_start3A_431] : memref<125x80xi32, #tpu.memory_space<vmem>> -> memref<1x80xi32, #tpu.memory_space<vmem>>
    %dma_start3A_433 = tpu.memref_squeeze %dma_start3A_432 : memref<1x80xi32, #tpu.memory_space<vmem>> -> memref<80xi32, #tpu.memory_space<vmem>>
    %dma_start3A_434 = arith.constant 0 : i32
    %dma_start3A_435 = arith.constant 0 : i32
    %dma_start3A_436 = tpu.memref_slice %arg9[%dma_start3A_434, %dma_start3A_435] : memref<10000x64xf32, #tpu.memory_space<vmem_shared>> -> memref<10000x64xf32, #tpu.memory_space<vmem_shared>>
    %dma_start3A_437 = tpu.memref_slice %arg11[%dma_start3A_426] : memref<6x!tpu.dma_semaphore, #tpu.memory_space<semaphore_mem>> -> memref<1x!tpu.dma_semaphore, #tpu.memory_space<semaphore_mem>>
    %dma_start3A_438 = tpu.memref_squeeze %dma_start3A_437 : memref<1x!tpu.dma_semaphore, #tpu.memory_space<semaphore_mem>> -> memref<!tpu.dma_semaphore, #tpu.memory_space<semaphore_mem>>
    tpu.enqueue_indirect_dma source(%dma_start3A_430 : memref<80x64xf32, #tpu.memory_space<vmem>>) target(%dma_start3A_436 : memref<10000x64xf32, #tpu.memory_space<vmem_shared>>) offsets(%dma_start3A_433 : memref<80xi32, #tpu.memory_space<vmem>>) semaphore(%dma_start3A_438 : memref<!tpu.dma_semaphore, #tpu.memory_space<semaphore_mem>>) {add = true}
    %dma_wait3A_439 = arith.constant 0 : i32
    %dma_wait3A_440 = arith.constant 124 : i32
    %dma_wait3A_441 = arith.constant 0 : i32
    %dma_wait3A_442 = arith.constant 0 : i32
    %dma_wait3A_443 = arith.constant 0 : i32
    %dma_wait3A_444 = tpu.memref_slice %arg8[%dma_wait3A_439, %dma_wait3A_442, %dma_wait3A_443] : memref<6x80x64xf32, #tpu.memory_space<vmem>> -> memref<1x80x64xf32, #tpu.memory_space<vmem>>
    %dma_wait3A_445 = tpu.memref_squeeze %dma_wait3A_444 : memref<1x80x64xf32, #tpu.memory_space<vmem>> -> memref<80x64xf32, #tpu.memory_space<vmem>>
    %dma_wait3A_446 = arith.constant 0 : i32
    %dma_wait3A_447 = tpu.memref_slice %arg7[%dma_wait3A_440, %dma_wait3A_446] : memref<125x80xi32, #tpu.memory_space<vmem>> -> memref<1x80xi32, #tpu.memory_space<vmem>>
    %dma_wait3A_448 = tpu.memref_squeeze %dma_wait3A_447 : memref<1x80xi32, #tpu.memory_space<vmem>> -> memref<80xi32, #tpu.memory_space<vmem>>
    %dma_wait3A_449 = arith.constant 0 : i32
    %dma_wait3A_450 = arith.constant 0 : i32
    %dma_wait3A_451 = tpu.memref_slice %arg9[%dma_wait3A_449, %dma_wait3A_450] : memref<10000x64xf32, #tpu.memory_space<vmem_shared>> -> memref<10000x64xf32, #tpu.memory_space<vmem_shared>>
    %dma_wait3A_452 = tpu.memref_slice %arg11[%dma_wait3A_441] : memref<6x!tpu.dma_semaphore, #tpu.memory_space<semaphore_mem>> -> memref<1x!tpu.dma_semaphore, #tpu.memory_space<semaphore_mem>>
    %dma_wait3A_453 = tpu.memref_squeeze %dma_wait3A_452 : memref<1x!tpu.dma_semaphore, #tpu.memory_space<semaphore_mem>> -> memref<!tpu.dma_semaphore, #tpu.memory_space<semaphore_mem>>
    tpu.wait_indirect_dma semaphore(%dma_wait3A_453 : memref<!tpu.dma_semaphore, #tpu.memory_space<semaphore_mem>>) src(%dma_wait3A_445 : memref<80x64xf32, #tpu.memory_space<vmem>>) dst(%dma_wait3A_451 : memref<10000x64xf32, #tpu.memory_space<vmem_shared>>)
    %barrier3A_454 = arith.constant 0 : index
    tpu.barrier barrier_id(%barrier3A_454)
    %mul3A_455 = arith.constant 625 : i32
    %mul3A_456 = arith.muli %arg1, %mul3A_455 : i32
    %mul3A_457 = arith.constant 625 : i32
    %mul3A_458 = arith.muli %arg1, %mul3A_457 : i32
    %mul3A_459 = arith.constant 64 : i32
    %mul3A_460 = arith.muli %arg0, %mul3A_459 : i32
    "tpu.region"() ({
      %run_scoped3A = tpu.sem_alloc : memref<!tpu.dma_semaphore, #tpu.memory_space<semaphore_mem>>
      %dma_start3A_461 = tpu.memref_slice %arg5[%mul3A_458, %mul3A_460] : memref<10000x128xf32, #tpu.memory_space<hbm>> -> memref<625x64xf32, #tpu.memory_space<hbm>>
      %dma_start3A_462 = arith.constant 0 : i32
      %dma_start3A_463 = tpu.memref_slice %arg9[%mul3A_456, %dma_start3A_462] : memref<10000x64xf32, #tpu.memory_space<vmem_shared>> -> memref<625x64xf32, #tpu.memory_space<vmem_shared>>
      tpu.enqueue_dma source(%dma_start3A_463 : memref<625x64xf32, #tpu.memory_space<vmem_shared>>) target(%dma_start3A_461 : memref<625x64xf32, #tpu.memory_space<hbm>>) target_semaphore(%run_scoped3A : memref<!tpu.dma_semaphore, #tpu.memory_space<semaphore_mem>>)
      %dma_wait3A_464 = tpu.memref_slice %arg5[%mul3A_458, %mul3A_460] : memref<10000x128xf32, #tpu.memory_space<hbm>> -> memref<625x64xf32, #tpu.memory_space<hbm>>
      %dma_wait3A_465 = arith.constant 0 : i32
      %dma_wait3A_466 = tpu.memref_slice %arg9[%mul3A_456, %dma_wait3A_465] : memref<10000x64xf32, #tpu.memory_space<vmem_shared>> -> memref<625x64xf32, #tpu.memory_space<vmem_shared>>
      tpu.wait_dma2 semaphore(%run_scoped3A : memref<!tpu.dma_semaphore, #tpu.memory_space<semaphore_mem>>) src(%dma_wait3A_466 : memref<625x64xf32, #tpu.memory_space<vmem_shared>>) dst(%dma_wait3A_464 : memref<625x64xf32, #tpu.memory_space<hbm>>)
      tpu.yield
    }) : () -> ()
    return
  }
}

#map = affine_map<(d0, d1) -> (0, 0, 0, 0)>
#map1 = affine_map<(d0, d1) -> (0, 0)>
module attributes {stable_mosaic.version = 14 : i64} {
  func.func @f(%arg0: i32, %arg1: i32, %arg2: memref<2x32x125x80xi32, #tpu.memory_space<hbm>>, %arg3: memref<10000x64xf32, #tpu.memory_space<hbm>>, %arg4: memref<625x64xf32, #tpu.memory_space<hbm>>, %arg5: memref<10000x128xf32, #tpu.memory_space<hbm>>, %arg6: memref<125x80xi32, #tpu.memory_space<vmem>>, %arg7: memref<125x80xi32, #tpu.memory_space<vmem>>, %arg8: memref<6x80x64xf32, #tpu.memory_space<vmem>>, %arg9: memref<10000x64xf32, #tpu.memory_space<vmem_shared>>, %arg10: memref<6x!tpu.dma_semaphore, #tpu.memory_space<semaphore_mem>>, %arg11: memref<6x!tpu.dma_semaphore, #tpu.memory_space<semaphore_mem>>) attributes {dimension_semantics = [#tpu.dimension_semantics<core_parallel>, #tpu.dimension_semantics<subcore_parallel>], iteration_bounds = array<i64: 2, 16>, scalar_prefetch = 0 : i64, scratch_operands = 6 : i64, tpu.core_type = #tpu.core_type<sc_vector_subcore>, window_params = [{transform_indices = #map}, {transform_indices = #map1}, {transform_indices = #map1}, {transform_indices = #map1}]} {
    %mul3A = arith.constant 16 : i32
    %mul3A_0 = arith.muli %arg0, %mul3A : i32
    %add3A = arith.addi %mul3A_0, %arg1 : i32
    %mul3A_1 = arith.constant 625 : i32
    %mul3A_2 = arith.muli %arg1, %mul3A_1 : i32
    %dma_start3A = arith.constant 0 : i32
    %dma_start3A_3 = tpu.memref_slice %arg10[%dma_start3A] : memref<6x!tpu.dma_semaphore, #tpu.memory_space<semaphore_mem>> -> memref<1x!tpu.dma_semaphore, #tpu.memory_space<semaphore_mem>>
    %dma_start3A_4 = tpu.memref_squeeze %dma_start3A_3 : memref<1x!tpu.dma_semaphore, #tpu.memory_space<semaphore_mem>> -> memref<!tpu.dma_semaphore, #tpu.memory_space<semaphore_mem>>
    %dma_start3A_5 = arith.constant 0 : i32
    %dma_start3A_6 = tpu.memref_slice %arg9[%mul3A_2, %dma_start3A_5] : memref<10000x64xf32, #tpu.memory_space<vmem_shared>> -> memref<625x64xf32, #tpu.memory_space<vmem_shared>>
    tpu.enqueue_dma source(%arg4 : memref<625x64xf32, #tpu.memory_space<hbm>>) target(%dma_start3A_6 : memref<625x64xf32, #tpu.memory_space<vmem_shared>>) target_semaphore(%dma_start3A_4 : memref<!tpu.dma_semaphore, #tpu.memory_space<semaphore_mem>>)
    %dma_start3A_7 = arith.constant 0 : i32
    %dma_start3A_8 = arith.constant 1 : i32
    %dma_start3A_9 = arith.constant 0 : i32
    %dma_start3A_10 = arith.constant 0 : i32
    %dma_start3A_11 = tpu.memref_slice %arg2[%dma_start3A_7, %add3A, %dma_start3A_9, %dma_start3A_10] : memref<2x32x125x80xi32, #tpu.memory_space<hbm>> -> memref<1x1x125x80xi32, #tpu.memory_space<hbm>>
    %dma_start3A_12 = tpu.memref_squeeze %dma_start3A_11 : memref<1x1x125x80xi32, #tpu.memory_space<hbm>> -> memref<125x80xi32, #tpu.memory_space<hbm>>
    %dma_start3A_13 = tpu.memref_slice %arg10[%dma_start3A_8] : memref<6x!tpu.dma_semaphore, #tpu.memory_space<semaphore_mem>> -> memref<1x!tpu.dma_semaphore, #tpu.memory_space<semaphore_mem>>
    %dma_start3A_14 = tpu.memref_squeeze %dma_start3A_13 : memref<1x!tpu.dma_semaphore, #tpu.memory_space<semaphore_mem>> -> memref<!tpu.dma_semaphore, #tpu.memory_space<semaphore_mem>>
    %dma_start3A_15 = arith.constant 0 : i32
    %dma_start3A_16 = arith.constant 0 : i32
    %dma_start3A_17 = tpu.memref_slice %arg2[%dma_start3A_7, %add3A, %dma_start3A_15, %dma_start3A_16] : memref<2x32x125x80xi32, #tpu.memory_space<hbm>> -> memref<1x1x125x80xi32, #tpu.memory_space<hbm>>
    %dma_start3A_18 = tpu.memref_squeeze %dma_start3A_17 : memref<1x1x125x80xi32, #tpu.memory_space<hbm>> -> memref<125x80xi32, #tpu.memory_space<hbm>>
    tpu.enqueue_dma source(%dma_start3A_18 : memref<125x80xi32, #tpu.memory_space<hbm>>) target(%arg6 : memref<125x80xi32, #tpu.memory_space<vmem>>) target_semaphore(%dma_start3A_14 : memref<!tpu.dma_semaphore, #tpu.memory_space<semaphore_mem>>)
    %dma_start3A_19 = arith.constant 1 : i32
    %dma_start3A_20 = arith.constant 0 : i32
    %dma_start3A_21 = arith.constant 0 : i32
    %dma_start3A_22 = arith.constant 0 : i32
    %dma_start3A_23 = tpu.memref_slice %arg2[%dma_start3A_19, %add3A, %dma_start3A_21, %dma_start3A_22] : memref<2x32x125x80xi32, #tpu.memory_space<hbm>> -> memref<1x1x125x80xi32, #tpu.memory_space<hbm>>
    %dma_start3A_24 = tpu.memref_squeeze %dma_start3A_23 : memref<1x1x125x80xi32, #tpu.memory_space<hbm>> -> memref<125x80xi32, #tpu.memory_space<hbm>>
    %dma_start3A_25 = tpu.memref_slice %arg11[%dma_start3A_20] : memref<6x!tpu.dma_semaphore, #tpu.memory_space<semaphore_mem>> -> memref<1x!tpu.dma_semaphore, #tpu.memory_space<semaphore_mem>>
    %dma_start3A_26 = tpu.memref_squeeze %dma_start3A_25 : memref<1x!tpu.dma_semaphore, #tpu.memory_space<semaphore_mem>> -> memref<!tpu.dma_semaphore, #tpu.memory_space<semaphore_mem>>
    %dma_start3A_27 = arith.constant 0 : i32
    %dma_start3A_28 = arith.constant 0 : i32
    %dma_start3A_29 = tpu.memref_slice %arg2[%dma_start3A_19, %add3A, %dma_start3A_27, %dma_start3A_28] : memref<2x32x125x80xi32, #tpu.memory_space<hbm>> -> memref<1x1x125x80xi32, #tpu.memory_space<hbm>>
    %dma_start3A_30 = tpu.memref_squeeze %dma_start3A_29 : memref<1x1x125x80xi32, #tpu.memory_space<hbm>> -> memref<125x80xi32, #tpu.memory_space<hbm>>
    tpu.enqueue_dma source(%dma_start3A_30 : memref<125x80xi32, #tpu.memory_space<hbm>>) target(%arg7 : memref<125x80xi32, #tpu.memory_space<vmem>>) target_semaphore(%dma_start3A_26 : memref<!tpu.dma_semaphore, #tpu.memory_space<semaphore_mem>>)
    %dma_wait3A = arith.constant 0 : i32
    %dma_wait3A_31 = tpu.memref_slice %arg10[%dma_wait3A] : memref<6x!tpu.dma_semaphore, #tpu.memory_space<semaphore_mem>> -> memref<1x!tpu.dma_semaphore, #tpu.memory_space<semaphore_mem>>
    %dma_wait3A_32 = tpu.memref_squeeze %dma_wait3A_31 : memref<1x!tpu.dma_semaphore, #tpu.memory_space<semaphore_mem>> -> memref<!tpu.dma_semaphore, #tpu.memory_space<semaphore_mem>>
    %dma_wait3A_33 = arith.constant 0 : i32
    %dma_wait3A_34 = tpu.memref_slice %arg9[%mul3A_2, %dma_wait3A_33] : memref<10000x64xf32, #tpu.memory_space<vmem_shared>> -> memref<625x64xf32, #tpu.memory_space<vmem_shared>>
    tpu.wait_dma2 semaphore(%dma_wait3A_32 : memref<!tpu.dma_semaphore, #tpu.memory_space<semaphore_mem>>) src(%arg4 : memref<625x64xf32, #tpu.memory_space<hbm>>) dst(%dma_wait3A_34 : memref<625x64xf32, #tpu.memory_space<vmem_shared>>)
    %dma_wait3A_35 = arith.constant 0 : i32
    %dma_wait3A_36 = arith.constant 1 : i32
    %dma_wait3A_37 = arith.constant 0 : i32
    %dma_wait3A_38 = arith.constant 0 : i32
    %dma_wait3A_39 = tpu.memref_slice %arg2[%dma_wait3A_35, %add3A, %dma_wait3A_37, %dma_wait3A_38] : memref<2x32x125x80xi32, #tpu.memory_space<hbm>> -> memref<1x1x125x80xi32, #tpu.memory_space<hbm>>
    %dma_wait3A_40 = tpu.memref_squeeze %dma_wait3A_39 : memref<1x1x125x80xi32, #tpu.memory_space<hbm>> -> memref<125x80xi32, #tpu.memory_space<hbm>>
    %dma_wait3A_41 = tpu.memref_slice %arg10[%dma_wait3A_36] : memref<6x!tpu.dma_semaphore, #tpu.memory_space<semaphore_mem>> -> memref<1x!tpu.dma_semaphore, #tpu.memory_space<semaphore_mem>>
    %dma_wait3A_42 = tpu.memref_squeeze %dma_wait3A_41 : memref<1x!tpu.dma_semaphore, #tpu.memory_space<semaphore_mem>> -> memref<!tpu.dma_semaphore, #tpu.memory_space<semaphore_mem>>
    %dma_wait3A_43 = arith.constant 0 : i32
    %dma_wait3A_44 = arith.constant 0 : i32
    %dma_wait3A_45 = tpu.memref_slice %arg2[%dma_wait3A_35, %add3A, %dma_wait3A_43, %dma_wait3A_44] : memref<2x32x125x80xi32, #tpu.memory_space<hbm>> -> memref<1x1x125x80xi32, #tpu.memory_space<hbm>>
    %dma_wait3A_46 = tpu.memref_squeeze %dma_wait3A_45 : memref<1x1x125x80xi32, #tpu.memory_space<hbm>> -> memref<125x80xi32, #tpu.memory_space<hbm>>
    tpu.wait_dma2 semaphore(%dma_wait3A_42 : memref<!tpu.dma_semaphore, #tpu.memory_space<semaphore_mem>>) src(%dma_wait3A_46 : memref<125x80xi32, #tpu.memory_space<hbm>>) dst(%arg6 : memref<125x80xi32, #tpu.memory_space<vmem>>)
    %dma_wait3A_47 = arith.constant 1 : i32
    %dma_wait3A_48 = arith.constant 0 : i32
    %dma_wait3A_49 = arith.constant 0 : i32
    %dma_wait3A_50 = arith.constant 0 : i32
    %dma_wait3A_51 = tpu.memref_slice %arg2[%dma_wait3A_47, %add3A, %dma_wait3A_49, %dma_wait3A_50] : memref<2x32x125x80xi32, #tpu.memory_space<hbm>> -> memref<1x1x125x80xi32, #tpu.memory_space<hbm>>
    %dma_wait3A_52 = tpu.memref_squeeze %dma_wait3A_51 : memref<1x1x125x80xi32, #tpu.memory_space<hbm>> -> memref<125x80xi32, #tpu.memory_space<hbm>>
    %dma_wait3A_53 = tpu.memref_slice %arg11[%dma_wait3A_48] : memref<6x!tpu.dma_semaphore, #tpu.memory_space<semaphore_mem>> -> memref<1x!tpu.dma_semaphore, #tpu.memory_space<semaphore_mem>>
    %dma_wait3A_54 = tpu.memref_squeeze %dma_wait3A_53 : memref<1x!tpu.dma_semaphore, #tpu.memory_space<semaphore_mem>> -> memref<!tpu.dma_semaphore, #tpu.memory_space<semaphore_mem>>
    %dma_wait3A_55 = arith.constant 0 : i32
    %dma_wait3A_56 = arith.constant 0 : i32
    %dma_wait3A_57 = tpu.memref_slice %arg2[%dma_wait3A_47, %add3A, %dma_wait3A_55, %dma_wait3A_56] : memref<2x32x125x80xi32, #tpu.memory_space<hbm>> -> memref<1x1x125x80xi32, #tpu.memory_space<hbm>>
    %dma_wait3A_58 = tpu.memref_squeeze %dma_wait3A_57 : memref<1x1x125x80xi32, #tpu.memory_space<hbm>> -> memref<125x80xi32, #tpu.memory_space<hbm>>
    tpu.wait_dma2 semaphore(%dma_wait3A_54 : memref<!tpu.dma_semaphore, #tpu.memory_space<semaphore_mem>>) src(%dma_wait3A_58 : memref<125x80xi32, #tpu.memory_space<hbm>>) dst(%arg7 : memref<125x80xi32, #tpu.memory_space<vmem>>)
    %barrier3A = arith.constant 0 : index
    tpu.barrier barrier_id(%barrier3A)
    %dma_start3A_59 = arith.constant 0 : i32
    %dma_start3A_60 = arith.constant 0 : i32
    %dma_start3A_61 = arith.constant 0 : i32
    %dma_start3A_62 = arith.constant 0 : i32
    %dma_start3A_63 = arith.constant 0 : i32
    %dma_start3A_64 = tpu.memref_slice %arg8[%dma_start3A_60, %dma_start3A_62, %dma_start3A_63] : memref<6x80x64xf32, #tpu.memory_space<vmem>> -> memref<1x80x64xf32, #tpu.memory_space<vmem>>
    %dma_start3A_65 = tpu.memref_squeeze %dma_start3A_64 : memref<1x80x64xf32, #tpu.memory_space<vmem>> -> memref<80x64xf32, #tpu.memory_space<vmem>>
    %dma_start3A_66 = arith.constant 0 : i32
    %dma_start3A_67 = tpu.memref_slice %arg6[%dma_start3A_59, %dma_start3A_66] : memref<125x80xi32, #tpu.memory_space<vmem>> -> memref<1x80xi32, #tpu.memory_space<vmem>>
    %dma_start3A_68 = tpu.memref_squeeze %dma_start3A_67 : memref<1x80xi32, #tpu.memory_space<vmem>> -> memref<80xi32, #tpu.memory_space<vmem>>
    %dma_start3A_69 = arith.constant 0 : i32
    %dma_start3A_70 = arith.constant 0 : i32
    %dma_start3A_71 = tpu.memref_slice %arg3[%dma_start3A_69, %dma_start3A_70] : memref<10000x64xf32, #tpu.memory_space<hbm>> -> memref<10000x64xf32, #tpu.memory_space<hbm>>
    %dma_start3A_72 = tpu.memref_slice %arg10[%dma_start3A_61] : memref<6x!tpu.dma_semaphore, #tpu.memory_space<semaphore_mem>> -> memref<1x!tpu.dma_semaphore, #tpu.memory_space<semaphore_mem>>
    %dma_start3A_73 = tpu.memref_squeeze %dma_start3A_72 : memref<1x!tpu.dma_semaphore, #tpu.memory_space<semaphore_mem>> -> memref<!tpu.dma_semaphore, #tpu.memory_space<semaphore_mem>>
    tpu.enqueue_indirect_dma source(%dma_start3A_71 : memref<10000x64xf32, #tpu.memory_space<hbm>>) target(%dma_start3A_65 : memref<80x64xf32, #tpu.memory_space<vmem>>) offsets(%dma_start3A_68 : memref<80xi32, #tpu.memory_space<vmem>>) semaphore(%dma_start3A_73 : memref<!tpu.dma_semaphore, #tpu.memory_space<semaphore_mem>>)
    %dma_start3A_74 = arith.constant 1 : i32
    %dma_start3A_75 = arith.constant 1 : i32
    %dma_start3A_76 = arith.constant 1 : i32
    %dma_start3A_77 = arith.constant 0 : i32
    %dma_start3A_78 = arith.constant 0 : i32
    %dma_start3A_79 = tpu.memref_slice %arg8[%dma_start3A_75, %dma_start3A_77, %dma_start3A_78] : memref<6x80x64xf32, #tpu.memory_space<vmem>> -> memref<1x80x64xf32, #tpu.memory_space<vmem>>
    %dma_start3A_80 = tpu.memref_squeeze %dma_start3A_79 : memref<1x80x64xf32, #tpu.memory_space<vmem>> -> memref<80x64xf32, #tpu.memory_space<vmem>>
    %dma_start3A_81 = arith.constant 0 : i32
    %dma_start3A_82 = tpu.memref_slice %arg6[%dma_start3A_74, %dma_start3A_81] : memref<125x80xi32, #tpu.memory_space<vmem>> -> memref<1x80xi32, #tpu.memory_space<vmem>>
    %dma_start3A_83 = tpu.memref_squeeze %dma_start3A_82 : memref<1x80xi32, #tpu.memory_space<vmem>> -> memref<80xi32, #tpu.memory_space<vmem>>
    %dma_start3A_84 = arith.constant 0 : i32
    %dma_start3A_85 = arith.constant 0 : i32
    %dma_start3A_86 = tpu.memref_slice %arg3[%dma_start3A_84, %dma_start3A_85] : memref<10000x64xf32, #tpu.memory_space<hbm>> -> memref<10000x64xf32, #tpu.memory_space<hbm>>
    %dma_start3A_87 = tpu.memref_slice %arg10[%dma_start3A_76] : memref<6x!tpu.dma_semaphore, #tpu.memory_space<semaphore_mem>> -> memref<1x!tpu.dma_semaphore, #tpu.memory_space<semaphore_mem>>
    %dma_start3A_88 = tpu.memref_squeeze %dma_start3A_87 : memref<1x!tpu.dma_semaphore, #tpu.memory_space<semaphore_mem>> -> memref<!tpu.dma_semaphore, #tpu.memory_space<semaphore_mem>>
    tpu.enqueue_indirect_dma source(%dma_start3A_86 : memref<10000x64xf32, #tpu.memory_space<hbm>>) target(%dma_start3A_80 : memref<80x64xf32, #tpu.memory_space<vmem>>) offsets(%dma_start3A_83 : memref<80xi32, #tpu.memory_space<vmem>>) semaphore(%dma_start3A_88 : memref<!tpu.dma_semaphore, #tpu.memory_space<semaphore_mem>>)
    %dma_start3A_89 = arith.constant 2 : i32
    %dma_start3A_90 = arith.constant 2 : i32
    %dma_start3A_91 = arith.constant 2 : i32
    %dma_start3A_92 = arith.constant 0 : i32
    %dma_start3A_93 = arith.constant 0 : i32
    %dma_start3A_94 = tpu.memref_slice %arg8[%dma_start3A_90, %dma_start3A_92, %dma_start3A_93] : memref<6x80x64xf32, #tpu.memory_space<vmem>> -> memref<1x80x64xf32, #tpu.memory_space<vmem>>
    %dma_start3A_95 = tpu.memref_squeeze %dma_start3A_94 : memref<1x80x64xf32, #tpu.memory_space<vmem>> -> memref<80x64xf32, #tpu.memory_space<vmem>>
    %dma_start3A_96 = arith.constant 0 : i32
    %dma_start3A_97 = tpu.memref_slice %arg6[%dma_start3A_89, %dma_start3A_96] : memref<125x80xi32, #tpu.memory_space<vmem>> -> memref<1x80xi32, #tpu.memory_space<vmem>>
    %dma_start3A_98 = tpu.memref_squeeze %dma_start3A_97 : memref<1x80xi32, #tpu.memory_space<vmem>> -> memref<80xi32, #tpu.memory_space<vmem>>
    %dma_start3A_99 = arith.constant 0 : i32
    %dma_start3A_100 = arith.constant 0 : i32
    %dma_start3A_101 = tpu.memref_slice %arg3[%dma_start3A_99, %dma_start3A_100] : memref<10000x64xf32, #tpu.memory_space<hbm>> -> memref<10000x64xf32, #tpu.memory_space<hbm>>
    %dma_start3A_102 = tpu.memref_slice %arg10[%dma_start3A_91] : memref<6x!tpu.dma_semaphore, #tpu.memory_space<semaphore_mem>> -> memref<1x!tpu.dma_semaphore, #tpu.memory_space<semaphore_mem>>
    %dma_start3A_103 = tpu.memref_squeeze %dma_start3A_102 : memref<1x!tpu.dma_semaphore, #tpu.memory_space<semaphore_mem>> -> memref<!tpu.dma_semaphore, #tpu.memory_space<semaphore_mem>>
    tpu.enqueue_indirect_dma source(%dma_start3A_101 : memref<10000x64xf32, #tpu.memory_space<hbm>>) target(%dma_start3A_95 : memref<80x64xf32, #tpu.memory_space<vmem>>) offsets(%dma_start3A_98 : memref<80xi32, #tpu.memory_space<vmem>>) semaphore(%dma_start3A_103 : memref<!tpu.dma_semaphore, #tpu.memory_space<semaphore_mem>>)
    %dma_start3A_104 = arith.constant 3 : i32
    %dma_start3A_105 = arith.constant 3 : i32
    %dma_start3A_106 = arith.constant 3 : i32
    %dma_start3A_107 = arith.constant 0 : i32
    %dma_start3A_108 = arith.constant 0 : i32
    %dma_start3A_109 = tpu.memref_slice %arg8[%dma_start3A_105, %dma_start3A_107, %dma_start3A_108] : memref<6x80x64xf32, #tpu.memory_space<vmem>> -> memref<1x80x64xf32, #tpu.memory_space<vmem>>
    %dma_start3A_110 = tpu.memref_squeeze %dma_start3A_109 : memref<1x80x64xf32, #tpu.memory_space<vmem>> -> memref<80x64xf32, #tpu.memory_space<vmem>>
    %dma_start3A_111 = arith.constant 0 : i32
    %dma_start3A_112 = tpu.memref_slice %arg6[%dma_start3A_104, %dma_start3A_111] : memref<125x80xi32, #tpu.memory_space<vmem>> -> memref<1x80xi32, #tpu.memory_space<vmem>>
    %dma_start3A_113 = tpu.memref_squeeze %dma_start3A_112 : memref<1x80xi32, #tpu.memory_space<vmem>> -> memref<80xi32, #tpu.memory_space<vmem>>
    %dma_start3A_114 = arith.constant 0 : i32
    %dma_start3A_115 = arith.constant 0 : i32
    %dma_start3A_116 = tpu.memref_slice %arg3[%dma_start3A_114, %dma_start3A_115] : memref<10000x64xf32, #tpu.memory_space<hbm>> -> memref<10000x64xf32, #tpu.memory_space<hbm>>
    %dma_start3A_117 = tpu.memref_slice %arg10[%dma_start3A_106] : memref<6x!tpu.dma_semaphore, #tpu.memory_space<semaphore_mem>> -> memref<1x!tpu.dma_semaphore, #tpu.memory_space<semaphore_mem>>
    %dma_start3A_118 = tpu.memref_squeeze %dma_start3A_117 : memref<1x!tpu.dma_semaphore, #tpu.memory_space<semaphore_mem>> -> memref<!tpu.dma_semaphore, #tpu.memory_space<semaphore_mem>>
    tpu.enqueue_indirect_dma source(%dma_start3A_116 : memref<10000x64xf32, #tpu.memory_space<hbm>>) target(%dma_start3A_110 : memref<80x64xf32, #tpu.memory_space<vmem>>) offsets(%dma_start3A_113 : memref<80xi32, #tpu.memory_space<vmem>>) semaphore(%dma_start3A_118 : memref<!tpu.dma_semaphore, #tpu.memory_space<semaphore_mem>>)
    %dma_start3A_119 = arith.constant 4 : i32
    %dma_start3A_120 = arith.constant 4 : i32
    %dma_start3A_121 = arith.constant 4 : i32
    %dma_start3A_122 = arith.constant 0 : i32
    %dma_start3A_123 = arith.constant 0 : i32
    %dma_start3A_124 = tpu.memref_slice %arg8[%dma_start3A_120, %dma_start3A_122, %dma_start3A_123] : memref<6x80x64xf32, #tpu.memory_space<vmem>> -> memref<1x80x64xf32, #tpu.memory_space<vmem>>
    %dma_start3A_125 = tpu.memref_squeeze %dma_start3A_124 : memref<1x80x64xf32, #tpu.memory_space<vmem>> -> memref<80x64xf32, #tpu.memory_space<vmem>>
    %dma_start3A_126 = arith.constant 0 : i32
    %dma_start3A_127 = tpu.memref_slice %arg6[%dma_start3A_119, %dma_start3A_126] : memref<125x80xi32, #tpu.memory_space<vmem>> -> memref<1x80xi32, #tpu.memory_space<vmem>>
    %dma_start3A_128 = tpu.memref_squeeze %dma_start3A_127 : memref<1x80xi32, #tpu.memory_space<vmem>> -> memref<80xi32, #tpu.memory_space<vmem>>
    %dma_start3A_129 = arith.constant 0 : i32
    %dma_start3A_130 = arith.constant 0 : i32
    %dma_start3A_131 = tpu.memref_slice %arg3[%dma_start3A_129, %dma_start3A_130] : memref<10000x64xf32, #tpu.memory_space<hbm>> -> memref<10000x64xf32, #tpu.memory_space<hbm>>
    %dma_start3A_132 = tpu.memref_slice %arg10[%dma_start3A_121] : memref<6x!tpu.dma_semaphore, #tpu.memory_space<semaphore_mem>> -> memref<1x!tpu.dma_semaphore, #tpu.memory_space<semaphore_mem>>
    %dma_start3A_133 = tpu.memref_squeeze %dma_start3A_132 : memref<1x!tpu.dma_semaphore, #tpu.memory_space<semaphore_mem>> -> memref<!tpu.dma_semaphore, #tpu.memory_space<semaphore_mem>>
    tpu.enqueue_indirect_dma source(%dma_start3A_131 : memref<10000x64xf32, #tpu.memory_space<hbm>>) target(%dma_start3A_125 : memref<80x64xf32, #tpu.memory_space<vmem>>) offsets(%dma_start3A_128 : memref<80xi32, #tpu.memory_space<vmem>>) semaphore(%dma_start3A_133 : memref<!tpu.dma_semaphore, #tpu.memory_space<semaphore_mem>>)
    %dma_start3A_134 = arith.constant 5 : i32
    %dma_start3A_135 = arith.constant 5 : i32
    %dma_start3A_136 = arith.constant 5 : i32
    %dma_start3A_137 = arith.constant 0 : i32
    %dma_start3A_138 = arith.constant 0 : i32
    %dma_start3A_139 = tpu.memref_slice %arg8[%dma_start3A_135, %dma_start3A_137, %dma_start3A_138] : memref<6x80x64xf32, #tpu.memory_space<vmem>> -> memref<1x80x64xf32, #tpu.memory_space<vmem>>
    %dma_start3A_140 = tpu.memref_squeeze %dma_start3A_139 : memref<1x80x64xf32, #tpu.memory_space<vmem>> -> memref<80x64xf32, #tpu.memory_space<vmem>>
    %dma_start3A_141 = arith.constant 0 : i32
    %dma_start3A_142 = tpu.memref_slice %arg6[%dma_start3A_134, %dma_start3A_141] : memref<125x80xi32, #tpu.memory_space<vmem>> -> memref<1x80xi32, #tpu.memory_space<vmem>>
    %dma_start3A_143 = tpu.memref_squeeze %dma_start3A_142 : memref<1x80xi32, #tpu.memory_space<vmem>> -> memref<80xi32, #tpu.memory_space<vmem>>
    %dma_start3A_144 = arith.constant 0 : i32
    %dma_start3A_145 = arith.constant 0 : i32
    %dma_start3A_146 = tpu.memref_slice %arg3[%dma_start3A_144, %dma_start3A_145] : memref<10000x64xf32, #tpu.memory_space<hbm>> -> memref<10000x64xf32, #tpu.memory_space<hbm>>
    %dma_start3A_147 = tpu.memref_slice %arg10[%dma_start3A_136] : memref<6x!tpu.dma_semaphore, #tpu.memory_space<semaphore_mem>> -> memref<1x!tpu.dma_semaphore, #tpu.memory_space<semaphore_mem>>
    %dma_start3A_148 = tpu.memref_squeeze %dma_start3A_147 : memref<1x!tpu.dma_semaphore, #tpu.memory_space<semaphore_mem>> -> memref<!tpu.dma_semaphore, #tpu.memory_space<semaphore_mem>>
    tpu.enqueue_indirect_dma source(%dma_start3A_146 : memref<10000x64xf32, #tpu.memory_space<hbm>>) target(%dma_start3A_140 : memref<80x64xf32, #tpu.memory_space<vmem>>) offsets(%dma_start3A_143 : memref<80xi32, #tpu.memory_space<vmem>>) semaphore(%dma_start3A_148 : memref<!tpu.dma_semaphore, #tpu.memory_space<semaphore_mem>>)
    %scan3A = arith.constant 0 : i32
    %scan3A_149 = arith.constant 0 : i32
    %scan3A_150 = arith.constant 20 : i32
    %scan3A_151 = arith.addi %scan3A_149, %scan3A_150 : i32
    %scan3A_152 = arith.constant 1 : i32
    scf.for %scan3A_461 = %scan3A_149 to %scan3A_151 step %scan3A_152  : i32 {
      %mul3A_462 = arith.constant 6 : i32
      %mul3A_463 = arith.muli %scan3A_461, %mul3A_462 : i32
      %add3A_464 = arith.constant 0 : i32
      %add3A_465 = arith.addi %mul3A_463, %add3A_464 : i32
      %dma_wait3A_466 = arith.constant 0 : i32
      %dma_wait3A_467 = arith.constant 0 : i32
      %dma_wait3A_468 = arith.constant 0 : i32
      %dma_wait3A_469 = arith.constant 0 : i32
      %dma_wait3A_470 = tpu.memref_slice %arg8[%dma_wait3A_466, %dma_wait3A_468, %dma_wait3A_469] : memref<6x80x64xf32, #tpu.memory_space<vmem>> -> memref<1x80x64xf32, #tpu.memory_space<vmem>>
      %dma_wait3A_471 = tpu.memref_squeeze %dma_wait3A_470 : memref<1x80x64xf32, #tpu.memory_space<vmem>> -> memref<80x64xf32, #tpu.memory_space<vmem>>
      %dma_wait3A_472 = arith.constant 0 : i32
      %dma_wait3A_473 = tpu.memref_slice %arg6[%add3A_465, %dma_wait3A_472] : memref<125x80xi32, #tpu.memory_space<vmem>> -> memref<1x80xi32, #tpu.memory_space<vmem>>
      %dma_wait3A_474 = tpu.memref_squeeze %dma_wait3A_473 : memref<1x80xi32, #tpu.memory_space<vmem>> -> memref<80xi32, #tpu.memory_space<vmem>>
      %dma_wait3A_475 = arith.constant 0 : i32
      %dma_wait3A_476 = arith.constant 0 : i32
      %dma_wait3A_477 = tpu.memref_slice %arg3[%dma_wait3A_475, %dma_wait3A_476] : memref<10000x64xf32, #tpu.memory_space<hbm>> -> memref<10000x64xf32, #tpu.memory_space<hbm>>
      %dma_wait3A_478 = tpu.memref_slice %arg10[%dma_wait3A_467] : memref<6x!tpu.dma_semaphore, #tpu.memory_space<semaphore_mem>> -> memref<1x!tpu.dma_semaphore, #tpu.memory_space<semaphore_mem>>
      %dma_wait3A_479 = tpu.memref_squeeze %dma_wait3A_478 : memref<1x!tpu.dma_semaphore, #tpu.memory_space<semaphore_mem>> -> memref<!tpu.dma_semaphore, #tpu.memory_space<semaphore_mem>>
      tpu.wait_indirect_dma semaphore(%dma_wait3A_479 : memref<!tpu.dma_semaphore, #tpu.memory_space<semaphore_mem>>) src(%dma_wait3A_477 : memref<10000x64xf32, #tpu.memory_space<hbm>>) dst(%dma_wait3A_471 : memref<80x64xf32, #tpu.memory_space<vmem>>)
      %dma_start3A_480 = arith.constant 0 : i32
      %dma_start3A_481 = arith.constant 0 : i32
      %dma_start3A_482 = arith.constant 0 : i32
      %dma_start3A_483 = arith.constant 0 : i32
      %dma_start3A_484 = tpu.memref_slice %arg8[%dma_start3A_480, %dma_start3A_482, %dma_start3A_483] : memref<6x80x64xf32, #tpu.memory_space<vmem>> -> memref<1x80x64xf32, #tpu.memory_space<vmem>>
      %dma_start3A_485 = tpu.memref_squeeze %dma_start3A_484 : memref<1x80x64xf32, #tpu.memory_space<vmem>> -> memref<80x64xf32, #tpu.memory_space<vmem>>
      %dma_start3A_486 = arith.constant 0 : i32
      %dma_start3A_487 = tpu.memref_slice %arg7[%add3A_465, %dma_start3A_486] : memref<125x80xi32, #tpu.memory_space<vmem>> -> memref<1x80xi32, #tpu.memory_space<vmem>>
      %dma_start3A_488 = tpu.memref_squeeze %dma_start3A_487 : memref<1x80xi32, #tpu.memory_space<vmem>> -> memref<80xi32, #tpu.memory_space<vmem>>
      %dma_start3A_489 = arith.constant 0 : i32
      %dma_start3A_490 = arith.constant 0 : i32
      %dma_start3A_491 = tpu.memref_slice %arg9[%dma_start3A_489, %dma_start3A_490] : memref<10000x64xf32, #tpu.memory_space<vmem_shared>> -> memref<10000x64xf32, #tpu.memory_space<vmem_shared>>
      %dma_start3A_492 = tpu.memref_slice %arg11[%dma_start3A_481] : memref<6x!tpu.dma_semaphore, #tpu.memory_space<semaphore_mem>> -> memref<1x!tpu.dma_semaphore, #tpu.memory_space<semaphore_mem>>
      %dma_start3A_493 = tpu.memref_squeeze %dma_start3A_492 : memref<1x!tpu.dma_semaphore, #tpu.memory_space<semaphore_mem>> -> memref<!tpu.dma_semaphore, #tpu.memory_space<semaphore_mem>>
      tpu.enqueue_indirect_dma source(%dma_start3A_485 : memref<80x64xf32, #tpu.memory_space<vmem>>) target(%dma_start3A_491 : memref<10000x64xf32, #tpu.memory_space<vmem_shared>>) offsets(%dma_start3A_488 : memref<80xi32, #tpu.memory_space<vmem>>) semaphore(%dma_start3A_493 : memref<!tpu.dma_semaphore, #tpu.memory_space<semaphore_mem>>) {add = true}
      %dma_wait3A_494 = arith.constant 0 : i32
      %dma_wait3A_495 = arith.constant 0 : i32
      %dma_wait3A_496 = arith.constant 0 : i32
      %dma_wait3A_497 = arith.constant 0 : i32
      %dma_wait3A_498 = tpu.memref_slice %arg8[%dma_wait3A_494, %dma_wait3A_496, %dma_wait3A_497] : memref<6x80x64xf32, #tpu.memory_space<vmem>> -> memref<1x80x64xf32, #tpu.memory_space<vmem>>
      %dma_wait3A_499 = tpu.memref_squeeze %dma_wait3A_498 : memref<1x80x64xf32, #tpu.memory_space<vmem>> -> memref<80x64xf32, #tpu.memory_space<vmem>>
      %dma_wait3A_500 = arith.constant 0 : i32
      %dma_wait3A_501 = tpu.memref_slice %arg7[%add3A_465, %dma_wait3A_500] : memref<125x80xi32, #tpu.memory_space<vmem>> -> memref<1x80xi32, #tpu.memory_space<vmem>>
      %dma_wait3A_502 = tpu.memref_squeeze %dma_wait3A_501 : memref<1x80xi32, #tpu.memory_space<vmem>> -> memref<80xi32, #tpu.memory_space<vmem>>
      %dma_wait3A_503 = arith.constant 0 : i32
      %dma_wait3A_504 = arith.constant 0 : i32
      %dma_wait3A_505 = tpu.memref_slice %arg9[%dma_wait3A_503, %dma_wait3A_504] : memref<10000x64xf32, #tpu.memory_space<vmem_shared>> -> memref<10000x64xf32, #tpu.memory_space<vmem_shared>>
      %dma_wait3A_506 = tpu.memref_slice %arg11[%dma_wait3A_495] : memref<6x!tpu.dma_semaphore, #tpu.memory_space<semaphore_mem>> -> memref<1x!tpu.dma_semaphore, #tpu.memory_space<semaphore_mem>>
      %dma_wait3A_507 = tpu.memref_squeeze %dma_wait3A_506 : memref<1x!tpu.dma_semaphore, #tpu.memory_space<semaphore_mem>> -> memref<!tpu.dma_semaphore, #tpu.memory_space<semaphore_mem>>
      tpu.wait_indirect_dma semaphore(%dma_wait3A_507 : memref<!tpu.dma_semaphore, #tpu.memory_space<semaphore_mem>>) src(%dma_wait3A_499 : memref<80x64xf32, #tpu.memory_space<vmem>>) dst(%dma_wait3A_505 : memref<10000x64xf32, #tpu.memory_space<vmem_shared>>)
      %add3A_508 = arith.constant 6 : i32
      %add3A_509 = arith.addi %add3A_465, %add3A_508 : i32
      %lt3A = arith.constant 120 : i32
      %lt3A_510 = arith.cmpi slt, %add3A_509, %lt3A : i32
      %convert_element_type3A = arith.extui %lt3A_510 : i1 to i32
      %cond3A = arith.constant 0 : i32
      %cond3A_511 = arith.cmpi ne, %convert_element_type3A, %cond3A : i32
      scf.if %cond3A_511 {
        %add3A_767 = arith.constant 6 : i32
        %add3A_768 = arith.addi %add3A_465, %add3A_767 : i32
        %dma_start3A_769 = arith.constant 0 : i32
        %dma_start3A_770 = arith.constant 0 : i32
        %dma_start3A_771 = arith.constant 0 : i32
        %dma_start3A_772 = arith.constant 0 : i32
        %dma_start3A_773 = tpu.memref_slice %arg8[%dma_start3A_769, %dma_start3A_771, %dma_start3A_772] : memref<6x80x64xf32, #tpu.memory_space<vmem>> -> memref<1x80x64xf32, #tpu.memory_space<vmem>>
        %dma_start3A_774 = tpu.memref_squeeze %dma_start3A_773 : memref<1x80x64xf32, #tpu.memory_space<vmem>> -> memref<80x64xf32, #tpu.memory_space<vmem>>
        %dma_start3A_775 = arith.constant 0 : i32
        %dma_start3A_776 = tpu.memref_slice %arg6[%add3A_768, %dma_start3A_775] : memref<125x80xi32, #tpu.memory_space<vmem>> -> memref<1x80xi32, #tpu.memory_space<vmem>>
        %dma_start3A_777 = tpu.memref_squeeze %dma_start3A_776 : memref<1x80xi32, #tpu.memory_space<vmem>> -> memref<80xi32, #tpu.memory_space<vmem>>
        %dma_start3A_778 = arith.constant 0 : i32
        %dma_start3A_779 = arith.constant 0 : i32
        %dma_start3A_780 = tpu.memref_slice %arg3[%dma_start3A_778, %dma_start3A_779] : memref<10000x64xf32, #tpu.memory_space<hbm>> -> memref<10000x64xf32, #tpu.memory_space<hbm>>
        %dma_start3A_781 = tpu.memref_slice %arg10[%dma_start3A_770] : memref<6x!tpu.dma_semaphore, #tpu.memory_space<semaphore_mem>> -> memref<1x!tpu.dma_semaphore, #tpu.memory_space<semaphore_mem>>
        %dma_start3A_782 = tpu.memref_squeeze %dma_start3A_781 : memref<1x!tpu.dma_semaphore, #tpu.memory_space<semaphore_mem>> -> memref<!tpu.dma_semaphore, #tpu.memory_space<semaphore_mem>>
        tpu.enqueue_indirect_dma source(%dma_start3A_780 : memref<10000x64xf32, #tpu.memory_space<hbm>>) target(%dma_start3A_774 : memref<80x64xf32, #tpu.memory_space<vmem>>) offsets(%dma_start3A_777 : memref<80xi32, #tpu.memory_space<vmem>>) semaphore(%dma_start3A_782 : memref<!tpu.dma_semaphore, #tpu.memory_space<semaphore_mem>>)
      } else {
      }
      %add3A_512 = arith.constant 1 : i32
      %add3A_513 = arith.addi %mul3A_463, %add3A_512 : i32
      %dma_wait3A_514 = arith.constant 1 : i32
      %dma_wait3A_515 = arith.constant 1 : i32
      %dma_wait3A_516 = arith.constant 0 : i32
      %dma_wait3A_517 = arith.constant 0 : i32
      %dma_wait3A_518 = tpu.memref_slice %arg8[%dma_wait3A_514, %dma_wait3A_516, %dma_wait3A_517] : memref<6x80x64xf32, #tpu.memory_space<vmem>> -> memref<1x80x64xf32, #tpu.memory_space<vmem>>
      %dma_wait3A_519 = tpu.memref_squeeze %dma_wait3A_518 : memref<1x80x64xf32, #tpu.memory_space<vmem>> -> memref<80x64xf32, #tpu.memory_space<vmem>>
      %dma_wait3A_520 = arith.constant 0 : i32
      %dma_wait3A_521 = tpu.memref_slice %arg6[%add3A_513, %dma_wait3A_520] : memref<125x80xi32, #tpu.memory_space<vmem>> -> memref<1x80xi32, #tpu.memory_space<vmem>>
      %dma_wait3A_522 = tpu.memref_squeeze %dma_wait3A_521 : memref<1x80xi32, #tpu.memory_space<vmem>> -> memref<80xi32, #tpu.memory_space<vmem>>
      %dma_wait3A_523 = arith.constant 0 : i32
      %dma_wait3A_524 = arith.constant 0 : i32
      %dma_wait3A_525 = tpu.memref_slice %arg3[%dma_wait3A_523, %dma_wait3A_524] : memref<10000x64xf32, #tpu.memory_space<hbm>> -> memref<10000x64xf32, #tpu.memory_space<hbm>>
      %dma_wait3A_526 = tpu.memref_slice %arg10[%dma_wait3A_515] : memref<6x!tpu.dma_semaphore, #tpu.memory_space<semaphore_mem>> -> memref<1x!tpu.dma_semaphore, #tpu.memory_space<semaphore_mem>>
      %dma_wait3A_527 = tpu.memref_squeeze %dma_wait3A_526 : memref<1x!tpu.dma_semaphore, #tpu.memory_space<semaphore_mem>> -> memref<!tpu.dma_semaphore, #tpu.memory_space<semaphore_mem>>
      tpu.wait_indirect_dma semaphore(%dma_wait3A_527 : memref<!tpu.dma_semaphore, #tpu.memory_space<semaphore_mem>>) src(%dma_wait3A_525 : memref<10000x64xf32, #tpu.memory_space<hbm>>) dst(%dma_wait3A_519 : memref<80x64xf32, #tpu.memory_space<vmem>>)
      %dma_start3A_528 = arith.constant 1 : i32
      %dma_start3A_529 = arith.constant 1 : i32
      %dma_start3A_530 = arith.constant 0 : i32
      %dma_start3A_531 = arith.constant 0 : i32
      %dma_start3A_532 = tpu.memref_slice %arg8[%dma_start3A_528, %dma_start3A_530, %dma_start3A_531] : memref<6x80x64xf32, #tpu.memory_space<vmem>> -> memref<1x80x64xf32, #tpu.memory_space<vmem>>
      %dma_start3A_533 = tpu.memref_squeeze %dma_start3A_532 : memref<1x80x64xf32, #tpu.memory_space<vmem>> -> memref<80x64xf32, #tpu.memory_space<vmem>>
      %dma_start3A_534 = arith.constant 0 : i32
      %dma_start3A_535 = tpu.memref_slice %arg7[%add3A_513, %dma_start3A_534] : memref<125x80xi32, #tpu.memory_space<vmem>> -> memref<1x80xi32, #tpu.memory_space<vmem>>
      %dma_start3A_536 = tpu.memref_squeeze %dma_start3A_535 : memref<1x80xi32, #tpu.memory_space<vmem>> -> memref<80xi32, #tpu.memory_space<vmem>>
      %dma_start3A_537 = arith.constant 0 : i32
      %dma_start3A_538 = arith.constant 0 : i32
      %dma_start3A_539 = tpu.memref_slice %arg9[%dma_start3A_537, %dma_start3A_538] : memref<10000x64xf32, #tpu.memory_space<vmem_shared>> -> memref<10000x64xf32, #tpu.memory_space<vmem_shared>>
      %dma_start3A_540 = tpu.memref_slice %arg11[%dma_start3A_529] : memref<6x!tpu.dma_semaphore, #tpu.memory_space<semaphore_mem>> -> memref<1x!tpu.dma_semaphore, #tpu.memory_space<semaphore_mem>>
      %dma_start3A_541 = tpu.memref_squeeze %dma_start3A_540 : memref<1x!tpu.dma_semaphore, #tpu.memory_space<semaphore_mem>> -> memref<!tpu.dma_semaphore, #tpu.memory_space<semaphore_mem>>
      tpu.enqueue_indirect_dma source(%dma_start3A_533 : memref<80x64xf32, #tpu.memory_space<vmem>>) target(%dma_start3A_539 : memref<10000x64xf32, #tpu.memory_space<vmem_shared>>) offsets(%dma_start3A_536 : memref<80xi32, #tpu.memory_space<vmem>>) semaphore(%dma_start3A_541 : memref<!tpu.dma_semaphore, #tpu.memory_space<semaphore_mem>>) {add = true}
      %dma_wait3A_542 = arith.constant 1 : i32
      %dma_wait3A_543 = arith.constant 1 : i32
      %dma_wait3A_544 = arith.constant 0 : i32
      %dma_wait3A_545 = arith.constant 0 : i32
      %dma_wait3A_546 = tpu.memref_slice %arg8[%dma_wait3A_542, %dma_wait3A_544, %dma_wait3A_545] : memref<6x80x64xf32, #tpu.memory_space<vmem>> -> memref<1x80x64xf32, #tpu.memory_space<vmem>>
      %dma_wait3A_547 = tpu.memref_squeeze %dma_wait3A_546 : memref<1x80x64xf32, #tpu.memory_space<vmem>> -> memref<80x64xf32, #tpu.memory_space<vmem>>
      %dma_wait3A_548 = arith.constant 0 : i32
      %dma_wait3A_549 = tpu.memref_slice %arg7[%add3A_513, %dma_wait3A_548] : memref<125x80xi32, #tpu.memory_space<vmem>> -> memref<1x80xi32, #tpu.memory_space<vmem>>
      %dma_wait3A_550 = tpu.memref_squeeze %dma_wait3A_549 : memref<1x80xi32, #tpu.memory_space<vmem>> -> memref<80xi32, #tpu.memory_space<vmem>>
      %dma_wait3A_551 = arith.constant 0 : i32
      %dma_wait3A_552 = arith.constant 0 : i32
      %dma_wait3A_553 = tpu.memref_slice %arg9[%dma_wait3A_551, %dma_wait3A_552] : memref<10000x64xf32, #tpu.memory_space<vmem_shared>> -> memref<10000x64xf32, #tpu.memory_space<vmem_shared>>
      %dma_wait3A_554 = tpu.memref_slice %arg11[%dma_wait3A_543] : memref<6x!tpu.dma_semaphore, #tpu.memory_space<semaphore_mem>> -> memref<1x!tpu.dma_semaphore, #tpu.memory_space<semaphore_mem>>
      %dma_wait3A_555 = tpu.memref_squeeze %dma_wait3A_554 : memref<1x!tpu.dma_semaphore, #tpu.memory_space<semaphore_mem>> -> memref<!tpu.dma_semaphore, #tpu.memory_space<semaphore_mem>>
      tpu.wait_indirect_dma semaphore(%dma_wait3A_555 : memref<!tpu.dma_semaphore, #tpu.memory_space<semaphore_mem>>) src(%dma_wait3A_547 : memref<80x64xf32, #tpu.memory_space<vmem>>) dst(%dma_wait3A_553 : memref<10000x64xf32, #tpu.memory_space<vmem_shared>>)
      %add3A_556 = arith.constant 6 : i32
      %add3A_557 = arith.addi %add3A_513, %add3A_556 : i32
      %lt3A_558 = arith.constant 120 : i32
      %lt3A_559 = arith.cmpi slt, %add3A_557, %lt3A_558 : i32
      %convert_element_type3A_560 = arith.extui %lt3A_559 : i1 to i32
      %cond3A_561 = arith.constant 0 : i32
      %cond3A_562 = arith.cmpi ne, %convert_element_type3A_560, %cond3A_561 : i32
      scf.if %cond3A_562 {
        %add3A_767 = arith.constant 6 : i32
        %add3A_768 = arith.addi %add3A_513, %add3A_767 : i32
        %dma_start3A_769 = arith.constant 1 : i32
        %dma_start3A_770 = arith.constant 1 : i32
        %dma_start3A_771 = arith.constant 0 : i32
        %dma_start3A_772 = arith.constant 0 : i32
        %dma_start3A_773 = tpu.memref_slice %arg8[%dma_start3A_769, %dma_start3A_771, %dma_start3A_772] : memref<6x80x64xf32, #tpu.memory_space<vmem>> -> memref<1x80x64xf32, #tpu.memory_space<vmem>>
        %dma_start3A_774 = tpu.memref_squeeze %dma_start3A_773 : memref<1x80x64xf32, #tpu.memory_space<vmem>> -> memref<80x64xf32, #tpu.memory_space<vmem>>
        %dma_start3A_775 = arith.constant 0 : i32
        %dma_start3A_776 = tpu.memref_slice %arg6[%add3A_768, %dma_start3A_775] : memref<125x80xi32, #tpu.memory_space<vmem>> -> memref<1x80xi32, #tpu.memory_space<vmem>>
        %dma_start3A_777 = tpu.memref_squeeze %dma_start3A_776 : memref<1x80xi32, #tpu.memory_space<vmem>> -> memref<80xi32, #tpu.memory_space<vmem>>
        %dma_start3A_778 = arith.constant 0 : i32
        %dma_start3A_779 = arith.constant 0 : i32
        %dma_start3A_780 = tpu.memref_slice %arg3[%dma_start3A_778, %dma_start3A_779] : memref<10000x64xf32, #tpu.memory_space<hbm>> -> memref<10000x64xf32, #tpu.memory_space<hbm>>
        %dma_start3A_781 = tpu.memref_slice %arg10[%dma_start3A_770] : memref<6x!tpu.dma_semaphore, #tpu.memory_space<semaphore_mem>> -> memref<1x!tpu.dma_semaphore, #tpu.memory_space<semaphore_mem>>
        %dma_start3A_782 = tpu.memref_squeeze %dma_start3A_781 : memref<1x!tpu.dma_semaphore, #tpu.memory_space<semaphore_mem>> -> memref<!tpu.dma_semaphore, #tpu.memory_space<semaphore_mem>>
        tpu.enqueue_indirect_dma source(%dma_start3A_780 : memref<10000x64xf32, #tpu.memory_space<hbm>>) target(%dma_start3A_774 : memref<80x64xf32, #tpu.memory_space<vmem>>) offsets(%dma_start3A_777 : memref<80xi32, #tpu.memory_space<vmem>>) semaphore(%dma_start3A_782 : memref<!tpu.dma_semaphore, #tpu.memory_space<semaphore_mem>>)
      } else {
      }
      %add3A_563 = arith.constant 2 : i32
      %add3A_564 = arith.addi %mul3A_463, %add3A_563 : i32
      %dma_wait3A_565 = arith.constant 2 : i32
      %dma_wait3A_566 = arith.constant 2 : i32
      %dma_wait3A_567 = arith.constant 0 : i32
      %dma_wait3A_568 = arith.constant 0 : i32
      %dma_wait3A_569 = tpu.memref_slice %arg8[%dma_wait3A_565, %dma_wait3A_567, %dma_wait3A_568] : memref<6x80x64xf32, #tpu.memory_space<vmem>> -> memref<1x80x64xf32, #tpu.memory_space<vmem>>
      %dma_wait3A_570 = tpu.memref_squeeze %dma_wait3A_569 : memref<1x80x64xf32, #tpu.memory_space<vmem>> -> memref<80x64xf32, #tpu.memory_space<vmem>>
      %dma_wait3A_571 = arith.constant 0 : i32
      %dma_wait3A_572 = tpu.memref_slice %arg6[%add3A_564, %dma_wait3A_571] : memref<125x80xi32, #tpu.memory_space<vmem>> -> memref<1x80xi32, #tpu.memory_space<vmem>>
      %dma_wait3A_573 = tpu.memref_squeeze %dma_wait3A_572 : memref<1x80xi32, #tpu.memory_space<vmem>> -> memref<80xi32, #tpu.memory_space<vmem>>
      %dma_wait3A_574 = arith.constant 0 : i32
      %dma_wait3A_575 = arith.constant 0 : i32
      %dma_wait3A_576 = tpu.memref_slice %arg3[%dma_wait3A_574, %dma_wait3A_575] : memref<10000x64xf32, #tpu.memory_space<hbm>> -> memref<10000x64xf32, #tpu.memory_space<hbm>>
      %dma_wait3A_577 = tpu.memref_slice %arg10[%dma_wait3A_566] : memref<6x!tpu.dma_semaphore, #tpu.memory_space<semaphore_mem>> -> memref<1x!tpu.dma_semaphore, #tpu.memory_space<semaphore_mem>>
      %dma_wait3A_578 = tpu.memref_squeeze %dma_wait3A_577 : memref<1x!tpu.dma_semaphore, #tpu.memory_space<semaphore_mem>> -> memref<!tpu.dma_semaphore, #tpu.memory_space<semaphore_mem>>
      tpu.wait_indirect_dma semaphore(%dma_wait3A_578 : memref<!tpu.dma_semaphore, #tpu.memory_space<semaphore_mem>>) src(%dma_wait3A_576 : memref<10000x64xf32, #tpu.memory_space<hbm>>) dst(%dma_wait3A_570 : memref<80x64xf32, #tpu.memory_space<vmem>>)
      %dma_start3A_579 = arith.constant 2 : i32
      %dma_start3A_580 = arith.constant 2 : i32
      %dma_start3A_581 = arith.constant 0 : i32
      %dma_start3A_582 = arith.constant 0 : i32
      %dma_start3A_583 = tpu.memref_slice %arg8[%dma_start3A_579, %dma_start3A_581, %dma_start3A_582] : memref<6x80x64xf32, #tpu.memory_space<vmem>> -> memref<1x80x64xf32, #tpu.memory_space<vmem>>
      %dma_start3A_584 = tpu.memref_squeeze %dma_start3A_583 : memref<1x80x64xf32, #tpu.memory_space<vmem>> -> memref<80x64xf32, #tpu.memory_space<vmem>>
      %dma_start3A_585 = arith.constant 0 : i32
      %dma_start3A_586 = tpu.memref_slice %arg7[%add3A_564, %dma_start3A_585] : memref<125x80xi32, #tpu.memory_space<vmem>> -> memref<1x80xi32, #tpu.memory_space<vmem>>
      %dma_start3A_587 = tpu.memref_squeeze %dma_start3A_586 : memref<1x80xi32, #tpu.memory_space<vmem>> -> memref<80xi32, #tpu.memory_space<vmem>>
      %dma_start3A_588 = arith.constant 0 : i32
      %dma_start3A_589 = arith.constant 0 : i32
      %dma_start3A_590 = tpu.memref_slice %arg9[%dma_start3A_588, %dma_start3A_589] : memref<10000x64xf32, #tpu.memory_space<vmem_shared>> -> memref<10000x64xf32, #tpu.memory_space<vmem_shared>>
      %dma_start3A_591 = tpu.memref_slice %arg11[%dma_start3A_580] : memref<6x!tpu.dma_semaphore, #tpu.memory_space<semaphore_mem>> -> memref<1x!tpu.dma_semaphore, #tpu.memory_space<semaphore_mem>>
      %dma_start3A_592 = tpu.memref_squeeze %dma_start3A_591 : memref<1x!tpu.dma_semaphore, #tpu.memory_space<semaphore_mem>> -> memref<!tpu.dma_semaphore, #tpu.memory_space<semaphore_mem>>
      tpu.enqueue_indirect_dma source(%dma_start3A_584 : memref<80x64xf32, #tpu.memory_space<vmem>>) target(%dma_start3A_590 : memref<10000x64xf32, #tpu.memory_space<vmem_shared>>) offsets(%dma_start3A_587 : memref<80xi32, #tpu.memory_space<vmem>>) semaphore(%dma_start3A_592 : memref<!tpu.dma_semaphore, #tpu.memory_space<semaphore_mem>>) {add = true}
      %dma_wait3A_593 = arith.constant 2 : i32
      %dma_wait3A_594 = arith.constant 2 : i32
      %dma_wait3A_595 = arith.constant 0 : i32
      %dma_wait3A_596 = arith.constant 0 : i32
      %dma_wait3A_597 = tpu.memref_slice %arg8[%dma_wait3A_593, %dma_wait3A_595, %dma_wait3A_596] : memref<6x80x64xf32, #tpu.memory_space<vmem>> -> memref<1x80x64xf32, #tpu.memory_space<vmem>>
      %dma_wait3A_598 = tpu.memref_squeeze %dma_wait3A_597 : memref<1x80x64xf32, #tpu.memory_space<vmem>> -> memref<80x64xf32, #tpu.memory_space<vmem>>
      %dma_wait3A_599 = arith.constant 0 : i32
      %dma_wait3A_600 = tpu.memref_slice %arg7[%add3A_564, %dma_wait3A_599] : memref<125x80xi32, #tpu.memory_space<vmem>> -> memref<1x80xi32, #tpu.memory_space<vmem>>
      %dma_wait3A_601 = tpu.memref_squeeze %dma_wait3A_600 : memref<1x80xi32, #tpu.memory_space<vmem>> -> memref<80xi32, #tpu.memory_space<vmem>>
      %dma_wait3A_602 = arith.constant 0 : i32
      %dma_wait3A_603 = arith.constant 0 : i32
      %dma_wait3A_604 = tpu.memref_slice %arg9[%dma_wait3A_602, %dma_wait3A_603] : memref<10000x64xf32, #tpu.memory_space<vmem_shared>> -> memref<10000x64xf32, #tpu.memory_space<vmem_shared>>
      %dma_wait3A_605 = tpu.memref_slice %arg11[%dma_wait3A_594] : memref<6x!tpu.dma_semaphore, #tpu.memory_space<semaphore_mem>> -> memref<1x!tpu.dma_semaphore, #tpu.memory_space<semaphore_mem>>
      %dma_wait3A_606 = tpu.memref_squeeze %dma_wait3A_605 : memref<1x!tpu.dma_semaphore, #tpu.memory_space<semaphore_mem>> -> memref<!tpu.dma_semaphore, #tpu.memory_space<semaphore_mem>>
      tpu.wait_indirect_dma semaphore(%dma_wait3A_606 : memref<!tpu.dma_semaphore, #tpu.memory_space<semaphore_mem>>) src(%dma_wait3A_598 : memref<80x64xf32, #tpu.memory_space<vmem>>) dst(%dma_wait3A_604 : memref<10000x64xf32, #tpu.memory_space<vmem_shared>>)
      %add3A_607 = arith.constant 6 : i32
      %add3A_608 = arith.addi %add3A_564, %add3A_607 : i32
      %lt3A_609 = arith.constant 120 : i32
      %lt3A_610 = arith.cmpi slt, %add3A_608, %lt3A_609 : i32
      %convert_element_type3A_611 = arith.extui %lt3A_610 : i1 to i32
      %cond3A_612 = arith.constant 0 : i32
      %cond3A_613 = arith.cmpi ne, %convert_element_type3A_611, %cond3A_612 : i32
      scf.if %cond3A_613 {
        %add3A_767 = arith.constant 6 : i32
        %add3A_768 = arith.addi %add3A_564, %add3A_767 : i32
        %dma_start3A_769 = arith.constant 2 : i32
        %dma_start3A_770 = arith.constant 2 : i32
        %dma_start3A_771 = arith.constant 0 : i32
        %dma_start3A_772 = arith.constant 0 : i32
        %dma_start3A_773 = tpu.memref_slice %arg8[%dma_start3A_769, %dma_start3A_771, %dma_start3A_772] : memref<6x80x64xf32, #tpu.memory_space<vmem>> -> memref<1x80x64xf32, #tpu.memory_space<vmem>>
        %dma_start3A_774 = tpu.memref_squeeze %dma_start3A_773 : memref<1x80x64xf32, #tpu.memory_space<vmem>> -> memref<80x64xf32, #tpu.memory_space<vmem>>
        %dma_start3A_775 = arith.constant 0 : i32
        %dma_start3A_776 = tpu.memref_slice %arg6[%add3A_768, %dma_start3A_775] : memref<125x80xi32, #tpu.memory_space<vmem>> -> memref<1x80xi32, #tpu.memory_space<vmem>>
        %dma_start3A_777 = tpu.memref_squeeze %dma_start3A_776 : memref<1x80xi32, #tpu.memory_space<vmem>> -> memref<80xi32, #tpu.memory_space<vmem>>
        %dma_start3A_778 = arith.constant 0 : i32
        %dma_start3A_779 = arith.constant 0 : i32
        %dma_start3A_780 = tpu.memref_slice %arg3[%dma_start3A_778, %dma_start3A_779] : memref<10000x64xf32, #tpu.memory_space<hbm>> -> memref<10000x64xf32, #tpu.memory_space<hbm>>
        %dma_start3A_781 = tpu.memref_slice %arg10[%dma_start3A_770] : memref<6x!tpu.dma_semaphore, #tpu.memory_space<semaphore_mem>> -> memref<1x!tpu.dma_semaphore, #tpu.memory_space<semaphore_mem>>
        %dma_start3A_782 = tpu.memref_squeeze %dma_start3A_781 : memref<1x!tpu.dma_semaphore, #tpu.memory_space<semaphore_mem>> -> memref<!tpu.dma_semaphore, #tpu.memory_space<semaphore_mem>>
        tpu.enqueue_indirect_dma source(%dma_start3A_780 : memref<10000x64xf32, #tpu.memory_space<hbm>>) target(%dma_start3A_774 : memref<80x64xf32, #tpu.memory_space<vmem>>) offsets(%dma_start3A_777 : memref<80xi32, #tpu.memory_space<vmem>>) semaphore(%dma_start3A_782 : memref<!tpu.dma_semaphore, #tpu.memory_space<semaphore_mem>>)
      } else {
      }
      %add3A_614 = arith.constant 3 : i32
      %add3A_615 = arith.addi %mul3A_463, %add3A_614 : i32
      %dma_wait3A_616 = arith.constant 3 : i32
      %dma_wait3A_617 = arith.constant 3 : i32
      %dma_wait3A_618 = arith.constant 0 : i32
      %dma_wait3A_619 = arith.constant 0 : i32
      %dma_wait3A_620 = tpu.memref_slice %arg8[%dma_wait3A_616, %dma_wait3A_618, %dma_wait3A_619] : memref<6x80x64xf32, #tpu.memory_space<vmem>> -> memref<1x80x64xf32, #tpu.memory_space<vmem>>
      %dma_wait3A_621 = tpu.memref_squeeze %dma_wait3A_620 : memref<1x80x64xf32, #tpu.memory_space<vmem>> -> memref<80x64xf32, #tpu.memory_space<vmem>>
      %dma_wait3A_622 = arith.constant 0 : i32
      %dma_wait3A_623 = tpu.memref_slice %arg6[%add3A_615, %dma_wait3A_622] : memref<125x80xi32, #tpu.memory_space<vmem>> -> memref<1x80xi32, #tpu.memory_space<vmem>>
      %dma_wait3A_624 = tpu.memref_squeeze %dma_wait3A_623 : memref<1x80xi32, #tpu.memory_space<vmem>> -> memref<80xi32, #tpu.memory_space<vmem>>
      %dma_wait3A_625 = arith.constant 0 : i32
      %dma_wait3A_626 = arith.constant 0 : i32
      %dma_wait3A_627 = tpu.memref_slice %arg3[%dma_wait3A_625, %dma_wait3A_626] : memref<10000x64xf32, #tpu.memory_space<hbm>> -> memref<10000x64xf32, #tpu.memory_space<hbm>>
      %dma_wait3A_628 = tpu.memref_slice %arg10[%dma_wait3A_617] : memref<6x!tpu.dma_semaphore, #tpu.memory_space<semaphore_mem>> -> memref<1x!tpu.dma_semaphore, #tpu.memory_space<semaphore_mem>>
      %dma_wait3A_629 = tpu.memref_squeeze %dma_wait3A_628 : memref<1x!tpu.dma_semaphore, #tpu.memory_space<semaphore_mem>> -> memref<!tpu.dma_semaphore, #tpu.memory_space<semaphore_mem>>
      tpu.wait_indirect_dma semaphore(%dma_wait3A_629 : memref<!tpu.dma_semaphore, #tpu.memory_space<semaphore_mem>>) src(%dma_wait3A_627 : memref<10000x64xf32, #tpu.memory_space<hbm>>) dst(%dma_wait3A_621 : memref<80x64xf32, #tpu.memory_space<vmem>>)
      %dma_start3A_630 = arith.constant 3 : i32
      %dma_start3A_631 = arith.constant 3 : i32
      %dma_start3A_632 = arith.constant 0 : i32
      %dma_start3A_633 = arith.constant 0 : i32
      %dma_start3A_634 = tpu.memref_slice %arg8[%dma_start3A_630, %dma_start3A_632, %dma_start3A_633] : memref<6x80x64xf32, #tpu.memory_space<vmem>> -> memref<1x80x64xf32, #tpu.memory_space<vmem>>
      %dma_start3A_635 = tpu.memref_squeeze %dma_start3A_634 : memref<1x80x64xf32, #tpu.memory_space<vmem>> -> memref<80x64xf32, #tpu.memory_space<vmem>>
      %dma_start3A_636 = arith.constant 0 : i32
      %dma_start3A_637 = tpu.memref_slice %arg7[%add3A_615, %dma_start3A_636] : memref<125x80xi32, #tpu.memory_space<vmem>> -> memref<1x80xi32, #tpu.memory_space<vmem>>
      %dma_start3A_638 = tpu.memref_squeeze %dma_start3A_637 : memref<1x80xi32, #tpu.memory_space<vmem>> -> memref<80xi32, #tpu.memory_space<vmem>>
      %dma_start3A_639 = arith.constant 0 : i32
      %dma_start3A_640 = arith.constant 0 : i32
      %dma_start3A_641 = tpu.memref_slice %arg9[%dma_start3A_639, %dma_start3A_640] : memref<10000x64xf32, #tpu.memory_space<vmem_shared>> -> memref<10000x64xf32, #tpu.memory_space<vmem_shared>>
      %dma_start3A_642 = tpu.memref_slice %arg11[%dma_start3A_631] : memref<6x!tpu.dma_semaphore, #tpu.memory_space<semaphore_mem>> -> memref<1x!tpu.dma_semaphore, #tpu.memory_space<semaphore_mem>>
      %dma_start3A_643 = tpu.memref_squeeze %dma_start3A_642 : memref<1x!tpu.dma_semaphore, #tpu.memory_space<semaphore_mem>> -> memref<!tpu.dma_semaphore, #tpu.memory_space<semaphore_mem>>
      tpu.enqueue_indirect_dma source(%dma_start3A_635 : memref<80x64xf32, #tpu.memory_space<vmem>>) target(%dma_start3A_641 : memref<10000x64xf32, #tpu.memory_space<vmem_shared>>) offsets(%dma_start3A_638 : memref<80xi32, #tpu.memory_space<vmem>>) semaphore(%dma_start3A_643 : memref<!tpu.dma_semaphore, #tpu.memory_space<semaphore_mem>>) {add = true}
      %dma_wait3A_644 = arith.constant 3 : i32
      %dma_wait3A_645 = arith.constant 3 : i32
      %dma_wait3A_646 = arith.constant 0 : i32
      %dma_wait3A_647 = arith.constant 0 : i32
      %dma_wait3A_648 = tpu.memref_slice %arg8[%dma_wait3A_644, %dma_wait3A_646, %dma_wait3A_647] : memref<6x80x64xf32, #tpu.memory_space<vmem>> -> memref<1x80x64xf32, #tpu.memory_space<vmem>>
      %dma_wait3A_649 = tpu.memref_squeeze %dma_wait3A_648 : memref<1x80x64xf32, #tpu.memory_space<vmem>> -> memref<80x64xf32, #tpu.memory_space<vmem>>
      %dma_wait3A_650 = arith.constant 0 : i32
      %dma_wait3A_651 = tpu.memref_slice %arg7[%add3A_615, %dma_wait3A_650] : memref<125x80xi32, #tpu.memory_space<vmem>> -> memref<1x80xi32, #tpu.memory_space<vmem>>
      %dma_wait3A_652 = tpu.memref_squeeze %dma_wait3A_651 : memref<1x80xi32, #tpu.memory_space<vmem>> -> memref<80xi32, #tpu.memory_space<vmem>>
      %dma_wait3A_653 = arith.constant 0 : i32
      %dma_wait3A_654 = arith.constant 0 : i32
      %dma_wait3A_655 = tpu.memref_slice %arg9[%dma_wait3A_653, %dma_wait3A_654] : memref<10000x64xf32, #tpu.memory_space<vmem_shared>> -> memref<10000x64xf32, #tpu.memory_space<vmem_shared>>
      %dma_wait3A_656 = tpu.memref_slice %arg11[%dma_wait3A_645] : memref<6x!tpu.dma_semaphore, #tpu.memory_space<semaphore_mem>> -> memref<1x!tpu.dma_semaphore, #tpu.memory_space<semaphore_mem>>
      %dma_wait3A_657 = tpu.memref_squeeze %dma_wait3A_656 : memref<1x!tpu.dma_semaphore, #tpu.memory_space<semaphore_mem>> -> memref<!tpu.dma_semaphore, #tpu.memory_space<semaphore_mem>>
      tpu.wait_indirect_dma semaphore(%dma_wait3A_657 : memref<!tpu.dma_semaphore, #tpu.memory_space<semaphore_mem>>) src(%dma_wait3A_649 : memref<80x64xf32, #tpu.memory_space<vmem>>) dst(%dma_wait3A_655 : memref<10000x64xf32, #tpu.memory_space<vmem_shared>>)
      %add3A_658 = arith.constant 6 : i32
      %add3A_659 = arith.addi %add3A_615, %add3A_658 : i32
      %lt3A_660 = arith.constant 120 : i32
      %lt3A_661 = arith.cmpi slt, %add3A_659, %lt3A_660 : i32
      %convert_element_type3A_662 = arith.extui %lt3A_661 : i1 to i32
      %cond3A_663 = arith.constant 0 : i32
      %cond3A_664 = arith.cmpi ne, %convert_element_type3A_662, %cond3A_663 : i32
      scf.if %cond3A_664 {
        %add3A_767 = arith.constant 6 : i32
        %add3A_768 = arith.addi %add3A_615, %add3A_767 : i32
        %dma_start3A_769 = arith.constant 3 : i32
        %dma_start3A_770 = arith.constant 3 : i32
        %dma_start3A_771 = arith.constant 0 : i32
        %dma_start3A_772 = arith.constant 0 : i32
        %dma_start3A_773 = tpu.memref_slice %arg8[%dma_start3A_769, %dma_start3A_771, %dma_start3A_772] : memref<6x80x64xf32, #tpu.memory_space<vmem>> -> memref<1x80x64xf32, #tpu.memory_space<vmem>>
        %dma_start3A_774 = tpu.memref_squeeze %dma_start3A_773 : memref<1x80x64xf32, #tpu.memory_space<vmem>> -> memref<80x64xf32, #tpu.memory_space<vmem>>
        %dma_start3A_775 = arith.constant 0 : i32
        %dma_start3A_776 = tpu.memref_slice %arg6[%add3A_768, %dma_start3A_775] : memref<125x80xi32, #tpu.memory_space<vmem>> -> memref<1x80xi32, #tpu.memory_space<vmem>>
        %dma_start3A_777 = tpu.memref_squeeze %dma_start3A_776 : memref<1x80xi32, #tpu.memory_space<vmem>> -> memref<80xi32, #tpu.memory_space<vmem>>
        %dma_start3A_778 = arith.constant 0 : i32
        %dma_start3A_779 = arith.constant 0 : i32
        %dma_start3A_780 = tpu.memref_slice %arg3[%dma_start3A_778, %dma_start3A_779] : memref<10000x64xf32, #tpu.memory_space<hbm>> -> memref<10000x64xf32, #tpu.memory_space<hbm>>
        %dma_start3A_781 = tpu.memref_slice %arg10[%dma_start3A_770] : memref<6x!tpu.dma_semaphore, #tpu.memory_space<semaphore_mem>> -> memref<1x!tpu.dma_semaphore, #tpu.memory_space<semaphore_mem>>
        %dma_start3A_782 = tpu.memref_squeeze %dma_start3A_781 : memref<1x!tpu.dma_semaphore, #tpu.memory_space<semaphore_mem>> -> memref<!tpu.dma_semaphore, #tpu.memory_space<semaphore_mem>>
        tpu.enqueue_indirect_dma source(%dma_start3A_780 : memref<10000x64xf32, #tpu.memory_space<hbm>>) target(%dma_start3A_774 : memref<80x64xf32, #tpu.memory_space<vmem>>) offsets(%dma_start3A_777 : memref<80xi32, #tpu.memory_space<vmem>>) semaphore(%dma_start3A_782 : memref<!tpu.dma_semaphore, #tpu.memory_space<semaphore_mem>>)
      } else {
      }
      %add3A_665 = arith.constant 4 : i32
      %add3A_666 = arith.addi %mul3A_463, %add3A_665 : i32
      %dma_wait3A_667 = arith.constant 4 : i32
      %dma_wait3A_668 = arith.constant 4 : i32
      %dma_wait3A_669 = arith.constant 0 : i32
      %dma_wait3A_670 = arith.constant 0 : i32
      %dma_wait3A_671 = tpu.memref_slice %arg8[%dma_wait3A_667, %dma_wait3A_669, %dma_wait3A_670] : memref<6x80x64xf32, #tpu.memory_space<vmem>> -> memref<1x80x64xf32, #tpu.memory_space<vmem>>
      %dma_wait3A_672 = tpu.memref_squeeze %dma_wait3A_671 : memref<1x80x64xf32, #tpu.memory_space<vmem>> -> memref<80x64xf32, #tpu.memory_space<vmem>>
      %dma_wait3A_673 = arith.constant 0 : i32
      %dma_wait3A_674 = tpu.memref_slice %arg6[%add3A_666, %dma_wait3A_673] : memref<125x80xi32, #tpu.memory_space<vmem>> -> memref<1x80xi32, #tpu.memory_space<vmem>>
      %dma_wait3A_675 = tpu.memref_squeeze %dma_wait3A_674 : memref<1x80xi32, #tpu.memory_space<vmem>> -> memref<80xi32, #tpu.memory_space<vmem>>
      %dma_wait3A_676 = arith.constant 0 : i32
      %dma_wait3A_677 = arith.constant 0 : i32
      %dma_wait3A_678 = tpu.memref_slice %arg3[%dma_wait3A_676, %dma_wait3A_677] : memref<10000x64xf32, #tpu.memory_space<hbm>> -> memref<10000x64xf32, #tpu.memory_space<hbm>>
      %dma_wait3A_679 = tpu.memref_slice %arg10[%dma_wait3A_668] : memref<6x!tpu.dma_semaphore, #tpu.memory_space<semaphore_mem>> -> memref<1x!tpu.dma_semaphore, #tpu.memory_space<semaphore_mem>>
      %dma_wait3A_680 = tpu.memref_squeeze %dma_wait3A_679 : memref<1x!tpu.dma_semaphore, #tpu.memory_space<semaphore_mem>> -> memref<!tpu.dma_semaphore, #tpu.memory_space<semaphore_mem>>
      tpu.wait_indirect_dma semaphore(%dma_wait3A_680 : memref<!tpu.dma_semaphore, #tpu.memory_space<semaphore_mem>>) src(%dma_wait3A_678 : memref<10000x64xf32, #tpu.memory_space<hbm>>) dst(%dma_wait3A_672 : memref<80x64xf32, #tpu.memory_space<vmem>>)
      %dma_start3A_681 = arith.constant 4 : i32
      %dma_start3A_682 = arith.constant 4 : i32
      %dma_start3A_683 = arith.constant 0 : i32
      %dma_start3A_684 = arith.constant 0 : i32
      %dma_start3A_685 = tpu.memref_slice %arg8[%dma_start3A_681, %dma_start3A_683, %dma_start3A_684] : memref<6x80x64xf32, #tpu.memory_space<vmem>> -> memref<1x80x64xf32, #tpu.memory_space<vmem>>
      %dma_start3A_686 = tpu.memref_squeeze %dma_start3A_685 : memref<1x80x64xf32, #tpu.memory_space<vmem>> -> memref<80x64xf32, #tpu.memory_space<vmem>>
      %dma_start3A_687 = arith.constant 0 : i32
      %dma_start3A_688 = tpu.memref_slice %arg7[%add3A_666, %dma_start3A_687] : memref<125x80xi32, #tpu.memory_space<vmem>> -> memref<1x80xi32, #tpu.memory_space<vmem>>
      %dma_start3A_689 = tpu.memref_squeeze %dma_start3A_688 : memref<1x80xi32, #tpu.memory_space<vmem>> -> memref<80xi32, #tpu.memory_space<vmem>>
      %dma_start3A_690 = arith.constant 0 : i32
      %dma_start3A_691 = arith.constant 0 : i32
      %dma_start3A_692 = tpu.memref_slice %arg9[%dma_start3A_690, %dma_start3A_691] : memref<10000x64xf32, #tpu.memory_space<vmem_shared>> -> memref<10000x64xf32, #tpu.memory_space<vmem_shared>>
      %dma_start3A_693 = tpu.memref_slice %arg11[%dma_start3A_682] : memref<6x!tpu.dma_semaphore, #tpu.memory_space<semaphore_mem>> -> memref<1x!tpu.dma_semaphore, #tpu.memory_space<semaphore_mem>>
      %dma_start3A_694 = tpu.memref_squeeze %dma_start3A_693 : memref<1x!tpu.dma_semaphore, #tpu.memory_space<semaphore_mem>> -> memref<!tpu.dma_semaphore, #tpu.memory_space<semaphore_mem>>
      tpu.enqueue_indirect_dma source(%dma_start3A_686 : memref<80x64xf32, #tpu.memory_space<vmem>>) target(%dma_start3A_692 : memref<10000x64xf32, #tpu.memory_space<vmem_shared>>) offsets(%dma_start3A_689 : memref<80xi32, #tpu.memory_space<vmem>>) semaphore(%dma_start3A_694 : memref<!tpu.dma_semaphore, #tpu.memory_space<semaphore_mem>>) {add = true}
      %dma_wait3A_695 = arith.constant 4 : i32
      %dma_wait3A_696 = arith.constant 4 : i32
      %dma_wait3A_697 = arith.constant 0 : i32
      %dma_wait3A_698 = arith.constant 0 : i32
      %dma_wait3A_699 = tpu.memref_slice %arg8[%dma_wait3A_695, %dma_wait3A_697, %dma_wait3A_698] : memref<6x80x64xf32, #tpu.memory_space<vmem>> -> memref<1x80x64xf32, #tpu.memory_space<vmem>>
      %dma_wait3A_700 = tpu.memref_squeeze %dma_wait3A_699 : memref<1x80x64xf32, #tpu.memory_space<vmem>> -> memref<80x64xf32, #tpu.memory_space<vmem>>
      %dma_wait3A_701 = arith.constant 0 : i32
      %dma_wait3A_702 = tpu.memref_slice %arg7[%add3A_666, %dma_wait3A_701] : memref<125x80xi32, #tpu.memory_space<vmem>> -> memref<1x80xi32, #tpu.memory_space<vmem>>
      %dma_wait3A_703 = tpu.memref_squeeze %dma_wait3A_702 : memref<1x80xi32, #tpu.memory_space<vmem>> -> memref<80xi32, #tpu.memory_space<vmem>>
      %dma_wait3A_704 = arith.constant 0 : i32
      %dma_wait3A_705 = arith.constant 0 : i32
      %dma_wait3A_706 = tpu.memref_slice %arg9[%dma_wait3A_704, %dma_wait3A_705] : memref<10000x64xf32, #tpu.memory_space<vmem_shared>> -> memref<10000x64xf32, #tpu.memory_space<vmem_shared>>
      %dma_wait3A_707 = tpu.memref_slice %arg11[%dma_wait3A_696] : memref<6x!tpu.dma_semaphore, #tpu.memory_space<semaphore_mem>> -> memref<1x!tpu.dma_semaphore, #tpu.memory_space<semaphore_mem>>
      %dma_wait3A_708 = tpu.memref_squeeze %dma_wait3A_707 : memref<1x!tpu.dma_semaphore, #tpu.memory_space<semaphore_mem>> -> memref<!tpu.dma_semaphore, #tpu.memory_space<semaphore_mem>>
      tpu.wait_indirect_dma semaphore(%dma_wait3A_708 : memref<!tpu.dma_semaphore, #tpu.memory_space<semaphore_mem>>) src(%dma_wait3A_700 : memref<80x64xf32, #tpu.memory_space<vmem>>) dst(%dma_wait3A_706 : memref<10000x64xf32, #tpu.memory_space<vmem_shared>>)
      %add3A_709 = arith.constant 6 : i32
      %add3A_710 = arith.addi %add3A_666, %add3A_709 : i32
      %lt3A_711 = arith.constant 120 : i32
      %lt3A_712 = arith.cmpi slt, %add3A_710, %lt3A_711 : i32
      %convert_element_type3A_713 = arith.extui %lt3A_712 : i1 to i32
      %cond3A_714 = arith.constant 0 : i32
      %cond3A_715 = arith.cmpi ne, %convert_element_type3A_713, %cond3A_714 : i32
      scf.if %cond3A_715 {
        %add3A_767 = arith.constant 6 : i32
        %add3A_768 = arith.addi %add3A_666, %add3A_767 : i32
        %dma_start3A_769 = arith.constant 4 : i32
        %dma_start3A_770 = arith.constant 4 : i32
        %dma_start3A_771 = arith.constant 0 : i32
        %dma_start3A_772 = arith.constant 0 : i32
        %dma_start3A_773 = tpu.memref_slice %arg8[%dma_start3A_769, %dma_start3A_771, %dma_start3A_772] : memref<6x80x64xf32, #tpu.memory_space<vmem>> -> memref<1x80x64xf32, #tpu.memory_space<vmem>>
        %dma_start3A_774 = tpu.memref_squeeze %dma_start3A_773 : memref<1x80x64xf32, #tpu.memory_space<vmem>> -> memref<80x64xf32, #tpu.memory_space<vmem>>
        %dma_start3A_775 = arith.constant 0 : i32
        %dma_start3A_776 = tpu.memref_slice %arg6[%add3A_768, %dma_start3A_775] : memref<125x80xi32, #tpu.memory_space<vmem>> -> memref<1x80xi32, #tpu.memory_space<vmem>>
        %dma_start3A_777 = tpu.memref_squeeze %dma_start3A_776 : memref<1x80xi32, #tpu.memory_space<vmem>> -> memref<80xi32, #tpu.memory_space<vmem>>
        %dma_start3A_778 = arith.constant 0 : i32
        %dma_start3A_779 = arith.constant 0 : i32
        %dma_start3A_780 = tpu.memref_slice %arg3[%dma_start3A_778, %dma_start3A_779] : memref<10000x64xf32, #tpu.memory_space<hbm>> -> memref<10000x64xf32, #tpu.memory_space<hbm>>
        %dma_start3A_781 = tpu.memref_slice %arg10[%dma_start3A_770] : memref<6x!tpu.dma_semaphore, #tpu.memory_space<semaphore_mem>> -> memref<1x!tpu.dma_semaphore, #tpu.memory_space<semaphore_mem>>
        %dma_start3A_782 = tpu.memref_squeeze %dma_start3A_781 : memref<1x!tpu.dma_semaphore, #tpu.memory_space<semaphore_mem>> -> memref<!tpu.dma_semaphore, #tpu.memory_space<semaphore_mem>>
        tpu.enqueue_indirect_dma source(%dma_start3A_780 : memref<10000x64xf32, #tpu.memory_space<hbm>>) target(%dma_start3A_774 : memref<80x64xf32, #tpu.memory_space<vmem>>) offsets(%dma_start3A_777 : memref<80xi32, #tpu.memory_space<vmem>>) semaphore(%dma_start3A_782 : memref<!tpu.dma_semaphore, #tpu.memory_space<semaphore_mem>>)
      } else {
      }
      %add3A_716 = arith.constant 5 : i32
      %add3A_717 = arith.addi %mul3A_463, %add3A_716 : i32
      %dma_wait3A_718 = arith.constant 5 : i32
      %dma_wait3A_719 = arith.constant 5 : i32
      %dma_wait3A_720 = arith.constant 0 : i32
      %dma_wait3A_721 = arith.constant 0 : i32
      %dma_wait3A_722 = tpu.memref_slice %arg8[%dma_wait3A_718, %dma_wait3A_720, %dma_wait3A_721] : memref<6x80x64xf32, #tpu.memory_space<vmem>> -> memref<1x80x64xf32, #tpu.memory_space<vmem>>
      %dma_wait3A_723 = tpu.memref_squeeze %dma_wait3A_722 : memref<1x80x64xf32, #tpu.memory_space<vmem>> -> memref<80x64xf32, #tpu.memory_space<vmem>>
      %dma_wait3A_724 = arith.constant 0 : i32
      %dma_wait3A_725 = tpu.memref_slice %arg6[%add3A_717, %dma_wait3A_724] : memref<125x80xi32, #tpu.memory_space<vmem>> -> memref<1x80xi32, #tpu.memory_space<vmem>>
      %dma_wait3A_726 = tpu.memref_squeeze %dma_wait3A_725 : memref<1x80xi32, #tpu.memory_space<vmem>> -> memref<80xi32, #tpu.memory_space<vmem>>
      %dma_wait3A_727 = arith.constant 0 : i32
      %dma_wait3A_728 = arith.constant 0 : i32
      %dma_wait3A_729 = tpu.memref_slice %arg3[%dma_wait3A_727, %dma_wait3A_728] : memref<10000x64xf32, #tpu.memory_space<hbm>> -> memref<10000x64xf32, #tpu.memory_space<hbm>>
      %dma_wait3A_730 = tpu.memref_slice %arg10[%dma_wait3A_719] : memref<6x!tpu.dma_semaphore, #tpu.memory_space<semaphore_mem>> -> memref<1x!tpu.dma_semaphore, #tpu.memory_space<semaphore_mem>>
      %dma_wait3A_731 = tpu.memref_squeeze %dma_wait3A_730 : memref<1x!tpu.dma_semaphore, #tpu.memory_space<semaphore_mem>> -> memref<!tpu.dma_semaphore, #tpu.memory_space<semaphore_mem>>
      tpu.wait_indirect_dma semaphore(%dma_wait3A_731 : memref<!tpu.dma_semaphore, #tpu.memory_space<semaphore_mem>>) src(%dma_wait3A_729 : memref<10000x64xf32, #tpu.memory_space<hbm>>) dst(%dma_wait3A_723 : memref<80x64xf32, #tpu.memory_space<vmem>>)
      %dma_start3A_732 = arith.constant 5 : i32
      %dma_start3A_733 = arith.constant 5 : i32
      %dma_start3A_734 = arith.constant 0 : i32
      %dma_start3A_735 = arith.constant 0 : i32
      %dma_start3A_736 = tpu.memref_slice %arg8[%dma_start3A_732, %dma_start3A_734, %dma_start3A_735] : memref<6x80x64xf32, #tpu.memory_space<vmem>> -> memref<1x80x64xf32, #tpu.memory_space<vmem>>
      %dma_start3A_737 = tpu.memref_squeeze %dma_start3A_736 : memref<1x80x64xf32, #tpu.memory_space<vmem>> -> memref<80x64xf32, #tpu.memory_space<vmem>>
      %dma_start3A_738 = arith.constant 0 : i32
      %dma_start3A_739 = tpu.memref_slice %arg7[%add3A_717, %dma_start3A_738] : memref<125x80xi32, #tpu.memory_space<vmem>> -> memref<1x80xi32, #tpu.memory_space<vmem>>
      %dma_start3A_740 = tpu.memref_squeeze %dma_start3A_739 : memref<1x80xi32, #tpu.memory_space<vmem>> -> memref<80xi32, #tpu.memory_space<vmem>>
      %dma_start3A_741 = arith.constant 0 : i32
      %dma_start3A_742 = arith.constant 0 : i32
      %dma_start3A_743 = tpu.memref_slice %arg9[%dma_start3A_741, %dma_start3A_742] : memref<10000x64xf32, #tpu.memory_space<vmem_shared>> -> memref<10000x64xf32, #tpu.memory_space<vmem_shared>>
      %dma_start3A_744 = tpu.memref_slice %arg11[%dma_start3A_733] : memref<6x!tpu.dma_semaphore, #tpu.memory_space<semaphore_mem>> -> memref<1x!tpu.dma_semaphore, #tpu.memory_space<semaphore_mem>>
      %dma_start3A_745 = tpu.memref_squeeze %dma_start3A_744 : memref<1x!tpu.dma_semaphore, #tpu.memory_space<semaphore_mem>> -> memref<!tpu.dma_semaphore, #tpu.memory_space<semaphore_mem>>
      tpu.enqueue_indirect_dma source(%dma_start3A_737 : memref<80x64xf32, #tpu.memory_space<vmem>>) target(%dma_start3A_743 : memref<10000x64xf32, #tpu.memory_space<vmem_shared>>) offsets(%dma_start3A_740 : memref<80xi32, #tpu.memory_space<vmem>>) semaphore(%dma_start3A_745 : memref<!tpu.dma_semaphore, #tpu.memory_space<semaphore_mem>>) {add = true}
      %dma_wait3A_746 = arith.constant 5 : i32
      %dma_wait3A_747 = arith.constant 5 : i32
      %dma_wait3A_748 = arith.constant 0 : i32
      %dma_wait3A_749 = arith.constant 0 : i32
      %dma_wait3A_750 = tpu.memref_slice %arg8[%dma_wait3A_746, %dma_wait3A_748, %dma_wait3A_749] : memref<6x80x64xf32, #tpu.memory_space<vmem>> -> memref<1x80x64xf32, #tpu.memory_space<vmem>>
      %dma_wait3A_751 = tpu.memref_squeeze %dma_wait3A_750 : memref<1x80x64xf32, #tpu.memory_space<vmem>> -> memref<80x64xf32, #tpu.memory_space<vmem>>
      %dma_wait3A_752 = arith.constant 0 : i32
      %dma_wait3A_753 = tpu.memref_slice %arg7[%add3A_717, %dma_wait3A_752] : memref<125x80xi32, #tpu.memory_space<vmem>> -> memref<1x80xi32, #tpu.memory_space<vmem>>
      %dma_wait3A_754 = tpu.memref_squeeze %dma_wait3A_753 : memref<1x80xi32, #tpu.memory_space<vmem>> -> memref<80xi32, #tpu.memory_space<vmem>>
      %dma_wait3A_755 = arith.constant 0 : i32
      %dma_wait3A_756 = arith.constant 0 : i32
      %dma_wait3A_757 = tpu.memref_slice %arg9[%dma_wait3A_755, %dma_wait3A_756] : memref<10000x64xf32, #tpu.memory_space<vmem_shared>> -> memref<10000x64xf32, #tpu.memory_space<vmem_shared>>
      %dma_wait3A_758 = tpu.memref_slice %arg11[%dma_wait3A_747] : memref<6x!tpu.dma_semaphore, #tpu.memory_space<semaphore_mem>> -> memref<1x!tpu.dma_semaphore, #tpu.memory_space<semaphore_mem>>
      %dma_wait3A_759 = tpu.memref_squeeze %dma_wait3A_758 : memref<1x!tpu.dma_semaphore, #tpu.memory_space<semaphore_mem>> -> memref<!tpu.dma_semaphore, #tpu.memory_space<semaphore_mem>>
      tpu.wait_indirect_dma semaphore(%dma_wait3A_759 : memref<!tpu.dma_semaphore, #tpu.memory_space<semaphore_mem>>) src(%dma_wait3A_751 : memref<80x64xf32, #tpu.memory_space<vmem>>) dst(%dma_wait3A_757 : memref<10000x64xf32, #tpu.memory_space<vmem_shared>>)
      %add3A_760 = arith.constant 6 : i32
      %add3A_761 = arith.addi %add3A_717, %add3A_760 : i32
      %lt3A_762 = arith.constant 120 : i32
      %lt3A_763 = arith.cmpi slt, %add3A_761, %lt3A_762 : i32
      %convert_element_type3A_764 = arith.extui %lt3A_763 : i1 to i32
      %cond3A_765 = arith.constant 0 : i32
      %cond3A_766 = arith.cmpi ne, %convert_element_type3A_764, %cond3A_765 : i32
      scf.if %cond3A_766 {
        %add3A_767 = arith.constant 6 : i32
        %add3A_768 = arith.addi %add3A_717, %add3A_767 : i32
        %dma_start3A_769 = arith.constant 5 : i32
        %dma_start3A_770 = arith.constant 5 : i32
        %dma_start3A_771 = arith.constant 0 : i32
        %dma_start3A_772 = arith.constant 0 : i32
        %dma_start3A_773 = tpu.memref_slice %arg8[%dma_start3A_769, %dma_start3A_771, %dma_start3A_772] : memref<6x80x64xf32, #tpu.memory_space<vmem>> -> memref<1x80x64xf32, #tpu.memory_space<vmem>>
        %dma_start3A_774 = tpu.memref_squeeze %dma_start3A_773 : memref<1x80x64xf32, #tpu.memory_space<vmem>> -> memref<80x64xf32, #tpu.memory_space<vmem>>
        %dma_start3A_775 = arith.constant 0 : i32
        %dma_start3A_776 = tpu.memref_slice %arg6[%add3A_768, %dma_start3A_775] : memref<125x80xi32, #tpu.memory_space<vmem>> -> memref<1x80xi32, #tpu.memory_space<vmem>>
        %dma_start3A_777 = tpu.memref_squeeze %dma_start3A_776 : memref<1x80xi32, #tpu.memory_space<vmem>> -> memref<80xi32, #tpu.memory_space<vmem>>
        %dma_start3A_778 = arith.constant 0 : i32
        %dma_start3A_779 = arith.constant 0 : i32
        %dma_start3A_780 = tpu.memref_slice %arg3[%dma_start3A_778, %dma_start3A_779] : memref<10000x64xf32, #tpu.memory_space<hbm>> -> memref<10000x64xf32, #tpu.memory_space<hbm>>
        %dma_start3A_781 = tpu.memref_slice %arg10[%dma_start3A_770] : memref<6x!tpu.dma_semaphore, #tpu.memory_space<semaphore_mem>> -> memref<1x!tpu.dma_semaphore, #tpu.memory_space<semaphore_mem>>
        %dma_start3A_782 = tpu.memref_squeeze %dma_start3A_781 : memref<1x!tpu.dma_semaphore, #tpu.memory_space<semaphore_mem>> -> memref<!tpu.dma_semaphore, #tpu.memory_space<semaphore_mem>>
        tpu.enqueue_indirect_dma source(%dma_start3A_780 : memref<10000x64xf32, #tpu.memory_space<hbm>>) target(%dma_start3A_774 : memref<80x64xf32, #tpu.memory_space<vmem>>) offsets(%dma_start3A_777 : memref<80xi32, #tpu.memory_space<vmem>>) semaphore(%dma_start3A_782 : memref<!tpu.dma_semaphore, #tpu.memory_space<semaphore_mem>>)
      } else {
      }
    }
    %scan3A_153 = arith.constant 20 : i32
    %dma_start3A_154 = arith.constant 120 : i32
    %dma_start3A_155 = arith.constant 0 : i32
    %dma_start3A_156 = arith.constant 0 : i32
    %dma_start3A_157 = arith.constant 0 : i32
    %dma_start3A_158 = arith.constant 0 : i32
    %dma_start3A_159 = tpu.memref_slice %arg8[%dma_start3A_155, %dma_start3A_157, %dma_start3A_158] : memref<6x80x64xf32, #tpu.memory_space<vmem>> -> memref<1x80x64xf32, #tpu.memory_space<vmem>>
    %dma_start3A_160 = tpu.memref_squeeze %dma_start3A_159 : memref<1x80x64xf32, #tpu.memory_space<vmem>> -> memref<80x64xf32, #tpu.memory_space<vmem>>
    %dma_start3A_161 = arith.constant 0 : i32
    %dma_start3A_162 = tpu.memref_slice %arg6[%dma_start3A_154, %dma_start3A_161] : memref<125x80xi32, #tpu.memory_space<vmem>> -> memref<1x80xi32, #tpu.memory_space<vmem>>
    %dma_start3A_163 = tpu.memref_squeeze %dma_start3A_162 : memref<1x80xi32, #tpu.memory_space<vmem>> -> memref<80xi32, #tpu.memory_space<vmem>>
    %dma_start3A_164 = arith.constant 0 : i32
    %dma_start3A_165 = arith.constant 0 : i32
    %dma_start3A_166 = tpu.memref_slice %arg3[%dma_start3A_164, %dma_start3A_165] : memref<10000x64xf32, #tpu.memory_space<hbm>> -> memref<10000x64xf32, #tpu.memory_space<hbm>>
    %dma_start3A_167 = tpu.memref_slice %arg10[%dma_start3A_156] : memref<6x!tpu.dma_semaphore, #tpu.memory_space<semaphore_mem>> -> memref<1x!tpu.dma_semaphore, #tpu.memory_space<semaphore_mem>>
    %dma_start3A_168 = tpu.memref_squeeze %dma_start3A_167 : memref<1x!tpu.dma_semaphore, #tpu.memory_space<semaphore_mem>> -> memref<!tpu.dma_semaphore, #tpu.memory_space<semaphore_mem>>
    tpu.enqueue_indirect_dma source(%dma_start3A_166 : memref<10000x64xf32, #tpu.memory_space<hbm>>) target(%dma_start3A_160 : memref<80x64xf32, #tpu.memory_space<vmem>>) offsets(%dma_start3A_163 : memref<80xi32, #tpu.memory_space<vmem>>) semaphore(%dma_start3A_168 : memref<!tpu.dma_semaphore, #tpu.memory_space<semaphore_mem>>)
    %dma_wait3A_169 = arith.constant 120 : i32
    %dma_wait3A_170 = arith.constant 0 : i32
    %dma_wait3A_171 = arith.constant 0 : i32
    %dma_wait3A_172 = arith.constant 0 : i32
    %dma_wait3A_173 = arith.constant 0 : i32
    %dma_wait3A_174 = tpu.memref_slice %arg8[%dma_wait3A_170, %dma_wait3A_172, %dma_wait3A_173] : memref<6x80x64xf32, #tpu.memory_space<vmem>> -> memref<1x80x64xf32, #tpu.memory_space<vmem>>
    %dma_wait3A_175 = tpu.memref_squeeze %dma_wait3A_174 : memref<1x80x64xf32, #tpu.memory_space<vmem>> -> memref<80x64xf32, #tpu.memory_space<vmem>>
    %dma_wait3A_176 = arith.constant 0 : i32
    %dma_wait3A_177 = tpu.memref_slice %arg6[%dma_wait3A_169, %dma_wait3A_176] : memref<125x80xi32, #tpu.memory_space<vmem>> -> memref<1x80xi32, #tpu.memory_space<vmem>>
    %dma_wait3A_178 = tpu.memref_squeeze %dma_wait3A_177 : memref<1x80xi32, #tpu.memory_space<vmem>> -> memref<80xi32, #tpu.memory_space<vmem>>
    %dma_wait3A_179 = arith.constant 0 : i32
    %dma_wait3A_180 = arith.constant 0 : i32
    %dma_wait3A_181 = tpu.memref_slice %arg3[%dma_wait3A_179, %dma_wait3A_180] : memref<10000x64xf32, #tpu.memory_space<hbm>> -> memref<10000x64xf32, #tpu.memory_space<hbm>>
    %dma_wait3A_182 = tpu.memref_slice %arg10[%dma_wait3A_171] : memref<6x!tpu.dma_semaphore, #tpu.memory_space<semaphore_mem>> -> memref<1x!tpu.dma_semaphore, #tpu.memory_space<semaphore_mem>>
    %dma_wait3A_183 = tpu.memref_squeeze %dma_wait3A_182 : memref<1x!tpu.dma_semaphore, #tpu.memory_space<semaphore_mem>> -> memref<!tpu.dma_semaphore, #tpu.memory_space<semaphore_mem>>
    tpu.wait_indirect_dma semaphore(%dma_wait3A_183 : memref<!tpu.dma_semaphore, #tpu.memory_space<semaphore_mem>>) src(%dma_wait3A_181 : memref<10000x64xf32, #tpu.memory_space<hbm>>) dst(%dma_wait3A_175 : memref<80x64xf32, #tpu.memory_space<vmem>>)
    %dma_start3A_184 = arith.constant 0 : i32
    %dma_start3A_185 = arith.constant 120 : i32
    %dma_start3A_186 = arith.constant 0 : i32
    %dma_start3A_187 = arith.constant 0 : i32
    %dma_start3A_188 = arith.constant 0 : i32
    %dma_start3A_189 = tpu.memref_slice %arg8[%dma_start3A_184, %dma_start3A_187, %dma_start3A_188] : memref<6x80x64xf32, #tpu.memory_space<vmem>> -> memref<1x80x64xf32, #tpu.memory_space<vmem>>
    %dma_start3A_190 = tpu.memref_squeeze %dma_start3A_189 : memref<1x80x64xf32, #tpu.memory_space<vmem>> -> memref<80x64xf32, #tpu.memory_space<vmem>>
    %dma_start3A_191 = arith.constant 0 : i32
    %dma_start3A_192 = tpu.memref_slice %arg7[%dma_start3A_185, %dma_start3A_191] : memref<125x80xi32, #tpu.memory_space<vmem>> -> memref<1x80xi32, #tpu.memory_space<vmem>>
    %dma_start3A_193 = tpu.memref_squeeze %dma_start3A_192 : memref<1x80xi32, #tpu.memory_space<vmem>> -> memref<80xi32, #tpu.memory_space<vmem>>
    %dma_start3A_194 = arith.constant 0 : i32
    %dma_start3A_195 = arith.constant 0 : i32
    %dma_start3A_196 = tpu.memref_slice %arg9[%dma_start3A_194, %dma_start3A_195] : memref<10000x64xf32, #tpu.memory_space<vmem_shared>> -> memref<10000x64xf32, #tpu.memory_space<vmem_shared>>
    %dma_start3A_197 = tpu.memref_slice %arg11[%dma_start3A_186] : memref<6x!tpu.dma_semaphore, #tpu.memory_space<semaphore_mem>> -> memref<1x!tpu.dma_semaphore, #tpu.memory_space<semaphore_mem>>
    %dma_start3A_198 = tpu.memref_squeeze %dma_start3A_197 : memref<1x!tpu.dma_semaphore, #tpu.memory_space<semaphore_mem>> -> memref<!tpu.dma_semaphore, #tpu.memory_space<semaphore_mem>>
    tpu.enqueue_indirect_dma source(%dma_start3A_190 : memref<80x64xf32, #tpu.memory_space<vmem>>) target(%dma_start3A_196 : memref<10000x64xf32, #tpu.memory_space<vmem_shared>>) offsets(%dma_start3A_193 : memref<80xi32, #tpu.memory_space<vmem>>) semaphore(%dma_start3A_198 : memref<!tpu.dma_semaphore, #tpu.memory_space<semaphore_mem>>) {add = true}
    %dma_wait3A_199 = arith.constant 0 : i32
    %dma_wait3A_200 = arith.constant 120 : i32
    %dma_wait3A_201 = arith.constant 0 : i32
    %dma_wait3A_202 = arith.constant 0 : i32
    %dma_wait3A_203 = arith.constant 0 : i32
    %dma_wait3A_204 = tpu.memref_slice %arg8[%dma_wait3A_199, %dma_wait3A_202, %dma_wait3A_203] : memref<6x80x64xf32, #tpu.memory_space<vmem>> -> memref<1x80x64xf32, #tpu.memory_space<vmem>>
    %dma_wait3A_205 = tpu.memref_squeeze %dma_wait3A_204 : memref<1x80x64xf32, #tpu.memory_space<vmem>> -> memref<80x64xf32, #tpu.memory_space<vmem>>
    %dma_wait3A_206 = arith.constant 0 : i32
    %dma_wait3A_207 = tpu.memref_slice %arg7[%dma_wait3A_200, %dma_wait3A_206] : memref<125x80xi32, #tpu.memory_space<vmem>> -> memref<1x80xi32, #tpu.memory_space<vmem>>
    %dma_wait3A_208 = tpu.memref_squeeze %dma_wait3A_207 : memref<1x80xi32, #tpu.memory_space<vmem>> -> memref<80xi32, #tpu.memory_space<vmem>>
    %dma_wait3A_209 = arith.constant 0 : i32
    %dma_wait3A_210 = arith.constant 0 : i32
    %dma_wait3A_211 = tpu.memref_slice %arg9[%dma_wait3A_209, %dma_wait3A_210] : memref<10000x64xf32, #tpu.memory_space<vmem_shared>> -> memref<10000x64xf32, #tpu.memory_space<vmem_shared>>
    %dma_wait3A_212 = tpu.memref_slice %arg11[%dma_wait3A_201] : memref<6x!tpu.dma_semaphore, #tpu.memory_space<semaphore_mem>> -> memref<1x!tpu.dma_semaphore, #tpu.memory_space<semaphore_mem>>
    %dma_wait3A_213 = tpu.memref_squeeze %dma_wait3A_212 : memref<1x!tpu.dma_semaphore, #tpu.memory_space<semaphore_mem>> -> memref<!tpu.dma_semaphore, #tpu.memory_space<semaphore_mem>>
    tpu.wait_indirect_dma semaphore(%dma_wait3A_213 : memref<!tpu.dma_semaphore, #tpu.memory_space<semaphore_mem>>) src(%dma_wait3A_205 : memref<80x64xf32, #tpu.memory_space<vmem>>) dst(%dma_wait3A_211 : memref<10000x64xf32, #tpu.memory_space<vmem_shared>>)
    %dma_start3A_214 = arith.constant 121 : i32
    %dma_start3A_215 = arith.constant 0 : i32
    %dma_start3A_216 = arith.constant 0 : i32
    %dma_start3A_217 = arith.constant 0 : i32
    %dma_start3A_218 = arith.constant 0 : i32
    %dma_start3A_219 = tpu.memref_slice %arg8[%dma_start3A_215, %dma_start3A_217, %dma_start3A_218] : memref<6x80x64xf32, #tpu.memory_space<vmem>> -> memref<1x80x64xf32, #tpu.memory_space<vmem>>
    %dma_start3A_220 = tpu.memref_squeeze %dma_start3A_219 : memref<1x80x64xf32, #tpu.memory_space<vmem>> -> memref<80x64xf32, #tpu.memory_space<vmem>>
    %dma_start3A_221 = arith.constant 0 : i32
    %dma_start3A_222 = tpu.memref_slice %arg6[%dma_start3A_214, %dma_start3A_221] : memref<125x80xi32, #tpu.memory_space<vmem>> -> memref<1x80xi32, #tpu.memory_space<vmem>>
    %dma_start3A_223 = tpu.memref_squeeze %dma_start3A_222 : memref<1x80xi32, #tpu.memory_space<vmem>> -> memref<80xi32, #tpu.memory_space<vmem>>
    %dma_start3A_224 = arith.constant 0 : i32
    %dma_start3A_225 = arith.constant 0 : i32
    %dma_start3A_226 = tpu.memref_slice %arg3[%dma_start3A_224, %dma_start3A_225] : memref<10000x64xf32, #tpu.memory_space<hbm>> -> memref<10000x64xf32, #tpu.memory_space<hbm>>
    %dma_start3A_227 = tpu.memref_slice %arg10[%dma_start3A_216] : memref<6x!tpu.dma_semaphore, #tpu.memory_space<semaphore_mem>> -> memref<1x!tpu.dma_semaphore, #tpu.memory_space<semaphore_mem>>
    %dma_start3A_228 = tpu.memref_squeeze %dma_start3A_227 : memref<1x!tpu.dma_semaphore, #tpu.memory_space<semaphore_mem>> -> memref<!tpu.dma_semaphore, #tpu.memory_space<semaphore_mem>>
    tpu.enqueue_indirect_dma source(%dma_start3A_226 : memref<10000x64xf32, #tpu.memory_space<hbm>>) target(%dma_start3A_220 : memref<80x64xf32, #tpu.memory_space<vmem>>) offsets(%dma_start3A_223 : memref<80xi32, #tpu.memory_space<vmem>>) semaphore(%dma_start3A_228 : memref<!tpu.dma_semaphore, #tpu.memory_space<semaphore_mem>>)
    %dma_wait3A_229 = arith.constant 121 : i32
    %dma_wait3A_230 = arith.constant 0 : i32
    %dma_wait3A_231 = arith.constant 0 : i32
    %dma_wait3A_232 = arith.constant 0 : i32
    %dma_wait3A_233 = arith.constant 0 : i32
    %dma_wait3A_234 = tpu.memref_slice %arg8[%dma_wait3A_230, %dma_wait3A_232, %dma_wait3A_233] : memref<6x80x64xf32, #tpu.memory_space<vmem>> -> memref<1x80x64xf32, #tpu.memory_space<vmem>>
    %dma_wait3A_235 = tpu.memref_squeeze %dma_wait3A_234 : memref<1x80x64xf32, #tpu.memory_space<vmem>> -> memref<80x64xf32, #tpu.memory_space<vmem>>
    %dma_wait3A_236 = arith.constant 0 : i32
    %dma_wait3A_237 = tpu.memref_slice %arg6[%dma_wait3A_229, %dma_wait3A_236] : memref<125x80xi32, #tpu.memory_space<vmem>> -> memref<1x80xi32, #tpu.memory_space<vmem>>
    %dma_wait3A_238 = tpu.memref_squeeze %dma_wait3A_237 : memref<1x80xi32, #tpu.memory_space<vmem>> -> memref<80xi32, #tpu.memory_space<vmem>>
    %dma_wait3A_239 = arith.constant 0 : i32
    %dma_wait3A_240 = arith.constant 0 : i32
    %dma_wait3A_241 = tpu.memref_slice %arg3[%dma_wait3A_239, %dma_wait3A_240] : memref<10000x64xf32, #tpu.memory_space<hbm>> -> memref<10000x64xf32, #tpu.memory_space<hbm>>
    %dma_wait3A_242 = tpu.memref_slice %arg10[%dma_wait3A_231] : memref<6x!tpu.dma_semaphore, #tpu.memory_space<semaphore_mem>> -> memref<1x!tpu.dma_semaphore, #tpu.memory_space<semaphore_mem>>
    %dma_wait3A_243 = tpu.memref_squeeze %dma_wait3A_242 : memref<1x!tpu.dma_semaphore, #tpu.memory_space<semaphore_mem>> -> memref<!tpu.dma_semaphore, #tpu.memory_space<semaphore_mem>>
    tpu.wait_indirect_dma semaphore(%dma_wait3A_243 : memref<!tpu.dma_semaphore, #tpu.memory_space<semaphore_mem>>) src(%dma_wait3A_241 : memref<10000x64xf32, #tpu.memory_space<hbm>>) dst(%dma_wait3A_235 : memref<80x64xf32, #tpu.memory_space<vmem>>)
    %dma_start3A_244 = arith.constant 0 : i32
    %dma_start3A_245 = arith.constant 121 : i32
    %dma_start3A_246 = arith.constant 0 : i32
    %dma_start3A_247 = arith.constant 0 : i32
    %dma_start3A_248 = arith.constant 0 : i32
    %dma_start3A_249 = tpu.memref_slice %arg8[%dma_start3A_244, %dma_start3A_247, %dma_start3A_248] : memref<6x80x64xf32, #tpu.memory_space<vmem>> -> memref<1x80x64xf32, #tpu.memory_space<vmem>>
    %dma_start3A_250 = tpu.memref_squeeze %dma_start3A_249 : memref<1x80x64xf32, #tpu.memory_space<vmem>> -> memref<80x64xf32, #tpu.memory_space<vmem>>
    %dma_start3A_251 = arith.constant 0 : i32
    %dma_start3A_252 = tpu.memref_slice %arg7[%dma_start3A_245, %dma_start3A_251] : memref<125x80xi32, #tpu.memory_space<vmem>> -> memref<1x80xi32, #tpu.memory_space<vmem>>
    %dma_start3A_253 = tpu.memref_squeeze %dma_start3A_252 : memref<1x80xi32, #tpu.memory_space<vmem>> -> memref<80xi32, #tpu.memory_space<vmem>>
    %dma_start3A_254 = arith.constant 0 : i32
    %dma_start3A_255 = arith.constant 0 : i32
    %dma_start3A_256 = tpu.memref_slice %arg9[%dma_start3A_254, %dma_start3A_255] : memref<10000x64xf32, #tpu.memory_space<vmem_shared>> -> memref<10000x64xf32, #tpu.memory_space<vmem_shared>>
    %dma_start3A_257 = tpu.memref_slice %arg11[%dma_start3A_246] : memref<6x!tpu.dma_semaphore, #tpu.memory_space<semaphore_mem>> -> memref<1x!tpu.dma_semaphore, #tpu.memory_space<semaphore_mem>>
    %dma_start3A_258 = tpu.memref_squeeze %dma_start3A_257 : memref<1x!tpu.dma_semaphore, #tpu.memory_space<semaphore_mem>> -> memref<!tpu.dma_semaphore, #tpu.memory_space<semaphore_mem>>
    tpu.enqueue_indirect_dma source(%dma_start3A_250 : memref<80x64xf32, #tpu.memory_space<vmem>>) target(%dma_start3A_256 : memref<10000x64xf32, #tpu.memory_space<vmem_shared>>) offsets(%dma_start3A_253 : memref<80xi32, #tpu.memory_space<vmem>>) semaphore(%dma_start3A_258 : memref<!tpu.dma_semaphore, #tpu.memory_space<semaphore_mem>>) {add = true}
    %dma_wait3A_259 = arith.constant 0 : i32
    %dma_wait3A_260 = arith.constant 121 : i32
    %dma_wait3A_261 = arith.constant 0 : i32
    %dma_wait3A_262 = arith.constant 0 : i32
    %dma_wait3A_263 = arith.constant 0 : i32
    %dma_wait3A_264 = tpu.memref_slice %arg8[%dma_wait3A_259, %dma_wait3A_262, %dma_wait3A_263] : memref<6x80x64xf32, #tpu.memory_space<vmem>> -> memref<1x80x64xf32, #tpu.memory_space<vmem>>
    %dma_wait3A_265 = tpu.memref_squeeze %dma_wait3A_264 : memref<1x80x64xf32, #tpu.memory_space<vmem>> -> memref<80x64xf32, #tpu.memory_space<vmem>>
    %dma_wait3A_266 = arith.constant 0 : i32
    %dma_wait3A_267 = tpu.memref_slice %arg7[%dma_wait3A_260, %dma_wait3A_266] : memref<125x80xi32, #tpu.memory_space<vmem>> -> memref<1x80xi32, #tpu.memory_space<vmem>>
    %dma_wait3A_268 = tpu.memref_squeeze %dma_wait3A_267 : memref<1x80xi32, #tpu.memory_space<vmem>> -> memref<80xi32, #tpu.memory_space<vmem>>
    %dma_wait3A_269 = arith.constant 0 : i32
    %dma_wait3A_270 = arith.constant 0 : i32
    %dma_wait3A_271 = tpu.memref_slice %arg9[%dma_wait3A_269, %dma_wait3A_270] : memref<10000x64xf32, #tpu.memory_space<vmem_shared>> -> memref<10000x64xf32, #tpu.memory_space<vmem_shared>>
    %dma_wait3A_272 = tpu.memref_slice %arg11[%dma_wait3A_261] : memref<6x!tpu.dma_semaphore, #tpu.memory_space<semaphore_mem>> -> memref<1x!tpu.dma_semaphore, #tpu.memory_space<semaphore_mem>>
    %dma_wait3A_273 = tpu.memref_squeeze %dma_wait3A_272 : memref<1x!tpu.dma_semaphore, #tpu.memory_space<semaphore_mem>> -> memref<!tpu.dma_semaphore, #tpu.memory_space<semaphore_mem>>
    tpu.wait_indirect_dma semaphore(%dma_wait3A_273 : memref<!tpu.dma_semaphore, #tpu.memory_space<semaphore_mem>>) src(%dma_wait3A_265 : memref<80x64xf32, #tpu.memory_space<vmem>>) dst(%dma_wait3A_271 : memref<10000x64xf32, #tpu.memory_space<vmem_shared>>)
    %dma_start3A_274 = arith.constant 122 : i32
    %dma_start3A_275 = arith.constant 0 : i32
    %dma_start3A_276 = arith.constant 0 : i32
    %dma_start3A_277 = arith.constant 0 : i32
    %dma_start3A_278 = arith.constant 0 : i32
    %dma_start3A_279 = tpu.memref_slice %arg8[%dma_start3A_275, %dma_start3A_277, %dma_start3A_278] : memref<6x80x64xf32, #tpu.memory_space<vmem>> -> memref<1x80x64xf32, #tpu.memory_space<vmem>>
    %dma_start3A_280 = tpu.memref_squeeze %dma_start3A_279 : memref<1x80x64xf32, #tpu.memory_space<vmem>> -> memref<80x64xf32, #tpu.memory_space<vmem>>
    %dma_start3A_281 = arith.constant 0 : i32
    %dma_start3A_282 = tpu.memref_slice %arg6[%dma_start3A_274, %dma_start3A_281] : memref<125x80xi32, #tpu.memory_space<vmem>> -> memref<1x80xi32, #tpu.memory_space<vmem>>
    %dma_start3A_283 = tpu.memref_squeeze %dma_start3A_282 : memref<1x80xi32, #tpu.memory_space<vmem>> -> memref<80xi32, #tpu.memory_space<vmem>>
    %dma_start3A_284 = arith.constant 0 : i32
    %dma_start3A_285 = arith.constant 0 : i32
    %dma_start3A_286 = tpu.memref_slice %arg3[%dma_start3A_284, %dma_start3A_285] : memref<10000x64xf32, #tpu.memory_space<hbm>> -> memref<10000x64xf32, #tpu.memory_space<hbm>>
    %dma_start3A_287 = tpu.memref_slice %arg10[%dma_start3A_276] : memref<6x!tpu.dma_semaphore, #tpu.memory_space<semaphore_mem>> -> memref<1x!tpu.dma_semaphore, #tpu.memory_space<semaphore_mem>>
    %dma_start3A_288 = tpu.memref_squeeze %dma_start3A_287 : memref<1x!tpu.dma_semaphore, #tpu.memory_space<semaphore_mem>> -> memref<!tpu.dma_semaphore, #tpu.memory_space<semaphore_mem>>
    tpu.enqueue_indirect_dma source(%dma_start3A_286 : memref<10000x64xf32, #tpu.memory_space<hbm>>) target(%dma_start3A_280 : memref<80x64xf32, #tpu.memory_space<vmem>>) offsets(%dma_start3A_283 : memref<80xi32, #tpu.memory_space<vmem>>) semaphore(%dma_start3A_288 : memref<!tpu.dma_semaphore, #tpu.memory_space<semaphore_mem>>)
    %dma_wait3A_289 = arith.constant 122 : i32
    %dma_wait3A_290 = arith.constant 0 : i32
    %dma_wait3A_291 = arith.constant 0 : i32
    %dma_wait3A_292 = arith.constant 0 : i32
    %dma_wait3A_293 = arith.constant 0 : i32
    %dma_wait3A_294 = tpu.memref_slice %arg8[%dma_wait3A_290, %dma_wait3A_292, %dma_wait3A_293] : memref<6x80x64xf32, #tpu.memory_space<vmem>> -> memref<1x80x64xf32, #tpu.memory_space<vmem>>
    %dma_wait3A_295 = tpu.memref_squeeze %dma_wait3A_294 : memref<1x80x64xf32, #tpu.memory_space<vmem>> -> memref<80x64xf32, #tpu.memory_space<vmem>>
    %dma_wait3A_296 = arith.constant 0 : i32
    %dma_wait3A_297 = tpu.memref_slice %arg6[%dma_wait3A_289, %dma_wait3A_296] : memref<125x80xi32, #tpu.memory_space<vmem>> -> memref<1x80xi32, #tpu.memory_space<vmem>>
    %dma_wait3A_298 = tpu.memref_squeeze %dma_wait3A_297 : memref<1x80xi32, #tpu.memory_space<vmem>> -> memref<80xi32, #tpu.memory_space<vmem>>
    %dma_wait3A_299 = arith.constant 0 : i32
    %dma_wait3A_300 = arith.constant 0 : i32
    %dma_wait3A_301 = tpu.memref_slice %arg3[%dma_wait3A_299, %dma_wait3A_300] : memref<10000x64xf32, #tpu.memory_space<hbm>> -> memref<10000x64xf32, #tpu.memory_space<hbm>>
    %dma_wait3A_302 = tpu.memref_slice %arg10[%dma_wait3A_291] : memref<6x!tpu.dma_semaphore, #tpu.memory_space<semaphore_mem>> -> memref<1x!tpu.dma_semaphore, #tpu.memory_space<semaphore_mem>>
    %dma_wait3A_303 = tpu.memref_squeeze %dma_wait3A_302 : memref<1x!tpu.dma_semaphore, #tpu.memory_space<semaphore_mem>> -> memref<!tpu.dma_semaphore, #tpu.memory_space<semaphore_mem>>
    tpu.wait_indirect_dma semaphore(%dma_wait3A_303 : memref<!tpu.dma_semaphore, #tpu.memory_space<semaphore_mem>>) src(%dma_wait3A_301 : memref<10000x64xf32, #tpu.memory_space<hbm>>) dst(%dma_wait3A_295 : memref<80x64xf32, #tpu.memory_space<vmem>>)
    %dma_start3A_304 = arith.constant 0 : i32
    %dma_start3A_305 = arith.constant 122 : i32
    %dma_start3A_306 = arith.constant 0 : i32
    %dma_start3A_307 = arith.constant 0 : i32
    %dma_start3A_308 = arith.constant 0 : i32
    %dma_start3A_309 = tpu.memref_slice %arg8[%dma_start3A_304, %dma_start3A_307, %dma_start3A_308] : memref<6x80x64xf32, #tpu.memory_space<vmem>> -> memref<1x80x64xf32, #tpu.memory_space<vmem>>
    %dma_start3A_310 = tpu.memref_squeeze %dma_start3A_309 : memref<1x80x64xf32, #tpu.memory_space<vmem>> -> memref<80x64xf32, #tpu.memory_space<vmem>>
    %dma_start3A_311 = arith.constant 0 : i32
    %dma_start3A_312 = tpu.memref_slice %arg7[%dma_start3A_305, %dma_start3A_311] : memref<125x80xi32, #tpu.memory_space<vmem>> -> memref<1x80xi32, #tpu.memory_space<vmem>>
    %dma_start3A_313 = tpu.memref_squeeze %dma_start3A_312 : memref<1x80xi32, #tpu.memory_space<vmem>> -> memref<80xi32, #tpu.memory_space<vmem>>
    %dma_start3A_314 = arith.constant 0 : i32
    %dma_start3A_315 = arith.constant 0 : i32
    %dma_start3A_316 = tpu.memref_slice %arg9[%dma_start3A_314, %dma_start3A_315] : memref<10000x64xf32, #tpu.memory_space<vmem_shared>> -> memref<10000x64xf32, #tpu.memory_space<vmem_shared>>
    %dma_start3A_317 = tpu.memref_slice %arg11[%dma_start3A_306] : memref<6x!tpu.dma_semaphore, #tpu.memory_space<semaphore_mem>> -> memref<1x!tpu.dma_semaphore, #tpu.memory_space<semaphore_mem>>
    %dma_start3A_318 = tpu.memref_squeeze %dma_start3A_317 : memref<1x!tpu.dma_semaphore, #tpu.memory_space<semaphore_mem>> -> memref<!tpu.dma_semaphore, #tpu.memory_space<semaphore_mem>>
    tpu.enqueue_indirect_dma source(%dma_start3A_310 : memref<80x64xf32, #tpu.memory_space<vmem>>) target(%dma_start3A_316 : memref<10000x64xf32, #tpu.memory_space<vmem_shared>>) offsets(%dma_start3A_313 : memref<80xi32, #tpu.memory_space<vmem>>) semaphore(%dma_start3A_318 : memref<!tpu.dma_semaphore, #tpu.memory_space<semaphore_mem>>) {add = true}
    %dma_wait3A_319 = arith.constant 0 : i32
    %dma_wait3A_320 = arith.constant 122 : i32
    %dma_wait3A_321 = arith.constant 0 : i32
    %dma_wait3A_322 = arith.constant 0 : i32
    %dma_wait3A_323 = arith.constant 0 : i32
    %dma_wait3A_324 = tpu.memref_slice %arg8[%dma_wait3A_319, %dma_wait3A_322, %dma_wait3A_323] : memref<6x80x64xf32, #tpu.memory_space<vmem>> -> memref<1x80x64xf32, #tpu.memory_space<vmem>>
    %dma_wait3A_325 = tpu.memref_squeeze %dma_wait3A_324 : memref<1x80x64xf32, #tpu.memory_space<vmem>> -> memref<80x64xf32, #tpu.memory_space<vmem>>
    %dma_wait3A_326 = arith.constant 0 : i32
    %dma_wait3A_327 = tpu.memref_slice %arg7[%dma_wait3A_320, %dma_wait3A_326] : memref<125x80xi32, #tpu.memory_space<vmem>> -> memref<1x80xi32, #tpu.memory_space<vmem>>
    %dma_wait3A_328 = tpu.memref_squeeze %dma_wait3A_327 : memref<1x80xi32, #tpu.memory_space<vmem>> -> memref<80xi32, #tpu.memory_space<vmem>>
    %dma_wait3A_329 = arith.constant 0 : i32
    %dma_wait3A_330 = arith.constant 0 : i32
    %dma_wait3A_331 = tpu.memref_slice %arg9[%dma_wait3A_329, %dma_wait3A_330] : memref<10000x64xf32, #tpu.memory_space<vmem_shared>> -> memref<10000x64xf32, #tpu.memory_space<vmem_shared>>
    %dma_wait3A_332 = tpu.memref_slice %arg11[%dma_wait3A_321] : memref<6x!tpu.dma_semaphore, #tpu.memory_space<semaphore_mem>> -> memref<1x!tpu.dma_semaphore, #tpu.memory_space<semaphore_mem>>
    %dma_wait3A_333 = tpu.memref_squeeze %dma_wait3A_332 : memref<1x!tpu.dma_semaphore, #tpu.memory_space<semaphore_mem>> -> memref<!tpu.dma_semaphore, #tpu.memory_space<semaphore_mem>>
    tpu.wait_indirect_dma semaphore(%dma_wait3A_333 : memref<!tpu.dma_semaphore, #tpu.memory_space<semaphore_mem>>) src(%dma_wait3A_325 : memref<80x64xf32, #tpu.memory_space<vmem>>) dst(%dma_wait3A_331 : memref<10000x64xf32, #tpu.memory_space<vmem_shared>>)
    %dma_start3A_334 = arith.constant 123 : i32
    %dma_start3A_335 = arith.constant 0 : i32
    %dma_start3A_336 = arith.constant 0 : i32
    %dma_start3A_337 = arith.constant 0 : i32
    %dma_start3A_338 = arith.constant 0 : i32
    %dma_start3A_339 = tpu.memref_slice %arg8[%dma_start3A_335, %dma_start3A_337, %dma_start3A_338] : memref<6x80x64xf32, #tpu.memory_space<vmem>> -> memref<1x80x64xf32, #tpu.memory_space<vmem>>
    %dma_start3A_340 = tpu.memref_squeeze %dma_start3A_339 : memref<1x80x64xf32, #tpu.memory_space<vmem>> -> memref<80x64xf32, #tpu.memory_space<vmem>>
    %dma_start3A_341 = arith.constant 0 : i32
    %dma_start3A_342 = tpu.memref_slice %arg6[%dma_start3A_334, %dma_start3A_341] : memref<125x80xi32, #tpu.memory_space<vmem>> -> memref<1x80xi32, #tpu.memory_space<vmem>>
    %dma_start3A_343 = tpu.memref_squeeze %dma_start3A_342 : memref<1x80xi32, #tpu.memory_space<vmem>> -> memref<80xi32, #tpu.memory_space<vmem>>
    %dma_start3A_344 = arith.constant 0 : i32
    %dma_start3A_345 = arith.constant 0 : i32
    %dma_start3A_346 = tpu.memref_slice %arg3[%dma_start3A_344, %dma_start3A_345] : memref<10000x64xf32, #tpu.memory_space<hbm>> -> memref<10000x64xf32, #tpu.memory_space<hbm>>
    %dma_start3A_347 = tpu.memref_slice %arg10[%dma_start3A_336] : memref<6x!tpu.dma_semaphore, #tpu.memory_space<semaphore_mem>> -> memref<1x!tpu.dma_semaphore, #tpu.memory_space<semaphore_mem>>
    %dma_start3A_348 = tpu.memref_squeeze %dma_start3A_347 : memref<1x!tpu.dma_semaphore, #tpu.memory_space<semaphore_mem>> -> memref<!tpu.dma_semaphore, #tpu.memory_space<semaphore_mem>>
    tpu.enqueue_indirect_dma source(%dma_start3A_346 : memref<10000x64xf32, #tpu.memory_space<hbm>>) target(%dma_start3A_340 : memref<80x64xf32, #tpu.memory_space<vmem>>) offsets(%dma_start3A_343 : memref<80xi32, #tpu.memory_space<vmem>>) semaphore(%dma_start3A_348 : memref<!tpu.dma_semaphore, #tpu.memory_space<semaphore_mem>>)
    %dma_wait3A_349 = arith.constant 123 : i32
    %dma_wait3A_350 = arith.constant 0 : i32
    %dma_wait3A_351 = arith.constant 0 : i32
    %dma_wait3A_352 = arith.constant 0 : i32
    %dma_wait3A_353 = arith.constant 0 : i32
    %dma_wait3A_354 = tpu.memref_slice %arg8[%dma_wait3A_350, %dma_wait3A_352, %dma_wait3A_353] : memref<6x80x64xf32, #tpu.memory_space<vmem>> -> memref<1x80x64xf32, #tpu.memory_space<vmem>>
    %dma_wait3A_355 = tpu.memref_squeeze %dma_wait3A_354 : memref<1x80x64xf32, #tpu.memory_space<vmem>> -> memref<80x64xf32, #tpu.memory_space<vmem>>
    %dma_wait3A_356 = arith.constant 0 : i32
    %dma_wait3A_357 = tpu.memref_slice %arg6[%dma_wait3A_349, %dma_wait3A_356] : memref<125x80xi32, #tpu.memory_space<vmem>> -> memref<1x80xi32, #tpu.memory_space<vmem>>
    %dma_wait3A_358 = tpu.memref_squeeze %dma_wait3A_357 : memref<1x80xi32, #tpu.memory_space<vmem>> -> memref<80xi32, #tpu.memory_space<vmem>>
    %dma_wait3A_359 = arith.constant 0 : i32
    %dma_wait3A_360 = arith.constant 0 : i32
    %dma_wait3A_361 = tpu.memref_slice %arg3[%dma_wait3A_359, %dma_wait3A_360] : memref<10000x64xf32, #tpu.memory_space<hbm>> -> memref<10000x64xf32, #tpu.memory_space<hbm>>
    %dma_wait3A_362 = tpu.memref_slice %arg10[%dma_wait3A_351] : memref<6x!tpu.dma_semaphore, #tpu.memory_space<semaphore_mem>> -> memref<1x!tpu.dma_semaphore, #tpu.memory_space<semaphore_mem>>
    %dma_wait3A_363 = tpu.memref_squeeze %dma_wait3A_362 : memref<1x!tpu.dma_semaphore, #tpu.memory_space<semaphore_mem>> -> memref<!tpu.dma_semaphore, #tpu.memory_space<semaphore_mem>>
    tpu.wait_indirect_dma semaphore(%dma_wait3A_363 : memref<!tpu.dma_semaphore, #tpu.memory_space<semaphore_mem>>) src(%dma_wait3A_361 : memref<10000x64xf32, #tpu.memory_space<hbm>>) dst(%dma_wait3A_355 : memref<80x64xf32, #tpu.memory_space<vmem>>)
    %dma_start3A_364 = arith.constant 0 : i32
    %dma_start3A_365 = arith.constant 123 : i32
    %dma_start3A_366 = arith.constant 0 : i32
    %dma_start3A_367 = arith.constant 0 : i32
    %dma_start3A_368 = arith.constant 0 : i32
    %dma_start3A_369 = tpu.memref_slice %arg8[%dma_start3A_364, %dma_start3A_367, %dma_start3A_368] : memref<6x80x64xf32, #tpu.memory_space<vmem>> -> memref<1x80x64xf32, #tpu.memory_space<vmem>>
    %dma_start3A_370 = tpu.memref_squeeze %dma_start3A_369 : memref<1x80x64xf32, #tpu.memory_space<vmem>> -> memref<80x64xf32, #tpu.memory_space<vmem>>
    %dma_start3A_371 = arith.constant 0 : i32
    %dma_start3A_372 = tpu.memref_slice %arg7[%dma_start3A_365, %dma_start3A_371] : memref<125x80xi32, #tpu.memory_space<vmem>> -> memref<1x80xi32, #tpu.memory_space<vmem>>
    %dma_start3A_373 = tpu.memref_squeeze %dma_start3A_372 : memref<1x80xi32, #tpu.memory_space<vmem>> -> memref<80xi32, #tpu.memory_space<vmem>>
    %dma_start3A_374 = arith.constant 0 : i32
    %dma_start3A_375 = arith.constant 0 : i32
    %dma_start3A_376 = tpu.memref_slice %arg9[%dma_start3A_374, %dma_start3A_375] : memref<10000x64xf32, #tpu.memory_space<vmem_shared>> -> memref<10000x64xf32, #tpu.memory_space<vmem_shared>>
    %dma_start3A_377 = tpu.memref_slice %arg11[%dma_start3A_366] : memref<6x!tpu.dma_semaphore, #tpu.memory_space<semaphore_mem>> -> memref<1x!tpu.dma_semaphore, #tpu.memory_space<semaphore_mem>>
    %dma_start3A_378 = tpu.memref_squeeze %dma_start3A_377 : memref<1x!tpu.dma_semaphore, #tpu.memory_space<semaphore_mem>> -> memref<!tpu.dma_semaphore, #tpu.memory_space<semaphore_mem>>
    tpu.enqueue_indirect_dma source(%dma_start3A_370 : memref<80x64xf32, #tpu.memory_space<vmem>>) target(%dma_start3A_376 : memref<10000x64xf32, #tpu.memory_space<vmem_shared>>) offsets(%dma_start3A_373 : memref<80xi32, #tpu.memory_space<vmem>>) semaphore(%dma_start3A_378 : memref<!tpu.dma_semaphore, #tpu.memory_space<semaphore_mem>>) {add = true}
    %dma_wait3A_379 = arith.constant 0 : i32
    %dma_wait3A_380 = arith.constant 123 : i32
    %dma_wait3A_381 = arith.constant 0 : i32
    %dma_wait3A_382 = arith.constant 0 : i32
    %dma_wait3A_383 = arith.constant 0 : i32
    %dma_wait3A_384 = tpu.memref_slice %arg8[%dma_wait3A_379, %dma_wait3A_382, %dma_wait3A_383] : memref<6x80x64xf32, #tpu.memory_space<vmem>> -> memref<1x80x64xf32, #tpu.memory_space<vmem>>
    %dma_wait3A_385 = tpu.memref_squeeze %dma_wait3A_384 : memref<1x80x64xf32, #tpu.memory_space<vmem>> -> memref<80x64xf32, #tpu.memory_space<vmem>>
    %dma_wait3A_386 = arith.constant 0 : i32
    %dma_wait3A_387 = tpu.memref_slice %arg7[%dma_wait3A_380, %dma_wait3A_386] : memref<125x80xi32, #tpu.memory_space<vmem>> -> memref<1x80xi32, #tpu.memory_space<vmem>>
    %dma_wait3A_388 = tpu.memref_squeeze %dma_wait3A_387 : memref<1x80xi32, #tpu.memory_space<vmem>> -> memref<80xi32, #tpu.memory_space<vmem>>
    %dma_wait3A_389 = arith.constant 0 : i32
    %dma_wait3A_390 = arith.constant 0 : i32
    %dma_wait3A_391 = tpu.memref_slice %arg9[%dma_wait3A_389, %dma_wait3A_390] : memref<10000x64xf32, #tpu.memory_space<vmem_shared>> -> memref<10000x64xf32, #tpu.memory_space<vmem_shared>>
    %dma_wait3A_392 = tpu.memref_slice %arg11[%dma_wait3A_381] : memref<6x!tpu.dma_semaphore, #tpu.memory_space<semaphore_mem>> -> memref<1x!tpu.dma_semaphore, #tpu.memory_space<semaphore_mem>>
    %dma_wait3A_393 = tpu.memref_squeeze %dma_wait3A_392 : memref<1x!tpu.dma_semaphore, #tpu.memory_space<semaphore_mem>> -> memref<!tpu.dma_semaphore, #tpu.memory_space<semaphore_mem>>
    tpu.wait_indirect_dma semaphore(%dma_wait3A_393 : memref<!tpu.dma_semaphore, #tpu.memory_space<semaphore_mem>>) src(%dma_wait3A_385 : memref<80x64xf32, #tpu.memory_space<vmem>>) dst(%dma_wait3A_391 : memref<10000x64xf32, #tpu.memory_space<vmem_shared>>)
    %dma_start3A_394 = arith.constant 124 : i32
    %dma_start3A_395 = arith.constant 0 : i32
    %dma_start3A_396 = arith.constant 0 : i32
    %dma_start3A_397 = arith.constant 0 : i32
    %dma_start3A_398 = arith.constant 0 : i32
    %dma_start3A_399 = tpu.memref_slice %arg8[%dma_start3A_395, %dma_start3A_397, %dma_start3A_398] : memref<6x80x64xf32, #tpu.memory_space<vmem>> -> memref<1x80x64xf32, #tpu.memory_space<vmem>>
    %dma_start3A_400 = tpu.memref_squeeze %dma_start3A_399 : memref<1x80x64xf32, #tpu.memory_space<vmem>> -> memref<80x64xf32, #tpu.memory_space<vmem>>
    %dma_start3A_401 = arith.constant 0 : i32
    %dma_start3A_402 = tpu.memref_slice %arg6[%dma_start3A_394, %dma_start3A_401] : memref<125x80xi32, #tpu.memory_space<vmem>> -> memref<1x80xi32, #tpu.memory_space<vmem>>
    %dma_start3A_403 = tpu.memref_squeeze %dma_start3A_402 : memref<1x80xi32, #tpu.memory_space<vmem>> -> memref<80xi32, #tpu.memory_space<vmem>>
    %dma_start3A_404 = arith.constant 0 : i32
    %dma_start3A_405 = arith.constant 0 : i32
    %dma_start3A_406 = tpu.memref_slice %arg3[%dma_start3A_404, %dma_start3A_405] : memref<10000x64xf32, #tpu.memory_space<hbm>> -> memref<10000x64xf32, #tpu.memory_space<hbm>>
    %dma_start3A_407 = tpu.memref_slice %arg10[%dma_start3A_396] : memref<6x!tpu.dma_semaphore, #tpu.memory_space<semaphore_mem>> -> memref<1x!tpu.dma_semaphore, #tpu.memory_space<semaphore_mem>>
    %dma_start3A_408 = tpu.memref_squeeze %dma_start3A_407 : memref<1x!tpu.dma_semaphore, #tpu.memory_space<semaphore_mem>> -> memref<!tpu.dma_semaphore, #tpu.memory_space<semaphore_mem>>
    tpu.enqueue_indirect_dma source(%dma_start3A_406 : memref<10000x64xf32, #tpu.memory_space<hbm>>) target(%dma_start3A_400 : memref<80x64xf32, #tpu.memory_space<vmem>>) offsets(%dma_start3A_403 : memref<80xi32, #tpu.memory_space<vmem>>) semaphore(%dma_start3A_408 : memref<!tpu.dma_semaphore, #tpu.memory_space<semaphore_mem>>)
    %dma_wait3A_409 = arith.constant 124 : i32
    %dma_wait3A_410 = arith.constant 0 : i32
    %dma_wait3A_411 = arith.constant 0 : i32
    %dma_wait3A_412 = arith.constant 0 : i32
    %dma_wait3A_413 = arith.constant 0 : i32
    %dma_wait3A_414 = tpu.memref_slice %arg8[%dma_wait3A_410, %dma_wait3A_412, %dma_wait3A_413] : memref<6x80x64xf32, #tpu.memory_space<vmem>> -> memref<1x80x64xf32, #tpu.memory_space<vmem>>
    %dma_wait3A_415 = tpu.memref_squeeze %dma_wait3A_414 : memref<1x80x64xf32, #tpu.memory_space<vmem>> -> memref<80x64xf32, #tpu.memory_space<vmem>>
    %dma_wait3A_416 = arith.constant 0 : i32
    %dma_wait3A_417 = tpu.memref_slice %arg6[%dma_wait3A_409, %dma_wait3A_416] : memref<125x80xi32, #tpu.memory_space<vmem>> -> memref<1x80xi32, #tpu.memory_space<vmem>>
    %dma_wait3A_418 = tpu.memref_squeeze %dma_wait3A_417 : memref<1x80xi32, #tpu.memory_space<vmem>> -> memref<80xi32, #tpu.memory_space<vmem>>
    %dma_wait3A_419 = arith.constant 0 : i32
    %dma_wait3A_420 = arith.constant 0 : i32
    %dma_wait3A_421 = tpu.memref_slice %arg3[%dma_wait3A_419, %dma_wait3A_420] : memref<10000x64xf32, #tpu.memory_space<hbm>> -> memref<10000x64xf32, #tpu.memory_space<hbm>>
    %dma_wait3A_422 = tpu.memref_slice %arg10[%dma_wait3A_411] : memref<6x!tpu.dma_semaphore, #tpu.memory_space<semaphore_mem>> -> memref<1x!tpu.dma_semaphore, #tpu.memory_space<semaphore_mem>>
    %dma_wait3A_423 = tpu.memref_squeeze %dma_wait3A_422 : memref<1x!tpu.dma_semaphore, #tpu.memory_space<semaphore_mem>> -> memref<!tpu.dma_semaphore, #tpu.memory_space<semaphore_mem>>
    tpu.wait_indirect_dma semaphore(%dma_wait3A_423 : memref<!tpu.dma_semaphore, #tpu.memory_space<semaphore_mem>>) src(%dma_wait3A_421 : memref<10000x64xf32, #tpu.memory_space<hbm>>) dst(%dma_wait3A_415 : memref<80x64xf32, #tpu.memory_space<vmem>>)
    %dma_start3A_424 = arith.constant 0 : i32
    %dma_start3A_425 = arith.constant 124 : i32
    %dma_start3A_426 = arith.constant 0 : i32
    %dma_start3A_427 = arith.constant 0 : i32
    %dma_start3A_428 = arith.constant 0 : i32
    %dma_start3A_429 = tpu.memref_slice %arg8[%dma_start3A_424, %dma_start3A_427, %dma_start3A_428] : memref<6x80x64xf32, #tpu.memory_space<vmem>> -> memref<1x80x64xf32, #tpu.memory_space<vmem>>
    %dma_start3A_430 = tpu.memref_squeeze %dma_start3A_429 : memref<1x80x64xf32, #tpu.memory_space<vmem>> -> memref<80x64xf32, #tpu.memory_space<vmem>>
    %dma_start3A_431 = arith.constant 0 : i32
    %dma_start3A_432 = tpu.memref_slice %arg7[%dma_start3A_425, %dma_start3A_431] : memref<125x80xi32, #tpu.memory_space<vmem>> -> memref<1x80xi32, #tpu.memory_space<vmem>>
    %dma_start3A_433 = tpu.memref_squeeze %dma_start3A_432 : memref<1x80xi32, #tpu.memory_space<vmem>> -> memref<80xi32, #tpu.memory_space<vmem>>
    %dma_start3A_434 = arith.constant 0 : i32
    %dma_start3A_435 = arith.constant 0 : i32
    %dma_start3A_436 = tpu.memref_slice %arg9[%dma_start3A_434, %dma_start3A_435] : memref<10000x64xf32, #tpu.memory_space<vmem_shared>> -> memref<10000x64xf32, #tpu.memory_space<vmem_shared>>
    %dma_start3A_437 = tpu.memref_slice %arg11[%dma_start3A_426] : memref<6x!tpu.dma_semaphore, #tpu.memory_space<semaphore_mem>> -> memref<1x!tpu.dma_semaphore, #tpu.memory_space<semaphore_mem>>
    %dma_start3A_438 = tpu.memref_squeeze %dma_start3A_437 : memref<1x!tpu.dma_semaphore, #tpu.memory_space<semaphore_mem>> -> memref<!tpu.dma_semaphore, #tpu.memory_space<semaphore_mem>>
    tpu.enqueue_indirect_dma source(%dma_start3A_430 : memref<80x64xf32, #tpu.memory_space<vmem>>) target(%dma_start3A_436 : memref<10000x64xf32, #tpu.memory_space<vmem_shared>>) offsets(%dma_start3A_433 : memref<80xi32, #tpu.memory_space<vmem>>) semaphore(%dma_start3A_438 : memref<!tpu.dma_semaphore, #tpu.memory_space<semaphore_mem>>) {add = true}
    %dma_wait3A_439 = arith.constant 0 : i32
    %dma_wait3A_440 = arith.constant 124 : i32
    %dma_wait3A_441 = arith.constant 0 : i32
    %dma_wait3A_442 = arith.constant 0 : i32
    %dma_wait3A_443 = arith.constant 0 : i32
    %dma_wait3A_444 = tpu.memref_slice %arg8[%dma_wait3A_439, %dma_wait3A_442, %dma_wait3A_443] : memref<6x80x64xf32, #tpu.memory_space<vmem>> -> memref<1x80x64xf32, #tpu.memory_space<vmem>>
    %dma_wait3A_445 = tpu.memref_squeeze %dma_wait3A_444 : memref<1x80x64xf32, #tpu.memory_space<vmem>> -> memref<80x64xf32, #tpu.memory_space<vmem>>
    %dma_wait3A_446 = arith.constant 0 : i32
    %dma_wait3A_447 = tpu.memref_slice %arg7[%dma_wait3A_440, %dma_wait3A_446] : memref<125x80xi32, #tpu.memory_space<vmem>> -> memref<1x80xi32, #tpu.memory_space<vmem>>
    %dma_wait3A_448 = tpu.memref_squeeze %dma_wait3A_447 : memref<1x80xi32, #tpu.memory_space<vmem>> -> memref<80xi32, #tpu.memory_space<vmem>>
    %dma_wait3A_449 = arith.constant 0 : i32
    %dma_wait3A_450 = arith.constant 0 : i32
    %dma_wait3A_451 = tpu.memref_slice %arg9[%dma_wait3A_449, %dma_wait3A_450] : memref<10000x64xf32, #tpu.memory_space<vmem_shared>> -> memref<10000x64xf32, #tpu.memory_space<vmem_shared>>
    %dma_wait3A_452 = tpu.memref_slice %arg11[%dma_wait3A_441] : memref<6x!tpu.dma_semaphore, #tpu.memory_space<semaphore_mem>> -> memref<1x!tpu.dma_semaphore, #tpu.memory_space<semaphore_mem>>
    %dma_wait3A_453 = tpu.memref_squeeze %dma_wait3A_452 : memref<1x!tpu.dma_semaphore, #tpu.memory_space<semaphore_mem>> -> memref<!tpu.dma_semaphore, #tpu.memory_space<semaphore_mem>>
    tpu.wait_indirect_dma semaphore(%dma_wait3A_453 : memref<!tpu.dma_semaphore, #tpu.memory_space<semaphore_mem>>) src(%dma_wait3A_445 : memref<80x64xf32, #tpu.memory_space<vmem>>) dst(%dma_wait3A_451 : memref<10000x64xf32, #tpu.memory_space<vmem_shared>>)
    %barrier3A_454 = arith.constant 0 : index
    tpu.barrier barrier_id(%barrier3A_454)
    %mul3A_455 = arith.constant 625 : i32
    %mul3A_456 = arith.muli %arg1, %mul3A_455 : i32
    %mul3A_457 = arith.constant 625 : i32
    %mul3A_458 = arith.muli %arg1, %mul3A_457 : i32
    %mul3A_459 = arith.constant 64 : i32
    %mul3A_460 = arith.muli %arg0, %mul3A_459 : i32
    "tpu.region"() ({
      %run_scoped3A = tpu.sem_alloc : memref<!tpu.dma_semaphore, #tpu.memory_space<semaphore_mem>>
      %dma_start3A_461 = tpu.memref_slice %arg5[%mul3A_458, %mul3A_460] : memref<10000x128xf32, #tpu.memory_space<hbm>> -> memref<625x64xf32, #tpu.memory_space<hbm>>
      %dma_start3A_462 = arith.constant 0 : i32
      %dma_start3A_463 = tpu.memref_slice %arg9[%mul3A_456, %dma_start3A_462] : memref<10000x64xf32, #tpu.memory_space<vmem_shared>> -> memref<625x64xf32, #tpu.memory_space<vmem_shared>>
      tpu.enqueue_dma source(%dma_start3A_463 : memref<625x64xf32, #tpu.memory_space<vmem_shared>>) target(%dma_start3A_461 : memref<625x64xf32, #tpu.memory_space<hbm>>) target_semaphore(%run_scoped3A : memref<!tpu.dma_semaphore, #tpu.memory_space<semaphore_mem>>)
      %dma_wait3A_464 = tpu.memref_slice %arg5[%mul3A_458, %mul3A_460] : memref<10000x128xf32, #tpu.memory_space<hbm>> -> memref<625x64xf32, #tpu.memory_space<hbm>>
      %dma_wait3A_465 = arith.constant 0 : i32
      %dma_wait3A_466 = tpu.memref_slice %arg9[%mul3A_456, %dma_wait3A_465] : memref<10000x64xf32, #tpu.memory_space<vmem_shared>> -> memref<625x64xf32, #tpu.memory_space<vmem_shared>>
      tpu.wait_dma2 semaphore(%run_scoped3A : memref<!tpu.dma_semaphore, #tpu.memory_space<semaphore_mem>>) src(%dma_wait3A_466 : memref<625x64xf32, #tpu.memory_space<vmem_shared>>) dst(%dma_wait3A_464 : memref<625x64xf32, #tpu.memory_space<hbm>>)
      tpu.yield
    }) : () -> ()
    return
  }
}

#map = affine_map<(d0, d1) -> (0, 0, 0, 0)>
#map1 = affine_map<(d0, d1) -> (0, 0)>
module attributes {stable_mosaic.version = 14 : i64} {
  func.func @f(%arg0: i32, %arg1: i32, %arg2: memref<2x32x125x80xi32, #tpu.memory_space<hbm>>, %arg3: memref<10000x128xf32, #tpu.memory_space<hbm>>, %arg4: memref<625x128xf32, #tpu.memory_space<hbm>>, %arg5: memref<20000x128xf32, #tpu.memory_space<hbm>>, %arg6: memref<125x80xi32, #tpu.memory_space<vmem>>, %arg7: memref<125x80xi32, #tpu.memory_space<vmem>>, %arg8: memref<3x80x128xf32, #tpu.memory_space<vmem>>, %arg9: memref<10000x128xf32, #tpu.memory_space<vmem_shared>>, %arg10: memref<3x!tpu.dma_semaphore, #tpu.memory_space<semaphore_mem>>, %arg11: memref<3x!tpu.dma_semaphore, #tpu.memory_space<semaphore_mem>>) attributes {dimension_semantics = [#tpu.dimension_semantics<core_parallel>, #tpu.dimension_semantics<subcore_parallel>], iteration_bounds = array<i64: 2, 16>, scalar_prefetch = 0 : i64, scratch_operands = 6 : i64, tpu.core_type = #tpu.core_type<sc_vector_subcore>, window_params = [{transform_indices = #map}, {transform_indices = #map1}, {transform_indices = #map1}, {transform_indices = #map1}]} {
    %mul3A = arith.constant 16 : i32
    %mul3A_0 = arith.muli %arg0, %mul3A : i32
    %add3A = arith.addi %mul3A_0, %arg1 : i32
    %mul3A_1 = arith.constant 625 : i32
    %mul3A_2 = arith.muli %arg1, %mul3A_1 : i32
    %dma_start3A = arith.constant 0 : i32
    %dma_start3A_3 = tpu.memref_slice %arg10[%dma_start3A] : memref<3x!tpu.dma_semaphore, #tpu.memory_space<semaphore_mem>> -> memref<1x!tpu.dma_semaphore, #tpu.memory_space<semaphore_mem>>
    %dma_start3A_4 = tpu.memref_squeeze %dma_start3A_3 : memref<1x!tpu.dma_semaphore, #tpu.memory_space<semaphore_mem>> -> memref<!tpu.dma_semaphore, #tpu.memory_space<semaphore_mem>>
    %dma_start3A_5 = arith.constant 0 : i32
    %dma_start3A_6 = tpu.memref_slice %arg9[%mul3A_2, %dma_start3A_5] : memref<10000x128xf32, #tpu.memory_space<vmem_shared>> -> memref<625x128xf32, #tpu.memory_space<vmem_shared>>
    tpu.enqueue_dma source(%arg4 : memref<625x128xf32, #tpu.memory_space<hbm>>) target(%dma_start3A_6 : memref<625x128xf32, #tpu.memory_space<vmem_shared>>) target_semaphore(%dma_start3A_4 : memref<!tpu.dma_semaphore, #tpu.memory_space<semaphore_mem>>)
    %dma_start3A_7 = arith.constant 0 : i32
    %dma_start3A_8 = arith.constant 1 : i32
    %dma_start3A_9 = arith.constant 0 : i32
    %dma_start3A_10 = arith.constant 0 : i32
    %dma_start3A_11 = tpu.memref_slice %arg2[%dma_start3A_7, %add3A, %dma_start3A_9, %dma_start3A_10] : memref<2x32x125x80xi32, #tpu.memory_space<hbm>> -> memref<1x1x125x80xi32, #tpu.memory_space<hbm>>
    %dma_start3A_12 = tpu.memref_squeeze %dma_start3A_11 : memref<1x1x125x80xi32, #tpu.memory_space<hbm>> -> memref<125x80xi32, #tpu.memory_space<hbm>>
    %dma_start3A_13 = tpu.memref_slice %arg10[%dma_start3A_8] : memref<3x!tpu.dma_semaphore, #tpu.memory_space<semaphore_mem>> -> memref<1x!tpu.dma_semaphore, #tpu.memory_space<semaphore_mem>>
    %dma_start3A_14 = tpu.memref_squeeze %dma_start3A_13 : memref<1x!tpu.dma_semaphore, #tpu.memory_space<semaphore_mem>> -> memref<!tpu.dma_semaphore, #tpu.memory_space<semaphore_mem>>
    %dma_start3A_15 = arith.constant 0 : i32
    %dma_start3A_16 = arith.constant 0 : i32
    %dma_start3A_17 = tpu.memref_slice %arg2[%dma_start3A_7, %add3A, %dma_start3A_15, %dma_start3A_16] : memref<2x32x125x80xi32, #tpu.memory_space<hbm>> -> memref<1x1x125x80xi32, #tpu.memory_space<hbm>>
    %dma_start3A_18 = tpu.memref_squeeze %dma_start3A_17 : memref<1x1x125x80xi32, #tpu.memory_space<hbm>> -> memref<125x80xi32, #tpu.memory_space<hbm>>
    tpu.enqueue_dma source(%dma_start3A_18 : memref<125x80xi32, #tpu.memory_space<hbm>>) target(%arg6 : memref<125x80xi32, #tpu.memory_space<vmem>>) target_semaphore(%dma_start3A_14 : memref<!tpu.dma_semaphore, #tpu.memory_space<semaphore_mem>>)
    %dma_start3A_19 = arith.constant 1 : i32
    %dma_start3A_20 = arith.constant 0 : i32
    %dma_start3A_21 = arith.constant 0 : i32
    %dma_start3A_22 = arith.constant 0 : i32
    %dma_start3A_23 = tpu.memref_slice %arg2[%dma_start3A_19, %add3A, %dma_start3A_21, %dma_start3A_22] : memref<2x32x125x80xi32, #tpu.memory_space<hbm>> -> memref<1x1x125x80xi32, #tpu.memory_space<hbm>>
    %dma_start3A_24 = tpu.memref_squeeze %dma_start3A_23 : memref<1x1x125x80xi32, #tpu.memory_space<hbm>> -> memref<125x80xi32, #tpu.memory_space<hbm>>
    %dma_start3A_25 = tpu.memref_slice %arg11[%dma_start3A_20] : memref<3x!tpu.dma_semaphore, #tpu.memory_space<semaphore_mem>> -> memref<1x!tpu.dma_semaphore, #tpu.memory_space<semaphore_mem>>
    %dma_start3A_26 = tpu.memref_squeeze %dma_start3A_25 : memref<1x!tpu.dma_semaphore, #tpu.memory_space<semaphore_mem>> -> memref<!tpu.dma_semaphore, #tpu.memory_space<semaphore_mem>>
    %dma_start3A_27 = arith.constant 0 : i32
    %dma_start3A_28 = arith.constant 0 : i32
    %dma_start3A_29 = tpu.memref_slice %arg2[%dma_start3A_19, %add3A, %dma_start3A_27, %dma_start3A_28] : memref<2x32x125x80xi32, #tpu.memory_space<hbm>> -> memref<1x1x125x80xi32, #tpu.memory_space<hbm>>
    %dma_start3A_30 = tpu.memref_squeeze %dma_start3A_29 : memref<1x1x125x80xi32, #tpu.memory_space<hbm>> -> memref<125x80xi32, #tpu.memory_space<hbm>>
    tpu.enqueue_dma source(%dma_start3A_30 : memref<125x80xi32, #tpu.memory_space<hbm>>) target(%arg7 : memref<125x80xi32, #tpu.memory_space<vmem>>) target_semaphore(%dma_start3A_26 : memref<!tpu.dma_semaphore, #tpu.memory_space<semaphore_mem>>)
    %dma_wait3A = arith.constant 0 : i32
    %dma_wait3A_31 = tpu.memref_slice %arg10[%dma_wait3A] : memref<3x!tpu.dma_semaphore, #tpu.memory_space<semaphore_mem>> -> memref<1x!tpu.dma_semaphore, #tpu.memory_space<semaphore_mem>>
    %dma_wait3A_32 = tpu.memref_squeeze %dma_wait3A_31 : memref<1x!tpu.dma_semaphore, #tpu.memory_space<semaphore_mem>> -> memref<!tpu.dma_semaphore, #tpu.memory_space<semaphore_mem>>
    %dma_wait3A_33 = arith.constant 0 : i32
    %dma_wait3A_34 = tpu.memref_slice %arg9[%mul3A_2, %dma_wait3A_33] : memref<10000x128xf32, #tpu.memory_space<vmem_shared>> -> memref<625x128xf32, #tpu.memory_space<vmem_shared>>
    tpu.wait_dma2 semaphore(%dma_wait3A_32 : memref<!tpu.dma_semaphore, #tpu.memory_space<semaphore_mem>>) src(%arg4 : memref<625x128xf32, #tpu.memory_space<hbm>>) dst(%dma_wait3A_34 : memref<625x128xf32, #tpu.memory_space<vmem_shared>>)
    %dma_wait3A_35 = arith.constant 0 : i32
    %dma_wait3A_36 = arith.constant 1 : i32
    %dma_wait3A_37 = arith.constant 0 : i32
    %dma_wait3A_38 = arith.constant 0 : i32
    %dma_wait3A_39 = tpu.memref_slice %arg2[%dma_wait3A_35, %add3A, %dma_wait3A_37, %dma_wait3A_38] : memref<2x32x125x80xi32, #tpu.memory_space<hbm>> -> memref<1x1x125x80xi32, #tpu.memory_space<hbm>>
    %dma_wait3A_40 = tpu.memref_squeeze %dma_wait3A_39 : memref<1x1x125x80xi32, #tpu.memory_space<hbm>> -> memref<125x80xi32, #tpu.memory_space<hbm>>
    %dma_wait3A_41 = tpu.memref_slice %arg10[%dma_wait3A_36] : memref<3x!tpu.dma_semaphore, #tpu.memory_space<semaphore_mem>> -> memref<1x!tpu.dma_semaphore, #tpu.memory_space<semaphore_mem>>
    %dma_wait3A_42 = tpu.memref_squeeze %dma_wait3A_41 : memref<1x!tpu.dma_semaphore, #tpu.memory_space<semaphore_mem>> -> memref<!tpu.dma_semaphore, #tpu.memory_space<semaphore_mem>>
    %dma_wait3A_43 = arith.constant 0 : i32
    %dma_wait3A_44 = arith.constant 0 : i32
    %dma_wait3A_45 = tpu.memref_slice %arg2[%dma_wait3A_35, %add3A, %dma_wait3A_43, %dma_wait3A_44] : memref<2x32x125x80xi32, #tpu.memory_space<hbm>> -> memref<1x1x125x80xi32, #tpu.memory_space<hbm>>
    %dma_wait3A_46 = tpu.memref_squeeze %dma_wait3A_45 : memref<1x1x125x80xi32, #tpu.memory_space<hbm>> -> memref<125x80xi32, #tpu.memory_space<hbm>>
    tpu.wait_dma2 semaphore(%dma_wait3A_42 : memref<!tpu.dma_semaphore, #tpu.memory_space<semaphore_mem>>) src(%dma_wait3A_46 : memref<125x80xi32, #tpu.memory_space<hbm>>) dst(%arg6 : memref<125x80xi32, #tpu.memory_space<vmem>>)
    %dma_wait3A_47 = arith.constant 1 : i32
    %dma_wait3A_48 = arith.constant 0 : i32
    %dma_wait3A_49 = arith.constant 0 : i32
    %dma_wait3A_50 = arith.constant 0 : i32
    %dma_wait3A_51 = tpu.memref_slice %arg2[%dma_wait3A_47, %add3A, %dma_wait3A_49, %dma_wait3A_50] : memref<2x32x125x80xi32, #tpu.memory_space<hbm>> -> memref<1x1x125x80xi32, #tpu.memory_space<hbm>>
    %dma_wait3A_52 = tpu.memref_squeeze %dma_wait3A_51 : memref<1x1x125x80xi32, #tpu.memory_space<hbm>> -> memref<125x80xi32, #tpu.memory_space<hbm>>
    %dma_wait3A_53 = tpu.memref_slice %arg11[%dma_wait3A_48] : memref<3x!tpu.dma_semaphore, #tpu.memory_space<semaphore_mem>> -> memref<1x!tpu.dma_semaphore, #tpu.memory_space<semaphore_mem>>
    %dma_wait3A_54 = tpu.memref_squeeze %dma_wait3A_53 : memref<1x!tpu.dma_semaphore, #tpu.memory_space<semaphore_mem>> -> memref<!tpu.dma_semaphore, #tpu.memory_space<semaphore_mem>>
    %dma_wait3A_55 = arith.constant 0 : i32
    %dma_wait3A_56 = arith.constant 0 : i32
    %dma_wait3A_57 = tpu.memref_slice %arg2[%dma_wait3A_47, %add3A, %dma_wait3A_55, %dma_wait3A_56] : memref<2x32x125x80xi32, #tpu.memory_space<hbm>> -> memref<1x1x125x80xi32, #tpu.memory_space<hbm>>
    %dma_wait3A_58 = tpu.memref_squeeze %dma_wait3A_57 : memref<1x1x125x80xi32, #tpu.memory_space<hbm>> -> memref<125x80xi32, #tpu.memory_space<hbm>>
    tpu.wait_dma2 semaphore(%dma_wait3A_54 : memref<!tpu.dma_semaphore, #tpu.memory_space<semaphore_mem>>) src(%dma_wait3A_58 : memref<125x80xi32, #tpu.memory_space<hbm>>) dst(%arg7 : memref<125x80xi32, #tpu.memory_space<vmem>>)
    %barrier3A = arith.constant 0 : index
    tpu.barrier barrier_id(%barrier3A)
    %dma_start3A_59 = arith.constant 0 : i32
    %dma_start3A_60 = arith.constant 0 : i32
    %dma_start3A_61 = arith.constant 0 : i32
    %dma_start3A_62 = arith.constant 0 : i32
    %dma_start3A_63 = arith.constant 0 : i32
    %dma_start3A_64 = tpu.memref_slice %arg8[%dma_start3A_60, %dma_start3A_62, %dma_start3A_63] : memref<3x80x128xf32, #tpu.memory_space<vmem>> -> memref<1x80x128xf32, #tpu.memory_space<vmem>>
    %dma_start3A_65 = tpu.memref_squeeze %dma_start3A_64 : memref<1x80x128xf32, #tpu.memory_space<vmem>> -> memref<80x128xf32, #tpu.memory_space<vmem>>
    %dma_start3A_66 = arith.constant 0 : i32
    %dma_start3A_67 = tpu.memref_slice %arg6[%dma_start3A_59, %dma_start3A_66] : memref<125x80xi32, #tpu.memory_space<vmem>> -> memref<1x80xi32, #tpu.memory_space<vmem>>
    %dma_start3A_68 = tpu.memref_squeeze %dma_start3A_67 : memref<1x80xi32, #tpu.memory_space<vmem>> -> memref<80xi32, #tpu.memory_space<vmem>>
    %dma_start3A_69 = arith.constant 0 : i32
    %dma_start3A_70 = arith.constant 0 : i32
    %dma_start3A_71 = tpu.memref_slice %arg3[%dma_start3A_69, %dma_start3A_70] : memref<10000x128xf32, #tpu.memory_space<hbm>> -> memref<10000x128xf32, #tpu.memory_space<hbm>>
    %dma_start3A_72 = tpu.memref_slice %arg10[%dma_start3A_61] : memref<3x!tpu.dma_semaphore, #tpu.memory_space<semaphore_mem>> -> memref<1x!tpu.dma_semaphore, #tpu.memory_space<semaphore_mem>>
    %dma_start3A_73 = tpu.memref_squeeze %dma_start3A_72 : memref<1x!tpu.dma_semaphore, #tpu.memory_space<semaphore_mem>> -> memref<!tpu.dma_semaphore, #tpu.memory_space<semaphore_mem>>
    tpu.enqueue_indirect_dma source(%dma_start3A_71 : memref<10000x128xf32, #tpu.memory_space<hbm>>) target(%dma_start3A_65 : memref<80x128xf32, #tpu.memory_space<vmem>>) offsets(%dma_start3A_68 : memref<80xi32, #tpu.memory_space<vmem>>) semaphore(%dma_start3A_73 : memref<!tpu.dma_semaphore, #tpu.memory_space<semaphore_mem>>)
    %dma_start3A_74 = arith.constant 1 : i32
    %dma_start3A_75 = arith.constant 1 : i32
    %dma_start3A_76 = arith.constant 1 : i32
    %dma_start3A_77 = arith.constant 0 : i32
    %dma_start3A_78 = arith.constant 0 : i32
    %dma_start3A_79 = tpu.memref_slice %arg8[%dma_start3A_75, %dma_start3A_77, %dma_start3A_78] : memref<3x80x128xf32, #tpu.memory_space<vmem>> -> memref<1x80x128xf32, #tpu.memory_space<vmem>>
    %dma_start3A_80 = tpu.memref_squeeze %dma_start3A_79 : memref<1x80x128xf32, #tpu.memory_space<vmem>> -> memref<80x128xf32, #tpu.memory_space<vmem>>
    %dma_start3A_81 = arith.constant 0 : i32
    %dma_start3A_82 = tpu.memref_slice %arg6[%dma_start3A_74, %dma_start3A_81] : memref<125x80xi32, #tpu.memory_space<vmem>> -> memref<1x80xi32, #tpu.memory_space<vmem>>
    %dma_start3A_83 = tpu.memref_squeeze %dma_start3A_82 : memref<1x80xi32, #tpu.memory_space<vmem>> -> memref<80xi32, #tpu.memory_space<vmem>>
    %dma_start3A_84 = arith.constant 0 : i32
    %dma_start3A_85 = arith.constant 0 : i32
    %dma_start3A_86 = tpu.memref_slice %arg3[%dma_start3A_84, %dma_start3A_85] : memref<10000x128xf32, #tpu.memory_space<hbm>> -> memref<10000x128xf32, #tpu.memory_space<hbm>>
    %dma_start3A_87 = tpu.memref_slice %arg10[%dma_start3A_76] : memref<3x!tpu.dma_semaphore, #tpu.memory_space<semaphore_mem>> -> memref<1x!tpu.dma_semaphore, #tpu.memory_space<semaphore_mem>>
    %dma_start3A_88 = tpu.memref_squeeze %dma_start3A_87 : memref<1x!tpu.dma_semaphore, #tpu.memory_space<semaphore_mem>> -> memref<!tpu.dma_semaphore, #tpu.memory_space<semaphore_mem>>
    tpu.enqueue_indirect_dma source(%dma_start3A_86 : memref<10000x128xf32, #tpu.memory_space<hbm>>) target(%dma_start3A_80 : memref<80x128xf32, #tpu.memory_space<vmem>>) offsets(%dma_start3A_83 : memref<80xi32, #tpu.memory_space<vmem>>) semaphore(%dma_start3A_88 : memref<!tpu.dma_semaphore, #tpu.memory_space<semaphore_mem>>)
    %dma_start3A_89 = arith.constant 2 : i32
    %dma_start3A_90 = arith.constant 2 : i32
    %dma_start3A_91 = arith.constant 2 : i32
    %dma_start3A_92 = arith.constant 0 : i32
    %dma_start3A_93 = arith.constant 0 : i32
    %dma_start3A_94 = tpu.memref_slice %arg8[%dma_start3A_90, %dma_start3A_92, %dma_start3A_93] : memref<3x80x128xf32, #tpu.memory_space<vmem>> -> memref<1x80x128xf32, #tpu.memory_space<vmem>>
    %dma_start3A_95 = tpu.memref_squeeze %dma_start3A_94 : memref<1x80x128xf32, #tpu.memory_space<vmem>> -> memref<80x128xf32, #tpu.memory_space<vmem>>
    %dma_start3A_96 = arith.constant 0 : i32
    %dma_start3A_97 = tpu.memref_slice %arg6[%dma_start3A_89, %dma_start3A_96] : memref<125x80xi32, #tpu.memory_space<vmem>> -> memref<1x80xi32, #tpu.memory_space<vmem>>
    %dma_start3A_98 = tpu.memref_squeeze %dma_start3A_97 : memref<1x80xi32, #tpu.memory_space<vmem>> -> memref<80xi32, #tpu.memory_space<vmem>>
    %dma_start3A_99 = arith.constant 0 : i32
    %dma_start3A_100 = arith.constant 0 : i32
    %dma_start3A_101 = tpu.memref_slice %arg3[%dma_start3A_99, %dma_start3A_100] : memref<10000x128xf32, #tpu.memory_space<hbm>> -> memref<10000x128xf32, #tpu.memory_space<hbm>>
    %dma_start3A_102 = tpu.memref_slice %arg10[%dma_start3A_91] : memref<3x!tpu.dma_semaphore, #tpu.memory_space<semaphore_mem>> -> memref<1x!tpu.dma_semaphore, #tpu.memory_space<semaphore_mem>>
    %dma_start3A_103 = tpu.memref_squeeze %dma_start3A_102 : memref<1x!tpu.dma_semaphore, #tpu.memory_space<semaphore_mem>> -> memref<!tpu.dma_semaphore, #tpu.memory_space<semaphore_mem>>
    tpu.enqueue_indirect_dma source(%dma_start3A_101 : memref<10000x128xf32, #tpu.memory_space<hbm>>) target(%dma_start3A_95 : memref<80x128xf32, #tpu.memory_space<vmem>>) offsets(%dma_start3A_98 : memref<80xi32, #tpu.memory_space<vmem>>) semaphore(%dma_start3A_103 : memref<!tpu.dma_semaphore, #tpu.memory_space<semaphore_mem>>)
    %scan3A = arith.constant 0 : i32
    %scan3A_104 = arith.constant 0 : i32
    %scan3A_105 = arith.constant 41 : i32
    %scan3A_106 = arith.addi %scan3A_104, %scan3A_105 : i32
    %scan3A_107 = arith.constant 1 : i32
    scf.for %scan3A_237 = %scan3A_104 to %scan3A_106 step %scan3A_107  : i32 {
      %mul3A_238 = arith.constant 3 : i32
      %mul3A_239 = arith.muli %scan3A_237, %mul3A_238 : i32
      %add3A_240 = arith.constant 0 : i32
      %add3A_241 = arith.addi %mul3A_239, %add3A_240 : i32
      %dma_wait3A_242 = arith.constant 0 : i32
      %dma_wait3A_243 = arith.constant 0 : i32
      %dma_wait3A_244 = arith.constant 0 : i32
      %dma_wait3A_245 = arith.constant 0 : i32
      %dma_wait3A_246 = tpu.memref_slice %arg8[%dma_wait3A_242, %dma_wait3A_244, %dma_wait3A_245] : memref<3x80x128xf32, #tpu.memory_space<vmem>> -> memref<1x80x128xf32, #tpu.memory_space<vmem>>
      %dma_wait3A_247 = tpu.memref_squeeze %dma_wait3A_246 : memref<1x80x128xf32, #tpu.memory_space<vmem>> -> memref<80x128xf32, #tpu.memory_space<vmem>>
      %dma_wait3A_248 = arith.constant 0 : i32
      %dma_wait3A_249 = tpu.memref_slice %arg6[%add3A_241, %dma_wait3A_248] : memref<125x80xi32, #tpu.memory_space<vmem>> -> memref<1x80xi32, #tpu.memory_space<vmem>>
      %dma_wait3A_250 = tpu.memref_squeeze %dma_wait3A_249 : memref<1x80xi32, #tpu.memory_space<vmem>> -> memref<80xi32, #tpu.memory_space<vmem>>
      %dma_wait3A_251 = arith.constant 0 : i32
      %dma_wait3A_252 = arith.constant 0 : i32
      %dma_wait3A_253 = tpu.memref_slice %arg3[%dma_wait3A_251, %dma_wait3A_252] : memref<10000x128xf32, #tpu.memory_space<hbm>> -> memref<10000x128xf32, #tpu.memory_space<hbm>>
      %dma_wait3A_254 = tpu.memref_slice %arg10[%dma_wait3A_243] : memref<3x!tpu.dma_semaphore, #tpu.memory_space<semaphore_mem>> -> memref<1x!tpu.dma_semaphore, #tpu.memory_space<semaphore_mem>>
      %dma_wait3A_255 = tpu.memref_squeeze %dma_wait3A_254 : memref<1x!tpu.dma_semaphore, #tpu.memory_space<semaphore_mem>> -> memref<!tpu.dma_semaphore, #tpu.memory_space<semaphore_mem>>
      tpu.wait_indirect_dma semaphore(%dma_wait3A_255 : memref<!tpu.dma_semaphore, #tpu.memory_space<semaphore_mem>>) src(%dma_wait3A_253 : memref<10000x128xf32, #tpu.memory_space<hbm>>) dst(%dma_wait3A_247 : memref<80x128xf32, #tpu.memory_space<vmem>>)
      %dma_start3A_256 = arith.constant 0 : i32
      %dma_start3A_257 = arith.constant 0 : i32
      %dma_start3A_258 = arith.constant 0 : i32
      %dma_start3A_259 = arith.constant 0 : i32
      %dma_start3A_260 = tpu.memref_slice %arg8[%dma_start3A_256, %dma_start3A_258, %dma_start3A_259] : memref<3x80x128xf32, #tpu.memory_space<vmem>> -> memref<1x80x128xf32, #tpu.memory_space<vmem>>
      %dma_start3A_261 = tpu.memref_squeeze %dma_start3A_260 : memref<1x80x128xf32, #tpu.memory_space<vmem>> -> memref<80x128xf32, #tpu.memory_space<vmem>>
      %dma_start3A_262 = arith.constant 0 : i32
      %dma_start3A_263 = tpu.memref_slice %arg7[%add3A_241, %dma_start3A_262] : memref<125x80xi32, #tpu.memory_space<vmem>> -> memref<1x80xi32, #tpu.memory_space<vmem>>
      %dma_start3A_264 = tpu.memref_squeeze %dma_start3A_263 : memref<1x80xi32, #tpu.memory_space<vmem>> -> memref<80xi32, #tpu.memory_space<vmem>>
      %dma_start3A_265 = arith.constant 0 : i32
      %dma_start3A_266 = arith.constant 0 : i32
      %dma_start3A_267 = tpu.memref_slice %arg9[%dma_start3A_265, %dma_start3A_266] : memref<10000x128xf32, #tpu.memory_space<vmem_shared>> -> memref<10000x128xf32, #tpu.memory_space<vmem_shared>>
      %dma_start3A_268 = tpu.memref_slice %arg11[%dma_start3A_257] : memref<3x!tpu.dma_semaphore, #tpu.memory_space<semaphore_mem>> -> memref<1x!tpu.dma_semaphore, #tpu.memory_space<semaphore_mem>>
      %dma_start3A_269 = tpu.memref_squeeze %dma_start3A_268 : memref<1x!tpu.dma_semaphore, #tpu.memory_space<semaphore_mem>> -> memref<!tpu.dma_semaphore, #tpu.memory_space<semaphore_mem>>
      tpu.enqueue_indirect_dma source(%dma_start3A_261 : memref<80x128xf32, #tpu.memory_space<vmem>>) target(%dma_start3A_267 : memref<10000x128xf32, #tpu.memory_space<vmem_shared>>) offsets(%dma_start3A_264 : memref<80xi32, #tpu.memory_space<vmem>>) semaphore(%dma_start3A_269 : memref<!tpu.dma_semaphore, #tpu.memory_space<semaphore_mem>>) {add = true}
      %dma_wait3A_270 = arith.constant 0 : i32
      %dma_wait3A_271 = arith.constant 0 : i32
      %dma_wait3A_272 = arith.constant 0 : i32
      %dma_wait3A_273 = arith.constant 0 : i32
      %dma_wait3A_274 = tpu.memref_slice %arg8[%dma_wait3A_270, %dma_wait3A_272, %dma_wait3A_273] : memref<3x80x128xf32, #tpu.memory_space<vmem>> -> memref<1x80x128xf32, #tpu.memory_space<vmem>>
      %dma_wait3A_275 = tpu.memref_squeeze %dma_wait3A_274 : memref<1x80x128xf32, #tpu.memory_space<vmem>> -> memref<80x128xf32, #tpu.memory_space<vmem>>
      %dma_wait3A_276 = arith.constant 0 : i32
      %dma_wait3A_277 = tpu.memref_slice %arg7[%add3A_241, %dma_wait3A_276] : memref<125x80xi32, #tpu.memory_space<vmem>> -> memref<1x80xi32, #tpu.memory_space<vmem>>
      %dma_wait3A_278 = tpu.memref_squeeze %dma_wait3A_277 : memref<1x80xi32, #tpu.memory_space<vmem>> -> memref<80xi32, #tpu.memory_space<vmem>>
      %dma_wait3A_279 = arith.constant 0 : i32
      %dma_wait3A_280 = arith.constant 0 : i32
      %dma_wait3A_281 = tpu.memref_slice %arg9[%dma_wait3A_279, %dma_wait3A_280] : memref<10000x128xf32, #tpu.memory_space<vmem_shared>> -> memref<10000x128xf32, #tpu.memory_space<vmem_shared>>
      %dma_wait3A_282 = tpu.memref_slice %arg11[%dma_wait3A_271] : memref<3x!tpu.dma_semaphore, #tpu.memory_space<semaphore_mem>> -> memref<1x!tpu.dma_semaphore, #tpu.memory_space<semaphore_mem>>
      %dma_wait3A_283 = tpu.memref_squeeze %dma_wait3A_282 : memref<1x!tpu.dma_semaphore, #tpu.memory_space<semaphore_mem>> -> memref<!tpu.dma_semaphore, #tpu.memory_space<semaphore_mem>>
      tpu.wait_indirect_dma semaphore(%dma_wait3A_283 : memref<!tpu.dma_semaphore, #tpu.memory_space<semaphore_mem>>) src(%dma_wait3A_275 : memref<80x128xf32, #tpu.memory_space<vmem>>) dst(%dma_wait3A_281 : memref<10000x128xf32, #tpu.memory_space<vmem_shared>>)
      %add3A_284 = arith.constant 3 : i32
      %add3A_285 = arith.addi %add3A_241, %add3A_284 : i32
      %lt3A = arith.constant 123 : i32
      %lt3A_286 = arith.cmpi slt, %add3A_285, %lt3A : i32
      %convert_element_type3A = arith.extui %lt3A_286 : i1 to i32
      %cond3A = arith.constant 0 : i32
      %cond3A_287 = arith.cmpi ne, %convert_element_type3A, %cond3A : i32
      scf.if %cond3A_287 {
        %add3A_390 = arith.constant 3 : i32
        %add3A_391 = arith.addi %add3A_241, %add3A_390 : i32
        %dma_start3A_392 = arith.constant 0 : i32
        %dma_start3A_393 = arith.constant 0 : i32
        %dma_start3A_394 = arith.constant 0 : i32
        %dma_start3A_395 = arith.constant 0 : i32
        %dma_start3A_396 = tpu.memref_slice %arg8[%dma_start3A_392, %dma_start3A_394, %dma_start3A_395] : memref<3x80x128xf32, #tpu.memory_space<vmem>> -> memref<1x80x128xf32, #tpu.memory_space<vmem>>
        %dma_start3A_397 = tpu.memref_squeeze %dma_start3A_396 : memref<1x80x128xf32, #tpu.memory_space<vmem>> -> memref<80x128xf32, #tpu.memory_space<vmem>>
        %dma_start3A_398 = arith.constant 0 : i32
        %dma_start3A_399 = tpu.memref_slice %arg6[%add3A_391, %dma_start3A_398] : memref<125x80xi32, #tpu.memory_space<vmem>> -> memref<1x80xi32, #tpu.memory_space<vmem>>
        %dma_start3A_400 = tpu.memref_squeeze %dma_start3A_399 : memref<1x80xi32, #tpu.memory_space<vmem>> -> memref<80xi32, #tpu.memory_space<vmem>>
        %dma_start3A_401 = arith.constant 0 : i32
        %dma_start3A_402 = arith.constant 0 : i32
        %dma_start3A_403 = tpu.memref_slice %arg3[%dma_start3A_401, %dma_start3A_402] : memref<10000x128xf32, #tpu.memory_space<hbm>> -> memref<10000x128xf32, #tpu.memory_space<hbm>>
        %dma_start3A_404 = tpu.memref_slice %arg10[%dma_start3A_393] : memref<3x!tpu.dma_semaphore, #tpu.memory_space<semaphore_mem>> -> memref<1x!tpu.dma_semaphore, #tpu.memory_space<semaphore_mem>>
        %dma_start3A_405 = tpu.memref_squeeze %dma_start3A_404 : memref<1x!tpu.dma_semaphore, #tpu.memory_space<semaphore_mem>> -> memref<!tpu.dma_semaphore, #tpu.memory_space<semaphore_mem>>
        tpu.enqueue_indirect_dma source(%dma_start3A_403 : memref<10000x128xf32, #tpu.memory_space<hbm>>) target(%dma_start3A_397 : memref<80x128xf32, #tpu.memory_space<vmem>>) offsets(%dma_start3A_400 : memref<80xi32, #tpu.memory_space<vmem>>) semaphore(%dma_start3A_405 : memref<!tpu.dma_semaphore, #tpu.memory_space<semaphore_mem>>)
      } else {
      }
      %add3A_288 = arith.constant 1 : i32
      %add3A_289 = arith.addi %mul3A_239, %add3A_288 : i32
      %dma_wait3A_290 = arith.constant 1 : i32
      %dma_wait3A_291 = arith.constant 1 : i32
      %dma_wait3A_292 = arith.constant 0 : i32
      %dma_wait3A_293 = arith.constant 0 : i32
      %dma_wait3A_294 = tpu.memref_slice %arg8[%dma_wait3A_290, %dma_wait3A_292, %dma_wait3A_293] : memref<3x80x128xf32, #tpu.memory_space<vmem>> -> memref<1x80x128xf32, #tpu.memory_space<vmem>>
      %dma_wait3A_295 = tpu.memref_squeeze %dma_wait3A_294 : memref<1x80x128xf32, #tpu.memory_space<vmem>> -> memref<80x128xf32, #tpu.memory_space<vmem>>
      %dma_wait3A_296 = arith.constant 0 : i32
      %dma_wait3A_297 = tpu.memref_slice %arg6[%add3A_289, %dma_wait3A_296] : memref<125x80xi32, #tpu.memory_space<vmem>> -> memref<1x80xi32, #tpu.memory_space<vmem>>
      %dma_wait3A_298 = tpu.memref_squeeze %dma_wait3A_297 : memref<1x80xi32, #tpu.memory_space<vmem>> -> memref<80xi32, #tpu.memory_space<vmem>>
      %dma_wait3A_299 = arith.constant 0 : i32
      %dma_wait3A_300 = arith.constant 0 : i32
      %dma_wait3A_301 = tpu.memref_slice %arg3[%dma_wait3A_299, %dma_wait3A_300] : memref<10000x128xf32, #tpu.memory_space<hbm>> -> memref<10000x128xf32, #tpu.memory_space<hbm>>
      %dma_wait3A_302 = tpu.memref_slice %arg10[%dma_wait3A_291] : memref<3x!tpu.dma_semaphore, #tpu.memory_space<semaphore_mem>> -> memref<1x!tpu.dma_semaphore, #tpu.memory_space<semaphore_mem>>
      %dma_wait3A_303 = tpu.memref_squeeze %dma_wait3A_302 : memref<1x!tpu.dma_semaphore, #tpu.memory_space<semaphore_mem>> -> memref<!tpu.dma_semaphore, #tpu.memory_space<semaphore_mem>>
      tpu.wait_indirect_dma semaphore(%dma_wait3A_303 : memref<!tpu.dma_semaphore, #tpu.memory_space<semaphore_mem>>) src(%dma_wait3A_301 : memref<10000x128xf32, #tpu.memory_space<hbm>>) dst(%dma_wait3A_295 : memref<80x128xf32, #tpu.memory_space<vmem>>)
      %dma_start3A_304 = arith.constant 1 : i32
      %dma_start3A_305 = arith.constant 1 : i32
      %dma_start3A_306 = arith.constant 0 : i32
      %dma_start3A_307 = arith.constant 0 : i32
      %dma_start3A_308 = tpu.memref_slice %arg8[%dma_start3A_304, %dma_start3A_306, %dma_start3A_307] : memref<3x80x128xf32, #tpu.memory_space<vmem>> -> memref<1x80x128xf32, #tpu.memory_space<vmem>>
      %dma_start3A_309 = tpu.memref_squeeze %dma_start3A_308 : memref<1x80x128xf32, #tpu.memory_space<vmem>> -> memref<80x128xf32, #tpu.memory_space<vmem>>
      %dma_start3A_310 = arith.constant 0 : i32
      %dma_start3A_311 = tpu.memref_slice %arg7[%add3A_289, %dma_start3A_310] : memref<125x80xi32, #tpu.memory_space<vmem>> -> memref<1x80xi32, #tpu.memory_space<vmem>>
      %dma_start3A_312 = tpu.memref_squeeze %dma_start3A_311 : memref<1x80xi32, #tpu.memory_space<vmem>> -> memref<80xi32, #tpu.memory_space<vmem>>
      %dma_start3A_313 = arith.constant 0 : i32
      %dma_start3A_314 = arith.constant 0 : i32
      %dma_start3A_315 = tpu.memref_slice %arg9[%dma_start3A_313, %dma_start3A_314] : memref<10000x128xf32, #tpu.memory_space<vmem_shared>> -> memref<10000x128xf32, #tpu.memory_space<vmem_shared>>
      %dma_start3A_316 = tpu.memref_slice %arg11[%dma_start3A_305] : memref<3x!tpu.dma_semaphore, #tpu.memory_space<semaphore_mem>> -> memref<1x!tpu.dma_semaphore, #tpu.memory_space<semaphore_mem>>
      %dma_start3A_317 = tpu.memref_squeeze %dma_start3A_316 : memref<1x!tpu.dma_semaphore, #tpu.memory_space<semaphore_mem>> -> memref<!tpu.dma_semaphore, #tpu.memory_space<semaphore_mem>>
      tpu.enqueue_indirect_dma source(%dma_start3A_309 : memref<80x128xf32, #tpu.memory_space<vmem>>) target(%dma_start3A_315 : memref<10000x128xf32, #tpu.memory_space<vmem_shared>>) offsets(%dma_start3A_312 : memref<80xi32, #tpu.memory_space<vmem>>) semaphore(%dma_start3A_317 : memref<!tpu.dma_semaphore, #tpu.memory_space<semaphore_mem>>) {add = true}
      %dma_wait3A_318 = arith.constant 1 : i32
      %dma_wait3A_319 = arith.constant 1 : i32
      %dma_wait3A_320 = arith.constant 0 : i32
      %dma_wait3A_321 = arith.constant 0 : i32
      %dma_wait3A_322 = tpu.memref_slice %arg8[%dma_wait3A_318, %dma_wait3A_320, %dma_wait3A_321] : memref<3x80x128xf32, #tpu.memory_space<vmem>> -> memref<1x80x128xf32, #tpu.memory_space<vmem>>
      %dma_wait3A_323 = tpu.memref_squeeze %dma_wait3A_322 : memref<1x80x128xf32, #tpu.memory_space<vmem>> -> memref<80x128xf32, #tpu.memory_space<vmem>>
      %dma_wait3A_324 = arith.constant 0 : i32
      %dma_wait3A_325 = tpu.memref_slice %arg7[%add3A_289, %dma_wait3A_324] : memref<125x80xi32, #tpu.memory_space<vmem>> -> memref<1x80xi32, #tpu.memory_space<vmem>>
      %dma_wait3A_326 = tpu.memref_squeeze %dma_wait3A_325 : memref<1x80xi32, #tpu.memory_space<vmem>> -> memref<80xi32, #tpu.memory_space<vmem>>
      %dma_wait3A_327 = arith.constant 0 : i32
      %dma_wait3A_328 = arith.constant 0 : i32
      %dma_wait3A_329 = tpu.memref_slice %arg9[%dma_wait3A_327, %dma_wait3A_328] : memref<10000x128xf32, #tpu.memory_space<vmem_shared>> -> memref<10000x128xf32, #tpu.memory_space<vmem_shared>>
      %dma_wait3A_330 = tpu.memref_slice %arg11[%dma_wait3A_319] : memref<3x!tpu.dma_semaphore, #tpu.memory_space<semaphore_mem>> -> memref<1x!tpu.dma_semaphore, #tpu.memory_space<semaphore_mem>>
      %dma_wait3A_331 = tpu.memref_squeeze %dma_wait3A_330 : memref<1x!tpu.dma_semaphore, #tpu.memory_space<semaphore_mem>> -> memref<!tpu.dma_semaphore, #tpu.memory_space<semaphore_mem>>
      tpu.wait_indirect_dma semaphore(%dma_wait3A_331 : memref<!tpu.dma_semaphore, #tpu.memory_space<semaphore_mem>>) src(%dma_wait3A_323 : memref<80x128xf32, #tpu.memory_space<vmem>>) dst(%dma_wait3A_329 : memref<10000x128xf32, #tpu.memory_space<vmem_shared>>)
      %add3A_332 = arith.constant 3 : i32
      %add3A_333 = arith.addi %add3A_289, %add3A_332 : i32
      %lt3A_334 = arith.constant 123 : i32
      %lt3A_335 = arith.cmpi slt, %add3A_333, %lt3A_334 : i32
      %convert_element_type3A_336 = arith.extui %lt3A_335 : i1 to i32
      %cond3A_337 = arith.constant 0 : i32
      %cond3A_338 = arith.cmpi ne, %convert_element_type3A_336, %cond3A_337 : i32
      scf.if %cond3A_338 {
        %add3A_390 = arith.constant 3 : i32
        %add3A_391 = arith.addi %add3A_289, %add3A_390 : i32
        %dma_start3A_392 = arith.constant 1 : i32
        %dma_start3A_393 = arith.constant 1 : i32
        %dma_start3A_394 = arith.constant 0 : i32
        %dma_start3A_395 = arith.constant 0 : i32
        %dma_start3A_396 = tpu.memref_slice %arg8[%dma_start3A_392, %dma_start3A_394, %dma_start3A_395] : memref<3x80x128xf32, #tpu.memory_space<vmem>> -> memref<1x80x128xf32, #tpu.memory_space<vmem>>
        %dma_start3A_397 = tpu.memref_squeeze %dma_start3A_396 : memref<1x80x128xf32, #tpu.memory_space<vmem>> -> memref<80x128xf32, #tpu.memory_space<vmem>>
        %dma_start3A_398 = arith.constant 0 : i32
        %dma_start3A_399 = tpu.memref_slice %arg6[%add3A_391, %dma_start3A_398] : memref<125x80xi32, #tpu.memory_space<vmem>> -> memref<1x80xi32, #tpu.memory_space<vmem>>
        %dma_start3A_400 = tpu.memref_squeeze %dma_start3A_399 : memref<1x80xi32, #tpu.memory_space<vmem>> -> memref<80xi32, #tpu.memory_space<vmem>>
        %dma_start3A_401 = arith.constant 0 : i32
        %dma_start3A_402 = arith.constant 0 : i32
        %dma_start3A_403 = tpu.memref_slice %arg3[%dma_start3A_401, %dma_start3A_402] : memref<10000x128xf32, #tpu.memory_space<hbm>> -> memref<10000x128xf32, #tpu.memory_space<hbm>>
        %dma_start3A_404 = tpu.memref_slice %arg10[%dma_start3A_393] : memref<3x!tpu.dma_semaphore, #tpu.memory_space<semaphore_mem>> -> memref<1x!tpu.dma_semaphore, #tpu.memory_space<semaphore_mem>>
        %dma_start3A_405 = tpu.memref_squeeze %dma_start3A_404 : memref<1x!tpu.dma_semaphore, #tpu.memory_space<semaphore_mem>> -> memref<!tpu.dma_semaphore, #tpu.memory_space<semaphore_mem>>
        tpu.enqueue_indirect_dma source(%dma_start3A_403 : memref<10000x128xf32, #tpu.memory_space<hbm>>) target(%dma_start3A_397 : memref<80x128xf32, #tpu.memory_space<vmem>>) offsets(%dma_start3A_400 : memref<80xi32, #tpu.memory_space<vmem>>) semaphore(%dma_start3A_405 : memref<!tpu.dma_semaphore, #tpu.memory_space<semaphore_mem>>)
      } else {
      }
      %add3A_339 = arith.constant 2 : i32
      %add3A_340 = arith.addi %mul3A_239, %add3A_339 : i32
      %dma_wait3A_341 = arith.constant 2 : i32
      %dma_wait3A_342 = arith.constant 2 : i32
      %dma_wait3A_343 = arith.constant 0 : i32
      %dma_wait3A_344 = arith.constant 0 : i32
      %dma_wait3A_345 = tpu.memref_slice %arg8[%dma_wait3A_341, %dma_wait3A_343, %dma_wait3A_344] : memref<3x80x128xf32, #tpu.memory_space<vmem>> -> memref<1x80x128xf32, #tpu.memory_space<vmem>>
      %dma_wait3A_346 = tpu.memref_squeeze %dma_wait3A_345 : memref<1x80x128xf32, #tpu.memory_space<vmem>> -> memref<80x128xf32, #tpu.memory_space<vmem>>
      %dma_wait3A_347 = arith.constant 0 : i32
      %dma_wait3A_348 = tpu.memref_slice %arg6[%add3A_340, %dma_wait3A_347] : memref<125x80xi32, #tpu.memory_space<vmem>> -> memref<1x80xi32, #tpu.memory_space<vmem>>
      %dma_wait3A_349 = tpu.memref_squeeze %dma_wait3A_348 : memref<1x80xi32, #tpu.memory_space<vmem>> -> memref<80xi32, #tpu.memory_space<vmem>>
      %dma_wait3A_350 = arith.constant 0 : i32
      %dma_wait3A_351 = arith.constant 0 : i32
      %dma_wait3A_352 = tpu.memref_slice %arg3[%dma_wait3A_350, %dma_wait3A_351] : memref<10000x128xf32, #tpu.memory_space<hbm>> -> memref<10000x128xf32, #tpu.memory_space<hbm>>
      %dma_wait3A_353 = tpu.memref_slice %arg10[%dma_wait3A_342] : memref<3x!tpu.dma_semaphore, #tpu.memory_space<semaphore_mem>> -> memref<1x!tpu.dma_semaphore, #tpu.memory_space<semaphore_mem>>
      %dma_wait3A_354 = tpu.memref_squeeze %dma_wait3A_353 : memref<1x!tpu.dma_semaphore, #tpu.memory_space<semaphore_mem>> -> memref<!tpu.dma_semaphore, #tpu.memory_space<semaphore_mem>>
      tpu.wait_indirect_dma semaphore(%dma_wait3A_354 : memref<!tpu.dma_semaphore, #tpu.memory_space<semaphore_mem>>) src(%dma_wait3A_352 : memref<10000x128xf32, #tpu.memory_space<hbm>>) dst(%dma_wait3A_346 : memref<80x128xf32, #tpu.memory_space<vmem>>)
      %dma_start3A_355 = arith.constant 2 : i32
      %dma_start3A_356 = arith.constant 2 : i32
      %dma_start3A_357 = arith.constant 0 : i32
      %dma_start3A_358 = arith.constant 0 : i32
      %dma_start3A_359 = tpu.memref_slice %arg8[%dma_start3A_355, %dma_start3A_357, %dma_start3A_358] : memref<3x80x128xf32, #tpu.memory_space<vmem>> -> memref<1x80x128xf32, #tpu.memory_space<vmem>>
      %dma_start3A_360 = tpu.memref_squeeze %dma_start3A_359 : memref<1x80x128xf32, #tpu.memory_space<vmem>> -> memref<80x128xf32, #tpu.memory_space<vmem>>
      %dma_start3A_361 = arith.constant 0 : i32
      %dma_start3A_362 = tpu.memref_slice %arg7[%add3A_340, %dma_start3A_361] : memref<125x80xi32, #tpu.memory_space<vmem>> -> memref<1x80xi32, #tpu.memory_space<vmem>>
      %dma_start3A_363 = tpu.memref_squeeze %dma_start3A_362 : memref<1x80xi32, #tpu.memory_space<vmem>> -> memref<80xi32, #tpu.memory_space<vmem>>
      %dma_start3A_364 = arith.constant 0 : i32
      %dma_start3A_365 = arith.constant 0 : i32
      %dma_start3A_366 = tpu.memref_slice %arg9[%dma_start3A_364, %dma_start3A_365] : memref<10000x128xf32, #tpu.memory_space<vmem_shared>> -> memref<10000x128xf32, #tpu.memory_space<vmem_shared>>
      %dma_start3A_367 = tpu.memref_slice %arg11[%dma_start3A_356] : memref<3x!tpu.dma_semaphore, #tpu.memory_space<semaphore_mem>> -> memref<1x!tpu.dma_semaphore, #tpu.memory_space<semaphore_mem>>
      %dma_start3A_368 = tpu.memref_squeeze %dma_start3A_367 : memref<1x!tpu.dma_semaphore, #tpu.memory_space<semaphore_mem>> -> memref<!tpu.dma_semaphore, #tpu.memory_space<semaphore_mem>>
      tpu.enqueue_indirect_dma source(%dma_start3A_360 : memref<80x128xf32, #tpu.memory_space<vmem>>) target(%dma_start3A_366 : memref<10000x128xf32, #tpu.memory_space<vmem_shared>>) offsets(%dma_start3A_363 : memref<80xi32, #tpu.memory_space<vmem>>) semaphore(%dma_start3A_368 : memref<!tpu.dma_semaphore, #tpu.memory_space<semaphore_mem>>) {add = true}
      %dma_wait3A_369 = arith.constant 2 : i32
      %dma_wait3A_370 = arith.constant 2 : i32
      %dma_wait3A_371 = arith.constant 0 : i32
      %dma_wait3A_372 = arith.constant 0 : i32
      %dma_wait3A_373 = tpu.memref_slice %arg8[%dma_wait3A_369, %dma_wait3A_371, %dma_wait3A_372] : memref<3x80x128xf32, #tpu.memory_space<vmem>> -> memref<1x80x128xf32, #tpu.memory_space<vmem>>
      %dma_wait3A_374 = tpu.memref_squeeze %dma_wait3A_373 : memref<1x80x128xf32, #tpu.memory_space<vmem>> -> memref<80x128xf32, #tpu.memory_space<vmem>>
      %dma_wait3A_375 = arith.constant 0 : i32
      %dma_wait3A_376 = tpu.memref_slice %arg7[%add3A_340, %dma_wait3A_375] : memref<125x80xi32, #tpu.memory_space<vmem>> -> memref<1x80xi32, #tpu.memory_space<vmem>>
      %dma_wait3A_377 = tpu.memref_squeeze %dma_wait3A_376 : memref<1x80xi32, #tpu.memory_space<vmem>> -> memref<80xi32, #tpu.memory_space<vmem>>
      %dma_wait3A_378 = arith.constant 0 : i32
      %dma_wait3A_379 = arith.constant 0 : i32
      %dma_wait3A_380 = tpu.memref_slice %arg9[%dma_wait3A_378, %dma_wait3A_379] : memref<10000x128xf32, #tpu.memory_space<vmem_shared>> -> memref<10000x128xf32, #tpu.memory_space<vmem_shared>>
      %dma_wait3A_381 = tpu.memref_slice %arg11[%dma_wait3A_370] : memref<3x!tpu.dma_semaphore, #tpu.memory_space<semaphore_mem>> -> memref<1x!tpu.dma_semaphore, #tpu.memory_space<semaphore_mem>>
      %dma_wait3A_382 = tpu.memref_squeeze %dma_wait3A_381 : memref<1x!tpu.dma_semaphore, #tpu.memory_space<semaphore_mem>> -> memref<!tpu.dma_semaphore, #tpu.memory_space<semaphore_mem>>
      tpu.wait_indirect_dma semaphore(%dma_wait3A_382 : memref<!tpu.dma_semaphore, #tpu.memory_space<semaphore_mem>>) src(%dma_wait3A_374 : memref<80x128xf32, #tpu.memory_space<vmem>>) dst(%dma_wait3A_380 : memref<10000x128xf32, #tpu.memory_space<vmem_shared>>)
      %add3A_383 = arith.constant 3 : i32
      %add3A_384 = arith.addi %add3A_340, %add3A_383 : i32
      %lt3A_385 = arith.constant 123 : i32
      %lt3A_386 = arith.cmpi slt, %add3A_384, %lt3A_385 : i32
      %convert_element_type3A_387 = arith.extui %lt3A_386 : i1 to i32
      %cond3A_388 = arith.constant 0 : i32
      %cond3A_389 = arith.cmpi ne, %convert_element_type3A_387, %cond3A_388 : i32
      scf.if %cond3A_389 {
        %add3A_390 = arith.constant 3 : i32
        %add3A_391 = arith.addi %add3A_340, %add3A_390 : i32
        %dma_start3A_392 = arith.constant 2 : i32
        %dma_start3A_393 = arith.constant 2 : i32
        %dma_start3A_394 = arith.constant 0 : i32
        %dma_start3A_395 = arith.constant 0 : i32
        %dma_start3A_396 = tpu.memref_slice %arg8[%dma_start3A_392, %dma_start3A_394, %dma_start3A_395] : memref<3x80x128xf32, #tpu.memory_space<vmem>> -> memref<1x80x128xf32, #tpu.memory_space<vmem>>
        %dma_start3A_397 = tpu.memref_squeeze %dma_start3A_396 : memref<1x80x128xf32, #tpu.memory_space<vmem>> -> memref<80x128xf32, #tpu.memory_space<vmem>>
        %dma_start3A_398 = arith.constant 0 : i32
        %dma_start3A_399 = tpu.memref_slice %arg6[%add3A_391, %dma_start3A_398] : memref<125x80xi32, #tpu.memory_space<vmem>> -> memref<1x80xi32, #tpu.memory_space<vmem>>
        %dma_start3A_400 = tpu.memref_squeeze %dma_start3A_399 : memref<1x80xi32, #tpu.memory_space<vmem>> -> memref<80xi32, #tpu.memory_space<vmem>>
        %dma_start3A_401 = arith.constant 0 : i32
        %dma_start3A_402 = arith.constant 0 : i32
        %dma_start3A_403 = tpu.memref_slice %arg3[%dma_start3A_401, %dma_start3A_402] : memref<10000x128xf32, #tpu.memory_space<hbm>> -> memref<10000x128xf32, #tpu.memory_space<hbm>>
        %dma_start3A_404 = tpu.memref_slice %arg10[%dma_start3A_393] : memref<3x!tpu.dma_semaphore, #tpu.memory_space<semaphore_mem>> -> memref<1x!tpu.dma_semaphore, #tpu.memory_space<semaphore_mem>>
        %dma_start3A_405 = tpu.memref_squeeze %dma_start3A_404 : memref<1x!tpu.dma_semaphore, #tpu.memory_space<semaphore_mem>> -> memref<!tpu.dma_semaphore, #tpu.memory_space<semaphore_mem>>
        tpu.enqueue_indirect_dma source(%dma_start3A_403 : memref<10000x128xf32, #tpu.memory_space<hbm>>) target(%dma_start3A_397 : memref<80x128xf32, #tpu.memory_space<vmem>>) offsets(%dma_start3A_400 : memref<80xi32, #tpu.memory_space<vmem>>) semaphore(%dma_start3A_405 : memref<!tpu.dma_semaphore, #tpu.memory_space<semaphore_mem>>)
      } else {
      }
    }
    %scan3A_108 = arith.constant 41 : i32
    %dma_start3A_109 = arith.constant 123 : i32
    %dma_start3A_110 = arith.constant 0 : i32
    %dma_start3A_111 = arith.constant 0 : i32
    %dma_start3A_112 = arith.constant 0 : i32
    %dma_start3A_113 = arith.constant 0 : i32
    %dma_start3A_114 = tpu.memref_slice %arg8[%dma_start3A_110, %dma_start3A_112, %dma_start3A_113] : memref<3x80x128xf32, #tpu.memory_space<vmem>> -> memref<1x80x128xf32, #tpu.memory_space<vmem>>
    %dma_start3A_115 = tpu.memref_squeeze %dma_start3A_114 : memref<1x80x128xf32, #tpu.memory_space<vmem>> -> memref<80x128xf32, #tpu.memory_space<vmem>>
    %dma_start3A_116 = arith.constant 0 : i32
    %dma_start3A_117 = tpu.memref_slice %arg6[%dma_start3A_109, %dma_start3A_116] : memref<125x80xi32, #tpu.memory_space<vmem>> -> memref<1x80xi32, #tpu.memory_space<vmem>>
    %dma_start3A_118 = tpu.memref_squeeze %dma_start3A_117 : memref<1x80xi32, #tpu.memory_space<vmem>> -> memref<80xi32, #tpu.memory_space<vmem>>
    %dma_start3A_119 = arith.constant 0 : i32
    %dma_start3A_120 = arith.constant 0 : i32
    %dma_start3A_121 = tpu.memref_slice %arg3[%dma_start3A_119, %dma_start3A_120] : memref<10000x128xf32, #tpu.memory_space<hbm>> -> memref<10000x128xf32, #tpu.memory_space<hbm>>
    %dma_start3A_122 = tpu.memref_slice %arg10[%dma_start3A_111] : memref<3x!tpu.dma_semaphore, #tpu.memory_space<semaphore_mem>> -> memref<1x!tpu.dma_semaphore, #tpu.memory_space<semaphore_mem>>
    %dma_start3A_123 = tpu.memref_squeeze %dma_start3A_122 : memref<1x!tpu.dma_semaphore, #tpu.memory_space<semaphore_mem>> -> memref<!tpu.dma_semaphore, #tpu.memory_space<semaphore_mem>>
    tpu.enqueue_indirect_dma source(%dma_start3A_121 : memref<10000x128xf32, #tpu.memory_space<hbm>>) target(%dma_start3A_115 : memref<80x128xf32, #tpu.memory_space<vmem>>) offsets(%dma_start3A_118 : memref<80xi32, #tpu.memory_space<vmem>>) semaphore(%dma_start3A_123 : memref<!tpu.dma_semaphore, #tpu.memory_space<semaphore_mem>>)
    %dma_wait3A_124 = arith.constant 123 : i32
    %dma_wait3A_125 = arith.constant 0 : i32
    %dma_wait3A_126 = arith.constant 0 : i32
    %dma_wait3A_127 = arith.constant 0 : i32
    %dma_wait3A_128 = arith.constant 0 : i32
    %dma_wait3A_129 = tpu.memref_slice %arg8[%dma_wait3A_125, %dma_wait3A_127, %dma_wait3A_128] : memref<3x80x128xf32, #tpu.memory_space<vmem>> -> memref<1x80x128xf32, #tpu.memory_space<vmem>>
    %dma_wait3A_130 = tpu.memref_squeeze %dma_wait3A_129 : memref<1x80x128xf32, #tpu.memory_space<vmem>> -> memref<80x128xf32, #tpu.memory_space<vmem>>
    %dma_wait3A_131 = arith.constant 0 : i32
    %dma_wait3A_132 = tpu.memref_slice %arg6[%dma_wait3A_124, %dma_wait3A_131] : memref<125x80xi32, #tpu.memory_space<vmem>> -> memref<1x80xi32, #tpu.memory_space<vmem>>
    %dma_wait3A_133 = tpu.memref_squeeze %dma_wait3A_132 : memref<1x80xi32, #tpu.memory_space<vmem>> -> memref<80xi32, #tpu.memory_space<vmem>>
    %dma_wait3A_134 = arith.constant 0 : i32
    %dma_wait3A_135 = arith.constant 0 : i32
    %dma_wait3A_136 = tpu.memref_slice %arg3[%dma_wait3A_134, %dma_wait3A_135] : memref<10000x128xf32, #tpu.memory_space<hbm>> -> memref<10000x128xf32, #tpu.memory_space<hbm>>
    %dma_wait3A_137 = tpu.memref_slice %arg10[%dma_wait3A_126] : memref<3x!tpu.dma_semaphore, #tpu.memory_space<semaphore_mem>> -> memref<1x!tpu.dma_semaphore, #tpu.memory_space<semaphore_mem>>
    %dma_wait3A_138 = tpu.memref_squeeze %dma_wait3A_137 : memref<1x!tpu.dma_semaphore, #tpu.memory_space<semaphore_mem>> -> memref<!tpu.dma_semaphore, #tpu.memory_space<semaphore_mem>>
    tpu.wait_indirect_dma semaphore(%dma_wait3A_138 : memref<!tpu.dma_semaphore, #tpu.memory_space<semaphore_mem>>) src(%dma_wait3A_136 : memref<10000x128xf32, #tpu.memory_space<hbm>>) dst(%dma_wait3A_130 : memref<80x128xf32, #tpu.memory_space<vmem>>)
    %dma_start3A_139 = arith.constant 0 : i32
    %dma_start3A_140 = arith.constant 123 : i32
    %dma_start3A_141 = arith.constant 0 : i32
    %dma_start3A_142 = arith.constant 0 : i32
    %dma_start3A_143 = arith.constant 0 : i32
    %dma_start3A_144 = tpu.memref_slice %arg8[%dma_start3A_139, %dma_start3A_142, %dma_start3A_143] : memref<3x80x128xf32, #tpu.memory_space<vmem>> -> memref<1x80x128xf32, #tpu.memory_space<vmem>>
    %dma_start3A_145 = tpu.memref_squeeze %dma_start3A_144 : memref<1x80x128xf32, #tpu.memory_space<vmem>> -> memref<80x128xf32, #tpu.memory_space<vmem>>
    %dma_start3A_146 = arith.constant 0 : i32
    %dma_start3A_147 = tpu.memref_slice %arg7[%dma_start3A_140, %dma_start3A_146] : memref<125x80xi32, #tpu.memory_space<vmem>> -> memref<1x80xi32, #tpu.memory_space<vmem>>
    %dma_start3A_148 = tpu.memref_squeeze %dma_start3A_147 : memref<1x80xi32, #tpu.memory_space<vmem>> -> memref<80xi32, #tpu.memory_space<vmem>>
    %dma_start3A_149 = arith.constant 0 : i32
    %dma_start3A_150 = arith.constant 0 : i32
    %dma_start3A_151 = tpu.memref_slice %arg9[%dma_start3A_149, %dma_start3A_150] : memref<10000x128xf32, #tpu.memory_space<vmem_shared>> -> memref<10000x128xf32, #tpu.memory_space<vmem_shared>>
    %dma_start3A_152 = tpu.memref_slice %arg11[%dma_start3A_141] : memref<3x!tpu.dma_semaphore, #tpu.memory_space<semaphore_mem>> -> memref<1x!tpu.dma_semaphore, #tpu.memory_space<semaphore_mem>>
    %dma_start3A_153 = tpu.memref_squeeze %dma_start3A_152 : memref<1x!tpu.dma_semaphore, #tpu.memory_space<semaphore_mem>> -> memref<!tpu.dma_semaphore, #tpu.memory_space<semaphore_mem>>
    tpu.enqueue_indirect_dma source(%dma_start3A_145 : memref<80x128xf32, #tpu.memory_space<vmem>>) target(%dma_start3A_151 : memref<10000x128xf32, #tpu.memory_space<vmem_shared>>) offsets(%dma_start3A_148 : memref<80xi32, #tpu.memory_space<vmem>>) semaphore(%dma_start3A_153 : memref<!tpu.dma_semaphore, #tpu.memory_space<semaphore_mem>>) {add = true}
    %dma_wait3A_154 = arith.constant 0 : i32
    %dma_wait3A_155 = arith.constant 123 : i32
    %dma_wait3A_156 = arith.constant 0 : i32
    %dma_wait3A_157 = arith.constant 0 : i32
    %dma_wait3A_158 = arith.constant 0 : i32
    %dma_wait3A_159 = tpu.memref_slice %arg8[%dma_wait3A_154, %dma_wait3A_157, %dma_wait3A_158] : memref<3x80x128xf32, #tpu.memory_space<vmem>> -> memref<1x80x128xf32, #tpu.memory_space<vmem>>
    %dma_wait3A_160 = tpu.memref_squeeze %dma_wait3A_159 : memref<1x80x128xf32, #tpu.memory_space<vmem>> -> memref<80x128xf32, #tpu.memory_space<vmem>>
    %dma_wait3A_161 = arith.constant 0 : i32
    %dma_wait3A_162 = tpu.memref_slice %arg7[%dma_wait3A_155, %dma_wait3A_161] : memref<125x80xi32, #tpu.memory_space<vmem>> -> memref<1x80xi32, #tpu.memory_space<vmem>>
    %dma_wait3A_163 = tpu.memref_squeeze %dma_wait3A_162 : memref<1x80xi32, #tpu.memory_space<vmem>> -> memref<80xi32, #tpu.memory_space<vmem>>
    %dma_wait3A_164 = arith.constant 0 : i32
    %dma_wait3A_165 = arith.constant 0 : i32
    %dma_wait3A_166 = tpu.memref_slice %arg9[%dma_wait3A_164, %dma_wait3A_165] : memref<10000x128xf32, #tpu.memory_space<vmem_shared>> -> memref<10000x128xf32, #tpu.memory_space<vmem_shared>>
    %dma_wait3A_167 = tpu.memref_slice %arg11[%dma_wait3A_156] : memref<3x!tpu.dma_semaphore, #tpu.memory_space<semaphore_mem>> -> memref<1x!tpu.dma_semaphore, #tpu.memory_space<semaphore_mem>>
    %dma_wait3A_168 = tpu.memref_squeeze %dma_wait3A_167 : memref<1x!tpu.dma_semaphore, #tpu.memory_space<semaphore_mem>> -> memref<!tpu.dma_semaphore, #tpu.memory_space<semaphore_mem>>
    tpu.wait_indirect_dma semaphore(%dma_wait3A_168 : memref<!tpu.dma_semaphore, #tpu.memory_space<semaphore_mem>>) src(%dma_wait3A_160 : memref<80x128xf32, #tpu.memory_space<vmem>>) dst(%dma_wait3A_166 : memref<10000x128xf32, #tpu.memory_space<vmem_shared>>)
    %dma_start3A_169 = arith.constant 124 : i32
    %dma_start3A_170 = arith.constant 0 : i32
    %dma_start3A_171 = arith.constant 0 : i32
    %dma_start3A_172 = arith.constant 0 : i32
    %dma_start3A_173 = arith.constant 0 : i32
    %dma_start3A_174 = tpu.memref_slice %arg8[%dma_start3A_170, %dma_start3A_172, %dma_start3A_173] : memref<3x80x128xf32, #tpu.memory_space<vmem>> -> memref<1x80x128xf32, #tpu.memory_space<vmem>>
    %dma_start3A_175 = tpu.memref_squeeze %dma_start3A_174 : memref<1x80x128xf32, #tpu.memory_space<vmem>> -> memref<80x128xf32, #tpu.memory_space<vmem>>
    %dma_start3A_176 = arith.constant 0 : i32
    %dma_start3A_177 = tpu.memref_slice %arg6[%dma_start3A_169, %dma_start3A_176] : memref<125x80xi32, #tpu.memory_space<vmem>> -> memref<1x80xi32, #tpu.memory_space<vmem>>
    %dma_start3A_178 = tpu.memref_squeeze %dma_start3A_177 : memref<1x80xi32, #tpu.memory_space<vmem>> -> memref<80xi32, #tpu.memory_space<vmem>>
    %dma_start3A_179 = arith.constant 0 : i32
    %dma_start3A_180 = arith.constant 0 : i32
    %dma_start3A_181 = tpu.memref_slice %arg3[%dma_start3A_179, %dma_start3A_180] : memref<10000x128xf32, #tpu.memory_space<hbm>> -> memref<10000x128xf32, #tpu.memory_space<hbm>>
    %dma_start3A_182 = tpu.memref_slice %arg10[%dma_start3A_171] : memref<3x!tpu.dma_semaphore, #tpu.memory_space<semaphore_mem>> -> memref<1x!tpu.dma_semaphore, #tpu.memory_space<semaphore_mem>>
    %dma_start3A_183 = tpu.memref_squeeze %dma_start3A_182 : memref<1x!tpu.dma_semaphore, #tpu.memory_space<semaphore_mem>> -> memref<!tpu.dma_semaphore, #tpu.memory_space<semaphore_mem>>
    tpu.enqueue_indirect_dma source(%dma_start3A_181 : memref<10000x128xf32, #tpu.memory_space<hbm>>) target(%dma_start3A_175 : memref<80x128xf32, #tpu.memory_space<vmem>>) offsets(%dma_start3A_178 : memref<80xi32, #tpu.memory_space<vmem>>) semaphore(%dma_start3A_183 : memref<!tpu.dma_semaphore, #tpu.memory_space<semaphore_mem>>)
    %dma_wait3A_184 = arith.constant 124 : i32
    %dma_wait3A_185 = arith.constant 0 : i32
    %dma_wait3A_186 = arith.constant 0 : i32
    %dma_wait3A_187 = arith.constant 0 : i32
    %dma_wait3A_188 = arith.constant 0 : i32
    %dma_wait3A_189 = tpu.memref_slice %arg8[%dma_wait3A_185, %dma_wait3A_187, %dma_wait3A_188] : memref<3x80x128xf32, #tpu.memory_space<vmem>> -> memref<1x80x128xf32, #tpu.memory_space<vmem>>
    %dma_wait3A_190 = tpu.memref_squeeze %dma_wait3A_189 : memref<1x80x128xf32, #tpu.memory_space<vmem>> -> memref<80x128xf32, #tpu.memory_space<vmem>>
    %dma_wait3A_191 = arith.constant 0 : i32
    %dma_wait3A_192 = tpu.memref_slice %arg6[%dma_wait3A_184, %dma_wait3A_191] : memref<125x80xi32, #tpu.memory_space<vmem>> -> memref<1x80xi32, #tpu.memory_space<vmem>>
    %dma_wait3A_193 = tpu.memref_squeeze %dma_wait3A_192 : memref<1x80xi32, #tpu.memory_space<vmem>> -> memref<80xi32, #tpu.memory_space<vmem>>
    %dma_wait3A_194 = arith.constant 0 : i32
    %dma_wait3A_195 = arith.constant 0 : i32
    %dma_wait3A_196 = tpu.memref_slice %arg3[%dma_wait3A_194, %dma_wait3A_195] : memref<10000x128xf32, #tpu.memory_space<hbm>> -> memref<10000x128xf32, #tpu.memory_space<hbm>>
    %dma_wait3A_197 = tpu.memref_slice %arg10[%dma_wait3A_186] : memref<3x!tpu.dma_semaphore, #tpu.memory_space<semaphore_mem>> -> memref<1x!tpu.dma_semaphore, #tpu.memory_space<semaphore_mem>>
    %dma_wait3A_198 = tpu.memref_squeeze %dma_wait3A_197 : memref<1x!tpu.dma_semaphore, #tpu.memory_space<semaphore_mem>> -> memref<!tpu.dma_semaphore, #tpu.memory_space<semaphore_mem>>
    tpu.wait_indirect_dma semaphore(%dma_wait3A_198 : memref<!tpu.dma_semaphore, #tpu.memory_space<semaphore_mem>>) src(%dma_wait3A_196 : memref<10000x128xf32, #tpu.memory_space<hbm>>) dst(%dma_wait3A_190 : memref<80x128xf32, #tpu.memory_space<vmem>>)
    %dma_start3A_199 = arith.constant 0 : i32
    %dma_start3A_200 = arith.constant 124 : i32
    %dma_start3A_201 = arith.constant 0 : i32
    %dma_start3A_202 = arith.constant 0 : i32
    %dma_start3A_203 = arith.constant 0 : i32
    %dma_start3A_204 = tpu.memref_slice %arg8[%dma_start3A_199, %dma_start3A_202, %dma_start3A_203] : memref<3x80x128xf32, #tpu.memory_space<vmem>> -> memref<1x80x128xf32, #tpu.memory_space<vmem>>
    %dma_start3A_205 = tpu.memref_squeeze %dma_start3A_204 : memref<1x80x128xf32, #tpu.memory_space<vmem>> -> memref<80x128xf32, #tpu.memory_space<vmem>>
    %dma_start3A_206 = arith.constant 0 : i32
    %dma_start3A_207 = tpu.memref_slice %arg7[%dma_start3A_200, %dma_start3A_206] : memref<125x80xi32, #tpu.memory_space<vmem>> -> memref<1x80xi32, #tpu.memory_space<vmem>>
    %dma_start3A_208 = tpu.memref_squeeze %dma_start3A_207 : memref<1x80xi32, #tpu.memory_space<vmem>> -> memref<80xi32, #tpu.memory_space<vmem>>
    %dma_start3A_209 = arith.constant 0 : i32
    %dma_start3A_210 = arith.constant 0 : i32
    %dma_start3A_211 = tpu.memref_slice %arg9[%dma_start3A_209, %dma_start3A_210] : memref<10000x128xf32, #tpu.memory_space<vmem_shared>> -> memref<10000x128xf32, #tpu.memory_space<vmem_shared>>
    %dma_start3A_212 = tpu.memref_slice %arg11[%dma_start3A_201] : memref<3x!tpu.dma_semaphore, #tpu.memory_space<semaphore_mem>> -> memref<1x!tpu.dma_semaphore, #tpu.memory_space<semaphore_mem>>
    %dma_start3A_213 = tpu.memref_squeeze %dma_start3A_212 : memref<1x!tpu.dma_semaphore, #tpu.memory_space<semaphore_mem>> -> memref<!tpu.dma_semaphore, #tpu.memory_space<semaphore_mem>>
    tpu.enqueue_indirect_dma source(%dma_start3A_205 : memref<80x128xf32, #tpu.memory_space<vmem>>) target(%dma_start3A_211 : memref<10000x128xf32, #tpu.memory_space<vmem_shared>>) offsets(%dma_start3A_208 : memref<80xi32, #tpu.memory_space<vmem>>) semaphore(%dma_start3A_213 : memref<!tpu.dma_semaphore, #tpu.memory_space<semaphore_mem>>) {add = true}
    %dma_wait3A_214 = arith.constant 0 : i32
    %dma_wait3A_215 = arith.constant 124 : i32
    %dma_wait3A_216 = arith.constant 0 : i32
    %dma_wait3A_217 = arith.constant 0 : i32
    %dma_wait3A_218 = arith.constant 0 : i32
    %dma_wait3A_219 = tpu.memref_slice %arg8[%dma_wait3A_214, %dma_wait3A_217, %dma_wait3A_218] : memref<3x80x128xf32, #tpu.memory_space<vmem>> -> memref<1x80x128xf32, #tpu.memory_space<vmem>>
    %dma_wait3A_220 = tpu.memref_squeeze %dma_wait3A_219 : memref<1x80x128xf32, #tpu.memory_space<vmem>> -> memref<80x128xf32, #tpu.memory_space<vmem>>
    %dma_wait3A_221 = arith.constant 0 : i32
    %dma_wait3A_222 = tpu.memref_slice %arg7[%dma_wait3A_215, %dma_wait3A_221] : memref<125x80xi32, #tpu.memory_space<vmem>> -> memref<1x80xi32, #tpu.memory_space<vmem>>
    %dma_wait3A_223 = tpu.memref_squeeze %dma_wait3A_222 : memref<1x80xi32, #tpu.memory_space<vmem>> -> memref<80xi32, #tpu.memory_space<vmem>>
    %dma_wait3A_224 = arith.constant 0 : i32
    %dma_wait3A_225 = arith.constant 0 : i32
    %dma_wait3A_226 = tpu.memref_slice %arg9[%dma_wait3A_224, %dma_wait3A_225] : memref<10000x128xf32, #tpu.memory_space<vmem_shared>> -> memref<10000x128xf32, #tpu.memory_space<vmem_shared>>
    %dma_wait3A_227 = tpu.memref_slice %arg11[%dma_wait3A_216] : memref<3x!tpu.dma_semaphore, #tpu.memory_space<semaphore_mem>> -> memref<1x!tpu.dma_semaphore, #tpu.memory_space<semaphore_mem>>
    %dma_wait3A_228 = tpu.memref_squeeze %dma_wait3A_227 : memref<1x!tpu.dma_semaphore, #tpu.memory_space<semaphore_mem>> -> memref<!tpu.dma_semaphore, #tpu.memory_space<semaphore_mem>>
    tpu.wait_indirect_dma semaphore(%dma_wait3A_228 : memref<!tpu.dma_semaphore, #tpu.memory_space<semaphore_mem>>) src(%dma_wait3A_220 : memref<80x128xf32, #tpu.memory_space<vmem>>) dst(%dma_wait3A_226 : memref<10000x128xf32, #tpu.memory_space<vmem_shared>>)
    %barrier3A_229 = arith.constant 0 : index
    tpu.barrier barrier_id(%barrier3A_229)
    %mul3A_230 = arith.constant 625 : i32
    %mul3A_231 = arith.muli %arg1, %mul3A_230 : i32
    %mul3A_232 = arith.constant 10000 : i32
    %mul3A_233 = arith.muli %arg0, %mul3A_232 : i32
    %mul3A_234 = arith.constant 625 : i32
    %mul3A_235 = arith.muli %arg1, %mul3A_234 : i32
    %add3A_236 = arith.addi %mul3A_233, %mul3A_235 : i32
    "tpu.region"() ({
      %run_scoped3A = tpu.sem_alloc : memref<!tpu.dma_semaphore, #tpu.memory_space<semaphore_mem>>
      %dma_start3A_237 = arith.constant 0 : i32
      %dma_start3A_238 = tpu.memref_slice %arg5[%add3A_236, %dma_start3A_237] : memref<20000x128xf32, #tpu.memory_space<hbm>> -> memref<625x128xf32, #tpu.memory_space<hbm>>
      %dma_start3A_239 = arith.constant 0 : i32
      %dma_start3A_240 = tpu.memref_slice %arg9[%mul3A_231, %dma_start3A_239] : memref<10000x128xf32, #tpu.memory_space<vmem_shared>> -> memref<625x128xf32, #tpu.memory_space<vmem_shared>>
      tpu.enqueue_dma source(%dma_start3A_240 : memref<625x128xf32, #tpu.memory_space<vmem_shared>>) target(%dma_start3A_238 : memref<625x128xf32, #tpu.memory_space<hbm>>) target_semaphore(%run_scoped3A : memref<!tpu.dma_semaphore, #tpu.memory_space<semaphore_mem>>)
      %dma_wait3A_241 = arith.constant 0 : i32
      %dma_wait3A_242 = tpu.memref_slice %arg5[%add3A_236, %dma_wait3A_241] : memref<20000x128xf32, #tpu.memory_space<hbm>> -> memref<625x128xf32, #tpu.memory_space<hbm>>
      %dma_wait3A_243 = arith.constant 0 : i32
      %dma_wait3A_244 = tpu.memref_slice %arg9[%mul3A_231, %dma_wait3A_243] : memref<10000x128xf32, #tpu.memory_space<vmem_shared>> -> memref<625x128xf32, #tpu.memory_space<vmem_shared>>
      tpu.wait_dma2 semaphore(%run_scoped3A : memref<!tpu.dma_semaphore, #tpu.memory_space<semaphore_mem>>) src(%dma_wait3A_244 : memref<625x128xf32, #tpu.memory_space<vmem_shared>>) dst(%dma_wait3A_242 : memref<625x128xf32, #tpu.memory_space<hbm>>)
      tpu.yield
    }) : () -> ()
    return
  }
}

module attributes {stable_mosaic.version = 14 : i64} {
  func.func @_tc_first_body(%arg0: memref<2x10240x1xf32, #tpu.memory_space<vmem>>, %arg1: memref<10000x128xf32, #tpu.memory_space<vmem>>, %arg2: memref<128x64xf32, #tpu.memory_space<vmem>>, %arg3: memref<10000x1xf32, #tpu.memory_space<vmem>>, %arg4: memref<10000x64xf32, #tpu.memory_space<vmem>>) attributes {dimension_semantics = [], scalar_prefetch = 0 : i64, scratch_operands = 0 : i64, tpu.core_type = #tpu.core_type<tc>} {
    %get3A = arith.constant 0 : index
    %get3A_0 = arith.constant 0 : index
    %get3A_1 = arith.constant 0 : index
    %get3A_2 = vector.load %arg0[%get3A, %get3A_0, %get3A_1] : memref<2x10240x1xf32, #tpu.memory_space<vmem>>, vector<1x10000x1xf32>
    %get3A_3 = vector.shape_cast %get3A_2 : vector<1x10000x1xf32> to vector<10000x1xf32>
    %get3A_4 = arith.constant 1 : index
    %get3A_5 = arith.constant 0 : index
    %get3A_6 = arith.constant 0 : index
    %get3A_7 = vector.load %arg0[%get3A_4, %get3A_5, %get3A_6] : memref<2x10240x1xf32, #tpu.memory_space<vmem>>, vector<1x10000x1xf32>
    %get3A_8 = vector.shape_cast %get3A_7 : vector<1x10000x1xf32> to vector<10000x1xf32>
    %add3A = arith.addf %get3A_3, %get3A_8 : vector<10000x1xf32>
    %add3A_9 = arith.constant 1.000000e+00 : f32
    %add3A_10 = vector.broadcast %add3A_9 : f32 to vector<10000x1xf32>
    %add3A_11 = arith.addf %add3A, %add3A_10 : vector<10000x1xf32>
    %rsqrt3A = math.rsqrt %add3A_11 : vector<10000x1xf32>
    %swap3A = arith.constant 0 : index
    %swap3A_12 = arith.constant 0 : index
    %swap3A_13 = vector.load %arg3[%swap3A, %swap3A_12] : memref<10000x1xf32, #tpu.memory_space<vmem>>, vector<10000x1xf32>
    tpu.vector_store %arg3[%swap3A, %swap3A_12], %rsqrt3A {strides = array<i32>} : memref<10000x1xf32, #tpu.memory_space<vmem>>, vector<10000x1xf32>,
    %get3A_14 = arith.constant 0 : index
    %get3A_15 = arith.constant 0 : index
    %get3A_16 = vector.load %arg1[%get3A_14, %get3A_15] : memref<10000x128xf32, #tpu.memory_space<vmem>>, vector<10000x128xf32>
    %get3A_17 = arith.constant 0 : index
    %get3A_18 = arith.constant 0 : index
    %get3A_19 = vector.load %arg2[%get3A_17, %get3A_18] : memref<128x64xf32, #tpu.memory_space<vmem>>, vector<128x64xf32>
    %dot_general3A = arith.constant dense<0.000000e+00> : vector<10000x64xf32>
    %dot_general3A_20 = tpu.matmul %get3A_16, %get3A_19, %dot_general3A {dimension_numbers = #tpu.dot_dimension_numbers<[1], [0], [0], [1], [0, 0, 1, 1], [], []>, transpose_lhs_hint = false} : vector<10000x128xf32>, vector<128x64xf32>, vector<10000x64xf32> -> vector<10000x64xf32>
    %mul3A = vector.broadcast %rsqrt3A : vector<10000x1xf32> to vector<10000x64xf32>
    %mul3A_21 = arith.mulf %dot_general3A_20, %mul3A : vector<10000x64xf32>
    %swap3A_22 = arith.constant 0 : index
    %swap3A_23 = arith.constant 0 : index
    %swap3A_24 = vector.load %arg4[%swap3A_22, %swap3A_23] : memref<10000x64xf32, #tpu.memory_space<vmem>>, vector<10000x64xf32>
    tpu.vector_store %arg4[%swap3A_22, %swap3A_23], %mul3A_21 {strides = array<i32>} : memref<10000x64xf32, #tpu.memory_space<vmem>>, vector<10000x64xf32>,
    return
  }
}

module attributes {stable_mosaic.version = 14 : i64} {
  func.func @_tc_mid_body(%arg0: memref<10000x128xf32, #tpu.memory_space<vmem>>, %arg1: memref<10000x64xf32, #tpu.memory_space<vmem>>, %arg2: memref<10000x1xf32, #tpu.memory_space<vmem>>, %arg3: memref<64x64xf32, #tpu.memory_space<vmem>>, %arg4: memref<1x64xf32, #tpu.memory_space<vmem>>, %arg5: memref<10000x64xf32, #tpu.memory_space<vmem>>) attributes {dimension_semantics = [], scalar_prefetch = 0 : i64, scratch_operands = 0 : i64, tpu.core_type = #tpu.core_type<tc>} {
    %get3A = arith.constant 0 : index
    %get3A_0 = arith.constant 0 : index
    %get3A_1 = vector.load %arg2[%get3A, %get3A_0] : memref<10000x1xf32, #tpu.memory_space<vmem>>, vector<10000x1xf32>
    %get3A_2 = arith.constant 0 : index
    %get3A_3 = arith.constant 0 : index
    %get3A_4 = vector.load %arg0[%get3A_2, %get3A_3] : memref<10000x128xf32, #tpu.memory_space<vmem>>, vector<10000x64xf32>
    %get3A_5 = arith.constant 0 : index
    %get3A_6 = arith.constant 64 : index
    %get3A_7 = vector.load %arg0[%get3A_5, %get3A_6] : memref<10000x128xf32, #tpu.memory_space<vmem>>, vector<10000x64xf32>
    %add3A = arith.addf %get3A_4, %get3A_7 : vector<10000x64xf32>
    %get3A_8 = arith.constant 0 : index
    %get3A_9 = arith.constant 0 : index
    %get3A_10 = vector.load %arg1[%get3A_8, %get3A_9] : memref<10000x64xf32, #tpu.memory_space<vmem>>, vector<10000x64xf32>
    %add3A_11 = arith.addf %add3A, %get3A_10 : vector<10000x64xf32>
    %mul3A = vector.broadcast %get3A_1 : vector<10000x1xf32> to vector<10000x64xf32>
    %mul3A_12 = arith.mulf %mul3A, %add3A_11 : vector<10000x64xf32>
    %get3A_13 = arith.constant 0 : index
    %get3A_14 = arith.constant 0 : index
    %get3A_15 = vector.load %arg4[%get3A_13, %get3A_14] : memref<1x64xf32, #tpu.memory_space<vmem>>, vector<1x64xf32>
    %add3A_16 = vector.broadcast %get3A_15 : vector<1x64xf32> to vector<10000x64xf32>
    %add3A_17 = arith.addf %mul3A_12, %add3A_16 : vector<10000x64xf32>
    %max3A = arith.constant 0.000000e+00 : f32
    %max3A_18 = vector.broadcast %max3A : f32 to vector<10000x64xf32>
    %max3A_19 = arith.maximumf %add3A_17, %max3A_18 : vector<10000x64xf32>
    %get3A_20 = arith.constant 0 : index
    %get3A_21 = arith.constant 0 : index
    %get3A_22 = vector.load %arg3[%get3A_20, %get3A_21] : memref<64x64xf32, #tpu.memory_space<vmem>>, vector<64x64xf32>
    %dot_general3A = arith.constant dense<0.000000e+00> : vector<10000x64xf32>
    %dot_general3A_23 = tpu.matmul %max3A_19, %get3A_22, %dot_general3A {dimension_numbers = #tpu.dot_dimension_numbers<[1], [0], [0], [1], [0, 0, 1, 1], [], []>, transpose_lhs_hint = false} : vector<10000x64xf32>, vector<64x64xf32>, vector<10000x64xf32> -> vector<10000x64xf32>
    %mul3A_24 = vector.broadcast %get3A_1 : vector<10000x1xf32> to vector<10000x64xf32>
    %mul3A_25 = arith.mulf %mul3A_24, %dot_general3A_23 : vector<10000x64xf32>
    %swap3A = arith.constant 0 : index
    %swap3A_26 = arith.constant 0 : index
    %swap3A_27 = vector.load %arg5[%swap3A, %swap3A_26] : memref<10000x64xf32, #tpu.memory_space<vmem>>, vector<10000x64xf32>
    tpu.vector_store %arg5[%swap3A, %swap3A_26], %mul3A_25 {strides = array<i32>} : memref<10000x64xf32, #tpu.memory_space<vmem>>, vector<10000x64xf32>,
    return
  }
}

module attributes {stable_mosaic.version = 14 : i64} {
  func.func @_tc_mid_body(%arg0: memref<10000x128xf32, #tpu.memory_space<vmem>>, %arg1: memref<10000x64xf32, #tpu.memory_space<vmem>>, %arg2: memref<10000x1xf32, #tpu.memory_space<vmem>>, %arg3: memref<64x128xf32, #tpu.memory_space<vmem>>, %arg4: memref<1x64xf32, #tpu.memory_space<vmem>>, %arg5: memref<10000x128xf32, #tpu.memory_space<vmem>>) attributes {dimension_semantics = [], scalar_prefetch = 0 : i64, scratch_operands = 0 : i64, tpu.core_type = #tpu.core_type<tc>} {
    %get3A = arith.constant 0 : index
    %get3A_0 = arith.constant 0 : index
    %get3A_1 = vector.load %arg2[%get3A, %get3A_0] : memref<10000x1xf32, #tpu.memory_space<vmem>>, vector<10000x1xf32>
    %get3A_2 = arith.constant 0 : index
    %get3A_3 = arith.constant 0 : index
    %get3A_4 = vector.load %arg0[%get3A_2, %get3A_3] : memref<10000x128xf32, #tpu.memory_space<vmem>>, vector<10000x64xf32>
    %get3A_5 = arith.constant 0 : index
    %get3A_6 = arith.constant 64 : index
    %get3A_7 = vector.load %arg0[%get3A_5, %get3A_6] : memref<10000x128xf32, #tpu.memory_space<vmem>>, vector<10000x64xf32>
    %add3A = arith.addf %get3A_4, %get3A_7 : vector<10000x64xf32>
    %get3A_8 = arith.constant 0 : index
    %get3A_9 = arith.constant 0 : index
    %get3A_10 = vector.load %arg1[%get3A_8, %get3A_9] : memref<10000x64xf32, #tpu.memory_space<vmem>>, vector<10000x64xf32>
    %add3A_11 = arith.addf %add3A, %get3A_10 : vector<10000x64xf32>
    %mul3A = vector.broadcast %get3A_1 : vector<10000x1xf32> to vector<10000x64xf32>
    %mul3A_12 = arith.mulf %mul3A, %add3A_11 : vector<10000x64xf32>
    %get3A_13 = arith.constant 0 : index
    %get3A_14 = arith.constant 0 : index
    %get3A_15 = vector.load %arg4[%get3A_13, %get3A_14] : memref<1x64xf32, #tpu.memory_space<vmem>>, vector<1x64xf32>
    %add3A_16 = vector.broadcast %get3A_15 : vector<1x64xf32> to vector<10000x64xf32>
    %add3A_17 = arith.addf %mul3A_12, %add3A_16 : vector<10000x64xf32>
    %max3A = arith.constant 0.000000e+00 : f32
    %max3A_18 = vector.broadcast %max3A : f32 to vector<10000x64xf32>
    %max3A_19 = arith.maximumf %add3A_17, %max3A_18 : vector<10000x64xf32>
    %get3A_20 = arith.constant 0 : index
    %get3A_21 = arith.constant 0 : index
    %get3A_22 = vector.load %arg3[%get3A_20, %get3A_21] : memref<64x128xf32, #tpu.memory_space<vmem>>, vector<64x128xf32>
    %dot_general3A = arith.constant dense<0.000000e+00> : vector<10000x128xf32>
    %dot_general3A_23 = tpu.matmul %max3A_19, %get3A_22, %dot_general3A {dimension_numbers = #tpu.dot_dimension_numbers<[1], [0], [0], [1], [0, 0, 1, 1], [], []>, transpose_lhs_hint = false} : vector<10000x64xf32>, vector<64x128xf32>, vector<10000x128xf32> -> vector<10000x128xf32>
    %mul3A_24 = vector.broadcast %get3A_1 : vector<10000x1xf32> to vector<10000x128xf32>
    %mul3A_25 = arith.mulf %mul3A_24, %dot_general3A_23 : vector<10000x128xf32>
    %swap3A = arith.constant 0 : index
    %swap3A_26 = arith.constant 0 : index
    %swap3A_27 = vector.load %arg5[%swap3A, %swap3A_26] : memref<10000x128xf32, #tpu.memory_space<vmem>>, vector<10000x128xf32>
    tpu.vector_store %arg5[%swap3A, %swap3A_26], %mul3A_25 {strides = array<i32>} : memref<10000x128xf32, #tpu.memory_space<vmem>>, vector<10000x128xf32>,
    return
  }
}

module attributes {stable_mosaic.version = 14 : i64} {
  func.func @_tc_fin_body(%arg0: memref<20000x128xf32, #tpu.memory_space<vmem>>, %arg1: memref<10000x128xf32, #tpu.memory_space<vmem>>, %arg2: memref<10000x1xf32, #tpu.memory_space<vmem>>, %arg3: memref<1x112xf32, #tpu.memory_space<vmem>>, %arg4: memref<10000x112xf32, #tpu.memory_space<vmem>>) attributes {dimension_semantics = [], scalar_prefetch = 0 : i64, scratch_operands = 0 : i64, tpu.core_type = #tpu.core_type<tc>} {
    %get3A = arith.constant 0 : index
    %get3A_0 = arith.constant 0 : index
    %get3A_1 = vector.load %arg2[%get3A, %get3A_0] : memref<10000x1xf32, #tpu.memory_space<vmem>>, vector<10000x1xf32>
    %get3A_2 = arith.constant 0 : index
    %get3A_3 = arith.constant 0 : index
    %get3A_4 = vector.load %arg0[%get3A_2, %get3A_3] : memref<20000x128xf32, #tpu.memory_space<vmem>>, vector<10000x112xf32>
    %get3A_5 = arith.constant 10000 : index
    %get3A_6 = arith.constant 0 : index
    %get3A_7 = vector.load %arg0[%get3A_5, %get3A_6] : memref<20000x128xf32, #tpu.memory_space<vmem>>, vector<10000x112xf32>
    %add3A = arith.addf %get3A_4, %get3A_7 : vector<10000x112xf32>
    %get3A_8 = arith.constant 0 : index
    %get3A_9 = arith.constant 0 : index
    %get3A_10 = vector.load %arg1[%get3A_8, %get3A_9] : memref<10000x128xf32, #tpu.memory_space<vmem>>, vector<10000x112xf32>
    %add3A_11 = arith.addf %add3A, %get3A_10 : vector<10000x112xf32>
    %mul3A = vector.broadcast %get3A_1 : vector<10000x1xf32> to vector<10000x112xf32>
    %mul3A_12 = arith.mulf %mul3A, %add3A_11 : vector<10000x112xf32>
    %get3A_13 = arith.constant 0 : index
    %get3A_14 = arith.constant 0 : index
    %get3A_15 = vector.load %arg3[%get3A_13, %get3A_14] : memref<1x112xf32, #tpu.memory_space<vmem>>, vector<1x112xf32>
    %add3A_16 = vector.broadcast %get3A_15 : vector<1x112xf32> to vector<10000x112xf32>
    %add3A_17 = arith.addf %mul3A_12, %add3A_16 : vector<10000x112xf32>
    %swap3A = arith.constant 0 : index
    %swap3A_18 = arith.constant 0 : index
    %swap3A_19 = vector.load %arg4[%swap3A, %swap3A_18] : memref<10000x112xf32, #tpu.memory_space<vmem>>, vector<10000x112xf32>
    tpu.vector_store %arg4[%swap3A, %swap3A_18], %add3A_17 {strides = array<i32>} : memref<10000x112xf32, #tpu.memory_space<vmem>>, vector<10000x112xf32>,
    return
  }
}

</mosaic_0001>

<sc_bundles>
// kernel: kernel.10.cloned.1.call-start
scs
__scs_entry_jumppad:
0x0: {  	(pc) =	sbr.rel $0x88, $3  }
0x1: {  	(tag) =	ssettag $0x0;
	lr =	simm.s32 $0x1  }
0x2: {  	[smem:$0x3F99] =	sst lr;
	_ =	strace $0xD0000000  }
0x3: {  	_ = 	snop  }
0x4: {  	_ = 	snop  }
0x5: {  	_ = 	snop  }
0x6: {  	_ = 	snop  }
0x7: {  	_ = 	snop  }
__scs_overlays_trampoline_lowered:
0x8: {  	[smem:$0x3FA8] =	sst s0  }
0x9: {  	[smem:$0x3FA9] =	sst s1  }
0xa: {  	[smem:$0x3FAA] =	sst s2  }
0xb: {  	[smem:$0x3FAB] =	sst s3  }
0xc: {  	[smem:$0x3FAC] =	sst s4  }
0xd: {  	[smem:$0x3FAD] =	sst s5  }
0xe: {  	[smem:$0x3FAE] =	sst s6  }
0xf: {  	[smem:$0x3FAF] =	sst s7  }
0x10: {  	[smem:$0x3FB0] =	sst s8  }
0x11: {  	[smem:$0x3FB1] =	sst s9;
	s0 =	simm.s32 @!p0 $0x0  }
0x12: {  	s1 =	sld [smem:$0x3F97];
	s0 =	simm.s32 @p0 $0x1  }
0x13: {  	[smem:$0x3FB2] =	sst s0;
	s0 =	simm.s32 @!p1 $0x0  }
0x14: {  	s2 =	sld [smem:$0x3F96];
	s0 =	simm.s32 @p1 $0x1  }
0x15: {  	[smem:$0x3FB3] =	sst s0;
	s0 =	simm.s32 @!p2 $0x0  }
0x16: {  	s3 =	sld [smem:$0x3FDB];
	s0 =	simm.s32 @p2 $0x1  }
0x17: {  	s4 =	simm.s32 $0x1BF5;
	[smem:$0x3FB5] =	sst s0  }
0x18: {  	s0 =	sld [smem:$0x3F98];
	_ =	swait.ge [sflag:s4], $0x0  }
0x19: {  	s7 =	sld [smem:$0x3F99]  }
0x1a: {  	s8 =	sadd.s32 $0xFFFFE003, lr  }
0x1b: {  	s9 =	sadd.s32 $0xFFFFFEF7, lr;
	s5 =	simm.s32 $0xFFFFFFFF;
	p2 =	slt.u32 s8, $0xFFFFF086  }
0x1c: {  	p1 =	slt.u32 s9, $0xF7A;
	s5 =	simm.s32 @!p2 $0x0  }
0x1d: {  	s5 =	simm.s32 @p1 $0x1;
	p0 =	seq.s32 s7, s2  }
0x1e: {  	s7 =	smul.u32 @!p0 $0xF7A, s2;
	p2 =	seq.s32 @!p0 s5, $0x0  }
0x1f: {  	s9 =	smul.u32 $0xF7A, s1;
	s8 =	simm.s32 @!p0 $0x1BF5;
	p2 =	por !p2, p0  }
0x20: {  	[sflag:s8] =	ssyncset.s32 @!p0 $0xFFFFF086;
	s6 =	sadd.s32 @!p0 s3, s7;
	s7 =	simm.s32 @!p0 $0x108  }
0x21: {  	s3 =	sadd.s32 s3, s9;
	s6 =	sadd.s32 @!p0 $0x88, s6;
	s7 =	simm.s32 @p2 $0x1082  }
0x22: {  	[simem:s7], [sflag:s8] =	dma.local @!p0 [hbm:s6], $0xF7A  }
0x23: {  	s9 =	sor.u32 $0xD0000000, s2;
	s6 =	simm.s32 $0x108;
	_ =	swait.ge @!p0 [sflag:s8], $0x0  }
0x24: {  	s3 =	sadd.s32 $0x88, s3;
	s6 =	simm.s32 @!p1 $0x1082;
	[sflag:s4] =	ssyncset.s32 $0xFFFFF086  }
0x25: {  	[simem:s6], [sflag:s4] =	dma.local [hbm:s3], $0xF7A  }
0x26: {  	[smem:$0x3F99] =	sst s1;
	(tag) =	ssettag s2;
	_ =	strace s9  }
0x27: {  	s1 =	sld [smem:$0x3FA9]  }
0x28: {  	s2 =	sld [smem:$0x3FAA]  }
0x29: {  	s4 =	sld [smem:$0x3FAC]  }
0x2a: {  	p0 =	seq.s32 s5, $0x0;
	s5 =	sld [smem:$0x3FAD]  }
0x2b: {  	s6 =	sld [smem:$0x3FAE]  }
0x2c: {  	s7 =	sld [smem:$0x3FAF]  }
0x2d: {  	s3 =	simm.s32 $0x108;
	s8 =	sld [smem:$0x3FB0]  }
0x2e: {  	s3 =	simm.s32 @!p0 $0x1082;
	s9 =	sld [smem:$0x3FB1]  }
0x2f: {  	lr =	sadd.s32 s0, s3;
	s0 =	sld [smem:$0x3FA8]  }
0x30: {  	s3 =	sld [smem:$0x3FAB]  }
0x31: {  	[smem:$0x3FB4] =	sst s10  }
0x32: {  	s10 =	sld [smem:$0x3FB2];
	_ =	sdelay $0x3  }
0x33: {  	p0 =	seq.s32 s10, $0x1;
	s10 =	sld [smem:$0x3FB4];
	_ =	sdelay $0x3  }
0x34: {  	[smem:$0x3FB4] =	sst s10  }
0x35: {  	s10 =	sld [smem:$0x3FB3];
	_ =	sdelay $0x3  }
0x36: {  	p1 =	seq.s32 s10, $0x1;
	s10 =	sld [smem:$0x3FB4];
	_ =	sdelay $0x3  }
0x37: {  	[smem:$0x3FB4] =	sst s10  }
0x38: {  	s10 =	sld [smem:$0x3FB5]  }
0x39: {  	_ = 	snop;
	(pc) =	sbr.ind lr, $3  }
0x3a: {  	_ = 	snop  }
0x3b: {  	_ = 	snop  }
0x3c: {  	p2 =	seq.s32 s10, $0x1;
	s10 =	sld [smem:$0x3FB4]  }
0x3d: {  	_ =	shalt  }
0x3e: {  	_ =	shalt  }
0x3f: {  	_ =	shalt  }
0x40: {  	_ =	shalt  }
0x41: {  	_ =	shalt  }
0x42: {  	_ =	shalt  }
0x43: {  	_ =	shalt  }
0x44: {  	_ =	shalt  }
0x45: {  	_ =	shalt  }
0x46: {  	_ =	shalt  }
0x47: {  	_ =	shalt  }
0x48: {  	_ =	shalt  }
0x49: {  	_ =	shalt  }
0x4a: {  	_ =	shalt  }
0x4b: {  	_ =	shalt  }
0x4c: {  	_ =	shalt  }
0x4d: {  	_ =	shalt  }
0x4e: {  	_ =	shalt  }
0x4f: {  	_ =	shalt  }
0x50: {  	_ =	shalt  }
0x51: {  	_ =	shalt  }
0x52: {  	_ =	shalt  }
0x53: {  	_ =	shalt  }
0x54: {  	_ =	shalt  }
0x55: {  	_ =	shalt  }
0x56: {  	_ =	shalt  }
0x57: {  	_ =	shalt  }
0x58: {  	_ =	shalt  }
0x59: {  	_ =	shalt  }
0x5a: {  	_ =	shalt  }
0x5b: {  	_ =	shalt  }
0x5c: {  	_ =	shalt  }
0x5d: {  	_ =	shalt  }
0x5e: {  	_ =	shalt  }
0x5f: {  	_ =	shalt  }
0x60: {  	_ =	shalt  }
0x61: {  	_ =	shalt  }
0x62: {  	_ =	shalt  }
0x63: {  	_ =	shalt  }
0x64: {  	_ =	shalt  }
0x65: {  	_ =	shalt  }
0x66: {  	_ =	shalt  }
0x67: {  	_ =	shalt  }
0x68: {  	_ =	shalt  }
0x69: {  	_ =	shalt  }
0x6a: {  	_ =	shalt  }
0x6b: {  	_ =	shalt  }
0x6c: {  	_ =	shalt  }
0x6d: {  	_ =	shalt  }
0x6e: {  	_ =	shalt  }
0x6f: {  	_ =	shalt  }
0x70: {  	_ =	shalt  }
0x71: {  	_ =	shalt  }
0x72: {  	_ =	shalt  }
0x73: {  	_ =	shalt  }
0x74: {  	_ =	shalt  }
0x75: {  	_ =	shalt  }
0x76: {  	_ =	shalt  }
0x77: {  	_ =	shalt  }
0x78: {  	_ =	shalt  }
0x79: {  	_ =	shalt  }
0x7a: {  	_ =	shalt  }
0x7b: {  	_ =	shalt  }
0x7c: {  	_ =	shalt  }
0x7d: {  	_ =	shalt  }
0x7e: {  	_ =	shalt  }
0x7f: {  	_ =	shalt  }
0x80: {  	_ =	shalt  }
0x81: {  	_ =	shalt  }
0x82: {  	_ =	shalt  }
0x83: {  	_ =	shalt  }
0x84: {  	_ =	shalt  }
0x85: {  	_ =	shalt  }
0x86: {  	_ =	shalt  }
0x87: {  	_ =	shalt  }
.Lfunc_end0:
.L_simem_size_0:
called_computation_lowered:
.L_overlay_start_0:
0x88: {  	s2 =	sld [smem:$0x3FD9]  }
0x89: {  	s3 =	sld [smem:$0x3FFE];
	_ =	sdelay $0x1  }
0x8a: {  	s1 =	srdreg.scid  }
0x8b: {  	s0 =	sand.u32 $0x1, s1  }
0x8c: {  	s17 =	sshll.u32 s0, $0xA;
	s2 =	sadd.s32 s3, s2  }
0x8d: {  	s2 =	sadd.s32 s2, s17  }
0x8e: {  	[smem:$0x3FC0] =	sst s2  }
0x8f: {  	_ = 	snop  }
0x90: {  	s2 =	sld [smem:$0x3FD0];
	(tm) =	ssettm $0x1  }
0x91: {  	s18 =	sld [smem:$0x3FFB];
	_ =	sdelay $0x3  }
0x92: {  	_ =	strace s18  }
0x93: {  	s3 =	sld [smem:$0x3FFC];
	_ =	sdelay $0x3  }
0x94: {  	_ =	strace s3  }
0x95: {  	s3 =	sld [smem:$0x3FFD];
	_ =	sdelay $0x3  }
0x96: {  	_ =	strace s3  }
0x97: {  	_ =	strace $0x8FFFFFFF  }
0x98: {  	s19 =	sld [smem:$0x3FDB];
	_ =	sdelay $0x1  }
0x99: {  	s4 =	simm.s32 $_scs_section_size  }
0x9a: {  	s5 =	simm.s32 $_size__tile_overlayer_lowered;
	s6 =	simm.s32 $_tile_overlayer_lowered  }
0x9b: {  	s22 =	simm.s32 $0x1BFF;
	s21 =	sshll.u32 s6, $0x1;
	s3 =	sadd.s32 s4, s19  }
0x9c: {  	s7 =	simm.s32 $0x0;
	s20 =	sshll.u32 s5, $0x1;
	s5 =	sadd.s32 s21, s3  }
0x9d: {  	[timem:s7], [sflag:s22] =	dma.local [hbm:s5], s20  }
0x9e: {  	_ =	swait.ge [sflag:s22], s20  }
0x9f: {  	s4 =	ssub.s32 $0x0, s20;
	[sflag:s22] =	ssyncset.done $0x0  }
0xa0: {  	[sflag:s22] =	ssyncadd.s32 s4;
	_ =	sdelay $0x1  }
0xa1: {  	s23 =	simm.s32 $0x1B8B  }
0xa2: {  	_ =	swait.ge [sflag:s23], $0x1  }
0xa3: {  	[sflag:s23] =	ssyncset.done $0x0  }
0xa4: {  	s25 =	simm.s32 $0x1B8E;
	s24 =	sld [smem:$0x3FFE];
	[sflag:s23] =	ssyncadd.s32 $0xFFFFFFFF  }
0xa5: {  	s26 =	simm.s32 $execute0_lowered;
	[smem:$0x3FD2] =	sst s25  }
0xa6: {  	s5 =	sshll.u32 s26, $0x1;
	_ =	strace $0x80000046;
	[dreg:$0x1] =	wrdreg $0xFFFFFFFF  }
0xa7: {  	s28 =	simm.s32 $_size_execute0_lowered;
	s3 =	sadd.s32 s3, s5;
	[dreg:$0x0] =	wrdreg $0x0  }
0xa8: {  	s5 =	sshll.u32 s28, $0x1;
	[dreg:$0x2] =	wrdreg s3  }
0xa9: {  	[dreg:$0x3] =	wrdreg s5  }
0xaa: {  	[dreg:$0x4] =	wrdreg $0xC0  }
0xab: {  	_ =	task [dreg:s7], $0x5FFFF  }
0xac: {  	[dreg:$0x1] =	wrdreg $0xFFFFFFFF  }
0xad: {  	[dreg:$0x0] =	wrdreg $0x60  }
0xae: {  	[dreg:$0x2] =	wrdreg s2  }
0xaf: {  	[dreg:$0x3] =	wrdreg s24  }
0xb0: {  	[dreg:$0x4] =	wrdreg $0x27600  }
0xb1: {  	[dreg:$0x5] =	wrdreg $0x9  }
0xb2: {  	_ =	task.clear_ibuf [dreg:s7], $0x6FFFF;
	_ =	strace $0x90000046  }
0xb3: {  	s29 =	simm.s32 $0x9;
	_ =	strace $0x80000048  }
0xb4: {  	_ =	swait.ge [sflag:s29], $0x1  }
0xb5: {  	[sflag:s29] =	ssyncadd.s32 $0xFFFFFFFF  }
0xb6: {  	_ =	strace $0x90000048  }
0xb7: {  	_ =	sfence  }
0xb8: {  	s30 =	sld [smem:$0x0];
	_ =	sdelay $0x2  }
0xb9: {  	s31 =	sshll.u32 s1, $0xD;
	s1 =	sshrl.u32 s1, $0x2  }
0xba: {  	s3 =	sand.u32 $0x4000, s31;
	s1 =	sadd.s32 s1, s30  }
0xbb: {  	s0 =	sor.u32 s3, s0;
	s1 =	sshll.u32 s1, $0x11  }
0xbc: {  	s0 =	sor.u32 s1, s0  }
0xbd: {  	s0 =	sadd.s32 $0x8F2B, s0  }
0xbe: {  	[sflag:s0] =	ssyncadd.remote.s32 $0x1  }
0xbf: {  	_ =	sfence.sel $0xFFFF  }
0xc0: {  	[dreg:$0x0] =	wrdreg $0xFFFFFFFF;
	(pc) =	sbr.abs _section_cstart, $3  }
0xc1: {  	[dreg:$0x1] =	wrdreg $0xFFFFFFFF  }
0xc2: {  	_ =	task.clear_ibuf [dreg:s7], $0x2FFFF;
	_ =	strace $0x9FFFFFFF  }
0xc3: {  	(tm) =	ssettm $0x7FFFFFFF  }
tec
execute0_lowered:
.L_overlay_start_1:
0x0: {  	(tag) =	ssettag $0x1  }
0x1: {  	s6 =	rddreg [dreg:$0x0]  }
0x2: {  	s7 =	rddreg [dreg:$0x1]  }
0x3: {  	s2 =	rddreg [dreg:$0x2]  }
0x4: {  	s0 =	rddreg [dreg:$0x3]  }
0x5: {  	s4 =	srdreg.scid;
	s1 =	stileid.u32  }
0x6: {  	s3 =	simm.s32 $0x0;
	s13 =	simm.s32 $0x2;
	s14 =	simm.s32 $0x50  }
0x7: {  	s15 =	simm.s32 $0x3;
	s17 =	simm.s32 $0x0;
	s5 =	sand.u32 $0x1, s4  }
0x8: {  	s8 =	smul.u32 $0x280, s1;
	[smem:$0x7FF] =	sst s3;
	s4 =	sadd.s32 $0x2E00, s7  }
0x9: {  	s16 =	sshll.u32 s1, $0x6;
	s9 =	smul.u32 $0x2800, s5;
	s10 =	sshll.u32 s5, $0x4  }
0xa: {  	_ =	strace $0x80000047;
	s11 =	ssub.s32 $0x2, s5;
	s10 =	sor.u32 s1, s10  }
0xb: {  	s5 =	sadd.s32 $0x3000, s7;
	s12 =	sshrl.u32 s11, $0x1;
	s10 =	smul.u32 $0x2710, s10  }
0xc: {  	s31 =	sadd.s32 s8, s2;
	s9 =	sadd.s32 s8, s9;
	s11 =	ssub.s32 s11, s12  }
0xd: {  	s12 =	simm.s32 $0x2710;
	s9 =	sshrl.u32 s9, $0x3;
	s30 =	sshrl.u32 s10, $0x3  }
0xe: {  	s9 =	sadd.s32 s9, s7;
	s10 =	sshrl.u32 s31, $0x3;
	s7 =	sadd.s32 s6, s30  }
0xf: {  	s6 =	sor.u32 $0x1C01, s16;
	s8 =	sadd.s32 $0x3200, s9;
	s9 =	smax.u32 s11, $0x1  }
0x10: {  	s11 =	simm.s32 $0x1;
	s16 =	sor.u32 $0x1C03, s16;
	s7 =	sadd.s32 $0x9C40, s7  }
.LBB2_1:
0x11: {  	[spmem:s10], [sflag:s6] =	dma.local [hbm:s5], $0x50  }
0x12: {  	[tilespmem:s3], [sflag:$0x2] =	stream.linear.gather [hbm4b:s7+s3], $0x2710, $0x38;
	[tilespmem:$0x29E0] =	vst v63  }
0x13: {  	_ =	swait.ge [sflag:s11], $0x50  }
0x14: {  	[sflag:s11] =	ssyncset.done $0x0  }
0x15: {  	[sflag:s11] =	ssyncadd.s32 $0xFFFFFFB0  }
0x16: {  	[tilespmem:s12], [sflag:$0x1] =	stream.linear.gather [hbm4b:s4+s3], $0x50, $0x38;
	[tilespmem:$0x29E0] =	vst v63  }
0x17: {  	_ =	swait.ge [sflag:s13], $0x2710  }
0x18: {  	[sflag:s13] =	ssyncset.done $0x0  }
0x19: {  	[sflag:s13] =	ssyncadd.s32 $0xFFFFD8F0  }
0x1a: {  	_ =	swait.ge [sflag:s11], $0x50  }
0x1b: {  	[sflag:s11] =	ssyncset.done $0x0  }
0x1c: {  	[sflag:s11] =	ssyncadd.s32 $0xFFFFFFB0  }
0x1d: {  	s18 =	simm.s32 $0x0;
	[bflag:$0x0] =	sbarrier.arrive $0xFFFF  }
0x1e: {  	[spmem:s2] =	stream.indirect.scatter.add.f32 [tilespmem:s12], [sflag:$0x3], $0x1, s18, s14, $0xb8;
	[tilespmem:$0x29E0] =	vst v63  }
0x1f: {  	_ =	swait.ge [sflag:s15], $0x50  }
0x20: {  	s18 =	simm.s32 $0x140;
	[sflag:s15] =	ssyncset.done $0x0  }
.LBB2_2:
0x21: {  	s19 =	sshra.s32 s18, $0x2;
	[sflag:s15] =	ssyncadd.s32 $0xFFFFFFB0;
	p0 =	sne.s32 s18, $0x9B00  }
0x22: {  	[spmem:s2] =	stream.indirect.scatter.add.f32 [tilespmem:s12], [sflag:$0x3], $0x1, s19, s14, $0xb8;
	[tilespmem:$0x29E0] =	vst v63  }
.Ltmp0:
0x23: {  	_ = 	snop;
	(pc) =	sbr.rel @p0 .LBB2_2-.Ltmp0, $4  }
0x24: {  	_ = 	snop  }
0x25: {  	s18 =	sadd.s32 $0x140, s18  }
0x26: {  	_ =	swait.ge [sflag:s15], $0x50  }
0x27: {  	[sflag:s15] =	ssyncset.done $0x0  }
0x28: {  	s17 =	sadd.s32 $0x1, s17  }
0x29: {  	[sflag:s15] =	ssyncadd.s32 $0xFFFFFFB0;
	p0 =	sne.s32 s17, s9  }
.Ltmp1:
0x2a: {  	[bflag:$0x0] =	sbarrier.arrive $0xFFFF;
	(pc) =	sbr.rel @p0 .LBB2_1-.Ltmp1, $4  }
0x2b: {  	[hbm:s8], [sflag:s16] =	dma.local [spmem:s10], $0x50  }
0x2c: {  	_ =	swait.ge [sflag:s15], $0x50  }
0x2d: {  	[sflag:s15] =	ssyncset.done $0x0  }
0x2e: {  	[sflag:s15] =	ssyncadd.s32 $0xFFFFFFB0  }
0x2f: {  	_ =	sfence.sel $0x180000  }
0x30: {  	[bflag:$0x0] =	sbarrier.arrive $0xFFFF  }
0x31: {  	p0 =	sne.s32 s1, $0x0;
	_ =	strace $0x90000047  }
0x32: {  	s0 =	sadd.s32 @!p0 $0x100000, s0;
	[bflag:$0x2] =	sbarrier.arrive $0xFFFF  }
0x33: {  	[sflag:s0] =	ssyncadd.tile.s32 @!p0 $0x1;
	_ =	shalt  }
.Lfunc_end2:
_tile_overlayer_lowered:
.L_overlay_start_2:
0x34: {  	(tag) =	ssettag $0x2  }
0x35: {  	s0 =	rddreg [dreg:$0x0];
	s2 =	stileid.u32  }
0x36: {  	s1 =	rddreg [dreg:$0x1];
	p0 =	sne.s32 s2, $0x0  }
0x37: {  	s3 =	rddreg [dreg:$0x2];
	[bflag:$0x3] =	sbarrier.arrive $0xFFFF;
	s2 =	simm.s32 @!p0 $0x1C03  }
0x38: {  	[timem:s3], [sflag:s2] =	dma.local @!p0 [hbm:s0], s1  }
0x39: {  	s0 =	simm.s32 @!p0 $0x3  }
0x3a: {  	_ =	swait.ge @!p0 [sflag:s0], s1  }
0x3b: {  	s1 =	ssub.s32 @!p0 $0x0, s1;
	[sflag:s0] =	ssyncset.done @!p0 $0x0  }
0x3c: {  	[sflag:s0] =	ssyncadd.s32 @!p0 s1  }
0x3d: {  	[bflag:$0x3] =	sbarrier.arrive $0xFFFF  }
0x3e: {  	_ =	shalt  }

// kernel: kernel.13.cloned.1.call-start
scs
__scs_entry_jumppad:
0x0: {  	(pc) =	sbr.rel $0x88, $3  }
0x1: {  	(tag) =	ssettag $0x0;
	lr =	simm.s32 $0x1  }
0x2: {  	[smem:$0x3F99] =	sst lr;
	_ =	strace $0xD0000000  }
0x3: {  	_ = 	snop  }
0x4: {  	_ = 	snop  }
0x5: {  	_ = 	snop  }
0x6: {  	_ = 	snop  }
0x7: {  	_ = 	snop  }
__scs_overlays_trampoline_lowered:
0x8: {  	[smem:$0x3FA8] =	sst s0  }
0x9: {  	[smem:$0x3FA9] =	sst s1  }
0xa: {  	[smem:$0x3FAA] =	sst s2  }
0xb: {  	[smem:$0x3FAB] =	sst s3  }
0xc: {  	[smem:$0x3FAC] =	sst s4  }
0xd: {  	[smem:$0x3FAD] =	sst s5  }
0xe: {  	[smem:$0x3FAE] =	sst s6  }
0xf: {  	[smem:$0x3FAF] =	sst s7  }
0x10: {  	[smem:$0x3FB0] =	sst s8  }
0x11: {  	[smem:$0x3FB1] =	sst s9;
	s0 =	simm.s32 @!p0 $0x0  }
0x12: {  	s1 =	sld [smem:$0x3F97];
	s0 =	simm.s32 @p0 $0x1  }
0x13: {  	[smem:$0x3FB2] =	sst s0;
	s0 =	simm.s32 @!p1 $0x0  }
0x14: {  	s2 =	sld [smem:$0x3F96];
	s0 =	simm.s32 @p1 $0x1  }
0x15: {  	[smem:$0x3FB3] =	sst s0;
	s0 =	simm.s32 @!p2 $0x0  }
0x16: {  	s3 =	sld [smem:$0x3FDB];
	s0 =	simm.s32 @p2 $0x1  }
0x17: {  	s4 =	simm.s32 $0x1BF5;
	[smem:$0x3FB5] =	sst s0  }
0x18: {  	s0 =	sld [smem:$0x3F98];
	_ =	swait.ge [sflag:s4], $0x0  }
0x19: {  	s7 =	sld [smem:$0x3F99]  }
0x1a: {  	s8 =	sadd.s32 $0xFFFFE003, lr  }
0x1b: {  	s9 =	sadd.s32 $0xFFFFFEF7, lr;
	s5 =	simm.s32 $0xFFFFFFFF;
	p2 =	slt.u32 s8, $0xFFFFF086  }
0x1c: {  	p1 =	slt.u32 s9, $0xF7A;
	s5 =	simm.s32 @!p2 $0x0  }
0x1d: {  	s5 =	simm.s32 @p1 $0x1;
	p0 =	seq.s32 s7, s2  }
0x1e: {  	s7 =	smul.u32 @!p0 $0xF7A, s2;
	p2 =	seq.s32 @!p0 s5, $0x0  }
0x1f: {  	s9 =	smul.u32 $0xF7A, s1;
	s8 =	simm.s32 @!p0 $0x1BF5;
	p2 =	por !p2, p0  }
0x20: {  	[sflag:s8] =	ssyncset.s32 @!p0 $0xFFFFF086;
	s6 =	sadd.s32 @!p0 s3, s7;
	s7 =	simm.s32 @!p0 $0x108  }
0x21: {  	s3 =	sadd.s32 s3, s9;
	s6 =	sadd.s32 @!p0 $0x88, s6;
	s7 =	simm.s32 @p2 $0x1082  }
0x22: {  	[simem:s7], [sflag:s8] =	dma.local @!p0 [hbm:s6], $0xF7A  }
0x23: {  	s9 =	sor.u32 $0xD0000000, s2;
	s6 =	simm.s32 $0x108;
	_ =	swait.ge @!p0 [sflag:s8], $0x0  }
0x24: {  	s3 =	sadd.s32 $0x88, s3;
	s6 =	simm.s32 @!p1 $0x1082;
	[sflag:s4] =	ssyncset.s32 $0xFFFFF086  }
0x25: {  	[simem:s6], [sflag:s4] =	dma.local [hbm:s3], $0xF7A  }
0x26: {  	[smem:$0x3F99] =	sst s1;
	(tag) =	ssettag s2;
	_ =	strace s9  }
0x27: {  	s1 =	sld [smem:$0x3FA9]  }
0x28: {  	s2 =	sld [smem:$0x3FAA]  }
0x29: {  	s4 =	sld [smem:$0x3FAC]  }
0x2a: {  	p0 =	seq.s32 s5, $0x0;
	s5 =	sld [smem:$0x3FAD]  }
0x2b: {  	s6 =	sld [smem:$0x3FAE]  }
0x2c: {  	s7 =	sld [smem:$0x3FAF]  }
0x2d: {  	s3 =	simm.s32 $0x108;
	s8 =	sld [smem:$0x3FB0]  }
0x2e: {  	s3 =	simm.s32 @!p0 $0x1082;
	s9 =	sld [smem:$0x3FB1]  }
0x2f: {  	lr =	sadd.s32 s0, s3;
	s0 =	sld [smem:$0x3FA8]  }
0x30: {  	s3 =	sld [smem:$0x3FAB]  }
0x31: {  	[smem:$0x3FB4] =	sst s10  }
0x32: {  	s10 =	sld [smem:$0x3FB2];
	_ =	sdelay $0x3  }
0x33: {  	p0 =	seq.s32 s10, $0x1;
	s10 =	sld [smem:$0x3FB4];
	_ =	sdelay $0x3  }
0x34: {  	[smem:$0x3FB4] =	sst s10  }
0x35: {  	s10 =	sld [smem:$0x3FB3];
	_ =	sdelay $0x3  }
0x36: {  	p1 =	seq.s32 s10, $0x1;
	s10 =	sld [smem:$0x3FB4];
	_ =	sdelay $0x3  }
0x37: {  	[smem:$0x3FB4] =	sst s10  }
0x38: {  	s10 =	sld [smem:$0x3FB5]  }
0x39: {  	_ = 	snop;
	(pc) =	sbr.ind lr, $3  }
0x3a: {  	_ = 	snop  }
0x3b: {  	_ = 	snop  }
0x3c: {  	p2 =	seq.s32 s10, $0x1;
	s10 =	sld [smem:$0x3FB4]  }
0x3d: {  	_ =	shalt  }
0x3e: {  	_ =	shalt  }
0x3f: {  	_ =	shalt  }
0x40: {  	_ =	shalt  }
0x41: {  	_ =	shalt  }
0x42: {  	_ =	shalt  }
0x43: {  	_ =	shalt  }
0x44: {  	_ =	shalt  }
0x45: {  	_ =	shalt  }
0x46: {  	_ =	shalt  }
0x47: {  	_ =	shalt  }
0x48: {  	_ =	shalt  }
0x49: {  	_ =	shalt  }
0x4a: {  	_ =	shalt  }
0x4b: {  	_ =	shalt  }
0x4c: {  	_ =	shalt  }
0x4d: {  	_ =	shalt  }
0x4e: {  	_ =	shalt  }
0x4f: {  	_ =	shalt  }
0x50: {  	_ =	shalt  }
0x51: {  	_ =	shalt  }
0x52: {  	_ =	shalt  }
0x53: {  	_ =	shalt  }
0x54: {  	_ =	shalt  }
0x55: {  	_ =	shalt  }
0x56: {  	_ =	shalt  }
0x57: {  	_ =	shalt  }
0x58: {  	_ =	shalt  }
0x59: {  	_ =	shalt  }
0x5a: {  	_ =	shalt  }
0x5b: {  	_ =	shalt  }
0x5c: {  	_ =	shalt  }
0x5d: {  	_ =	shalt  }
0x5e: {  	_ =	shalt  }
0x5f: {  	_ =	shalt  }
0x60: {  	_ =	shalt  }
0x61: {  	_ =	shalt  }
0x62: {  	_ =	shalt  }
0x63: {  	_ =	shalt  }
0x64: {  	_ =	shalt  }
0x65: {  	_ =	shalt  }
0x66: {  	_ =	shalt  }
0x67: {  	_ =	shalt  }
0x68: {  	_ =	shalt  }
0x69: {  	_ =	shalt  }
0x6a: {  	_ =	shalt  }
0x6b: {  	_ =	shalt  }
0x6c: {  	_ =	shalt  }
0x6d: {  	_ =	shalt  }
0x6e: {  	_ =	shalt  }
0x6f: {  	_ =	shalt  }
0x70: {  	_ =	shalt  }
0x71: {  	_ =	shalt  }
0x72: {  	_ =	shalt  }
0x73: {  	_ =	shalt  }
0x74: {  	_ =	shalt  }
0x75: {  	_ =	shalt  }
0x76: {  	_ =	shalt  }
0x77: {  	_ =	shalt  }
0x78: {  	_ =	shalt  }
0x79: {  	_ =	shalt  }
0x7a: {  	_ =	shalt  }
0x7b: {  	_ =	shalt  }
0x7c: {  	_ =	shalt  }
0x7d: {  	_ =	shalt  }
0x7e: {  	_ =	shalt  }
0x7f: {  	_ =	shalt  }
0x80: {  	_ =	shalt  }
0x81: {  	_ =	shalt  }
0x82: {  	_ =	shalt  }
0x83: {  	_ =	shalt  }
0x84: {  	_ =	shalt  }
0x85: {  	_ =	shalt  }
0x86: {  	_ =	shalt  }
0x87: {  	_ =	shalt  }
.Lfunc_end0:
.L_simem_size_0:
called_computation.1_lowered:
.L_overlay_start_0:
0x88: {  	s2 =	sld [smem:$0x3FD9]  }
0x89: {  	s3 =	sld [smem:$0x3FFE];
	_ =	sdelay $0x1  }
0x8a: {  	s1 =	srdreg.scid  }
0x8b: {  	s0 =	sand.u32 $0x1, s1  }
0x8c: {  	s17 =	sshll.u32 s0, $0xA;
	s2 =	sadd.s32 s3, s2  }
0x8d: {  	s2 =	sadd.s32 s2, s17  }
0x8e: {  	[smem:$0x3FC0] =	sst s2  }
0x8f: {  	_ = 	snop  }
0x90: {  	s2 =	sld [smem:$0x3FD0];
	(tm) =	ssettm $0x1  }
0x91: {  	s18 =	sld [smem:$0x3FFB];
	_ =	sdelay $0x3  }
0x92: {  	_ =	strace s18  }
0x93: {  	s3 =	sld [smem:$0x3FFC];
	_ =	sdelay $0x3  }
0x94: {  	_ =	strace s3  }
0x95: {  	s3 =	sld [smem:$0x3FFD];
	_ =	sdelay $0x3  }
0x96: {  	_ =	strace s3  }
0x97: {  	_ =	strace $0x8FFFFFFF  }
0x98: {  	s19 =	sld [smem:$0x3FDB];
	_ =	sdelay $0x1  }
0x99: {  	s4 =	simm.s32 $_scs_section_size  }
0x9a: {  	s5 =	simm.s32 $_size__tile_overlayer_lowered;
	s6 =	simm.s32 $_tile_overlayer_lowered  }
0x9b: {  	s22 =	simm.s32 $0x1BFF;
	s21 =	sshll.u32 s6, $0x1;
	s3 =	sadd.s32 s4, s19  }
0x9c: {  	s7 =	simm.s32 $0x0;
	s20 =	sshll.u32 s5, $0x1;
	s5 =	sadd.s32 s21, s3  }
0x9d: {  	[timem:s7], [sflag:s22] =	dma.local [hbm:s5], s20  }
0x9e: {  	_ =	swait.ge [sflag:s22], s20  }
0x9f: {  	s4 =	ssub.s32 $0x0, s20;
	[sflag:s22] =	ssyncset.done $0x0  }
0xa0: {  	[sflag:s22] =	ssyncadd.s32 s4;
	_ =	sdelay $0x1  }
0xa1: {  	s23 =	simm.s32 $0x1B8B  }
0xa2: {  	_ =	swait.ge [sflag:s23], $0x1  }
0xa3: {  	[sflag:s23] =	ssyncset.done $0x0  }
0xa4: {  	s25 =	simm.s32 $0x1B8E;
	s24 =	sld [smem:$0x3FFE];
	[sflag:s23] =	ssyncadd.s32 $0xFFFFFFFF  }
0xa5: {  	s26 =	simm.s32 $execute0_lowered;
	[smem:$0x3FD2] =	sst s25  }
0xa6: {  	s5 =	sshll.u32 s26, $0x1;
	_ =	strace $0x80000049;
	[dreg:$0x1] =	wrdreg $0xFFFFFFFF  }
0xa7: {  	s28 =	simm.s32 $_size_execute0_lowered;
	s3 =	sadd.s32 s3, s5;
	[dreg:$0x0] =	wrdreg $0x0  }
0xa8: {  	s5 =	sshll.u32 s28, $0x1;
	[dreg:$0x2] =	wrdreg s3  }
0xa9: {  	[dreg:$0x3] =	wrdreg s5  }
0xaa: {  	[dreg:$0x4] =	wrdreg $0xC0  }
0xab: {  	_ =	task [dreg:s7], $0x5FFFF  }
0xac: {  	[dreg:$0x1] =	wrdreg $0xFFFFFFFF  }
0xad: {  	[dreg:$0x0] =	wrdreg $0x60  }
0xae: {  	[dreg:$0x2] =	wrdreg s2  }
0xaf: {  	[dreg:$0x3] =	wrdreg s24  }
0xb0: {  	[dreg:$0x4] =	wrdreg $0xC6200  }
0xb1: {  	[dreg:$0x5] =	wrdreg $0x9  }
0xb2: {  	_ =	task.clear_ibuf [dreg:s7], $0x6FFFF;
	_ =	strace $0x90000049  }
0xb3: {  	s29 =	simm.s32 $0x9;
	_ =	strace $0x8000004B  }
0xb4: {  	_ =	swait.ge [sflag:s29], $0x1  }
0xb5: {  	[sflag:s29] =	ssyncadd.s32 $0xFFFFFFFF  }
0xb6: {  	_ =	strace $0x9000004B  }
0xb7: {  	_ =	sfence  }
0xb8: {  	s30 =	sld [smem:$0x0];
	_ =	sdelay $0x2  }
0xb9: {  	s31 =	sshll.u32 s1, $0xD;
	s1 =	sshrl.u32 s1, $0x2  }
0xba: {  	s3 =	sand.u32 $0x4000, s31;
	s1 =	sadd.s32 s1, s30  }
0xbb: {  	s0 =	sor.u32 s3, s0;
	s1 =	sshll.u32 s1, $0x11  }
0xbc: {  	s0 =	sor.u32 s1, s0  }
0xbd: {  	s0 =	sadd.s32 $0x8F2B, s0  }
0xbe: {  	[sflag:s0] =	ssyncadd.remote.s32 $0x1  }
0xbf: {  	_ =	sfence.sel $0xFFFF  }
0xc0: {  	[dreg:$0x0] =	wrdreg $0xFFFFFFFF;
	(pc) =	sbr.abs _section_cstart, $3  }
0xc1: {  	[dreg:$0x1] =	wrdreg $0xFFFFFFFF  }
0xc2: {  	_ =	task.clear_ibuf [dreg:s7], $0x2FFFF;
	_ =	strace $0x9FFFFFFF  }
0xc3: {  	(tm) =	ssettm $0x7FFFFFFF  }
tec
execute0_lowered:
.L_overlay_start_1:
0x0: {  	(tag) =	ssettag $0x1  }
0x1: {  	s0 =	rddreg [dreg:$0x0]  }
0x2: {  	s1 =	rddreg [dreg:$0x1]  }
0x3: {  	s2 =	rddreg [dreg:$0x2]  }
0x4: {  	s3 =	simm.s32 $0x0;
	s4 =	srdreg.scid;
	s12 =	stileid.u32  }
0x5: {  	s14 =	simm.s32 $0x1;
	s15 =	simm.s32 $0x2;
	s16 =	simm.s32 $0x7  }
0x6: {  	s17 =	simm.s32 $0x50;
	s28 =	simm.s32 $0xB220;
	s29 =	simm.s32 $0x3  }
0x7: {  	s30 =	simm.s32 $0x9;
	s31 =	simm.s32 $0x5;
	s13 =	simm.s32 $0xC  }
0x8: {  	[smem:$0x7FF] =	sst s3;
	s5 =	sand.u32 $0x1, s4;
	s6 =	smul.u32 $0x13880, s12  }
0x9: {  	s4 =	sadd.s32 $0x2E00, s1;
	s9 =	smul.u32 $0x27100, s12;
	s21 =	sadd.s32 $0x16800, s1  }
0xa: {  	_ =	strace $0x8000004A;
	s7 =	sshll.u32 s5, $0x6;
	s18 =	sshll.u32 s5, $0x4  }
0xb: {  	s8 =	ssub.s32 $0x2, s5;
	[dreg:$0x4] =	wrdreg s21;
	s21 =	simm.s32 $0x7620  }
0xc: {  	s6 =	sor.u32 s7, s6;
	s19 =	sor.u32 s12, s18;
	s20 =	sshrl.u32 s8, $0x1  }
0xd: {  	s22 =	sshrl.u32 s9, $0x2;
	s18 =	simm.s32 $0x4E20;
	s6 =	sshrl.u32 s6, $0x3  }
0xe: {  	s10 =	smul.u32 $0x2710, s19;
	s11 =	ssub.s32 s8, s20;
	s24 =	sadd.s32 s22, s2  }
0xf: {  	s19 =	simm.s32 $0xD;
	s20 =	simm.s32 $0x0;
	s1 =	sadd.s32 s6, s1  }
.Ltmp0:
0x10: {  	s6 =	sshll.u32 s12, $0x6;
	s11 =	smax.u32 s11, $0x1;
	(pc) =	sbr.rel .LBB2_1-.Ltmp0, $4  }
0x11: {  	s12 =	sshrl.u32 s24, $0x3;
	s23 =	sshrl.u32 s10, $0x3;
	s25 =	sor.u32 $0x1C01, s6  }
0x12: {  	s26 =	sadd.s32 $0x17C00, s1;
	[dreg:$0x5] =	wrdreg s25;
	s8 =	sadd.s32 s0, s23  }
0x13: {  	s1 =	simm.s32 $0x6;
	[dreg:$0x7] =	wrdreg s26;
	s0 =	sadd.s32 $0x9C40, s8  }
0x14: {  	s25 =	simm.s32 $0x9E20;
	[dreg:$0x6] =	wrdreg s0;
	s0 =	simm.s32 $0xB  }
.LBB2_4:
0x15: {  	_ =	swait.ge [sflag:s1], $0x1400  }
0x16: {  	[sflag:s1] =	ssyncset.done $0x0  }
0x17: {  	[sflag:s1] =	ssyncadd.s32 $0xFFFFEC00  }
0x18: {  	[spmem:s2] =	stream.indirect.scatter.add.f32 [tilespmem:s28], [sflag:$0xC], $0x40, s24, s17, $0xb8;
	[tilespmem:$0x16260] =	vst v63  }
0x19: {  	_ =	swait.ge [sflag:s13], $0x1400  }
0x1a: {  	[sflag:s13] =	ssyncset.done $0x0  }
0x1b: {  	s5 =	simm.s32 $0x2580;
	[sflag:s13] =	ssyncadd.s32 $0xFFFFEC00  }
0x1c: {  	[tilespmem:s18], [sflag:$0x1] =	stream.indirect.gather [hbm4b:s4+s17], $0x40, s5, s17, $0xb8;
	[tilespmem:$0x16260] =	vst v63  }
0x1d: {  	_ =	swait.ge [sflag:s14], $0x1400  }
0x1e: {  	[sflag:s14] =	ssyncset.done $0x0  }
0x1f: {  	s23 =	simm.s32 $0x4C90;
	[sflag:s14] =	ssyncadd.s32 $0xFFFFEC00  }
0x20: {  	[spmem:s2] =	stream.indirect.scatter.add.f32 [tilespmem:s18], [sflag:$0x7], $0x40, s23, s17, $0xb8;
	[tilespmem:$0x16260] =	vst v63  }
0x21: {  	_ =	swait.ge [sflag:s16], $0x1400  }
0x22: {  	[sflag:s16] =	ssyncset.done $0x0  }
0x23: {  	s24 =	simm.s32 $0x25D0;
	[sflag:s16] =	ssyncadd.s32 $0xFFFFEC00  }
0x24: {  	[tilespmem:s18], [sflag:$0x1] =	stream.indirect.gather [hbm4b:s4+s17], $0x40, s24, s17, $0xb8;
	[tilespmem:$0x16260] =	vst v63  }
0x25: {  	_ =	swait.ge [sflag:s14], $0x1400  }
0x26: {  	[sflag:s14] =	ssyncset.done $0x0  }
0x27: {  	s26 =	simm.s32 $0x4CE0;
	[sflag:s14] =	ssyncadd.s32 $0xFFFFEC00  }
0x28: {  	[spmem:s2] =	stream.indirect.scatter.add.f32 [tilespmem:s18], [sflag:$0x7], $0x40, s26, s17, $0xb8;
	[tilespmem:$0x16260] =	vst v63  }
0x29: {  	_ =	swait.ge [sflag:s16], $0x1400  }
0x2a: {  	[sflag:s16] =	ssyncset.done $0x0  }
0x2b: {  	s7 =	simm.s32 $0x2620;
	[sflag:s16] =	ssyncadd.s32 $0xFFFFEC00  }
0x2c: {  	[tilespmem:s18], [sflag:$0x1] =	stream.indirect.gather [hbm4b:s4+s17], $0x40, s7, s17, $0xb8;
	[tilespmem:$0x16260] =	vst v63  }
0x2d: {  	_ =	swait.ge [sflag:s14], $0x1400  }
0x2e: {  	[sflag:s14] =	ssyncset.done $0x0  }
0x2f: {  	s9 =	simm.s32 $0x4D30;
	[sflag:s14] =	ssyncadd.s32 $0xFFFFEC00  }
0x30: {  	[spmem:s2] =	stream.indirect.scatter.add.f32 [tilespmem:s18], [sflag:$0x7], $0x40, s9, s17, $0xb8;
	[tilespmem:$0x16260] =	vst v63  }
0x31: {  	_ =	swait.ge [sflag:s16], $0x1400  }
0x32: {  	[sflag:s16] =	ssyncset.done $0x0  }
0x33: {  	s10 =	simm.s32 $0x2670;
	[sflag:s16] =	ssyncadd.s32 $0xFFFFEC00  }
0x34: {  	[tilespmem:s18], [sflag:$0x1] =	stream.indirect.gather [hbm4b:s4+s17], $0x40, s10, s17, $0xb8;
	[tilespmem:$0x16260] =	vst v63  }
0x35: {  	_ =	swait.ge [sflag:s14], $0x1400  }
0x36: {  	[sflag:s14] =	ssyncset.done $0x0  }
0x37: {  	s22 =	simm.s32 $0x4D80;
	[sflag:s14] =	ssyncadd.s32 $0xFFFFEC00  }
0x38: {  	[spmem:s2] =	stream.indirect.scatter.add.f32 [tilespmem:s18], [sflag:$0x7], $0x40, s22, s17, $0xb8;
	[tilespmem:$0x16260] =	vst v63  }
0x39: {  	_ =	swait.ge [sflag:s16], $0x1400  }
0x3a: {  	[sflag:s16] =	ssyncset.done $0x0  }
0x3b: {  	s23 =	simm.s32 $0x26C0;
	[sflag:s16] =	ssyncadd.s32 $0xFFFFEC00  }
0x3c: {  	[tilespmem:s18], [sflag:$0x1] =	stream.indirect.gather [hbm4b:s4+s17], $0x40, s23, s17, $0xb8;
	[tilespmem:$0x16260] =	vst v63  }
0x3d: {  	_ =	swait.ge [sflag:s14], $0x1400  }
0x3e: {  	[sflag:s14] =	ssyncset.done $0x0  }
0x3f: {  	s24 =	simm.s32 $0x4DD0;
	[sflag:s14] =	ssyncadd.s32 $0xFFFFEC00  }
0x40: {  	[spmem:s2] =	stream.indirect.scatter.add.f32 [tilespmem:s18], [sflag:$0x7], $0x40, s24, s17, $0xb8;
	[tilespmem:$0x16260] =	vst v63  }
0x41: {  	_ =	swait.ge [sflag:s16], $0x1400  }
0x42: {  	s20 =	sadd.s32 $0x1, s20;
	[sflag:s16] =	ssyncset.done $0x0  }
0x43: {  	p0 =	sne.s32 s20, s11;
	[sflag:s16] =	ssyncadd.s32 $0xFFFFEC00  }
0x44: {  	s26 =	sor.u32 $0x1C0D, s6;
	s9 =	simm.s32 $0x10;
	[bflag:$0x0] =	sbarrier.arrive $0xFFFF  }
.Ltmp1:
0x45: {  	s10 =	simm.s32 $0x8;
	s7 =	rddreg [dreg:$0x7];
	(pc) =	sbr.rel @!p0 .LBB2_5-.Ltmp1, $4  }
0x46: {  	[hbm:s7@s9], [sflag:s26] =	dma.strided [spmem:s12@s10], $0x1388, s14, $0x8   }
0x47: {  	_ =	swait.ge [sflag:s19], $0x1388  }
0x48: {  	[sflag:s19] =	ssyncset.done $0x0  }
0x49: {  	[sflag:s19] =	ssyncadd.s32 $0xFFFFEC78  }
.LBB2_1:
0x4a: {  	s5 =	rddreg [dreg:$0x4]  }
0x4b: {  	s7 =	rddreg [dreg:$0x5]  }
0x4c: {  	[spmem:s12], [sflag:s7] =	dma.local [hbm:s5], $0x1388  }
0x4d: {  	[tilespmem:s3], [sflag:$0x2] =	stream.linear.gather [hbm4b:s8+s3], $0x2710, $0x38;
	[tilespmem:$0x16260] =	vst v63  }
0x4e: {  	s26 =	simm.s32 $0x2710;
	s5 =	rddreg [dreg:$0x6]  }
0x4f: {  	[tilespmem:s26], [sflag:$0x7] =	stream.linear.gather [hbm4b:s5+s3], $0x2710, $0x38;
	[tilespmem:$0x16260] =	vst v63  }
0x50: {  	_ =	swait.ge [sflag:s14], $0x1388  }
0x51: {  	[sflag:s14] =	ssyncset.done $0x0  }
0x52: {  	[sflag:s14] =	ssyncadd.s32 $0xFFFFEC78  }
0x53: {  	_ =	swait.ge [sflag:s15], $0x2710  }
0x54: {  	[sflag:s15] =	ssyncset.done $0x0  }
0x55: {  	[sflag:s15] =	ssyncadd.s32 $0xFFFFD8F0  }
0x56: {  	_ =	swait.ge [sflag:s16], $0x2710  }
0x57: {  	[sflag:s16] =	ssyncset.done $0x0  }
0x58: {  	[sflag:s16] =	ssyncadd.s32 $0xFFFFD8F0  }
0x59: {  	[bflag:$0x0] =	sbarrier.arrive $0xFFFF  }
0x5a: {  	[tilespmem:s18], [sflag:$0x1] =	stream.indirect.gather [hbm4b:s4+s17], $0x40, s3, s17, $0xb8;
	[tilespmem:$0x16260] =	vst v63  }
0x5b: {  	s9 =	simm.s32 $0x6220  }
0x5c: {  	[tilespmem:s9], [sflag:$0x2] =	stream.indirect.gather [hbm4b:s4+s17], $0x40, s17, s17, $0xb8;
	[tilespmem:$0x16260] =	vst v63  }
0x5d: {  	s10 =	simm.s32 $0xA0  }
0x5e: {  	[tilespmem:s21], [sflag:$0x3] =	stream.indirect.gather [hbm4b:s4+s17], $0x40, s10, s17, $0xb8;
	[tilespmem:$0x16260] =	vst v63  }
0x5f: {  	s22 =	simm.s32 $0xF0;
	s23 =	simm.s32 $0x8A20  }
0x60: {  	[tilespmem:s23], [sflag:$0x4] =	stream.indirect.gather [hbm4b:s4+s17], $0x40, s22, s17, $0xb8;
	[tilespmem:$0x16260] =	vst v63  }
0x61: {  	s24 =	simm.s32 $0x140  }
0x62: {  	[tilespmem:s25], [sflag:$0x5] =	stream.indirect.gather [hbm4b:s4+s17], $0x40, s24, s17, $0xb8;
	[tilespmem:$0x16260] =	vst v63  }
0x63: {  	s26 =	simm.s32 $0x190;
	s22 =	simm.s32 $0x0  }
0x64: {  	[tilespmem:s28], [sflag:$0x6] =	stream.indirect.gather [hbm4b:s4+s17], $0x40, s26, s17, $0xb8;
	[tilespmem:$0x16260] =	vst v63  }
.LBB2_2:
0x65: {  	_ =	swait.ge [sflag:s14], $0x1400  }
0x66: {  	s23 =	sshra.s32 s22, $0x2;
	[sflag:s14] =	ssyncset.done $0x0  }
0x67: {  	s24 =	sadd.s32 $0x2710, s23;
	[sflag:s14] =	ssyncadd.s32 $0xFFFFEC00  }
0x68: {  	[spmem:s2] =	stream.indirect.scatter.add.f32 [tilespmem:s18], [sflag:$0x7], $0x40, s24, s17, $0xb8;
	[tilespmem:$0x16260] =	vst v63  }
0x69: {  	_ =	swait.ge [sflag:s16], $0x1400  }
0x6a: {  	p0 =	seq.s32 s22, $0x8E80;
	[sflag:s16] =	ssyncset.done $0x0  }
0x6b: {  	s24 =	simm.s32 @p0 $0x2;
	[sflag:s16] =	ssyncadd.s32 $0xFFFFEC00  }
0x6c: {  	_ =	swait.ge @p0 [sflag:s24], $0x1400  }
0x6d: {  	[sflag:s24] =	ssyncset.done @p0 $0x0  }
0x6e: {  	[sflag:s24] =	ssyncadd.s32 @p0 $0xFFFFEC00;
	s24 =	sshra.s32 @p0 s22, $0x2  }
0x6f: {  	s5 =	simm.s32 @p0 $0x50;
	s7 =	simm.s32 @p0 $0x6220;
	s26 =	sadd.s32 @p0 $0x2760, s24  }
0x70: {  	[spmem:s2] =	stream.indirect.scatter.add.f32 @p0 [tilespmem:s7], [sflag:$0x8], $0x40, s26, s5, $0xb8;
	[tilespmem:$0x16260] =	vst v63  }
0x71: {  	s7 =	simm.s32 @p0 $0x8  }
0x72: {  	_ =	swait.ge @p0 [sflag:s7], $0x1400  }
0x73: {  	[sflag:s7] =	ssyncset.done @p0 $0x0  }
0x74: {  	[sflag:s7] =	ssyncadd.s32 @p0 $0xFFFFEC00;
	s7 =	sshra.s32 @!p0 s22, $0x2  }
0x75: {  	s9 =	simm.s32 @!p0 $0x50;
	s10 =	simm.s32 @!p0 $0x4E20;
	s26 =	sadd.s32 @!p0 $0x1E0, s7  }
0x76: {  	[tilespmem:s10], [sflag:$0x1] =	stream.indirect.gather @!p0 [hbm4b:s4+s9], $0x40, s26, s9, $0xb8;
	[tilespmem:$0x16260] =	vst v63  }
0x77: {  	s10 =	simm.s32 @!p0 $0x2  }
0x78: {  	_ =	swait.ge @!p0 [sflag:s10], $0x1400  }
0x79: {  	[sflag:s10] =	ssyncset.done @!p0 $0x0  }
0x7a: {  	s26 =	simm.s32 @!p0 $0x6220;
	[sflag:s10] =	ssyncadd.s32 @!p0 $0xFFFFEC00;
	s10 =	sadd.s32 @!p0 $0x2760, s7  }
0x7b: {  	[spmem:s2] =	stream.indirect.scatter.add.f32 @!p0 [tilespmem:s26], [sflag:$0x8], $0x40, s10, s9, $0xb8;
	[tilespmem:$0x16260] =	vst v63  }
0x7c: {  	s10 =	simm.s32 @!p0 $0x8  }
0x7d: {  	_ =	swait.ge @!p0 [sflag:s10], $0x1400  }
0x7e: {  	[sflag:s10] =	ssyncset.done @!p0 $0x0  }
0x7f: {  	[sflag:s10] =	ssyncadd.s32 @!p0 $0xFFFFEC00;
	s10 =	sadd.s32 @!p0 $0x230, s7  }
0x80: {  	[tilespmem:s26], [sflag:$0x2] =	stream.indirect.gather @!p0 [hbm4b:s4+s9], $0x40, s10, s9, $0xb8;
	[tilespmem:$0x16260] =	vst v63  }
0x81: {  	_ =	swait.ge [sflag:s29], $0x1400  }
0x82: {  	[sflag:s29] =	ssyncset.done $0x0  }
0x83: {  	s26 =	sadd.s32 $0x27B0, s23;
	[sflag:s29] =	ssyncadd.s32 $0xFFFFEC00  }
0x84: {  	[spmem:s2] =	stream.indirect.scatter.add.f32 [tilespmem:s21], [sflag:$0x9], $0x40, s26, s17, $0xb8;
	[tilespmem:$0x16260] =	vst v63  }
0x85: {  	_ =	swait.ge [sflag:s30], $0x1400  }
0x86: {  	[sflag:s30] =	ssyncset.done $0x0  }
0x87: {  	s10 =	simm.s32 @p0 $0x4;
	[sflag:s30] =	ssyncadd.s32 $0xFFFFEC00  }
0x88: {  	_ =	swait.ge @p0 [sflag:s10], $0x1400  }
0x89: {  	[sflag:s10] =	ssyncset.done @p0 $0x0  }
0x8a: {  	[sflag:s10] =	ssyncadd.s32 @p0 $0xFFFFEC00;
	s10 =	sadd.s32 @p0 $0x2800, s24;
	s24 =	simm.s32 @p0 $0x8A20  }
0x8b: {  	[spmem:s2] =	stream.indirect.scatter.add.f32 @p0 [tilespmem:s24], [sflag:$0xA], $0x40, s10, s5, $0xb8;
	[tilespmem:$0x16260] =	vst v63  }
0x8c: {  	s5 =	simm.s32 @p0 $0xA  }
0x8d: {  	_ =	swait.ge @p0 [sflag:s5], $0x1400  }
0x8e: {  	[sflag:s5] =	ssyncset.done @p0 $0x0  }
0x8f: {  	s10 =	simm.s32 @!p0 $0x7620;
	[sflag:s5] =	ssyncadd.s32 @p0 $0xFFFFEC00;
	s5 =	sadd.s32 @!p0 $0x280, s7  }
0x90: {  	[tilespmem:s10], [sflag:$0x3] =	stream.indirect.gather @!p0 [hbm4b:s4+s9], $0x40, s5, s9, $0xb8;
	[tilespmem:$0x16260] =	vst v63  }
0x91: {  	s5 =	simm.s32 @!p0 $0x4  }
0x92: {  	_ =	swait.ge @!p0 [sflag:s5], $0x1400  }
0x93: {  	[sflag:s5] =	ssyncset.done @!p0 $0x0  }
0x94: {  	s10 =	simm.s32 @!p0 $0x8A20;
	[sflag:s5] =	ssyncadd.s32 @!p0 $0xFFFFEC00;
	s5 =	sadd.s32 @!p0 $0x2800, s7  }
0x95: {  	[spmem:s2] =	stream.indirect.scatter.add.f32 @!p0 [tilespmem:s10], [sflag:$0xA], $0x40, s5, s9, $0xb8;
	[tilespmem:$0x16260] =	vst v63  }
0x96: {  	s5 =	simm.s32 @!p0 $0xA  }
0x97: {  	_ =	swait.ge @!p0 [sflag:s5], $0x1400  }
0x98: {  	[sflag:s5] =	ssyncset.done @!p0 $0x0  }
0x99: {  	[sflag:s5] =	ssyncadd.s32 @!p0 $0xFFFFEC00;
	s5 =	sadd.s32 @!p0 $0x2D0, s7  }
0x9a: {  	[tilespmem:s10], [sflag:$0x4] =	stream.indirect.gather @!p0 [hbm4b:s4+s9], $0x40, s5, s9, $0xb8;
	[tilespmem:$0x16260] =	vst v63  }
0x9b: {  	_ =	swait.ge [sflag:s31], $0x1400  }
0x9c: {  	[sflag:s31] =	ssyncset.done $0x0  }
.Ltmp2:
0x9d: {  	s26 =	sadd.s32 $0x2850, s23;
	[sflag:s31] =	ssyncadd.s32 $0xFFFFEC00;
	(pc) =	sbr.rel @p0 .LBB2_4-.Ltmp2, $4  }
0x9e: {  	[spmem:s2] =	stream.indirect.scatter.add.f32 [tilespmem:s25], [sflag:$0xB], $0x40, s26, s17, $0xb8;
	[tilespmem:$0x16260] =	vst v63  }
0x9f: {  	_ =	swait.ge [sflag:s0], $0x1400  }
0xa0: {  	[sflag:s0] =	ssyncset.done $0x0  }
0xa1: {  	s24 =	sadd.s32 $0x28A0, s23;
	[sflag:s0] =	ssyncadd.s32 $0xFFFFEC00  }
0xa2: {  	s5 =	sadd.s32 $0x320, s23  }
0xa3: {  	[tilespmem:s25], [sflag:$0x5] =	stream.indirect.gather [hbm4b:s4+s17], $0x40, s5, s17, $0xb8;
	[tilespmem:$0x16260] =	vst v63  }
0xa4: {  	_ =	swait.ge [sflag:s1], $0x1400  }
0xa5: {  	[sflag:s1] =	ssyncset.done $0x0  }
0xa6: {  	[sflag:s1] =	ssyncadd.s32 $0xFFFFEC00  }
0xa7: {  	[spmem:s2] =	stream.indirect.scatter.add.f32 [tilespmem:s28], [sflag:$0xC], $0x40, s24, s17, $0xb8;
	[tilespmem:$0x16260] =	vst v63  }
.Ltmp3:
0xa8: {  	_ = 	snop;
	(pc) =	sbr.rel .LBB2_2-.Ltmp3, $4  }
0xa9: {  	_ =	swait.ge [sflag:s13], $0x1400  }
0xaa: {  	[sflag:s13] =	ssyncset.done $0x0  }
0xab: {  	s26 =	sadd.s32 $0x370, s23;
	s22 =	sadd.s32 $0x780, s22;
	[sflag:s13] =	ssyncadd.s32 $0xFFFFEC00  }
0xac: {  	[tilespmem:s28], [sflag:$0x6] =	stream.indirect.gather [hbm4b:s4+s17], $0x40, s26, s17, $0xb8;
	[tilespmem:$0x16260] =	vst v63  }
.LBB2_5:
0xad: {  	_ =	sfence.sel $0x180000  }
0xae: {  	[bflag:$0x0] =	sbarrier.arrive $0xFFFF  }
0xaf: {  	_ =	strace $0x9000004A  }
0xb0: {  	s0 =	stileid.u32;
	[bflag:$0x2] =	sbarrier.arrive $0xFFFF  }
0xb1: {  	p0 =	sne.s32 s0, $0x0;
	s0 =	rddreg [dreg:$0x3]  }
0xb2: {  	s0 =	sadd.s32 @!p0 $0x100000, s0  }
0xb3: {  	[sflag:s0] =	ssyncadd.tile.s32 @!p0 $0x1;
	_ =	shalt  }
.Lfunc_end2:
_tile_overlayer_lowered:
.L_overlay_start_2:
0xb4: {  	(tag) =	ssettag $0x2  }
0xb5: {  	s0 =	rddreg [dreg:$0x0];
	s2 =	stileid.u32  }
0xb6: {  	s1 =	rddreg [dreg:$0x1];
	p0 =	sne.s32 s2, $0x0  }
0xb7: {  	s3 =	rddreg [dreg:$0x2];
	[bflag:$0x3] =	sbarrier.arrive $0xFFFF;
	s2 =	simm.s32 @!p0 $0x1C0D  }
0xb8: {  	[timem:s3], [sflag:s2] =	dma.local @!p0 [hbm:s0], s1  }
0xb9: {  	s0 =	simm.s32 @!p0 $0xD  }
0xba: {  	_ =	swait.ge @!p0 [sflag:s0], s1  }
0xbb: {  	s1 =	ssub.s32 @!p0 $0x0, s1;
	[sflag:s0] =	ssyncset.done @!p0 $0x0  }
0xbc: {  	[sflag:s0] =	ssyncadd.s32 @!p0 s1  }
0xbd: {  	[bflag:$0x3] =	sbarrier.arrive $0xFFFF  }
0xbe: {  	_ =	shalt  }

// kernel: kernel.16.cloned.1.call-start
scs
__scs_entry_jumppad:
0x0: {  	(pc) =	sbr.rel $0x88, $3  }
0x1: {  	(tag) =	ssettag $0x0;
	lr =	simm.s32 $0x1  }
0x2: {  	[smem:$0x3F99] =	sst lr;
	_ =	strace $0xD0000000  }
0x3: {  	_ = 	snop  }
0x4: {  	_ = 	snop  }
0x5: {  	_ = 	snop  }
0x6: {  	_ = 	snop  }
0x7: {  	_ = 	snop  }
__scs_overlays_trampoline_lowered:
0x8: {  	[smem:$0x3FA8] =	sst s0  }
0x9: {  	[smem:$0x3FA9] =	sst s1  }
0xa: {  	[smem:$0x3FAA] =	sst s2  }
0xb: {  	[smem:$0x3FAB] =	sst s3  }
0xc: {  	[smem:$0x3FAC] =	sst s4  }
0xd: {  	[smem:$0x3FAD] =	sst s5  }
0xe: {  	[smem:$0x3FAE] =	sst s6  }
0xf: {  	[smem:$0x3FAF] =	sst s7  }
0x10: {  	[smem:$0x3FB0] =	sst s8  }
0x11: {  	[smem:$0x3FB1] =	sst s9;
	s0 =	simm.s32 @!p0 $0x0  }
0x12: {  	s1 =	sld [smem:$0x3F97];
	s0 =	simm.s32 @p0 $0x1  }
0x13: {  	[smem:$0x3FB2] =	sst s0;
	s0 =	simm.s32 @!p1 $0x0  }
0x14: {  	s2 =	sld [smem:$0x3F96];
	s0 =	simm.s32 @p1 $0x1  }
0x15: {  	[smem:$0x3FB3] =	sst s0;
	s0 =	simm.s32 @!p2 $0x0  }
0x16: {  	s3 =	sld [smem:$0x3FDB];
	s0 =	simm.s32 @p2 $0x1  }
0x17: {  	s4 =	simm.s32 $0x1BF5;
	[smem:$0x3FB5] =	sst s0  }
0x18: {  	s0 =	sld [smem:$0x3F98];
	_ =	swait.ge [sflag:s4], $0x0  }
0x19: {  	s7 =	sld [smem:$0x3F99]  }
0x1a: {  	s8 =	sadd.s32 $0xFFFFE003, lr  }
0x1b: {  	s9 =	sadd.s32 $0xFFFFFEF7, lr;
	s5 =	simm.s32 $0xFFFFFFFF;
	p2 =	slt.u32 s8, $0xFFFFF086  }
0x1c: {  	p1 =	slt.u32 s9, $0xF7A;
	s5 =	simm.s32 @!p2 $0x0  }
0x1d: {  	s5 =	simm.s32 @p1 $0x1;
	p0 =	seq.s32 s7, s2  }
0x1e: {  	s7 =	smul.u32 @!p0 $0xF7A, s2;
	p2 =	seq.s32 @!p0 s5, $0x0  }
0x1f: {  	s9 =	smul.u32 $0xF7A, s1;
	s8 =	simm.s32 @!p0 $0x1BF5;
	p2 =	por !p2, p0  }
0x20: {  	[sflag:s8] =	ssyncset.s32 @!p0 $0xFFFFF086;
	s6 =	sadd.s32 @!p0 s3, s7;
	s7 =	simm.s32 @!p0 $0x108  }
0x21: {  	s3 =	sadd.s32 s3, s9;
	s6 =	sadd.s32 @!p0 $0x88, s6;
	s7 =	simm.s32 @p2 $0x1082  }
0x22: {  	[simem:s7], [sflag:s8] =	dma.local @!p0 [hbm:s6], $0xF7A  }
0x23: {  	s9 =	sor.u32 $0xD0000000, s2;
	s6 =	simm.s32 $0x108;
	_ =	swait.ge @!p0 [sflag:s8], $0x0  }
0x24: {  	s3 =	sadd.s32 $0x88, s3;
	s6 =	simm.s32 @!p1 $0x1082;
	[sflag:s4] =	ssyncset.s32 $0xFFFFF086  }
0x25: {  	[simem:s6], [sflag:s4] =	dma.local [hbm:s3], $0xF7A  }
0x26: {  	[smem:$0x3F99] =	sst s1;
	(tag) =	ssettag s2;
	_ =	strace s9  }
0x27: {  	s1 =	sld [smem:$0x3FA9]  }
0x28: {  	s2 =	sld [smem:$0x3FAA]  }
0x29: {  	s4 =	sld [smem:$0x3FAC]  }
0x2a: {  	p0 =	seq.s32 s5, $0x0;
	s5 =	sld [smem:$0x3FAD]  }
0x2b: {  	s6 =	sld [smem:$0x3FAE]  }
0x2c: {  	s7 =	sld [smem:$0x3FAF]  }
0x2d: {  	s3 =	simm.s32 $0x108;
	s8 =	sld [smem:$0x3FB0]  }
0x2e: {  	s3 =	simm.s32 @!p0 $0x1082;
	s9 =	sld [smem:$0x3FB1]  }
0x2f: {  	lr =	sadd.s32 s0, s3;
	s0 =	sld [smem:$0x3FA8]  }
0x30: {  	s3 =	sld [smem:$0x3FAB]  }
0x31: {  	[smem:$0x3FB4] =	sst s10  }
0x32: {  	s10 =	sld [smem:$0x3FB2];
	_ =	sdelay $0x3  }
0x33: {  	p0 =	seq.s32 s10, $0x1;
	s10 =	sld [smem:$0x3FB4];
	_ =	sdelay $0x3  }
0x34: {  	[smem:$0x3FB4] =	sst s10  }
0x35: {  	s10 =	sld [smem:$0x3FB3];
	_ =	sdelay $0x3  }
0x36: {  	p1 =	seq.s32 s10, $0x1;
	s10 =	sld [smem:$0x3FB4];
	_ =	sdelay $0x3  }
0x37: {  	[smem:$0x3FB4] =	sst s10  }
0x38: {  	s10 =	sld [smem:$0x3FB5]  }
0x39: {  	_ = 	snop;
	(pc) =	sbr.ind lr, $3  }
0x3a: {  	_ = 	snop  }
0x3b: {  	_ = 	snop  }
0x3c: {  	p2 =	seq.s32 s10, $0x1;
	s10 =	sld [smem:$0x3FB4]  }
0x3d: {  	_ =	shalt  }
0x3e: {  	_ =	shalt  }
0x3f: {  	_ =	shalt  }
0x40: {  	_ =	shalt  }
0x41: {  	_ =	shalt  }
0x42: {  	_ =	shalt  }
0x43: {  	_ =	shalt  }
0x44: {  	_ =	shalt  }
0x45: {  	_ =	shalt  }
0x46: {  	_ =	shalt  }
0x47: {  	_ =	shalt  }
0x48: {  	_ =	shalt  }
0x49: {  	_ =	shalt  }
0x4a: {  	_ =	shalt  }
0x4b: {  	_ =	shalt  }
0x4c: {  	_ =	shalt  }
0x4d: {  	_ =	shalt  }
0x4e: {  	_ =	shalt  }
0x4f: {  	_ =	shalt  }
0x50: {  	_ =	shalt  }
0x51: {  	_ =	shalt  }
0x52: {  	_ =	shalt  }
0x53: {  	_ =	shalt  }
0x54: {  	_ =	shalt  }
0x55: {  	_ =	shalt  }
0x56: {  	_ =	shalt  }
0x57: {  	_ =	shalt  }
0x58: {  	_ =	shalt  }
0x59: {  	_ =	shalt  }
0x5a: {  	_ =	shalt  }
0x5b: {  	_ =	shalt  }
0x5c: {  	_ =	shalt  }
0x5d: {  	_ =	shalt  }
0x5e: {  	_ =	shalt  }
0x5f: {  	_ =	shalt  }
0x60: {  	_ =	shalt  }
0x61: {  	_ =	shalt  }
0x62: {  	_ =	shalt  }
0x63: {  	_ =	shalt  }
0x64: {  	_ =	shalt  }
0x65: {  	_ =	shalt  }
0x66: {  	_ =	shalt  }
0x67: {  	_ =	shalt  }
0x68: {  	_ =	shalt  }
0x69: {  	_ =	shalt  }
0x6a: {  	_ =	shalt  }
0x6b: {  	_ =	shalt  }
0x6c: {  	_ =	shalt  }
0x6d: {  	_ =	shalt  }
0x6e: {  	_ =	shalt  }
0x6f: {  	_ =	shalt  }
0x70: {  	_ =	shalt  }
0x71: {  	_ =	shalt  }
0x72: {  	_ =	shalt  }
0x73: {  	_ =	shalt  }
0x74: {  	_ =	shalt  }
0x75: {  	_ =	shalt  }
0x76: {  	_ =	shalt  }
0x77: {  	_ =	shalt  }
0x78: {  	_ =	shalt  }
0x79: {  	_ =	shalt  }
0x7a: {  	_ =	shalt  }
0x7b: {  	_ =	shalt  }
0x7c: {  	_ =	shalt  }
0x7d: {  	_ =	shalt  }
0x7e: {  	_ =	shalt  }
0x7f: {  	_ =	shalt  }
0x80: {  	_ =	shalt  }
0x81: {  	_ =	shalt  }
0x82: {  	_ =	shalt  }
0x83: {  	_ =	shalt  }
0x84: {  	_ =	shalt  }
0x85: {  	_ =	shalt  }
0x86: {  	_ =	shalt  }
0x87: {  	_ =	shalt  }
.Lfunc_end0:
.L_simem_size_0:
called_computation.2_lowered:
.L_overlay_start_0:
0x88: {  	s2 =	sld [smem:$0x3FD9]  }
0x89: {  	s3 =	sld [smem:$0x3FFE];
	_ =	sdelay $0x1  }
0x8a: {  	s1 =	srdreg.scid  }
0x8b: {  	s0 =	sand.u32 $0x1, s1  }
0x8c: {  	s17 =	sshll.u32 s0, $0xA;
	s2 =	sadd.s32 s3, s2  }
0x8d: {  	s2 =	sadd.s32 s2, s17  }
0x8e: {  	[smem:$0x3FC0] =	sst s2  }
0x8f: {  	_ = 	snop  }
0x90: {  	s2 =	sld [smem:$0x3FD0];
	(tm) =	ssettm $0x1  }
0x91: {  	s18 =	sld [smem:$0x3FFB];
	_ =	sdelay $0x3  }
0x92: {  	_ =	strace s18  }
0x93: {  	s3 =	sld [smem:$0x3FFC];
	_ =	sdelay $0x3  }
0x94: {  	_ =	strace s3  }
0x95: {  	s3 =	sld [smem:$0x3FFD];
	_ =	sdelay $0x3  }
0x96: {  	_ =	strace s3  }
0x97: {  	_ =	strace $0x8FFFFFFF  }
0x98: {  	s19 =	sld [smem:$0x3FDB];
	_ =	sdelay $0x1  }
0x99: {  	s4 =	simm.s32 $_scs_section_size  }
0x9a: {  	s5 =	simm.s32 $_size__tile_overlayer_lowered;
	s6 =	simm.s32 $_tile_overlayer_lowered  }
0x9b: {  	s22 =	simm.s32 $0x1BFF;
	s21 =	sshll.u32 s6, $0x1;
	s3 =	sadd.s32 s4, s19  }
0x9c: {  	s7 =	simm.s32 $0x0;
	s20 =	sshll.u32 s5, $0x1;
	s5 =	sadd.s32 s21, s3  }
0x9d: {  	[timem:s7], [sflag:s22] =	dma.local [hbm:s5], s20  }
0x9e: {  	_ =	swait.ge [sflag:s22], s20  }
0x9f: {  	s4 =	ssub.s32 $0x0, s20;
	[sflag:s22] =	ssyncset.done $0x0  }
0xa0: {  	[sflag:s22] =	ssyncadd.s32 s4;
	_ =	sdelay $0x1  }
0xa1: {  	s23 =	simm.s32 $0x1B8B  }
0xa2: {  	_ =	swait.ge [sflag:s23], $0x1  }
0xa3: {  	[sflag:s23] =	ssyncset.done $0x0  }
0xa4: {  	s25 =	simm.s32 $0x1B8E;
	s24 =	sld [smem:$0x3FFE];
	[sflag:s23] =	ssyncadd.s32 $0xFFFFFFFF  }
0xa5: {  	s26 =	simm.s32 $execute0_lowered;
	[smem:$0x3FD2] =	sst s25  }
0xa6: {  	s5 =	sshll.u32 s26, $0x1;
	_ =	strace $0x8000004C;
	[dreg:$0x1] =	wrdreg $0xFFFFFFFF  }
0xa7: {  	s28 =	simm.s32 $_size_execute0_lowered;
	s3 =	sadd.s32 s3, s5;
	[dreg:$0x0] =	wrdreg $0x0  }
0xa8: {  	s5 =	sshll.u32 s28, $0x1;
	[dreg:$0x2] =	wrdreg s3  }
0xa9: {  	[dreg:$0x3] =	wrdreg s5  }
0xaa: {  	[dreg:$0x4] =	wrdreg $0xC0  }
0xab: {  	_ =	task [dreg:s7], $0x5FFFF  }
0xac: {  	[dreg:$0x1] =	wrdreg $0xFFFFFFFF  }
0xad: {  	[dreg:$0x0] =	wrdreg $0x60  }
0xae: {  	[dreg:$0x2] =	wrdreg s2  }
0xaf: {  	[dreg:$0x3] =	wrdreg s24  }
0xb0: {  	[dreg:$0x4] =	wrdreg $0xC6200  }
0xb1: {  	[dreg:$0x5] =	wrdreg $0x9  }
0xb2: {  	_ =	task.clear_ibuf [dreg:s7], $0x6FFFF;
	_ =	strace $0x9000004C  }
0xb3: {  	s29 =	simm.s32 $0x9;
	_ =	strace $0x8000004E  }
0xb4: {  	_ =	swait.ge [sflag:s29], $0x1  }
0xb5: {  	[sflag:s29] =	ssyncadd.s32 $0xFFFFFFFF  }
0xb6: {  	_ =	strace $0x9000004E  }
0xb7: {  	_ =	sfence  }
0xb8: {  	s30 =	sld [smem:$0x0];
	_ =	sdelay $0x2  }
0xb9: {  	s31 =	sshll.u32 s1, $0xD;
	s1 =	sshrl.u32 s1, $0x2  }
0xba: {  	s3 =	sand.u32 $0x4000, s31;
	s1 =	sadd.s32 s1, s30  }
0xbb: {  	s0 =	sor.u32 s3, s0;
	s1 =	sshll.u32 s1, $0x11  }
0xbc: {  	s0 =	sor.u32 s1, s0  }
0xbd: {  	s0 =	sadd.s32 $0x8F2B, s0  }
0xbe: {  	[sflag:s0] =	ssyncadd.remote.s32 $0x1  }
0xbf: {  	_ =	sfence.sel $0xFFFF  }
0xc0: {  	[dreg:$0x0] =	wrdreg $0xFFFFFFFF;
	(pc) =	sbr.abs _section_cstart, $3  }
0xc1: {  	[dreg:$0x1] =	wrdreg $0xFFFFFFFF  }
0xc2: {  	_ =	task.clear_ibuf [dreg:s7], $0x2FFFF;
	_ =	strace $0x9FFFFFFF  }
0xc3: {  	(tm) =	ssettm $0x7FFFFFFF  }
tec
execute0_lowered:
.L_overlay_start_1:
0x0: {  	(tag) =	ssettag $0x1  }
0x1: {  	s0 =	rddreg [dreg:$0x0]  }
0x2: {  	s1 =	rddreg [dreg:$0x1]  }
0x3: {  	s2 =	rddreg [dreg:$0x2]  }
0x4: {  	s3 =	simm.s32 $0x0;
	s4 =	srdreg.scid;
	s12 =	stileid.u32  }
0x5: {  	s14 =	simm.s32 $0x1;
	s15 =	simm.s32 $0x2;
	s16 =	simm.s32 $0x7  }
0x6: {  	s17 =	simm.s32 $0x50;
	s28 =	simm.s32 $0xB220;
	s29 =	simm.s32 $0x3  }
0x7: {  	s30 =	simm.s32 $0x9;
	s31 =	simm.s32 $0x5;
	s13 =	simm.s32 $0xC  }
0x8: {  	[smem:$0x7FF] =	sst s3;
	s5 =	sand.u32 $0x1, s4;
	s6 =	smul.u32 $0x13880, s12  }
0x9: {  	s4 =	sadd.s32 $0x2E00, s1;
	s9 =	smul.u32 $0x27100, s12;
	s21 =	sadd.s32 $0x16800, s1  }
0xa: {  	_ =	strace $0x8000004D;
	s7 =	sshll.u32 s5, $0x6;
	s18 =	sshll.u32 s5, $0x4  }
0xb: {  	s8 =	ssub.s32 $0x2, s5;
	[dreg:$0x4] =	wrdreg s21;
	s21 =	simm.s32 $0x7620  }
0xc: {  	s6 =	sor.u32 s7, s6;
	s19 =	sor.u32 s12, s18;
	s20 =	sshrl.u32 s8, $0x1  }
0xd: {  	s22 =	sshrl.u32 s9, $0x2;
	s18 =	simm.s32 $0x4E20;
	s6 =	sshrl.u32 s6, $0x3  }
0xe: {  	s10 =	smul.u32 $0x2710, s19;
	s11 =	ssub.s32 s8, s20;
	s24 =	sadd.s32 s22, s2  }
0xf: {  	s19 =	simm.s32 $0xD;
	s20 =	simm.s32 $0x0;
	s1 =	sadd.s32 s6, s1  }
.Ltmp0:
0x10: {  	s6 =	sshll.u32 s12, $0x6;
	s11 =	smax.u32 s11, $0x1;
	(pc) =	sbr.rel .LBB2_1-.Ltmp0, $4  }
0x11: {  	s12 =	sshrl.u32 s24, $0x3;
	s23 =	sshrl.u32 s10, $0x3;
	s25 =	sor.u32 $0x1C01, s6  }
0x12: {  	s26 =	sadd.s32 $0x17C00, s1;
	[dreg:$0x5] =	wrdreg s25;
	s8 =	sadd.s32 s0, s23  }
0x13: {  	s1 =	simm.s32 $0x6;
	[dreg:$0x7] =	wrdreg s26;
	s0 =	sadd.s32 $0x9C40, s8  }
0x14: {  	s25 =	simm.s32 $0x9E20;
	[dreg:$0x6] =	wrdreg s0;
	s0 =	simm.s32 $0xB  }
.LBB2_4:
0x15: {  	_ =	swait.ge [sflag:s1], $0x1400  }
0x16: {  	[sflag:s1] =	ssyncset.done $0x0  }
0x17: {  	[sflag:s1] =	ssyncadd.s32 $0xFFFFEC00  }
0x18: {  	[spmem:s2] =	stream.indirect.scatter.add.f32 [tilespmem:s28], [sflag:$0xC], $0x40, s24, s17, $0xb8;
	[tilespmem:$0x16260] =	vst v63  }
0x19: {  	_ =	swait.ge [sflag:s13], $0x1400  }
0x1a: {  	[sflag:s13] =	ssyncset.done $0x0  }
0x1b: {  	s5 =	simm.s32 $0x2580;
	[sflag:s13] =	ssyncadd.s32 $0xFFFFEC00  }
0x1c: {  	[tilespmem:s18], [sflag:$0x1] =	stream.indirect.gather [hbm4b:s4+s17], $0x40, s5, s17, $0xb8;
	[tilespmem:$0x16260] =	vst v63  }
0x1d: {  	_ =	swait.ge [sflag:s14], $0x1400  }
0x1e: {  	[sflag:s14] =	ssyncset.done $0x0  }
0x1f: {  	s23 =	simm.s32 $0x4C90;
	[sflag:s14] =	ssyncadd.s32 $0xFFFFEC00  }
0x20: {  	[spmem:s2] =	stream.indirect.scatter.add.f32 [tilespmem:s18], [sflag:$0x7], $0x40, s23, s17, $0xb8;
	[tilespmem:$0x16260] =	vst v63  }
0x21: {  	_ =	swait.ge [sflag:s16], $0x1400  }
0x22: {  	[sflag:s16] =	ssyncset.done $0x0  }
0x23: {  	s24 =	simm.s32 $0x25D0;
	[sflag:s16] =	ssyncadd.s32 $0xFFFFEC00  }
0x24: {  	[tilespmem:s18], [sflag:$0x1] =	stream.indirect.gather [hbm4b:s4+s17], $0x40, s24, s17, $0xb8;
	[tilespmem:$0x16260] =	vst v63  }
0x25: {  	_ =	swait.ge [sflag:s14], $0x1400  }
0x26: {  	[sflag:s14] =	ssyncset.done $0x0  }
0x27: {  	s26 =	simm.s32 $0x4CE0;
	[sflag:s14] =	ssyncadd.s32 $0xFFFFEC00  }
0x28: {  	[spmem:s2] =	stream.indirect.scatter.add.f32 [tilespmem:s18], [sflag:$0x7], $0x40, s26, s17, $0xb8;
	[tilespmem:$0x16260] =	vst v63  }
0x29: {  	_ =	swait.ge [sflag:s16], $0x1400  }
0x2a: {  	[sflag:s16] =	ssyncset.done $0x0  }
0x2b: {  	s7 =	simm.s32 $0x2620;
	[sflag:s16] =	ssyncadd.s32 $0xFFFFEC00  }
0x2c: {  	[tilespmem:s18], [sflag:$0x1] =	stream.indirect.gather [hbm4b:s4+s17], $0x40, s7, s17, $0xb8;
	[tilespmem:$0x16260] =	vst v63  }
0x2d: {  	_ =	swait.ge [sflag:s14], $0x1400  }
0x2e: {  	[sflag:s14] =	ssyncset.done $0x0  }
0x2f: {  	s9 =	simm.s32 $0x4D30;
	[sflag:s14] =	ssyncadd.s32 $0xFFFFEC00  }
0x30: {  	[spmem:s2] =	stream.indirect.scatter.add.f32 [tilespmem:s18], [sflag:$0x7], $0x40, s9, s17, $0xb8;
	[tilespmem:$0x16260] =	vst v63  }
0x31: {  	_ =	swait.ge [sflag:s16], $0x1400  }
0x32: {  	[sflag:s16] =	ssyncset.done $0x0  }
0x33: {  	s10 =	simm.s32 $0x2670;
	[sflag:s16] =	ssyncadd.s32 $0xFFFFEC00  }
0x34: {  	[tilespmem:s18], [sflag:$0x1] =	stream.indirect.gather [hbm4b:s4+s17], $0x40, s10, s17, $0xb8;
	[tilespmem:$0x16260] =	vst v63  }
0x35: {  	_ =	swait.ge [sflag:s14], $0x1400  }
0x36: {  	[sflag:s14] =	ssyncset.done $0x0  }
0x37: {  	s22 =	simm.s32 $0x4D80;
	[sflag:s14] =	ssyncadd.s32 $0xFFFFEC00  }
0x38: {  	[spmem:s2] =	stream.indirect.scatter.add.f32 [tilespmem:s18], [sflag:$0x7], $0x40, s22, s17, $0xb8;
	[tilespmem:$0x16260] =	vst v63  }
0x39: {  	_ =	swait.ge [sflag:s16], $0x1400  }
0x3a: {  	[sflag:s16] =	ssyncset.done $0x0  }
0x3b: {  	s23 =	simm.s32 $0x26C0;
	[sflag:s16] =	ssyncadd.s32 $0xFFFFEC00  }
0x3c: {  	[tilespmem:s18], [sflag:$0x1] =	stream.indirect.gather [hbm4b:s4+s17], $0x40, s23, s17, $0xb8;
	[tilespmem:$0x16260] =	vst v63  }
0x3d: {  	_ =	swait.ge [sflag:s14], $0x1400  }
0x3e: {  	[sflag:s14] =	ssyncset.done $0x0  }
0x3f: {  	s24 =	simm.s32 $0x4DD0;
	[sflag:s14] =	ssyncadd.s32 $0xFFFFEC00  }
0x40: {  	[spmem:s2] =	stream.indirect.scatter.add.f32 [tilespmem:s18], [sflag:$0x7], $0x40, s24, s17, $0xb8;
	[tilespmem:$0x16260] =	vst v63  }
0x41: {  	_ =	swait.ge [sflag:s16], $0x1400  }
0x42: {  	s20 =	sadd.s32 $0x1, s20;
	[sflag:s16] =	ssyncset.done $0x0  }
0x43: {  	p0 =	sne.s32 s20, s11;
	[sflag:s16] =	ssyncadd.s32 $0xFFFFEC00  }
0x44: {  	s26 =	sor.u32 $0x1C0D, s6;
	s9 =	simm.s32 $0x10;
	[bflag:$0x0] =	sbarrier.arrive $0xFFFF  }
.Ltmp1:
0x45: {  	s10 =	simm.s32 $0x8;
	s7 =	rddreg [dreg:$0x7];
	(pc) =	sbr.rel @!p0 .LBB2_5-.Ltmp1, $4  }
0x46: {  	[hbm:s7@s9], [sflag:s26] =	dma.strided [spmem:s12@s10], $0x1388, s14, $0x8   }
0x47: {  	_ =	swait.ge [sflag:s19], $0x1388  }
0x48: {  	[sflag:s19] =	ssyncset.done $0x0  }
0x49: {  	[sflag:s19] =	ssyncadd.s32 $0xFFFFEC78  }
.LBB2_1:
0x4a: {  	s5 =	rddreg [dreg:$0x4]  }
0x4b: {  	s7 =	rddreg [dreg:$0x5]  }
0x4c: {  	[spmem:s12], [sflag:s7] =	dma.local [hbm:s5], $0x1388  }
0x4d: {  	[tilespmem:s3], [sflag:$0x2] =	stream.linear.gather [hbm4b:s8+s3], $0x2710, $0x38;
	[tilespmem:$0x16260] =	vst v63  }
0x4e: {  	s26 =	simm.s32 $0x2710;
	s5 =	rddreg [dreg:$0x6]  }
0x4f: {  	[tilespmem:s26], [sflag:$0x7] =	stream.linear.gather [hbm4b:s5+s3], $0x2710, $0x38;
	[tilespmem:$0x16260] =	vst v63  }
0x50: {  	_ =	swait.ge [sflag:s14], $0x1388  }
0x51: {  	[sflag:s14] =	ssyncset.done $0x0  }
0x52: {  	[sflag:s14] =	ssyncadd.s32 $0xFFFFEC78  }
0x53: {  	_ =	swait.ge [sflag:s15], $0x2710  }
0x54: {  	[sflag:s15] =	ssyncset.done $0x0  }
0x55: {  	[sflag:s15] =	ssyncadd.s32 $0xFFFFD8F0  }
0x56: {  	_ =	swait.ge [sflag:s16], $0x2710  }
0x57: {  	[sflag:s16] =	ssyncset.done $0x0  }
0x58: {  	[sflag:s16] =	ssyncadd.s32 $0xFFFFD8F0  }
0x59: {  	[bflag:$0x0] =	sbarrier.arrive $0xFFFF  }
0x5a: {  	[tilespmem:s18], [sflag:$0x1] =	stream.indirect.gather [hbm4b:s4+s17], $0x40, s3, s17, $0xb8;
	[tilespmem:$0x16260] =	vst v63  }
0x5b: {  	s9 =	simm.s32 $0x6220  }
0x5c: {  	[tilespmem:s9], [sflag:$0x2] =	stream.indirect.gather [hbm4b:s4+s17], $0x40, s17, s17, $0xb8;
	[tilespmem:$0x16260] =	vst v63  }
0x5d: {  	s10 =	simm.s32 $0xA0  }
0x5e: {  	[tilespmem:s21], [sflag:$0x3] =	stream.indirect.gather [hbm4b:s4+s17], $0x40, s10, s17, $0xb8;
	[tilespmem:$0x16260] =	vst v63  }
0x5f: {  	s22 =	simm.s32 $0xF0;
	s23 =	simm.s32 $0x8A20  }
0x60: {  	[tilespmem:s23], [sflag:$0x4] =	stream.indirect.gather [hbm4b:s4+s17], $0x40, s22, s17, $0xb8;
	[tilespmem:$0x16260] =	vst v63  }
0x61: {  	s24 =	simm.s32 $0x140  }
0x62: {  	[tilespmem:s25], [sflag:$0x5] =	stream.indirect.gather [hbm4b:s4+s17], $0x40, s24, s17, $0xb8;
	[tilespmem:$0x16260] =	vst v63  }
0x63: {  	s26 =	simm.s32 $0x190;
	s22 =	simm.s32 $0x0  }
0x64: {  	[tilespmem:s28], [sflag:$0x6] =	stream.indirect.gather [hbm4b:s4+s17], $0x40, s26, s17, $0xb8;
	[tilespmem:$0x16260] =	vst v63  }
.LBB2_2:
0x65: {  	_ =	swait.ge [sflag:s14], $0x1400  }
0x66: {  	s23 =	sshra.s32 s22, $0x2;
	[sflag:s14] =	ssyncset.done $0x0  }
0x67: {  	s24 =	sadd.s32 $0x2710, s23;
	[sflag:s14] =	ssyncadd.s32 $0xFFFFEC00  }
0x68: {  	[spmem:s2] =	stream.indirect.scatter.add.f32 [tilespmem:s18], [sflag:$0x7], $0x40, s24, s17, $0xb8;
	[tilespmem:$0x16260] =	vst v63  }
0x69: {  	_ =	swait.ge [sflag:s16], $0x1400  }
0x6a: {  	p0 =	seq.s32 s22, $0x8E80;
	[sflag:s16] =	ssyncset.done $0x0  }
0x6b: {  	s24 =	simm.s32 @p0 $0x2;
	[sflag:s16] =	ssyncadd.s32 $0xFFFFEC00  }
0x6c: {  	_ =	swait.ge @p0 [sflag:s24], $0x1400  }
0x6d: {  	[sflag:s24] =	ssyncset.done @p0 $0x0  }
0x6e: {  	[sflag:s24] =	ssyncadd.s32 @p0 $0xFFFFEC00;
	s24 =	sshra.s32 @p0 s22, $0x2  }
0x6f: {  	s5 =	simm.s32 @p0 $0x50;
	s7 =	simm.s32 @p0 $0x6220;
	s26 =	sadd.s32 @p0 $0x2760, s24  }
0x70: {  	[spmem:s2] =	stream.indirect.scatter.add.f32 @p0 [tilespmem:s7], [sflag:$0x8], $0x40, s26, s5, $0xb8;
	[tilespmem:$0x16260] =	vst v63  }
0x71: {  	s7 =	simm.s32 @p0 $0x8  }
0x72: {  	_ =	swait.ge @p0 [sflag:s7], $0x1400  }
0x73: {  	[sflag:s7] =	ssyncset.done @p0 $0x0  }
0x74: {  	[sflag:s7] =	ssyncadd.s32 @p0 $0xFFFFEC00;
	s7 =	sshra.s32 @!p0 s22, $0x2  }
0x75: {  	s9 =	simm.s32 @!p0 $0x50;
	s10 =	simm.s32 @!p0 $0x4E20;
	s26 =	sadd.s32 @!p0 $0x1E0, s7  }
0x76: {  	[tilespmem:s10], [sflag:$0x1] =	stream.indirect.gather @!p0 [hbm4b:s4+s9], $0x40, s26, s9, $0xb8;
	[tilespmem:$0x16260] =	vst v63  }
0x77: {  	s10 =	simm.s32 @!p0 $0x2  }
0x78: {  	_ =	swait.ge @!p0 [sflag:s10], $0x1400  }
0x79: {  	[sflag:s10] =	ssyncset.done @!p0 $0x0  }
0x7a: {  	s26 =	simm.s32 @!p0 $0x6220;
	[sflag:s10] =	ssyncadd.s32 @!p0 $0xFFFFEC00;
	s10 =	sadd.s32 @!p0 $0x2760, s7  }
0x7b: {  	[spmem:s2] =	stream.indirect.scatter.add.f32 @!p0 [tilespmem:s26], [sflag:$0x8], $0x40, s10, s9, $0xb8;
	[tilespmem:$0x16260] =	vst v63  }
0x7c: {  	s10 =	simm.s32 @!p0 $0x8  }
0x7d: {  	_ =	swait.ge @!p0 [sflag:s10], $0x1400  }
0x7e: {  	[sflag:s10] =	ssyncset.done @!p0 $0x0  }
0x7f: {  	[sflag:s10] =	ssyncadd.s32 @!p0 $0xFFFFEC00;
	s10 =	sadd.s32 @!p0 $0x230, s7  }
0x80: {  	[tilespmem:s26], [sflag:$0x2] =	stream.indirect.gather @!p0 [hbm4b:s4+s9], $0x40, s10, s9, $0xb8;
	[tilespmem:$0x16260] =	vst v63  }
0x81: {  	_ =	swait.ge [sflag:s29], $0x1400  }
0x82: {  	[sflag:s29] =	ssyncset.done $0x0  }
0x83: {  	s26 =	sadd.s32 $0x27B0, s23;
	[sflag:s29] =	ssyncadd.s32 $0xFFFFEC00  }
0x84: {  	[spmem:s2] =	stream.indirect.scatter.add.f32 [tilespmem:s21], [sflag:$0x9], $0x40, s26, s17, $0xb8;
	[tilespmem:$0x16260] =	vst v63  }
0x85: {  	_ =	swait.ge [sflag:s30], $0x1400  }
0x86: {  	[sflag:s30] =	ssyncset.done $0x0  }
0x87: {  	s10 =	simm.s32 @p0 $0x4;
	[sflag:s30] =	ssyncadd.s32 $0xFFFFEC00  }
0x88: {  	_ =	swait.ge @p0 [sflag:s10], $0x1400  }
0x89: {  	[sflag:s10] =	ssyncset.done @p0 $0x0  }
0x8a: {  	[sflag:s10] =	ssyncadd.s32 @p0 $0xFFFFEC00;
	s10 =	sadd.s32 @p0 $0x2800, s24;
	s24 =	simm.s32 @p0 $0x8A20  }
0x8b: {  	[spmem:s2] =	stream.indirect.scatter.add.f32 @p0 [tilespmem:s24], [sflag:$0xA], $0x40, s10, s5, $0xb8;
	[tilespmem:$0x16260] =	vst v63  }
0x8c: {  	s5 =	simm.s32 @p0 $0xA  }
0x8d: {  	_ =	swait.ge @p0 [sflag:s5], $0x1400  }
0x8e: {  	[sflag:s5] =	ssyncset.done @p0 $0x0  }
0x8f: {  	s10 =	simm.s32 @!p0 $0x7620;
	[sflag:s5] =	ssyncadd.s32 @p0 $0xFFFFEC00;
	s5 =	sadd.s32 @!p0 $0x280, s7  }
0x90: {  	[tilespmem:s10], [sflag:$0x3] =	stream.indirect.gather @!p0 [hbm4b:s4+s9], $0x40, s5, s9, $0xb8;
	[tilespmem:$0x16260] =	vst v63  }
0x91: {  	s5 =	simm.s32 @!p0 $0x4  }
0x92: {  	_ =	swait.ge @!p0 [sflag:s5], $0x1400  }
0x93: {  	[sflag:s5] =	ssyncset.done @!p0 $0x0  }
0x94: {  	s10 =	simm.s32 @!p0 $0x8A20;
	[sflag:s5] =	ssyncadd.s32 @!p0 $0xFFFFEC00;
	s5 =	sadd.s32 @!p0 $0x2800, s7  }
0x95: {  	[spmem:s2] =	stream.indirect.scatter.add.f32 @!p0 [tilespmem:s10], [sflag:$0xA], $0x40, s5, s9, $0xb8;
	[tilespmem:$0x16260] =	vst v63  }
0x96: {  	s5 =	simm.s32 @!p0 $0xA  }
0x97: {  	_ =	swait.ge @!p0 [sflag:s5], $0x1400  }
0x98: {  	[sflag:s5] =	ssyncset.done @!p0 $0x0  }
0x99: {  	[sflag:s5] =	ssyncadd.s32 @!p0 $0xFFFFEC00;
	s5 =	sadd.s32 @!p0 $0x2D0, s7  }
0x9a: {  	[tilespmem:s10], [sflag:$0x4] =	stream.indirect.gather @!p0 [hbm4b:s4+s9], $0x40, s5, s9, $0xb8;
	[tilespmem:$0x16260] =	vst v63  }
0x9b: {  	_ =	swait.ge [sflag:s31], $0x1400  }
0x9c: {  	[sflag:s31] =	ssyncset.done $0x0  }
.Ltmp2:
0x9d: {  	s26 =	sadd.s32 $0x2850, s23;
	[sflag:s31] =	ssyncadd.s32 $0xFFFFEC00;
	(pc) =	sbr.rel @p0 .LBB2_4-.Ltmp2, $4  }
0x9e: {  	[spmem:s2] =	stream.indirect.scatter.add.f32 [tilespmem:s25], [sflag:$0xB], $0x40, s26, s17, $0xb8;
	[tilespmem:$0x16260] =	vst v63  }
0x9f: {  	_ =	swait.ge [sflag:s0], $0x1400  }
0xa0: {  	[sflag:s0] =	ssyncset.done $0x0  }
0xa1: {  	s24 =	sadd.s32 $0x28A0, s23;
	[sflag:s0] =	ssyncadd.s32 $0xFFFFEC00  }
0xa2: {  	s5 =	sadd.s32 $0x320, s23  }
0xa3: {  	[tilespmem:s25], [sflag:$0x5] =	stream.indirect.gather [hbm4b:s4+s17], $0x40, s5, s17, $0xb8;
	[tilespmem:$0x16260] =	vst v63  }
0xa4: {  	_ =	swait.ge [sflag:s1], $0x1400  }
0xa5: {  	[sflag:s1] =	ssyncset.done $0x0  }
0xa6: {  	[sflag:s1] =	ssyncadd.s32 $0xFFFFEC00  }
0xa7: {  	[spmem:s2] =	stream.indirect.scatter.add.f32 [tilespmem:s28], [sflag:$0xC], $0x40, s24, s17, $0xb8;
	[tilespmem:$0x16260] =	vst v63  }
.Ltmp3:
0xa8: {  	_ = 	snop;
	(pc) =	sbr.rel .LBB2_2-.Ltmp3, $4  }
0xa9: {  	_ =	swait.ge [sflag:s13], $0x1400  }
0xaa: {  	[sflag:s13] =	ssyncset.done $0x0  }
0xab: {  	s26 =	sadd.s32 $0x370, s23;
	s22 =	sadd.s32 $0x780, s22;
	[sflag:s13] =	ssyncadd.s32 $0xFFFFEC00  }
0xac: {  	[tilespmem:s28], [sflag:$0x6] =	stream.indirect.gather [hbm4b:s4+s17], $0x40, s26, s17, $0xb8;
	[tilespmem:$0x16260] =	vst v63  }
.LBB2_5:
0xad: {  	_ =	sfence.sel $0x180000  }
0xae: {  	[bflag:$0x0] =	sbarrier.arrive $0xFFFF  }
0xaf: {  	_ =	strace $0x9000004D  }
0xb0: {  	s0 =	stileid.u32;
	[bflag:$0x2] =	sbarrier.arrive $0xFFFF  }
0xb1: {  	p0 =	sne.s32 s0, $0x0;
	s0 =	rddreg [dreg:$0x3]  }
0xb2: {  	s0 =	sadd.s32 @!p0 $0x100000, s0  }
0xb3: {  	[sflag:s0] =	ssyncadd.tile.s32 @!p0 $0x1;
	_ =	shalt  }
.Lfunc_end2:
_tile_overlayer_lowered:
.L_overlay_start_2:
0xb4: {  	(tag) =	ssettag $0x2  }
0xb5: {  	s0 =	rddreg [dreg:$0x0];
	s2 =	stileid.u32  }
0xb6: {  	s1 =	rddreg [dreg:$0x1];
	p0 =	sne.s32 s2, $0x0  }
0xb7: {  	s3 =	rddreg [dreg:$0x2];
	[bflag:$0x3] =	sbarrier.arrive $0xFFFF;
	s2 =	simm.s32 @!p0 $0x1C0D  }
0xb8: {  	[timem:s3], [sflag:s2] =	dma.local @!p0 [hbm:s0], s1  }
0xb9: {  	s0 =	simm.s32 @!p0 $0xD  }
0xba: {  	_ =	swait.ge @!p0 [sflag:s0], s1  }
0xbb: {  	s1 =	ssub.s32 @!p0 $0x0, s1;
	[sflag:s0] =	ssyncset.done @!p0 $0x0  }
0xbc: {  	[sflag:s0] =	ssyncadd.s32 @!p0 s1  }
0xbd: {  	[bflag:$0x3] =	sbarrier.arrive $0xFFFF  }
0xbe: {  	_ =	shalt  }

// kernel: kernel.19.cloned.1.call-start
scs
__scs_entry_jumppad:
0x0: {  	(pc) =	sbr.rel $0x88, $3  }
0x1: {  	(tag) =	ssettag $0x0;
	lr =	simm.s32 $0x1  }
0x2: {  	[smem:$0x3F99] =	sst lr;
	_ =	strace $0xD0000000  }
0x3: {  	_ = 	snop  }
0x4: {  	_ = 	snop  }
0x5: {  	_ = 	snop  }
0x6: {  	_ = 	snop  }
0x7: {  	_ = 	snop  }
__scs_overlays_trampoline_lowered:
0x8: {  	[smem:$0x3FA8] =	sst s0  }
0x9: {  	[smem:$0x3FA9] =	sst s1  }
0xa: {  	[smem:$0x3FAA] =	sst s2  }
0xb: {  	[smem:$0x3FAB] =	sst s3  }
0xc: {  	[smem:$0x3FAC] =	sst s4  }
0xd: {  	[smem:$0x3FAD] =	sst s5  }
0xe: {  	[smem:$0x3FAE] =	sst s6  }
0xf: {  	[smem:$0x3FAF] =	sst s7  }
0x10: {  	[smem:$0x3FB0] =	sst s8  }
0x11: {  	[smem:$0x3FB1] =	sst s9;
	s0 =	simm.s32 @!p0 $0x0  }
0x12: {  	s1 =	sld [smem:$0x3F97];
	s0 =	simm.s32 @p0 $0x1  }
0x13: {  	[smem:$0x3FB2] =	sst s0;
	s0 =	simm.s32 @!p1 $0x0  }
0x14: {  	s2 =	sld [smem:$0x3F96];
	s0 =	simm.s32 @p1 $0x1  }
0x15: {  	[smem:$0x3FB3] =	sst s0;
	s0 =	simm.s32 @!p2 $0x0  }
0x16: {  	s3 =	sld [smem:$0x3FDB];
	s0 =	simm.s32 @p2 $0x1  }
0x17: {  	s4 =	simm.s32 $0x1BF5;
	[smem:$0x3FB5] =	sst s0  }
0x18: {  	s0 =	sld [smem:$0x3F98];
	_ =	swait.ge [sflag:s4], $0x0  }
0x19: {  	s7 =	sld [smem:$0x3F99]  }
0x1a: {  	s8 =	sadd.s32 $0xFFFFE003, lr  }
0x1b: {  	s9 =	sadd.s32 $0xFFFFFEF7, lr;
	s5 =	simm.s32 $0xFFFFFFFF;
	p2 =	slt.u32 s8, $0xFFFFF086  }
0x1c: {  	p1 =	slt.u32 s9, $0xF7A;
	s5 =	simm.s32 @!p2 $0x0  }
0x1d: {  	s5 =	simm.s32 @p1 $0x1;
	p0 =	seq.s32 s7, s2  }
0x1e: {  	s7 =	smul.u32 @!p0 $0xF7A, s2;
	p2 =	seq.s32 @!p0 s5, $0x0  }
0x1f: {  	s9 =	smul.u32 $0xF7A, s1;
	s8 =	simm.s32 @!p0 $0x1BF5;
	p2 =	por !p2, p0  }
0x20: {  	[sflag:s8] =	ssyncset.s32 @!p0 $0xFFFFF086;
	s6 =	sadd.s32 @!p0 s3, s7;
	s7 =	simm.s32 @!p0 $0x108  }
0x21: {  	s3 =	sadd.s32 s3, s9;
	s6 =	sadd.s32 @!p0 $0x88, s6;
	s7 =	simm.s32 @p2 $0x1082  }
0x22: {  	[simem:s7], [sflag:s8] =	dma.local @!p0 [hbm:s6], $0xF7A  }
0x23: {  	s9 =	sor.u32 $0xD0000000, s2;
	s6 =	simm.s32 $0x108;
	_ =	swait.ge @!p0 [sflag:s8], $0x0  }
0x24: {  	s3 =	sadd.s32 $0x88, s3;
	s6 =	simm.s32 @!p1 $0x1082;
	[sflag:s4] =	ssyncset.s32 $0xFFFFF086  }
0x25: {  	[simem:s6], [sflag:s4] =	dma.local [hbm:s3], $0xF7A  }
0x26: {  	[smem:$0x3F99] =	sst s1;
	(tag) =	ssettag s2;
	_ =	strace s9  }
0x27: {  	s1 =	sld [smem:$0x3FA9]  }
0x28: {  	s2 =	sld [smem:$0x3FAA]  }
0x29: {  	s4 =	sld [smem:$0x3FAC]  }
0x2a: {  	p0 =	seq.s32 s5, $0x0;
	s5 =	sld [smem:$0x3FAD]  }
0x2b: {  	s6 =	sld [smem:$0x3FAE]  }
0x2c: {  	s7 =	sld [smem:$0x3FAF]  }
0x2d: {  	s3 =	simm.s32 $0x108;
	s8 =	sld [smem:$0x3FB0]  }
0x2e: {  	s3 =	simm.s32 @!p0 $0x1082;
	s9 =	sld [smem:$0x3FB1]  }
0x2f: {  	lr =	sadd.s32 s0, s3;
	s0 =	sld [smem:$0x3FA8]  }
0x30: {  	s3 =	sld [smem:$0x3FAB]  }
0x31: {  	[smem:$0x3FB4] =	sst s10  }
0x32: {  	s10 =	sld [smem:$0x3FB2];
	_ =	sdelay $0x3  }
0x33: {  	p0 =	seq.s32 s10, $0x1;
	s10 =	sld [smem:$0x3FB4];
	_ =	sdelay $0x3  }
0x34: {  	[smem:$0x3FB4] =	sst s10  }
0x35: {  	s10 =	sld [smem:$0x3FB3];
	_ =	sdelay $0x3  }
0x36: {  	p1 =	seq.s32 s10, $0x1;
	s10 =	sld [smem:$0x3FB4];
	_ =	sdelay $0x3  }
0x37: {  	[smem:$0x3FB4] =	sst s10  }
0x38: {  	s10 =	sld [smem:$0x3FB5]  }
0x39: {  	_ = 	snop;
	(pc) =	sbr.ind lr, $3  }
0x3a: {  	_ = 	snop  }
0x3b: {  	_ = 	snop  }
0x3c: {  	p2 =	seq.s32 s10, $0x1;
	s10 =	sld [smem:$0x3FB4]  }
0x3d: {  	_ =	shalt  }
0x3e: {  	_ =	shalt  }
0x3f: {  	_ =	shalt  }
0x40: {  	_ =	shalt  }
0x41: {  	_ =	shalt  }
0x42: {  	_ =	shalt  }
0x43: {  	_ =	shalt  }
0x44: {  	_ =	shalt  }
0x45: {  	_ =	shalt  }
0x46: {  	_ =	shalt  }
0x47: {  	_ =	shalt  }
0x48: {  	_ =	shalt  }
0x49: {  	_ =	shalt  }
0x4a: {  	_ =	shalt  }
0x4b: {  	_ =	shalt  }
0x4c: {  	_ =	shalt  }
0x4d: {  	_ =	shalt  }
0x4e: {  	_ =	shalt  }
0x4f: {  	_ =	shalt  }
0x50: {  	_ =	shalt  }
0x51: {  	_ =	shalt  }
0x52: {  	_ =	shalt  }
0x53: {  	_ =	shalt  }
0x54: {  	_ =	shalt  }
0x55: {  	_ =	shalt  }
0x56: {  	_ =	shalt  }
0x57: {  	_ =	shalt  }
0x58: {  	_ =	shalt  }
0x59: {  	_ =	shalt  }
0x5a: {  	_ =	shalt  }
0x5b: {  	_ =	shalt  }
0x5c: {  	_ =	shalt  }
0x5d: {  	_ =	shalt  }
0x5e: {  	_ =	shalt  }
0x5f: {  	_ =	shalt  }
0x60: {  	_ =	shalt  }
0x61: {  	_ =	shalt  }
0x62: {  	_ =	shalt  }
0x63: {  	_ =	shalt  }
0x64: {  	_ =	shalt  }
0x65: {  	_ =	shalt  }
0x66: {  	_ =	shalt  }
0x67: {  	_ =	shalt  }
0x68: {  	_ =	shalt  }
0x69: {  	_ =	shalt  }
0x6a: {  	_ =	shalt  }
0x6b: {  	_ =	shalt  }
0x6c: {  	_ =	shalt  }
0x6d: {  	_ =	shalt  }
0x6e: {  	_ =	shalt  }
0x6f: {  	_ =	shalt  }
0x70: {  	_ =	shalt  }
0x71: {  	_ =	shalt  }
0x72: {  	_ =	shalt  }
0x73: {  	_ =	shalt  }
0x74: {  	_ =	shalt  }
0x75: {  	_ =	shalt  }
0x76: {  	_ =	shalt  }
0x77: {  	_ =	shalt  }
0x78: {  	_ =	shalt  }
0x79: {  	_ =	shalt  }
0x7a: {  	_ =	shalt  }
0x7b: {  	_ =	shalt  }
0x7c: {  	_ =	shalt  }
0x7d: {  	_ =	shalt  }
0x7e: {  	_ =	shalt  }
0x7f: {  	_ =	shalt  }
0x80: {  	_ =	shalt  }
0x81: {  	_ =	shalt  }
0x82: {  	_ =	shalt  }
0x83: {  	_ =	shalt  }
0x84: {  	_ =	shalt  }
0x85: {  	_ =	shalt  }
0x86: {  	_ =	shalt  }
0x87: {  	_ =	shalt  }
.Lfunc_end0:
.L_simem_size_0:
called_computation.3_lowered:
.L_overlay_start_0:
0x88: {  	s2 =	sld [smem:$0x3FD9]  }
0x89: {  	s3 =	sld [smem:$0x3FFE];
	_ =	sdelay $0x1  }
0x8a: {  	s1 =	srdreg.scid  }
0x8b: {  	s0 =	sand.u32 $0x1, s1  }
0x8c: {  	s17 =	sshll.u32 s0, $0xA;
	s2 =	sadd.s32 s3, s2  }
0x8d: {  	s2 =	sadd.s32 s2, s17  }
0x8e: {  	[smem:$0x3FC0] =	sst s2  }
0x8f: {  	_ = 	snop  }
0x90: {  	s2 =	sld [smem:$0x3FD0];
	(tm) =	ssettm $0x1  }
0x91: {  	s18 =	sld [smem:$0x3FFB];
	_ =	sdelay $0x3  }
0x92: {  	_ =	strace s18  }
0x93: {  	s3 =	sld [smem:$0x3FFC];
	_ =	sdelay $0x3  }
0x94: {  	_ =	strace s3  }
0x95: {  	s3 =	sld [smem:$0x3FFD];
	_ =	sdelay $0x3  }
0x96: {  	_ =	strace s3  }
0x97: {  	_ =	strace $0x8FFFFFFF  }
0x98: {  	s19 =	sld [smem:$0x3FDB];
	_ =	sdelay $0x1  }
0x99: {  	s4 =	simm.s32 $_scs_section_size  }
0x9a: {  	s5 =	simm.s32 $_size__tile_overlayer_lowered;
	s6 =	simm.s32 $_tile_overlayer_lowered  }
0x9b: {  	s22 =	simm.s32 $0x1BFF;
	s21 =	sshll.u32 s6, $0x1;
	s3 =	sadd.s32 s4, s19  }
0x9c: {  	s7 =	simm.s32 $0x0;
	s20 =	sshll.u32 s5, $0x1;
	s5 =	sadd.s32 s21, s3  }
0x9d: {  	[timem:s7], [sflag:s22] =	dma.local [hbm:s5], s20  }
0x9e: {  	_ =	swait.ge [sflag:s22], s20  }
0x9f: {  	s4 =	ssub.s32 $0x0, s20;
	[sflag:s22] =	ssyncset.done $0x0  }
0xa0: {  	[sflag:s22] =	ssyncadd.s32 s4;
	_ =	sdelay $0x1  }
0xa1: {  	s23 =	simm.s32 $0x1B8B  }
0xa2: {  	_ =	swait.ge [sflag:s23], $0x1  }
0xa3: {  	[sflag:s23] =	ssyncset.done $0x0  }
0xa4: {  	s25 =	simm.s32 $0x1B8E;
	s24 =	sld [smem:$0x3FFE];
	[sflag:s23] =	ssyncadd.s32 $0xFFFFFFFF  }
0xa5: {  	s26 =	simm.s32 $execute0_lowered;
	[smem:$0x3FD2] =	sst s25  }
0xa6: {  	s5 =	sshll.u32 s26, $0x1;
	_ =	strace $0x8000004F;
	[dreg:$0x1] =	wrdreg $0xFFFFFFFF  }
0xa7: {  	s28 =	simm.s32 $_size_execute0_lowered;
	s3 =	sadd.s32 s3, s5;
	[dreg:$0x0] =	wrdreg $0x0  }
0xa8: {  	s5 =	sshll.u32 s28, $0x1;
	[dreg:$0x2] =	wrdreg s3  }
0xa9: {  	[dreg:$0x3] =	wrdreg s5  }
0xaa: {  	[dreg:$0x4] =	wrdreg $0xC0  }
0xab: {  	_ =	task [dreg:s7], $0x5FFFF  }
0xac: {  	[dreg:$0x1] =	wrdreg $0xFFFFFFFF  }
0xad: {  	[dreg:$0x0] =	wrdreg $0x60  }
0xae: {  	[dreg:$0x2] =	wrdreg s2  }
0xaf: {  	[dreg:$0x3] =	wrdreg s24  }
0xb0: {  	[dreg:$0x4] =	wrdreg $0xC6200  }
0xb1: {  	[dreg:$0x5] =	wrdreg $0x9  }
0xb2: {  	_ =	task.clear_ibuf [dreg:s7], $0x6FFFF;
	_ =	strace $0x9000004F  }
0xb3: {  	s29 =	simm.s32 $0x9;
	_ =	strace $0x80000051  }
0xb4: {  	_ =	swait.ge [sflag:s29], $0x1  }
0xb5: {  	[sflag:s29] =	ssyncadd.s32 $0xFFFFFFFF  }
0xb6: {  	_ =	strace $0x90000051  }
0xb7: {  	_ =	sfence  }
0xb8: {  	s30 =	sld [smem:$0x0];
	_ =	sdelay $0x2  }
0xb9: {  	s31 =	sshll.u32 s1, $0xD;
	s1 =	sshrl.u32 s1, $0x2  }
0xba: {  	s3 =	sand.u32 $0x4000, s31;
	s1 =	sadd.s32 s1, s30  }
0xbb: {  	s0 =	sor.u32 s3, s0;
	s1 =	sshll.u32 s1, $0x11  }
0xbc: {  	s0 =	sor.u32 s1, s0  }
0xbd: {  	s0 =	sadd.s32 $0x8F2B, s0  }
0xbe: {  	[sflag:s0] =	ssyncadd.remote.s32 $0x1  }
0xbf: {  	_ =	sfence.sel $0xFFFF  }
0xc0: {  	[dreg:$0x0] =	wrdreg $0xFFFFFFFF;
	(pc) =	sbr.abs _section_cstart, $3  }
0xc1: {  	[dreg:$0x1] =	wrdreg $0xFFFFFFFF  }
0xc2: {  	_ =	task.clear_ibuf [dreg:s7], $0x2FFFF;
	_ =	strace $0x9FFFFFFF  }
0xc3: {  	(tm) =	ssettm $0x7FFFFFFF  }
tec
execute0_lowered:
.L_overlay_start_1:
0x0: {  	(tag) =	ssettag $0x1  }
0x1: {  	s0 =	rddreg [dreg:$0x0]  }
0x2: {  	s2 =	rddreg [dreg:$0x1]  }
0x3: {  	s1 =	rddreg [dreg:$0x2];
	s3 =	simm.s32 $0x0  }
0x4: {  	s4 =	srdreg.scid;
	s12 =	stileid.u32;
	s14 =	simm.s32 $0x1  }
0x5: {  	s15 =	simm.s32 $0x2;
	s16 =	simm.s32 $0x4;
	s17 =	simm.s32 $0x50  }
0x6: {  	s18 =	simm.s32 $0x4E20;
	s19 =	simm.s32 $0x7620;
	s21 =	simm.s32 $0x9E20  }
0x7: {  	s22 =	simm.s32 $0x5;
	s28 =	simm.s32 $0x4D30;
	s29 =	simm.s32 $0x2670  }
0x8: {  	s30 =	simm.s32 $0x4D80;
	s31 =	simm.s32 $0x26C0;
	s13 =	simm.s32 $0x0  }
0x9: {  	[smem:$0x7FF] =	sst s3;
	s6 =	sand.u32 $0x1, s4;
	s7 =	smul.u32 $0x2710, s12  }
0xa: {  	s4 =	sadd.s32 $0x2E00, s2;
	s10 =	smul.u32 $0x4E200, s12;
	_ =	strace $0x80000050  }
0xb: {  	s5 =	sshll.u32 s6, $0x4;
	s8 =	smul.u32 $0x27100, s6;
	s6 =	ssub.s32 $0x2, s6  }
0xc: {  	s9 =	sor.u32 s12, s5;
	s5 =	sadd.s32 $0x2A000, s2;
	s23 =	sshrl.u32 s6, $0x1  }
0xd: {  	s25 =	sshrl.u32 s10, $0x2;
	s9 =	smul.u32 $0x2710, s9;
	s7 =	sadd.s32 s7, s8  }
0xe: {  	s11 =	ssub.s32 s6, s23;
	s6 =	sshll.u32 s12, $0x6;
	s26 =	sadd.s32 s25, s1  }
0xf: {  	s23 =	simm.s32 $0x3;
	s2 =	sadd.s32 s7, s2;
	s8 =	sor.u32 $0x1C01, s6  }
0x10: {  	s11 =	smax.u32 s11, $0x1;
	s12 =	sshrl.u32 s26, $0x3;
	s24 =	sshrl.u32 s9, $0x3  }
0x11: {  	s10 =	sadd.s32 $0x2C800, s2;
	s2 =	simm.s32 $0x7;
	s7 =	sadd.s32 s0, s24  }
0x12: {  	s24 =	simm.s32 $0x6;
	s0 =	simm.s32 $0x4DD0;
	s9 =	sadd.s32 $0x9C40, s7  }
.LBB2_1:
0x13: {  	[spmem:s12], [sflag:s8] =	dma.local [hbm:s5], $0x2710  }
0x14: {  	[tilespmem:s3], [sflag:$0x2] =	stream.linear.gather [hbm4b:s7+s3], $0x2710, $0x38;
	[tilespmem:$0x1FEA0] =	vst v63  }
0x15: {  	s20 =	simm.s32 $0x2710  }
0x16: {  	[tilespmem:s20], [sflag:$0x4] =	stream.linear.gather [hbm4b:s9+s3], $0x2710, $0x38;
	[tilespmem:$0x1FEA0] =	vst v63  }
0x17: {  	_ =	swait.ge [sflag:s14], $0x2710  }
0x18: {  	[sflag:s14] =	ssyncset.done $0x0  }
0x19: {  	[sflag:s14] =	ssyncadd.s32 $0xFFFFD8F0  }
0x1a: {  	_ =	swait.ge [sflag:s15], $0x2710  }
0x1b: {  	[sflag:s15] =	ssyncset.done $0x0  }
0x1c: {  	[sflag:s15] =	ssyncadd.s32 $0xFFFFD8F0  }
0x1d: {  	_ =	swait.ge [sflag:s16], $0x2710  }
0x1e: {  	[sflag:s16] =	ssyncset.done $0x0  }
0x1f: {  	[sflag:s16] =	ssyncadd.s32 $0xFFFFD8F0  }
0x20: {  	[bflag:$0x0] =	sbarrier.arrive $0xFFFF  }
0x21: {  	[tilespmem:s18], [sflag:$0x1] =	stream.indirect.gather [hbm4b:s4+s17], $0x80, s3, s17, $0xb8;
	[tilespmem:$0x1FEA0] =	vst v63  }
0x22: {  	_ = 	snop  }
0x23: {  	[tilespmem:s19], [sflag:$0x2] =	stream.indirect.gather [hbm4b:s4+s17], $0x80, s17, s17, $0xb8;
	[tilespmem:$0x1FEA0] =	vst v63  }
0x24: {  	s25 =	simm.s32 $0xA0  }
0x25: {  	[tilespmem:s21], [sflag:$0x3] =	stream.indirect.gather [hbm4b:s4+s17], $0x80, s25, s17, $0xb8;
	[tilespmem:$0x1FEA0] =	vst v63  }
0x26: {  	_ =	swait.ge [sflag:s14], $0x2800  }
0x27: {  	[sflag:s14] =	ssyncset.done $0x0  }
0x28: {  	s26 =	simm.s32 $0x2710;
	[sflag:s14] =	ssyncadd.s32 $0xFFFFD800  }
0x29: {  	[spmem:s1] =	stream.indirect.scatter.add.f32 [tilespmem:s18], [sflag:$0x4], $0x80, s26, s17, $0xb8;
	[tilespmem:$0x1FEA0] =	vst v63  }
0x2a: {  	_ =	swait.ge [sflag:s16], $0x2800  }
0x2b: {  	[sflag:s16] =	ssyncset.done $0x0  }
0x2c: {  	s25 =	simm.s32 $0xF0;
	[sflag:s16] =	ssyncadd.s32 $0xFFFFD800  }
0x2d: {  	[tilespmem:s18], [sflag:$0x1] =	stream.indirect.gather [hbm4b:s4+s17], $0x80, s25, s17, $0xb8;
	[tilespmem:$0x1FEA0] =	vst v63  }
0x2e: {  	_ =	swait.ge [sflag:s15], $0x2800  }
0x2f: {  	[sflag:s15] =	ssyncset.done $0x0  }
0x30: {  	s26 =	simm.s32 $0x2760;
	[sflag:s15] =	ssyncadd.s32 $0xFFFFD800  }
0x31: {  	[spmem:s1] =	stream.indirect.scatter.add.f32 [tilespmem:s19], [sflag:$0x5], $0x80, s26, s17, $0xb8;
	[tilespmem:$0x1FEA0] =	vst v63  }
0x32: {  	_ =	swait.ge [sflag:s22], $0x2800  }
0x33: {  	[sflag:s22] =	ssyncset.done $0x0  }
0x34: {  	s25 =	simm.s32 $0x140;
	[sflag:s22] =	ssyncadd.s32 $0xFFFFD800  }
0x35: {  	[tilespmem:s19], [sflag:$0x2] =	stream.indirect.gather [hbm4b:s4+s17], $0x80, s25, s17, $0xb8;
	[tilespmem:$0x1FEA0] =	vst v63  }
0x36: {  	_ =	swait.ge [sflag:s23], $0x2800  }
0x37: {  	[sflag:s23] =	ssyncset.done $0x0  }
0x38: {  	s26 =	simm.s32 $0x27B0;
	[sflag:s23] =	ssyncadd.s32 $0xFFFFD800  }
0x39: {  	[spmem:s1] =	stream.indirect.scatter.add.f32 [tilespmem:s21], [sflag:$0x6], $0x80, s26, s17, $0xb8;
	[tilespmem:$0x1FEA0] =	vst v63  }
0x3a: {  	_ =	swait.ge [sflag:s24], $0x2800  }
0x3b: {  	[sflag:s24] =	ssyncset.done $0x0  }
0x3c: {  	s20 =	simm.s32 $0x3C0;
	s25 =	simm.s32 $0x190;
	[sflag:s24] =	ssyncadd.s32 $0xFFFFD800  }
.LBB2_2:
0x3d: {  	[tilespmem:s21], [sflag:$0x3] =	stream.indirect.gather [hbm4b:s4+s17], $0x80, s25, s17, $0xb8;
	[tilespmem:$0x1FEA0] =	vst v63  }
0x3e: {  	s25 =	smov.u32 s20  }
0x3f: {  	p0 =	sne.s32 s20, $0x9240;
	s20 =	sadd.s32 $0x3C0, s20;
	_ =	swait.ge [sflag:s14], $0x2800  }
0x40: {  	s25 =	sshra.s32 s25, $0x2;
	[sflag:s14] =	ssyncset.done $0x0  }
0x41: {  	s26 =	sadd.s32 $0x2710, s25;
	[sflag:s14] =	ssyncadd.s32 $0xFFFFD800  }
0x42: {  	[spmem:s1] =	stream.indirect.scatter.add.f32 [tilespmem:s18], [sflag:$0x4], $0x80, s26, s17, $0xb8;
	[tilespmem:$0x1FEA0] =	vst v63  }
0x43: {  	_ =	swait.ge [sflag:s16], $0x2800  }
0x44: {  	[sflag:s16] =	ssyncset.done $0x0  }
0x45: {  	s26 =	sadd.s32 $0xF0, s25;
	[sflag:s16] =	ssyncadd.s32 $0xFFFFD800  }
0x46: {  	[tilespmem:s18], [sflag:$0x1] =	stream.indirect.gather [hbm4b:s4+s17], $0x80, s26, s17, $0xb8;
	[tilespmem:$0x1FEA0] =	vst v63  }
0x47: {  	_ =	swait.ge [sflag:s15], $0x2800  }
0x48: {  	[sflag:s15] =	ssyncset.done $0x0  }
0x49: {  	s26 =	sadd.s32 $0x2760, s25;
	[sflag:s15] =	ssyncadd.s32 $0xFFFFD800  }
0x4a: {  	[spmem:s1] =	stream.indirect.scatter.add.f32 [tilespmem:s19], [sflag:$0x5], $0x80, s26, s17, $0xb8;
	[tilespmem:$0x1FEA0] =	vst v63  }
0x4b: {  	_ =	swait.ge [sflag:s22], $0x2800  }
0x4c: {  	[sflag:s22] =	ssyncset.done $0x0  }
0x4d: {  	s26 =	sadd.s32 $0x140, s25;
	[sflag:s22] =	ssyncadd.s32 $0xFFFFD800  }
0x4e: {  	[tilespmem:s19], [sflag:$0x2] =	stream.indirect.gather [hbm4b:s4+s17], $0x80, s26, s17, $0xb8;
	[tilespmem:$0x1FEA0] =	vst v63  }
0x4f: {  	_ =	swait.ge [sflag:s23], $0x2800  }
0x50: {  	[sflag:s23] =	ssyncset.done $0x0  }
.Ltmp0:
0x51: {  	s26 =	sadd.s32 $0x27B0, s25;
	[sflag:s23] =	ssyncadd.s32 $0xFFFFD800;
	(pc) =	sbr.rel @p0 .LBB2_2-.Ltmp0, $4  }
0x52: {  	[spmem:s1] =	stream.indirect.scatter.add.f32 [tilespmem:s21], [sflag:$0x6], $0x80, s26, s17, $0xb8;
	[tilespmem:$0x1FEA0] =	vst v63  }
0x53: {  	_ =	swait.ge [sflag:s24], $0x2800  }
0x54: {  	[sflag:s24] =	ssyncset.done $0x0  }
0x55: {  	s25 =	sadd.s32 $0x190, s25;
	[sflag:s24] =	ssyncadd.s32 $0xFFFFD800  }
0x56: {  	[tilespmem:s21], [sflag:$0x3] =	stream.indirect.gather [hbm4b:s4+s17], $0x80, s25, s17, $0xb8;
	[tilespmem:$0x1FEA0] =	vst v63  }
0x57: {  	_ =	swait.ge [sflag:s14], $0x2800  }
0x58: {  	[sflag:s14] =	ssyncset.done $0x0  }
0x59: {  	s20 =	simm.s32 $0x4C90;
	[sflag:s14] =	ssyncadd.s32 $0xFFFFD800  }
0x5a: {  	[spmem:s1] =	stream.indirect.scatter.add.f32 [tilespmem:s18], [sflag:$0x4], $0x80, s20, s17, $0xb8;
	[tilespmem:$0x1FEA0] =	vst v63  }
0x5b: {  	_ =	swait.ge [sflag:s16], $0x2800  }
0x5c: {  	[sflag:s16] =	ssyncset.done $0x0  }
0x5d: {  	[sflag:s16] =	ssyncadd.s32 $0xFFFFD800  }
0x5e: {  	_ =	swait.ge [sflag:s15], $0x2800  }
0x5f: {  	[sflag:s15] =	ssyncset.done $0x0  }
0x60: {  	s25 =	simm.s32 $0x4CE0;
	[sflag:s15] =	ssyncadd.s32 $0xFFFFD800  }
0x61: {  	[spmem:s1] =	stream.indirect.scatter.add.f32 [tilespmem:s19], [sflag:$0x5], $0x80, s25, s17, $0xb8;
	[tilespmem:$0x1FEA0] =	vst v63  }
0x62: {  	_ =	swait.ge [sflag:s22], $0x2800  }
0x63: {  	[sflag:s22] =	ssyncset.done $0x0  }
0x64: {  	[sflag:s22] =	ssyncadd.s32 $0xFFFFD800  }
0x65: {  	_ =	swait.ge [sflag:s23], $0x2800  }
0x66: {  	[sflag:s23] =	ssyncset.done $0x0  }
0x67: {  	[sflag:s23] =	ssyncadd.s32 $0xFFFFD800  }
0x68: {  	[spmem:s1] =	stream.indirect.scatter.add.f32 [tilespmem:s21], [sflag:$0x6], $0x80, s28, s17, $0xb8;
	[tilespmem:$0x1FEA0] =	vst v63  }
0x69: {  	_ =	swait.ge [sflag:s24], $0x2800  }
0x6a: {  	[sflag:s24] =	ssyncset.done $0x0  }
0x6b: {  	[sflag:s24] =	ssyncadd.s32 $0xFFFFD800  }
0x6c: {  	[tilespmem:s18], [sflag:$0x1] =	stream.indirect.gather [hbm4b:s4+s17], $0x80, s29, s17, $0xb8;
	[tilespmem:$0x1FEA0] =	vst v63  }
0x6d: {  	_ =	swait.ge [sflag:s14], $0x2800  }
0x6e: {  	[sflag:s14] =	ssyncset.done $0x0  }
0x6f: {  	[sflag:s14] =	ssyncadd.s32 $0xFFFFD800  }
0x70: {  	[spmem:s1] =	stream.indirect.scatter.add.f32 [tilespmem:s18], [sflag:$0x4], $0x80, s30, s17, $0xb8;
	[tilespmem:$0x1FEA0] =	vst v63  }
0x71: {  	_ =	swait.ge [sflag:s16], $0x2800  }
0x72: {  	[sflag:s16] =	ssyncset.done $0x0  }
0x73: {  	[sflag:s16] =	ssyncadd.s32 $0xFFFFD800  }
0x74: {  	[tilespmem:s18], [sflag:$0x1] =	stream.indirect.gather [hbm4b:s4+s17], $0x80, s31, s17, $0xb8;
	[tilespmem:$0x1FEA0] =	vst v63  }
0x75: {  	_ =	swait.ge [sflag:s14], $0x2800  }
0x76: {  	[sflag:s14] =	ssyncset.done $0x0  }
0x77: {  	[sflag:s14] =	ssyncadd.s32 $0xFFFFD800  }
0x78: {  	[spmem:s1] =	stream.indirect.scatter.add.f32 [tilespmem:s18], [sflag:$0x4], $0x80, s0, s17, $0xb8;
	[tilespmem:$0x1FEA0] =	vst v63  }
0x79: {  	_ =	swait.ge [sflag:s16], $0x2800  }
0x7a: {  	s13 =	sadd.s32 $0x1, s13;
	[sflag:s16] =	ssyncset.done $0x0  }
0x7b: {  	p0 =	sne.s32 s13, s11;
	[sflag:s16] =	ssyncadd.s32 $0xFFFFD800  }
.Ltmp1:
0x7c: {  	s26 =	sor.u32 $0x1C07, s6;
	[bflag:$0x0] =	sbarrier.arrive $0xFFFF;
	(pc) =	sbr.rel @p0 .LBB2_1-.Ltmp1, $4  }
0x7d: {  	[hbm:s10], [sflag:s26] =	dma.local [spmem:s12], $0x2710  }
0x7e: {  	_ =	swait.ge [sflag:s2], $0x2710  }
0x7f: {  	[sflag:s2] =	ssyncset.done $0x0  }
0x80: {  	[sflag:s2] =	ssyncadd.s32 $0xFFFFD8F0  }
0x81: {  	_ =	sfence.sel $0x180000  }
0x82: {  	[bflag:$0x0] =	sbarrier.arrive $0xFFFF  }
0x83: {  	_ =	strace $0x90000050  }
0x84: {  	s0 =	stileid.u32;
	[bflag:$0x2] =	sbarrier.arrive $0xFFFF  }
0x85: {  	p0 =	sne.s32 s0, $0x0;
	s0 =	rddreg [dreg:$0x3]  }
0x86: {  	s0 =	sadd.s32 @!p0 $0x100000, s0  }
0x87: {  	[sflag:s0] =	ssyncadd.tile.s32 @!p0 $0x1;
	_ =	shalt  }
.Lfunc_end2:
_tile_overlayer_lowered:
.L_overlay_start_2:
0x88: {  	(tag) =	ssettag $0x2  }
0x89: {  	s0 =	rddreg [dreg:$0x0];
	s2 =	stileid.u32  }
0x8a: {  	s1 =	rddreg [dreg:$0x1];
	p0 =	sne.s32 s2, $0x0  }
0x8b: {  	s3 =	rddreg [dreg:$0x2];
	[bflag:$0x3] =	sbarrier.arrive $0xFFFF;
	s2 =	simm.s32 @!p0 $0x1C07  }
0x8c: {  	[timem:s3], [sflag:s2] =	dma.local @!p0 [hbm:s0], s1  }
0x8d: {  	s0 =	simm.s32 @!p0 $0x7  }
0x8e: {  	_ =	swait.ge @!p0 [sflag:s0], s1  }
0x8f: {  	s1 =	ssub.s32 @!p0 $0x0, s1;
	[sflag:s0] =	ssyncset.done @!p0 $0x0  }
0x90: {  	[sflag:s0] =	ssyncadd.s32 @!p0 s1  }
0x91: {  	[bflag:$0x3] =	sbarrier.arrive $0xFFFF  }
0x92: {  	_ =	shalt  }

</sc_bundles>
